<compile_context>
chip_gen: v7x
topology: tpu7x:2x2x1
jax: 0.10.2.dev20260603
libtpu: 0.0.44.dev20260713+nightly
codegen_flags: <defaults>
</compile_context>

<pallas_src>
import functools

import jax
import jax.numpy as jnp
from jax import lax
from jax.experimental import pallas as pl
from jax.experimental.pallas import tpu as pltpu
from jax.experimental.pallas import tpu_sc as plsc

N = 10000
E = 320000
NFEAT = 128
NHID = 8
HEADS = 8
NCLASS = 40

NC = 2
NS = 16
NW = NC * NS
EPT = E // NW
C = 200
NCHUNK = EPT // C
NPAD = 10240
RPT = NPAD // NS
ZR = 32
HA = 104
HB = 96

TW1 = 80
AW1 = 80
AW2 = 48

_mesh = plsc.VectorSubcoreMesh(
    core_axis_name="c", subcore_axis_name="s", num_cores=NC, num_subcores=NS)


def _zero_acc(zb, accsh, s, width):
    def zrow(r, _):
        for j in range(width // 16):
            zb[r, pl.ds(16 * j, 16)] = jnp.zeros((16,), jnp.float32)
        return 0
    lax.fori_loop(0, ZR, zrow, 0)

    def zcp(k, _):
        pltpu.sync_copy(zb, accsh.at[pl.ds(s * RPT + k * ZR, ZR)])
        return 0
    lax.fori_loop(0, RPT // ZR, zcp, 0)


def _sc1_body(ei_hbm, tab_hbm, ad_hbm, acc_hbm,
              srcall, dstall, rows0, adb0, rows1, adb1, outba, outbb,
              zb, accsh, g0a, g0b, g1a, g1b, soa, sob):
    c = lax.axis_index("c")
    s = lax.axis_index("s")
    wid = c * NS + s
    ebase = wid * EPT

    pltpu.sync_copy(ei_hbm.at[0, pl.ds(ebase, EPT)], srcall)
    pltpu.sync_copy(ei_hbm.at[1, pl.ds(ebase, EPT)], dstall)
    _zero_acc(zb, accsh, s, AW1)
    plsc.subcore_barrier()

    lane = lax.iota(jnp.int32, 16)
    gsets = ((rows0, adb0, g0a, g0b),
             (rows1, adb1, g1a, g1b))

    def fire(k, t):
        rows, adb, ga, gb = gsets[k]
        pltpu.async_copy(tab_hbm.at[srcall.at[pl.ds(t * C, C)]], rows, ga)
        pltpu.async_copy(ad_hbm.at[dstall.at[pl.ds(t * C, C)]], adb, gb)

    def wait_g(k, t):
        rows, adb, ga, gb = gsets[k]
        pltpu.make_async_copy(tab_hbm.at[srcall.at[pl.ds(t * C, C)]], rows, ga).wait()
        pltpu.make_async_copy(ad_hbm.at[dstall.at[pl.ds(t * C, C)]], adb, gb).wait()

    def wait_oa():
        pltpu.make_async_copy(outba, accsh.at[dstall.at[pl.ds(0, HA)]], soa).wait()

    def wait_ob():
        pltpu.make_async_copy(outbb, accsh.at[dstall.at[pl.ds(0, HB)]], sob).wait()

    def compute(k, t, guard):
        rows, adb, ga, gb = gsets[k]

        def half(hb, off, ln, sem):
            @plsc.parallel_loop(0, ln, 1, unroll=8)
            def edge(i):
                e = i + off
                a = rows[e, pl.ds(64, 16)]
                d = adb[e, :]
                sv = a + d
                lr = jnp.where(sv >= 0.0, sv, 0.2 * sv)
                w = jnp.exp(lr)
                for j in range(4):
                    hj = rows[e, pl.ds(16 * j, 16)]
                    hb[i, pl.ds(16 * j, 16)] = hj * w
                hb[i, pl.ds(64, 16)] = w

            pltpu.async_copy(
                hb, accsh.at[dstall.at[pl.ds(t * C + off, ln)]], sem, add=True)

        if guard:
            @pl.when(t > 0)
            def _():
                wait_oa()
        else:
            wait_oa()
        half(outba, 0, HA, soa)
        if guard:
            @pl.when(t > 0)
            def _():
                wait_ob()
        else:
            wait_ob()
        half(outbb, HA, HB, sob)

    fire(0, 0)

    def pair(t2, _):
        t0 = 2 * t2
        fire(1, t0 + 1)
        wait_g(0, t0)
        compute(0, t0, True)
        fire(0, jnp.where(t0 + 2 < NCHUNK, t0 + 2, 0))
        wait_g(1, t0 + 1)
        compute(1, t0 + 1, False)
        return 0
    lax.fori_loop(0, NCHUNK // 2, pair, 0)

    wait_g(0, 0)
    wait_oa()
    wait_ob()

    plsc.subcore_barrier()
    pltpu.sync_copy(accsh.at[pl.ds(s * RPT, RPT)],
                    acc_hbm.at[c, pl.ds(s * RPT, RPT)])


_sc1 = functools.partial(
    pl.kernel,
    out_type=jax.ShapeDtypeStruct((NC, NPAD, AW1), jnp.float32),
    mesh=_mesh,
    scratch_types=[
        pltpu.VMEM((EPT,), jnp.int32),
        pltpu.VMEM((EPT,), jnp.int32),
        pltpu.VMEM((C, TW1), jnp.float32),
        pltpu.VMEM((C, 16), jnp.float32),
        pltpu.VMEM((C, TW1), jnp.float32),
        pltpu.VMEM((C, 16), jnp.float32),
        pltpu.VMEM((HA, AW1), jnp.float32),
        pltpu.VMEM((HB, AW1), jnp.float32),
        pltpu.VMEM((ZR, AW1), jnp.float32),
        pltpu.VMEM_SHARED((NPAD, AW1), jnp.float32),
        pltpu.SemaphoreType.DMA,
        pltpu.SemaphoreType.DMA,
        pltpu.SemaphoreType.DMA,
        pltpu.SemaphoreType.DMA,
        pltpu.SemaphoreType.DMA,
        pltpu.SemaphoreType.DMA,
    ],
    compiler_params=pltpu.CompilerParams(use_tc_tiling_on_sc=False),
)(_sc1_body)


def _sc2_body(ei_hbm, tab_hbm, att_hbm, acc_hbm,
              srcall, dstall, rows0, adb0, rows1, adb1, outba, outbb,
              zb, accsh, g0a, g0b, g1a, g1b, soa, sob):
    c = lax.axis_index("c")
    s = lax.axis_index("s")
    wid = c * NS + s
    ebase = wid * EPT

    pltpu.sync_copy(ei_hbm.at[0, pl.ds(ebase, EPT)], srcall)
    pltpu.sync_copy(ei_hbm.at[1, pl.ds(ebase, EPT)], dstall)
    _zero_acc(zb, accsh, s, AW2)
    plsc.subcore_barrier()

    lane = lax.iota(jnp.int32, 16)
    gsets = ((rows0, adb0, g0a, g0b),
             (rows1, adb1, g1a, g1b))

    def fire(k, t):
        rows, adb, ga, gb = gsets[k]
        pltpu.async_copy(tab_hbm.at[srcall.at[pl.ds(t * C, C)]], rows, ga)
        pltpu.async_copy(att_hbm.at[dstall.at[pl.ds(t * C, C)]], adb, gb)

    def wait_g(k, t):
        rows, adb, ga, gb = gsets[k]
        pltpu.make_async_copy(tab_hbm.at[srcall.at[pl.ds(t * C, C)]], rows, ga).wait()
        pltpu.make_async_copy(att_hbm.at[dstall.at[pl.ds(t * C, C)]], adb, gb).wait()

    def wait_oa():
        pltpu.make_async_copy(outba, accsh.at[dstall.at[pl.ds(0, HA)]], soa).wait()

    def wait_ob():
        pltpu.make_async_copy(outbb, accsh.at[dstall.at[pl.ds(0, HB)]], sob).wait()

    def compute(k, t, guard):
        rows, adb, ga, gb = gsets[k]

        def half(hb, off, ln, sem):
            @plsc.parallel_loop(0, ln, 1, unroll=8)
            def edge(i):
                e = i + off
                t0v = rows[e, pl.ds(0, 16)]
                t1v = rows[e, pl.ds(16, 16)]
                t2v = rows[e, pl.ds(32, 16)]
                dv = adb[e, :]
                sv = jnp.full((16,), t2v[8], jnp.float32) + dv
                lr = jnp.where(sv >= 0.0, sv, 0.2 * sv)
                w = jnp.exp(lr)
                hb[i, pl.ds(0, 16)] = t0v * w
                hb[i, pl.ds(16, 16)] = t1v * w
                hb[i, pl.ds(32, 16)] = jnp.where(lane < 8, t2v * w, w)

            pltpu.async_copy(
                hb, accsh.at[dstall.at[pl.ds(t * C + off, ln)]], sem, add=True)

        if guard:
            @pl.when(t > 0)
            def _():
                wait_oa()
        else:
            wait_oa()
        half(outba, 0, HA, soa)
        if guard:
            @pl.when(t > 0)
            def _():
                wait_ob()
        else:
            wait_ob()
        half(outbb, HA, HB, sob)

    fire(0, 0)

    def pair(t2, _):
        t0 = 2 * t2
        fire(1, t0 + 1)
        wait_g(0, t0)
        compute(0, t0, True)
        fire(0, jnp.where(t0 + 2 < NCHUNK, t0 + 2, 0))
        wait_g(1, t0 + 1)
        compute(1, t0 + 1, False)
        return 0
    lax.fori_loop(0, NCHUNK // 2, pair, 0)

    wait_g(0, 0)
    wait_oa()
    wait_ob()

    plsc.subcore_barrier()
    pltpu.sync_copy(accsh.at[pl.ds(s * RPT, RPT)],
                    acc_hbm.at[c, pl.ds(s * RPT, RPT)])


_sc2 = functools.partial(
    pl.kernel,
    out_type=jax.ShapeDtypeStruct((NC, NPAD, AW2), jnp.float32),
    mesh=_mesh,
    scratch_types=[
        pltpu.VMEM((EPT,), jnp.int32),
        pltpu.VMEM((EPT,), jnp.int32),
        pltpu.VMEM((C, AW2), jnp.float32),
        pltpu.VMEM((C, 16), jnp.float32),
        pltpu.VMEM((C, AW2), jnp.float32),
        pltpu.VMEM((C, 16), jnp.float32),
        pltpu.VMEM((HA, AW2), jnp.float32),
        pltpu.VMEM((HB, AW2), jnp.float32),
        pltpu.VMEM((ZR, AW2), jnp.float32),
        pltpu.VMEM_SHARED((NPAD, AW2), jnp.float32),
        pltpu.SemaphoreType.DMA,
        pltpu.SemaphoreType.DMA,
        pltpu.SemaphoreType.DMA,
        pltpu.SemaphoreType.DMA,
        pltpu.SemaphoreType.DMA,
        pltpu.SemaphoreType.DMA,
    ],
    compiler_params=pltpu.CompilerParams(use_tc_tiling_on_sc=False),
)(_sc2_body)



_B = 5000
_G = N // _B


def _k1_body(x_ref, w1_ref, m1_ref, a1s_ref, a1d_ref,
             tab_ref, h_ref, as_ref, ad_ref):
    h = jnp.dot(x_ref[:, :], w1_ref[:, :], preferred_element_type=jnp.float32)
    tab_ref[:, :] = jnp.dot(h, m1_ref[:, :], preferred_element_type=jnp.float32)
    h_ref[:, :] = h
    as_ref[:, :] = jnp.dot(h, a1s_ref[:, :], preferred_element_type=jnp.float32)
    ad_ref[:, :] = jnp.dot(h, a1d_ref[:, :], preferred_element_type=jnp.float32)


def _full(shape):
    return pl.BlockSpec(shape, lambda i: (0, 0))


def _rows(width):
    return pl.BlockSpec((_B, width), lambda i: (i, 0))


_k1 = pl.pallas_call(
    _k1_body,
    grid=(_G,),
    in_specs=[_rows(NFEAT), _full((NFEAT, 64)), _full((64, TW1)),
              _full((64, 16)), _full((64, 16))],
    out_specs=[_rows(TW1), _rows(64), _rows(16), _rows(16)],
    out_shape=[
        jax.ShapeDtypeStruct((N, TW1), jnp.float32),
        jax.ShapeDtypeStruct((N, 64), jnp.float32),
        jax.ShapeDtypeStruct((N, 16), jnp.float32),
        jax.ShapeDtypeStruct((N, 16), jnp.float32),
    ],
)


def _k2_body(acc0_ref, acc1_ref, h1_ref, as_ref, ad_ref, sh_ref, eden_ref,
             e16_ref, b1_ref, w2p_ref, a2p_ref, h2_ref, att2_ref):
    accs = acc0_ref[0] + acc1_ref[0]
    num = jnp.dot(accs, sh_ref[:, :], preferred_element_type=jnp.float32)
    den = jnp.dot(accs, eden_ref[:, :], preferred_element_type=jnp.float32)
    a64 = jnp.dot(as_ref[:, :], e16_ref[:, :], preferred_element_type=jnp.float32)
    d64 = jnp.dot(ad_ref[:, :], e16_ref[:, :], preferred_element_type=jnp.float32)
    sv = a64 + d64
    w64 = jnp.exp(jnp.where(sv >= 0.0, sv, 0.2 * sv))
    num = num + h1_ref[:, :] * w64
    den = den + w64
    o = num / den + b1_ref[:, :]
    h1e = jnp.where(o > 0.0, o, jnp.exp(o) - 1.0)
    h2 = jnp.dot(h1e, w2p_ref[:, :], preferred_element_type=jnp.float32)
    h2_ref[:, :] = h2
    att2_ref[:, :] = jnp.dot(h2, a2p_ref[:, :], preferred_element_type=jnp.float32)


def _acc_spec(width, core):
    return pl.BlockSpec((1, _B, width), lambda i, _c=core: (_c, i, 0))


_k2 = pl.pallas_call(
    _k2_body,
    grid=(_G,),
    in_specs=[_acc_spec(AW1, 0), _acc_spec(AW1, 1), _rows(64), _rows(16), _rows(16),
              _full((AW1, 64)), _full((AW1, 64)), _full((16, 64)),
              _full((1, 64)), _full((64, AW2)), _full((AW2, 16))],
    out_specs=[_rows(AW2), _rows(16)],
    out_shape=[
        jax.ShapeDtypeStruct((N, AW2), jnp.float32),
        jax.ShapeDtypeStruct((N, 16), jnp.float32),
    ],
)


def _k3_body(acc0_ref, acc1_ref, h2_ref, att2_ref, c0_ref, dm_ref,
             b2_ref, out_ref):
    accs = acc0_ref[0] + acc1_ref[0]
    asp = jnp.dot(h2_ref[:, :], dm_ref[:, :], preferred_element_type=jnp.float32)
    dsp = jnp.dot(att2_ref[:, :], c0_ref[:, :], preferred_element_type=jnp.float32)
    sv = asp + dsp
    w = jnp.exp(jnp.where(sv >= 0.0, sv, 0.2 * sv))
    mask = lax.broadcasted_iota(jnp.int32, (_B, AW2), 1) < NCLASS
    num = jnp.where(mask, accs, 0.0) + h2_ref[:, :] * w
    den = jnp.dot(accs, dm_ref[:, :], preferred_element_type=jnp.float32) + w
    logits = num / den + b2_ref[:, :]
    lm = jnp.where(mask, logits, -jnp.inf)
    m = jnp.max(lm, axis=1, keepdims=True)
    ex = jnp.exp(lm - m)
    ss = jnp.sum(ex, axis=1, keepdims=True)
    res = lm - m - jnp.log(ss)
    out_ref[:, :] = lax.slice(res, (0, 0), (_B, NCLASS))


_k3 = pl.pallas_call(
    _k3_body,
    grid=(_G,),
    in_specs=[_acc_spec(AW2, 0), _acc_spec(AW2, 1), _rows(AW2), _rows(16),
              _full((16, AW2)), _full((AW2, AW2)), _full((1, AW2))],
    out_specs=_rows(NCLASS),
    out_shape=jax.ShapeDtypeStruct((N, NCLASS), jnp.float32),
)


def kernel(x, edge_index, W1, att_src1, att_dst1, b1, W2, att_src2, att_dst2, b2):
    eye8 = jnp.eye(8, dtype=jnp.float32)
    z64_8 = jnp.zeros((64, 8), jnp.float32)
    a1s = jnp.concatenate(
        [(att_src1[0][:, :, None] * eye8[:, None, :]).reshape(64, 8), z64_8], axis=1)
    a1d = jnp.concatenate(
        [(att_dst1[0][:, :, None] * eye8[:, None, :]).reshape(64, 8), z64_8], axis=1)
    perm = (jnp.arange(64) % 8) * 8 + jnp.arange(64) // 8
    p64t = jnp.zeros((64, 64), jnp.float32).at[jnp.arange(64), perm].set(1.0)
    m1 = jnp.concatenate([p64t, a1s[:, :8], a1s[:, :8]], axis=1)
    a1d = jnp.concatenate([a1d[:, :8], a1d[:, :8]], axis=1)
    rep8 = jnp.kron(eye8, jnp.ones((1, 8), jnp.float32))
    e16 = jnp.concatenate([rep8, jnp.zeros((8, 64), jnp.float32)], axis=0)
    sh = jnp.concatenate([p64t.T, jnp.zeros((16, 64), jnp.float32)], axis=0)
    eden = jnp.concatenate(
        [jnp.zeros((64, 64), jnp.float32), rep8, jnp.zeros((8, 64), jnp.float32)],
        axis=0)
    b1r = b1.reshape(1, 64)
    w2p = jnp.concatenate(
        [W2, (W2 @ att_src2[0, 0])[:, None], jnp.zeros((64, 7), jnp.float32)],
        axis=1)
    a2p = jnp.zeros((AW2, 16), jnp.float32).at[:NCLASS, :].set(
        jnp.tile(att_dst2[0, 0][:, None], (1, 16)))
    c0 = jnp.zeros((16, AW2), jnp.float32).at[0, :].set(1.0)
    dm = jnp.zeros((AW2, AW2), jnp.float32).at[NCLASS, :].set(1.0)
    b2r = jnp.concatenate([b2, jnp.zeros((8,), jnp.float32)]).reshape(1, AW2)

    tab1, h1, asT, adT = _k1(x, W1, m1, a1s, a1d)
    acc1 = _sc1(edge_index, tab1, adT)
    h2p, att2 = _k2(acc1, acc1, h1, asT, adT, sh, eden, e16, b1r, w2p, a2p)
    acc2 = _sc2(edge_index, h2p, att2)
    return _k3(acc2, acc2, h2p, att2, c0, dm, b2r)

# --- scband reference (transcript-rebuilt; emitter-appended) ---
"""Pipeline reference for scband-gat-66580583022828 (READ-ONLY COPY).

The authoritative reference and input builder live on the scoring server;
editing this copy changes nothing except your own understanding.
"""

import jax, jax.numpy as jnp
import numpy as np

N = 10000
E = 320000
NFEAT = 128
NHID = 8
HEADS = 8
NCLASS = 40


def setup_inputs(seed: int = 0) -> dict:
    key = jax.random.key(seed)
    ks = jax.random.split(key, 12)
    x = jax.random.normal(ks[0], (N, NFEAT), dtype=jnp.float32)
    edge_index = jax.random.randint(ks[1], (2, E), 0, N, dtype=jnp.int32)
    # GATConv layer 1 params: nfeat -> nhid per head, HEADS heads, concat
    W1 = jax.random.normal(ks[2], (NFEAT, HEADS * NHID), dtype=jnp.float32) * (1.0 / np.sqrt(NFEAT))
    att_src1 = jax.random.normal(ks[3], (1, HEADS, NHID), dtype=jnp.float32) * 0.1
    att_dst1 = jax.random.normal(ks[4], (1, HEADS, NHID), dtype=jnp.float32) * 0.1
    b1 = jnp.zeros((HEADS * NHID,), dtype=jnp.float32)
    # GATConv layer 2 params: nhid*heads -> nclass, 1 head, no concat (mean)
    W2 = jax.random.normal(ks[5], (HEADS * NHID, 1 * NCLASS), dtype=jnp.float32) * (1.0 / np.sqrt(HEADS * NHID))
    att_src2 = jax.random.normal(ks[6], (1, 1, NCLASS), dtype=jnp.float32) * 0.1
    att_dst2 = jax.random.normal(ks[7], (1, 1, NCLASS), dtype=jnp.float32) * 0.1
    b2 = jnp.zeros((NCLASS,), dtype=jnp.float32)
    return {"x": x, "edge_index": edge_index, "W1": W1, "att_src1": att_src1,
            "att_dst1": att_dst1, "b1": b1, "W2": W2, "att_src2": att_src2,
            "att_dst2": att_dst2, "b2": b2}


def _gat_conv(x, edge_index, W, att_src, att_dst, bias, heads, out_ch, concat):
    n = x.shape[0]
    # add self loops (PyG GATConv default add_self_loops=True)
    loop = jnp.arange(n, dtype=edge_index.dtype)
    ei = jnp.concatenate([edge_index, jnp.stack([loop, loop], axis=0)], axis=1)
    src, dst = ei[0], ei[1]
    h = (x @ W).reshape(n, heads, out_ch)
    a_src = jnp.sum(h * att_src, axis=-1)  # [n, heads]
    a_dst = jnp.sum(h * att_dst, axis=-1)  # [n, heads]
    alpha = a_src[src] + a_dst[dst]        # gather per-edge: [e, heads]
    alpha = jax.nn.leaky_relu(alpha, 0.2)
    # numerically stable segment softmax over incoming edges of each dst node
    amax = jax.ops.segment_max(alpha, dst, num_segments=n)
    amax = jnp.where(jnp.isfinite(amax), amax, 0.0)
    ex = jnp.exp(alpha - amax[dst])
    denom = jax.ops.segment_sum(ex, dst, num_segments=n)
    coef = ex / (denom[dst] + 1e-16)
    msg = h[src] * coef[:, :, None]        # [e, heads, out_ch]
    out = jax.ops.segment_sum(msg, dst, num_segments=n)  # scatter-add
    if concat:
        out = out.reshape(n, heads * out_ch)
    else:
        out = out.mean(axis=1)
    return out + bias


def reference(x, edge_index, W1, att_src1, att_dst1, b1, W2, att_src2, att_dst2, b2):
    # dropout is identity in eval mode
    h = _gat_conv(x, edge_index, W1, att_src1, att_dst1, b1, HEADS, NHID, True)
    h = jax.nn.elu(h)
    out = _gat_conv(h, edge_index, W2, att_src2, att_dst2, b2, 1, NCLASS, False)
    return jax.nn.log_softmax(out, axis=1)

if __name__ == "__main__":
    import jax
    _d = setup_inputs()
    print(jax.jit(kernel)(*tuple(_d.values())))

</pallas_src>

<mosaic_0001>
#map = affine_map<(d0, d1) -> (0, 0)>
#map1 = affine_map<(d0, d1) -> (0, 0, 0)>
module attributes {stable_mosaic.version = 14 : i64} {
  func.func @_sc1_body(%arg0: i32, %arg1: i32, %arg2: memref<2x320000xi32, #tpu.memory_space<hbm>>, %arg3: memref<10000x80xf32, #tpu.memory_space<hbm>>, %arg4: memref<10000x16xf32, #tpu.memory_space<hbm>>, %arg5: memref<2x10240x80xf32, #tpu.memory_space<hbm>>, %arg6: memref<10000xi32, #tpu.memory_space<vmem>>, %arg7: memref<10000xi32, #tpu.memory_space<vmem>>, %arg8: memref<200x80xf32, #tpu.memory_space<vmem>>, %arg9: memref<200x16xf32, #tpu.memory_space<vmem>>, %arg10: memref<200x80xf32, #tpu.memory_space<vmem>>, %arg11: memref<200x16xf32, #tpu.memory_space<vmem>>, %arg12: memref<104x80xf32, #tpu.memory_space<vmem>>, %arg13: memref<96x80xf32, #tpu.memory_space<vmem>>, %arg14: memref<32x80xf32, #tpu.memory_space<vmem>>, %arg15: memref<10240x80xf32, #tpu.memory_space<vmem_shared>>, %arg16: memref<!tpu.dma_semaphore, #tpu.memory_space<semaphore_mem>>, %arg17: memref<!tpu.dma_semaphore, #tpu.memory_space<semaphore_mem>>, %arg18: memref<!tpu.dma_semaphore, #tpu.memory_space<semaphore_mem>>, %arg19: memref<!tpu.dma_semaphore, #tpu.memory_space<semaphore_mem>>, %arg20: memref<!tpu.dma_semaphore, #tpu.memory_space<semaphore_mem>>, %arg21: memref<!tpu.dma_semaphore, #tpu.memory_space<semaphore_mem>>) attributes {dimension_semantics = [#tpu.dimension_semantics<core_parallel>, #tpu.dimension_semantics<subcore_parallel>], iteration_bounds = array<i64: 2, 16>, scalar_prefetch = 0 : i64, scratch_operands = 16 : i64, tpu.core_type = #tpu.core_type<sc_vector_subcore>, window_params = [{transform_indices = #map}, {transform_indices = #map}, {transform_indices = #map}, {transform_indices = #map1}]} {
    %mul3A = arith.constant 16 : i32
    %mul3A_0 = arith.muli %arg0, %mul3A : i32
    %add3A = arith.addi %mul3A_0, %arg1 : i32
    %mul3A_1 = arith.constant 10000 : i32
    %mul3A_2 = arith.muli %add3A, %mul3A_1 : i32
    %run_scoped3A = arith.constant 0 : i32
    "tpu.region"() ({
      %run_scoped3A_57 = tpu.sem_alloc : memref<!tpu.dma_semaphore, #tpu.memory_space<semaphore_mem>>
      %dma_start3A_58 = tpu.memref_slice %arg2[%run_scoped3A, %mul3A_2] : memref<2x320000xi32, #tpu.memory_space<hbm>> -> memref<1x10000xi32, #tpu.memory_space<hbm>>
      %dma_start3A_59 = tpu.memref_squeeze %dma_start3A_58 : memref<1x10000xi32, #tpu.memory_space<hbm>> -> memref<10000xi32, #tpu.memory_space<hbm>>
      %dma_start3A_60 = tpu.memref_slice %arg2[%run_scoped3A, %mul3A_2] : memref<2x320000xi32, #tpu.memory_space<hbm>> -> memref<1x10000xi32, #tpu.memory_space<hbm>>
      %dma_start3A_61 = tpu.memref_squeeze %dma_start3A_60 : memref<1x10000xi32, #tpu.memory_space<hbm>> -> memref<10000xi32, #tpu.memory_space<hbm>>
      tpu.enqueue_dma source(%dma_start3A_61 : memref<10000xi32, #tpu.memory_space<hbm>>) target(%arg6 : memref<10000xi32, #tpu.memory_space<vmem>>) target_semaphore(%run_scoped3A_57 : memref<!tpu.dma_semaphore, #tpu.memory_space<semaphore_mem>>)
      %dma_wait3A_62 = tpu.memref_slice %arg2[%run_scoped3A, %mul3A_2] : memref<2x320000xi32, #tpu.memory_space<hbm>> -> memref<1x10000xi32, #tpu.memory_space<hbm>>
      %dma_wait3A_63 = tpu.memref_squeeze %dma_wait3A_62 : memref<1x10000xi32, #tpu.memory_space<hbm>> -> memref<10000xi32, #tpu.memory_space<hbm>>
      %dma_wait3A_64 = tpu.memref_slice %arg2[%run_scoped3A, %mul3A_2] : memref<2x320000xi32, #tpu.memory_space<hbm>> -> memref<1x10000xi32, #tpu.memory_space<hbm>>
      %dma_wait3A_65 = tpu.memref_squeeze %dma_wait3A_64 : memref<1x10000xi32, #tpu.memory_space<hbm>> -> memref<10000xi32, #tpu.memory_space<hbm>>
      tpu.wait_dma2 semaphore(%run_scoped3A_57 : memref<!tpu.dma_semaphore, #tpu.memory_space<semaphore_mem>>) src(%dma_wait3A_65 : memref<10000xi32, #tpu.memory_space<hbm>>) dst(%arg6 : memref<10000xi32, #tpu.memory_space<vmem>>)
      tpu.yield
    }) : () -> ()
    %run_scoped3A_3 = arith.constant 1 : i32
    "tpu.region"() ({
      %run_scoped3A_57 = tpu.sem_alloc : memref<!tpu.dma_semaphore, #tpu.memory_space<semaphore_mem>>
      %dma_start3A_58 = tpu.memref_slice %arg2[%run_scoped3A_3, %mul3A_2] : memref<2x320000xi32, #tpu.memory_space<hbm>> -> memref<1x10000xi32, #tpu.memory_space<hbm>>
      %dma_start3A_59 = tpu.memref_squeeze %dma_start3A_58 : memref<1x10000xi32, #tpu.memory_space<hbm>> -> memref<10000xi32, #tpu.memory_space<hbm>>
      %dma_start3A_60 = tpu.memref_slice %arg2[%run_scoped3A_3, %mul3A_2] : memref<2x320000xi32, #tpu.memory_space<hbm>> -> memref<1x10000xi32, #tpu.memory_space<hbm>>
      %dma_start3A_61 = tpu.memref_squeeze %dma_start3A_60 : memref<1x10000xi32, #tpu.memory_space<hbm>> -> memref<10000xi32, #tpu.memory_space<hbm>>
      tpu.enqueue_dma source(%dma_start3A_61 : memref<10000xi32, #tpu.memory_space<hbm>>) target(%arg7 : memref<10000xi32, #tpu.memory_space<vmem>>) target_semaphore(%run_scoped3A_57 : memref<!tpu.dma_semaphore, #tpu.memory_space<semaphore_mem>>)
      %dma_wait3A_62 = tpu.memref_slice %arg2[%run_scoped3A_3, %mul3A_2] : memref<2x320000xi32, #tpu.memory_space<hbm>> -> memref<1x10000xi32, #tpu.memory_space<hbm>>
      %dma_wait3A_63 = tpu.memref_squeeze %dma_wait3A_62 : memref<1x10000xi32, #tpu.memory_space<hbm>> -> memref<10000xi32, #tpu.memory_space<hbm>>
      %dma_wait3A_64 = tpu.memref_slice %arg2[%run_scoped3A_3, %mul3A_2] : memref<2x320000xi32, #tpu.memory_space<hbm>> -> memref<1x10000xi32, #tpu.memory_space<hbm>>
      %dma_wait3A_65 = tpu.memref_squeeze %dma_wait3A_64 : memref<1x10000xi32, #tpu.memory_space<hbm>> -> memref<10000xi32, #tpu.memory_space<hbm>>
      tpu.wait_dma2 semaphore(%run_scoped3A_57 : memref<!tpu.dma_semaphore, #tpu.memory_space<semaphore_mem>>) src(%dma_wait3A_65 : memref<10000xi32, #tpu.memory_space<hbm>>) dst(%arg7 : memref<10000xi32, #tpu.memory_space<vmem>>)
      tpu.yield
    }) : () -> ()
    %scan3A = arith.constant 0 : i32
    %scan3A_4 = arith.constant 0 : i32
    %scan3A_5 = arith.constant 32 : i32
    %scan3A_6 = arith.addi %scan3A_4, %scan3A_5 : i32
    %scan3A_7 = arith.constant 1 : i32
    %scan3A_8 = scf.for %scan3A_57 = %scan3A_4 to %scan3A_6 step %scan3A_7 iter_args(%scan3A_58 = %scan3A) -> (i32)  : i32 {
      %broadcast_in_dim3A = arith.constant 0.000000e+00 : f32
      %broadcast_in_dim3A_59 = vector.broadcast %broadcast_in_dim3A : f32 to vector<16xf32>
      %swap3A = arith.index_cast %scan3A_57 : i32 to index
      %swap3A_60 = arith.constant 0 : index
      %swap3A_61 = tpu.vector_load %arg14[%swap3A, %swap3A_60] {strides = array<i32>} : memref<32x80xf32, #tpu.memory_space<vmem>>, vector<1x16xf32>,
      %swap3A_62 = vector.shape_cast %swap3A_61 : vector<1x16xf32> to vector<16xf32>
      %swap3A_63 = vector.shape_cast %broadcast_in_dim3A_59 : vector<16xf32> to vector<1x16xf32>
      tpu.vector_store %arg14[%swap3A, %swap3A_60], %swap3A_63 {strides = array<i32>} : memref<32x80xf32, #tpu.memory_space<vmem>>, vector<1x16xf32>,
      %broadcast_in_dim3A_64 = arith.constant 0.000000e+00 : f32
      %broadcast_in_dim3A_65 = vector.broadcast %broadcast_in_dim3A_64 : f32 to vector<16xf32>
      %swap3A_66 = arith.index_cast %scan3A_57 : i32 to index
      %swap3A_67 = arith.constant 16 : index
      %swap3A_68 = tpu.vector_load %arg14[%swap3A_66, %swap3A_67] {strides = array<i32>} : memref<32x80xf32, #tpu.memory_space<vmem>>, vector<1x16xf32>,
      %swap3A_69 = vector.shape_cast %swap3A_68 : vector<1x16xf32> to vector<16xf32>
      %swap3A_70 = vector.shape_cast %broadcast_in_dim3A_65 : vector<16xf32> to vector<1x16xf32>
      tpu.vector_store %arg14[%swap3A_66, %swap3A_67], %swap3A_70 {strides = array<i32>} : memref<32x80xf32, #tpu.memory_space<vmem>>, vector<1x16xf32>,
      %broadcast_in_dim3A_71 = arith.constant 0.000000e+00 : f32
      %broadcast_in_dim3A_72 = vector.broadcast %broadcast_in_dim3A_71 : f32 to vector<16xf32>
      %swap3A_73 = arith.index_cast %scan3A_57 : i32 to index
      %swap3A_74 = arith.constant 32 : index
      %swap3A_75 = tpu.vector_load %arg14[%swap3A_73, %swap3A_74] {strides = array<i32>} : memref<32x80xf32, #tpu.memory_space<vmem>>, vector<1x16xf32>,
      %swap3A_76 = vector.shape_cast %swap3A_75 : vector<1x16xf32> to vector<16xf32>
      %swap3A_77 = vector.shape_cast %broadcast_in_dim3A_72 : vector<16xf32> to vector<1x16xf32>
      tpu.vector_store %arg14[%swap3A_73, %swap3A_74], %swap3A_77 {strides = array<i32>} : memref<32x80xf32, #tpu.memory_space<vmem>>, vector<1x16xf32>,
      %broadcast_in_dim3A_78 = arith.constant 0.000000e+00 : f32
      %broadcast_in_dim3A_79 = vector.broadcast %broadcast_in_dim3A_78 : f32 to vector<16xf32>
      %swap3A_80 = arith.index_cast %scan3A_57 : i32 to index
      %swap3A_81 = arith.constant 48 : index
      %swap3A_82 = tpu.vector_load %arg14[%swap3A_80, %swap3A_81] {strides = array<i32>} : memref<32x80xf32, #tpu.memory_space<vmem>>, vector<1x16xf32>,
      %swap3A_83 = vector.shape_cast %swap3A_82 : vector<1x16xf32> to vector<16xf32>
      %swap3A_84 = vector.shape_cast %broadcast_in_dim3A_79 : vector<16xf32> to vector<1x16xf32>
      tpu.vector_store %arg14[%swap3A_80, %swap3A_81], %swap3A_84 {strides = array<i32>} : memref<32x80xf32, #tpu.memory_space<vmem>>, vector<1x16xf32>,
      %broadcast_in_dim3A_85 = arith.constant 0.000000e+00 : f32
      %broadcast_in_dim3A_86 = vector.broadcast %broadcast_in_dim3A_85 : f32 to vector<16xf32>
      %swap3A_87 = arith.index_cast %scan3A_57 : i32 to index
      %swap3A_88 = arith.constant 64 : index
      %swap3A_89 = tpu.vector_load %arg14[%swap3A_87, %swap3A_88] {strides = array<i32>} : memref<32x80xf32, #tpu.memory_space<vmem>>, vector<1x16xf32>,
      %swap3A_90 = vector.shape_cast %swap3A_89 : vector<1x16xf32> to vector<16xf32>
      %swap3A_91 = vector.shape_cast %broadcast_in_dim3A_86 : vector<16xf32> to vector<1x16xf32>
      tpu.vector_store %arg14[%swap3A_87, %swap3A_88], %swap3A_91 {strides = array<i32>} : memref<32x80xf32, #tpu.memory_space<vmem>>, vector<1x16xf32>,
      %scan3A_92 = arith.constant 0 : i32
      scf.yield %scan3A_92 : i32
    }
    %scan3A_9 = arith.constant 32 : i32
    %scan3A_10 = arith.constant 0 : i32
    %scan3A_11 = arith.constant 0 : i32
    %scan3A_12 = arith.constant 20 : i32
    %scan3A_13 = arith.addi %scan3A_11, %scan3A_12 : i32
    %scan3A_14 = arith.constant 1 : i32
    %scan3A_15 = scf.for %scan3A_57 = %scan3A_11 to %scan3A_13 step %scan3A_14 iter_args(%scan3A_58 = %scan3A_10) -> (i32)  : i32 {
      %mul3A_59 = arith.constant 640 : i32
      %mul3A_60 = arith.muli %arg1, %mul3A_59 : i32
      %mul3A_61 = arith.constant 32 : i32
      %mul3A_62 = arith.muli %scan3A_57, %mul3A_61 : i32
      %add3A_63 = arith.addi %mul3A_60, %mul3A_62 : i32
      "tpu.region"() ({
        %run_scoped3A_65 = tpu.sem_alloc : memref<!tpu.dma_semaphore, #tpu.memory_space<semaphore_mem>>
        %dma_start3A_66 = arith.constant 0 : i32
        %dma_start3A_67 = tpu.memref_slice %arg15[%add3A_63, %dma_start3A_66] : memref<10240x80xf32, #tpu.memory_space<vmem_shared>> -> memref<32x80xf32, #tpu.memory_space<vmem_shared>>
        %dma_start3A_68 = arith.constant 0 : i32
        %dma_start3A_69 = tpu.memref_slice %arg15[%add3A_63, %dma_start3A_68] : memref<10240x80xf32, #tpu.memory_space<vmem_shared>> -> memref<32x80xf32, #tpu.memory_space<vmem_shared>>
        tpu.enqueue_dma source(%arg14 : memref<32x80xf32, #tpu.memory_space<vmem>>) target(%dma_start3A_69 : memref<32x80xf32, #tpu.memory_space<vmem_shared>>) target_semaphore(%run_scoped3A_65 : memref<!tpu.dma_semaphore, #tpu.memory_space<semaphore_mem>>)
        %dma_wait3A_70 = arith.constant 0 : i32
        %dma_wait3A_71 = tpu.memref_slice %arg15[%add3A_63, %dma_wait3A_70] : memref<10240x80xf32, #tpu.memory_space<vmem_shared>> -> memref<32x80xf32, #tpu.memory_space<vmem_shared>>
        %dma_wait3A_72 = arith.constant 0 : i32
        %dma_wait3A_73 = tpu.memref_slice %arg15[%add3A_63, %dma_wait3A_72] : memref<10240x80xf32, #tpu.memory_space<vmem_shared>> -> memref<32x80xf32, #tpu.memory_space<vmem_shared>>
        tpu.wait_dma2 semaphore(%run_scoped3A_65 : memref<!tpu.dma_semaphore, #tpu.memory_space<semaphore_mem>>) src(%arg14 : memref<32x80xf32, #tpu.memory_space<vmem>>) dst(%dma_wait3A_73 : memref<32x80xf32, #tpu.memory_space<vmem_shared>>)
        tpu.yield
      }) : () -> ()
      %scan3A_64 = arith.constant 0 : i32
      scf.yield %scan3A_64 : i32
    }
    %scan3A_16 = arith.constant 20 : i32
    %barrier3A = arith.constant 0 : index
    tpu.barrier barrier_id(%barrier3A)
    %iota3A = tpu.iota {dimensions = array<i32: 0>} : vector<16xi32>
    %dma_start3A = arith.constant 0 : i32
    %dma_start3A_17 = tpu.memref_slice %arg6[%dma_start3A] : memref<10000xi32, #tpu.memory_space<vmem>> -> memref<200xi32, #tpu.memory_space<vmem>>
    %dma_start3A_18 = arith.constant 0 : i32
    %dma_start3A_19 = arith.constant 0 : i32
    %dma_start3A_20 = tpu.memref_slice %arg3[%dma_start3A_18, %dma_start3A_19] : memref<10000x80xf32, #tpu.memory_space<hbm>> -> memref<10000x80xf32, #tpu.memory_space<hbm>>
    tpu.enqueue_indirect_dma source(%dma_start3A_20 : memref<10000x80xf32, #tpu.memory_space<hbm>>) target(%arg8 : memref<200x80xf32, #tpu.memory_space<vmem>>) offsets(%dma_start3A_17 : memref<200xi32, #tpu.memory_space<vmem>>) semaphore(%arg16 : memref<!tpu.dma_semaphore, #tpu.memory_space<semaphore_mem>>)
    %dma_start3A_21 = arith.constant 0 : i32
    %dma_start3A_22 = tpu.memref_slice %arg7[%dma_start3A_21] : memref<10000xi32, #tpu.memory_space<vmem>> -> memref<200xi32, #tpu.memory_space<vmem>>
    %dma_start3A_23 = arith.constant 0 : i32
    %dma_start3A_24 = arith.constant 0 : i32
    %dma_start3A_25 = tpu.memref_slice %arg4[%dma_start3A_23, %dma_start3A_24] : memref<10000x16xf32, #tpu.memory_space<hbm>> -> memref<10000x16xf32, #tpu.memory_space<hbm>>
    tpu.enqueue_indirect_dma source(%dma_start3A_25 : memref<10000x16xf32, #tpu.memory_space<hbm>>) target(%arg9 : memref<200x16xf32, #tpu.memory_space<vmem>>) offsets(%dma_start3A_22 : memref<200xi32, #tpu.memory_space<vmem>>) semaphore(%arg17 : memref<!tpu.dma_semaphore, #tpu.memory_space<semaphore_mem>>)
    %scan3A_26 = arith.constant 0 : i32
    %scan3A_27 = arith.constant 0 : i32
    %scan3A_28 = arith.constant 25 : i32
    %scan3A_29 = arith.addi %scan3A_27, %scan3A_28 : i32
    %scan3A_30 = arith.constant 1 : i32
    %scan3A_31 = scf.for %scan3A_57 = %scan3A_27 to %scan3A_29 step %scan3A_30 iter_args(%scan3A_58 = %scan3A_26) -> (i32)  : i32 {
      %mul3A_59 = arith.constant 2 : i32
      %mul3A_60 = arith.muli %mul3A_59, %scan3A_57 : i32
      %add3A_61 = arith.constant 1 : i32
      %add3A_62 = arith.addi %mul3A_60, %add3A_61 : i32
      %mul3A_63 = arith.constant 200 : i32
      %mul3A_64 = arith.muli %add3A_62, %mul3A_63 : i32
      %dma_start3A_65 = tpu.memref_slice %arg6[%mul3A_64] : memref<10000xi32, #tpu.memory_space<vmem>> -> memref<200xi32, #tpu.memory_space<vmem>>
      %dma_start3A_66 = arith.constant 0 : i32
      %dma_start3A_67 = arith.constant 0 : i32
      %dma_start3A_68 = tpu.memref_slice %arg3[%dma_start3A_66, %dma_start3A_67] : memref<10000x80xf32, #tpu.memory_space<hbm>> -> memref<10000x80xf32, #tpu.memory_space<hbm>>
      tpu.enqueue_indirect_dma source(%dma_start3A_68 : memref<10000x80xf32, #tpu.memory_space<hbm>>) target(%arg10 : memref<200x80xf32, #tpu.memory_space<vmem>>) offsets(%dma_start3A_65 : memref<200xi32, #tpu.memory_space<vmem>>) semaphore(%arg18 : memref<!tpu.dma_semaphore, #tpu.memory_space<semaphore_mem>>)
      %mul3A_69 = arith.constant 200 : i32
      %mul3A_70 = arith.muli %add3A_62, %mul3A_69 : i32
      %dma_start3A_71 = tpu.memref_slice %arg7[%mul3A_70] : memref<10000xi32, #tpu.memory_space<vmem>> -> memref<200xi32, #tpu.memory_space<vmem>>
      %dma_start3A_72 = arith.constant 0 : i32
      %dma_start3A_73 = arith.constant 0 : i32
      %dma_start3A_74 = tpu.memref_slice %arg4[%dma_start3A_72, %dma_start3A_73] : memref<10000x16xf32, #tpu.memory_space<hbm>> -> memref<10000x16xf32, #tpu.memory_space<hbm>>
      tpu.enqueue_indirect_dma source(%dma_start3A_74 : memref<10000x16xf32, #tpu.memory_space<hbm>>) target(%arg11 : memref<200x16xf32, #tpu.memory_space<vmem>>) offsets(%dma_start3A_71 : memref<200xi32, #tpu.memory_space<vmem>>) semaphore(%arg19 : memref<!tpu.dma_semaphore, #tpu.memory_space<semaphore_mem>>)
      %mul3A_75 = arith.constant 200 : i32
      %mul3A_76 = arith.muli %mul3A_60, %mul3A_75 : i32
      %dma_wait3A_77 = tpu.memref_slice %arg6[%mul3A_76] : memref<10000xi32, #tpu.memory_space<vmem>> -> memref<200xi32, #tpu.memory_space<vmem>>
      %dma_wait3A_78 = arith.constant 0 : i32
      %dma_wait3A_79 = arith.constant 0 : i32
      %dma_wait3A_80 = tpu.memref_slice %arg3[%dma_wait3A_78, %dma_wait3A_79] : memref<10000x80xf32, #tpu.memory_space<hbm>> -> memref<10000x80xf32, #tpu.memory_space<hbm>>
      tpu.wait_indirect_dma semaphore(%arg16 : memref<!tpu.dma_semaphore, #tpu.memory_space<semaphore_mem>>) src(%dma_wait3A_80 : memref<10000x80xf32, #tpu.memory_space<hbm>>) dst(%arg8 : memref<200x80xf32, #tpu.memory_space<vmem>>)
      %mul3A_81 = arith.constant 200 : i32
      %mul3A_82 = arith.muli %mul3A_60, %mul3A_81 : i32
      %dma_wait3A_83 = tpu.memref_slice %arg7[%mul3A_82] : memref<10000xi32, #tpu.memory_space<vmem>> -> memref<200xi32, #tpu.memory_space<vmem>>
      %dma_wait3A_84 = arith.constant 0 : i32
      %dma_wait3A_85 = arith.constant 0 : i32
      %dma_wait3A_86 = tpu.memref_slice %arg4[%dma_wait3A_84, %dma_wait3A_85] : memref<10000x16xf32, #tpu.memory_space<hbm>> -> memref<10000x16xf32, #tpu.memory_space<hbm>>
      tpu.wait_indirect_dma semaphore(%arg17 : memref<!tpu.dma_semaphore, #tpu.memory_space<semaphore_mem>>) src(%dma_wait3A_86 : memref<10000x16xf32, #tpu.memory_space<hbm>>) dst(%arg9 : memref<200x16xf32, #tpu.memory_space<vmem>>)
      %gt3A = arith.constant 0 : i32
      %gt3A_87 = arith.cmpi sgt, %mul3A_60, %gt3A : i32
      %convert_element_type3A = arith.extui %gt3A_87 : i1 to i32
      %cond3A = arith.constant 0 : i32
      %cond3A_88 = arith.cmpi ne, %convert_element_type3A, %cond3A : i32
      scf.if %cond3A_88 {
        %dma_wait3A_181 = arith.constant 0 : i32
        %dma_wait3A_182 = tpu.memref_slice %arg7[%dma_wait3A_181] : memref<10000xi32, #tpu.memory_space<vmem>> -> memref<104xi32, #tpu.memory_space<vmem>>
        %dma_wait3A_183 = arith.constant 0 : i32
        %dma_wait3A_184 = arith.constant 0 : i32
        %dma_wait3A_185 = tpu.memref_slice %arg15[%dma_wait3A_183, %dma_wait3A_184] : memref<10240x80xf32, #tpu.memory_space<vmem_shared>> -> memref<10240x80xf32, #tpu.memory_space<vmem_shared>>
        tpu.wait_indirect_dma semaphore(%arg20 : memref<!tpu.dma_semaphore, #tpu.memory_space<semaphore_mem>>) src(%arg12 : memref<104x80xf32, #tpu.memory_space<vmem>>) dst(%dma_wait3A_185 : memref<10240x80xf32, #tpu.memory_space<vmem_shared>>)
      } else {
      }
      %parallel_loop3A = arith.constant 0 : i32
      %parallel_loop3A_89 = arith.constant 104 : i32
      %parallel_loop3A_90 = arith.constant 1 : i32
      scf.for %parallel_loop3A_181 = %parallel_loop3A to %parallel_loop3A_89 step %parallel_loop3A_90  : i32 {
        %parallel_loop3A_182 = arith.constant 0 : i32
        %parallel_loop3A_183 = arith.addi %parallel_loop3A_181, %parallel_loop3A_182 : i32
        %parallel_loop3A_184 = arith.index_cast %parallel_loop3A_183 : i32 to index
        %parallel_loop3A_185 = arith.constant 64 : index
        %parallel_loop3A_186 = tpu.vector_load %arg8[%parallel_loop3A_184, %parallel_loop3A_185] {strides = array<i32>} : memref<200x80xf32, #tpu.memory_space<vmem>>, vector<1x16xf32>,
        %parallel_loop3A_187 = vector.shape_cast %parallel_loop3A_186 : vector<1x16xf32> to vector<16xf32>
        %parallel_loop3A_188 = arith.index_cast %parallel_loop3A_183 : i32 to index
        %parallel_loop3A_189 = arith.constant 0 : index
        %parallel_loop3A_190 = tpu.vector_load %arg9[%parallel_loop3A_188, %parallel_loop3A_189] {strides = array<i32>} : memref<200x16xf32, #tpu.memory_space<vmem>>, vector<1x16xf32>,
        %parallel_loop3A_191 = vector.shape_cast %parallel_loop3A_190 : vector<1x16xf32> to vector<16xf32>
        %parallel_loop3A_192 = arith.addf %parallel_loop3A_187, %parallel_loop3A_191 : vector<16xf32>
        %parallel_loop3A_193 = arith.constant 0.000000e+00 : f32
        %parallel_loop3A_194 = vector.broadcast %parallel_loop3A_193 : f32 to vector<16xf32>
        %parallel_loop3A_195 = arith.cmpf oge, %parallel_loop3A_192, %parallel_loop3A_194 : vector<16xf32>
        %parallel_loop3A_196 = arith.constant 2.000000e-01 : f32
        %parallel_loop3A_197 = vector.broadcast %parallel_loop3A_196 : f32 to vector<16xf32>
        %parallel_loop3A_198 = arith.mulf %parallel_loop3A_197, %parallel_loop3A_192 : vector<16xf32>
        %parallel_loop3A_199 = arith.select %parallel_loop3A_195, %parallel_loop3A_192, %parallel_loop3A_198 : vector<16xi1>, vector<16xf32>
        %parallel_loop3A_200 = math.exp %parallel_loop3A_199 : vector<16xf32>
        %parallel_loop3A_201 = arith.index_cast %parallel_loop3A_183 : i32 to index
        %parallel_loop3A_202 = arith.constant 0 : index
        %parallel_loop3A_203 = tpu.vector_load %arg8[%parallel_loop3A_201, %parallel_loop3A_202] {strides = array<i32>} : memref<200x80xf32, #tpu.memory_space<vmem>>, vector<1x16xf32>,
        %parallel_loop3A_204 = vector.shape_cast %parallel_loop3A_203 : vector<1x16xf32> to vector<16xf32>
        %parallel_loop3A_205 = arith.mulf %parallel_loop3A_204, %parallel_loop3A_200 : vector<16xf32>
        %parallel_loop3A_206 = arith.index_cast %parallel_loop3A_181 : i32 to index
        %parallel_loop3A_207 = arith.constant 0 : index
        %parallel_loop3A_208 = tpu.vector_load %arg12[%parallel_loop3A_206, %parallel_loop3A_207] {strides = array<i32>} : memref<104x80xf32, #tpu.memory_space<vmem>>, vector<1x16xf32>,
        %parallel_loop3A_209 = vector.shape_cast %parallel_loop3A_208 : vector<1x16xf32> to vector<16xf32>
        %parallel_loop3A_210 = vector.shape_cast %parallel_loop3A_205 : vector<16xf32> to vector<1x16xf32>
        tpu.vector_store %arg12[%parallel_loop3A_206, %parallel_loop3A_207], %parallel_loop3A_210 {strides = array<i32>} : memref<104x80xf32, #tpu.memory_space<vmem>>, vector<1x16xf32>,
        %parallel_loop3A_211 = arith.index_cast %parallel_loop3A_183 : i32 to index
        %parallel_loop3A_212 = arith.constant 16 : index
        %parallel_loop3A_213 = tpu.vector_load %arg8[%parallel_loop3A_211, %parallel_loop3A_212] {strides = array<i32>} : memref<200x80xf32, #tpu.memory_space<vmem>>, vector<1x16xf32>,
        %parallel_loop3A_214 = vector.shape_cast %parallel_loop3A_213 : vector<1x16xf32> to vector<16xf32>
        %parallel_loop3A_215 = arith.mulf %parallel_loop3A_214, %parallel_loop3A_200 : vector<16xf32>
        %parallel_loop3A_216 = arith.index_cast %parallel_loop3A_181 : i32 to index
        %parallel_loop3A_217 = arith.constant 16 : index
        %parallel_loop3A_218 = tpu.vector_load %arg12[%parallel_loop3A_216, %parallel_loop3A_217] {strides = array<i32>} : memref<104x80xf32, #tpu.memory_space<vmem>>, vector<1x16xf32>,
        %parallel_loop3A_219 = vector.shape_cast %parallel_loop3A_218 : vector<1x16xf32> to vector<16xf32>
        %parallel_loop3A_220 = vector.shape_cast %parallel_loop3A_215 : vector<16xf32> to vector<1x16xf32>
        tpu.vector_store %arg12[%parallel_loop3A_216, %parallel_loop3A_217], %parallel_loop3A_220 {strides = array<i32>} : memref<104x80xf32, #tpu.memory_space<vmem>>, vector<1x16xf32>,
        %parallel_loop3A_221 = arith.index_cast %parallel_loop3A_183 : i32 to index
        %parallel_loop3A_222 = arith.constant 32 : index
        %parallel_loop3A_223 = tpu.vector_load %arg8[%parallel_loop3A_221, %parallel_loop3A_222] {strides = array<i32>} : memref<200x80xf32, #tpu.memory_space<vmem>>, vector<1x16xf32>,
        %parallel_loop3A_224 = vector.shape_cast %parallel_loop3A_223 : vector<1x16xf32> to vector<16xf32>
        %parallel_loop3A_225 = arith.mulf %parallel_loop3A_224, %parallel_loop3A_200 : vector<16xf32>
        %parallel_loop3A_226 = arith.index_cast %parallel_loop3A_181 : i32 to index
        %parallel_loop3A_227 = arith.constant 32 : index
        %parallel_loop3A_228 = tpu.vector_load %arg12[%parallel_loop3A_226, %parallel_loop3A_227] {strides = array<i32>} : memref<104x80xf32, #tpu.memory_space<vmem>>, vector<1x16xf32>,
        %parallel_loop3A_229 = vector.shape_cast %parallel_loop3A_228 : vector<1x16xf32> to vector<16xf32>
        %parallel_loop3A_230 = vector.shape_cast %parallel_loop3A_225 : vector<16xf32> to vector<1x16xf32>
        tpu.vector_store %arg12[%parallel_loop3A_226, %parallel_loop3A_227], %parallel_loop3A_230 {strides = array<i32>} : memref<104x80xf32, #tpu.memory_space<vmem>>, vector<1x16xf32>,
        %parallel_loop3A_231 = arith.index_cast %parallel_loop3A_183 : i32 to index
        %parallel_loop3A_232 = arith.constant 48 : index
        %parallel_loop3A_233 = tpu.vector_load %arg8[%parallel_loop3A_231, %parallel_loop3A_232] {strides = array<i32>} : memref<200x80xf32, #tpu.memory_space<vmem>>, vector<1x16xf32>,
        %parallel_loop3A_234 = vector.shape_cast %parallel_loop3A_233 : vector<1x16xf32> to vector<16xf32>
        %parallel_loop3A_235 = arith.mulf %parallel_loop3A_234, %parallel_loop3A_200 : vector<16xf32>
        %parallel_loop3A_236 = arith.index_cast %parallel_loop3A_181 : i32 to index
        %parallel_loop3A_237 = arith.constant 48 : index
        %parallel_loop3A_238 = tpu.vector_load %arg12[%parallel_loop3A_236, %parallel_loop3A_237] {strides = array<i32>} : memref<104x80xf32, #tpu.memory_space<vmem>>, vector<1x16xf32>,
        %parallel_loop3A_239 = vector.shape_cast %parallel_loop3A_238 : vector<1x16xf32> to vector<16xf32>
        %parallel_loop3A_240 = vector.shape_cast %parallel_loop3A_235 : vector<16xf32> to vector<1x16xf32>
        tpu.vector_store %arg12[%parallel_loop3A_236, %parallel_loop3A_237], %parallel_loop3A_240 {strides = array<i32>} : memref<104x80xf32, #tpu.memory_space<vmem>>, vector<1x16xf32>,
        %parallel_loop3A_241 = arith.index_cast %parallel_loop3A_181 : i32 to index
        %parallel_loop3A_242 = arith.constant 64 : index
        %parallel_loop3A_243 = tpu.vector_load %arg12[%parallel_loop3A_241, %parallel_loop3A_242] {strides = array<i32>} : memref<104x80xf32, #tpu.memory_space<vmem>>, vector<1x16xf32>,
        %parallel_loop3A_244 = vector.shape_cast %parallel_loop3A_243 : vector<1x16xf32> to vector<16xf32>
        %parallel_loop3A_245 = vector.shape_cast %parallel_loop3A_200 : vector<16xf32> to vector<1x16xf32>
        tpu.vector_store %arg12[%parallel_loop3A_241, %parallel_loop3A_242], %parallel_loop3A_245 {strides = array<i32>} : memref<104x80xf32, #tpu.memory_space<vmem>>, vector<1x16xf32>,
      } {sc.loop_unroll_factor = 8 : i64, sc.parallel_access}
      %mul3A_91 = arith.constant 200 : i32
      %mul3A_92 = arith.muli %mul3A_60, %mul3A_91 : i32
      %add3A_93 = arith.constant 0 : i32
      %add3A_94 = arith.addi %mul3A_92, %add3A_93 : i32
      %dma_start3A_95 = tpu.memref_slice %arg7[%add3A_94] : memref<10000xi32, #tpu.memory_space<vmem>> -> memref<104xi32, #tpu.memory_space<vmem>>
      %dma_start3A_96 = arith.constant 0 : i32
      %dma_start3A_97 = arith.constant 0 : i32
      %dma_start3A_98 = tpu.memref_slice %arg15[%dma_start3A_96, %dma_start3A_97] : memref<10240x80xf32, #tpu.memory_space<vmem_shared>> -> memref<10240x80xf32, #tpu.memory_space<vmem_shared>>
      tpu.enqueue_indirect_dma source(%arg12 : memref<104x80xf32, #tpu.memory_space<vmem>>) target(%dma_start3A_98 : memref<10240x80xf32, #tpu.memory_space<vmem_shared>>) offsets(%dma_start3A_95 : memref<104xi32, #tpu.memory_space<vmem>>) semaphore(%arg20 : memref<!tpu.dma_semaphore, #tpu.memory_space<semaphore_mem>>) {add = true}
      %gt3A_99 = arith.constant 0 : i32
      %gt3A_100 = arith.cmpi sgt, %mul3A_60, %gt3A_99 : i32
      %convert_element_type3A_101 = arith.extui %gt3A_100 : i1 to i32
      %cond3A_102 = arith.constant 0 : i32
      %cond3A_103 = arith.cmpi ne, %convert_element_type3A_101, %cond3A_102 : i32
      scf.if %cond3A_103 {
        %dma_wait3A_181 = arith.constant 0 : i32
        %dma_wait3A_182 = tpu.memref_slice %arg7[%dma_wait3A_181] : memref<10000xi32, #tpu.memory_space<vmem>> -> memref<96xi32, #tpu.memory_space<vmem>>
        %dma_wait3A_183 = arith.constant 0 : i32
        %dma_wait3A_184 = arith.constant 0 : i32
        %dma_wait3A_185 = tpu.memref_slice %arg15[%dma_wait3A_183, %dma_wait3A_184] : memref<10240x80xf32, #tpu.memory_space<vmem_shared>> -> memref<10240x80xf32, #tpu.memory_space<vmem_shared>>
        tpu.wait_indirect_dma semaphore(%arg21 : memref<!tpu.dma_semaphore, #tpu.memory_space<semaphore_mem>>) src(%arg13 : memref<96x80xf32, #tpu.memory_space<vmem>>) dst(%dma_wait3A_185 : memref<10240x80xf32, #tpu.memory_space<vmem_shared>>)
      } else {
      }
      %parallel_loop3A_104 = arith.constant 0 : i32
      %parallel_loop3A_105 = arith.constant 96 : i32
      %parallel_loop3A_106 = arith.constant 1 : i32
      scf.for %parallel_loop3A_181 = %parallel_loop3A_104 to %parallel_loop3A_105 step %parallel_loop3A_106  : i32 {
        %parallel_loop3A_182 = arith.constant 104 : i32
        %parallel_loop3A_183 = arith.addi %parallel_loop3A_181, %parallel_loop3A_182 : i32
        %parallel_loop3A_184 = arith.index_cast %parallel_loop3A_183 : i32 to index
        %parallel_loop3A_185 = arith.constant 64 : index
        %parallel_loop3A_186 = tpu.vector_load %arg8[%parallel_loop3A_184, %parallel_loop3A_185] {strides = array<i32>} : memref<200x80xf32, #tpu.memory_space<vmem>>, vector<1x16xf32>,
        %parallel_loop3A_187 = vector.shape_cast %parallel_loop3A_186 : vector<1x16xf32> to vector<16xf32>
        %parallel_loop3A_188 = arith.index_cast %parallel_loop3A_183 : i32 to index
        %parallel_loop3A_189 = arith.constant 0 : index
        %parallel_loop3A_190 = tpu.vector_load %arg9[%parallel_loop3A_188, %parallel_loop3A_189] {strides = array<i32>} : memref<200x16xf32, #tpu.memory_space<vmem>>, vector<1x16xf32>,
        %parallel_loop3A_191 = vector.shape_cast %parallel_loop3A_190 : vector<1x16xf32> to vector<16xf32>
        %parallel_loop3A_192 = arith.addf %parallel_loop3A_187, %parallel_loop3A_191 : vector<16xf32>
        %parallel_loop3A_193 = arith.constant 0.000000e+00 : f32
        %parallel_loop3A_194 = vector.broadcast %parallel_loop3A_193 : f32 to vector<16xf32>
        %parallel_loop3A_195 = arith.cmpf oge, %parallel_loop3A_192, %parallel_loop3A_194 : vector<16xf32>
        %parallel_loop3A_196 = arith.constant 2.000000e-01 : f32
        %parallel_loop3A_197 = vector.broadcast %parallel_loop3A_196 : f32 to vector<16xf32>
        %parallel_loop3A_198 = arith.mulf %parallel_loop3A_197, %parallel_loop3A_192 : vector<16xf32>
        %parallel_loop3A_199 = arith.select %parallel_loop3A_195, %parallel_loop3A_192, %parallel_loop3A_198 : vector<16xi1>, vector<16xf32>
        %parallel_loop3A_200 = math.exp %parallel_loop3A_199 : vector<16xf32>
        %parallel_loop3A_201 = arith.index_cast %parallel_loop3A_183 : i32 to index
        %parallel_loop3A_202 = arith.constant 0 : index
        %parallel_loop3A_203 = tpu.vector_load %arg8[%parallel_loop3A_201, %parallel_loop3A_202] {strides = array<i32>} : memref<200x80xf32, #tpu.memory_space<vmem>>, vector<1x16xf32>,
        %parallel_loop3A_204 = vector.shape_cast %parallel_loop3A_203 : vector<1x16xf32> to vector<16xf32>
        %parallel_loop3A_205 = arith.mulf %parallel_loop3A_204, %parallel_loop3A_200 : vector<16xf32>
        %parallel_loop3A_206 = arith.index_cast %parallel_loop3A_181 : i32 to index
        %parallel_loop3A_207 = arith.constant 0 : index
        %parallel_loop3A_208 = tpu.vector_load %arg13[%parallel_loop3A_206, %parallel_loop3A_207] {strides = array<i32>} : memref<96x80xf32, #tpu.memory_space<vmem>>, vector<1x16xf32>,
        %parallel_loop3A_209 = vector.shape_cast %parallel_loop3A_208 : vector<1x16xf32> to vector<16xf32>
        %parallel_loop3A_210 = vector.shape_cast %parallel_loop3A_205 : vector<16xf32> to vector<1x16xf32>
        tpu.vector_store %arg13[%parallel_loop3A_206, %parallel_loop3A_207], %parallel_loop3A_210 {strides = array<i32>} : memref<96x80xf32, #tpu.memory_space<vmem>>, vector<1x16xf32>,
        %parallel_loop3A_211 = arith.index_cast %parallel_loop3A_183 : i32 to index
        %parallel_loop3A_212 = arith.constant 16 : index
        %parallel_loop3A_213 = tpu.vector_load %arg8[%parallel_loop3A_211, %parallel_loop3A_212] {strides = array<i32>} : memref<200x80xf32, #tpu.memory_space<vmem>>, vector<1x16xf32>,
        %parallel_loop3A_214 = vector.shape_cast %parallel_loop3A_213 : vector<1x16xf32> to vector<16xf32>
        %parallel_loop3A_215 = arith.mulf %parallel_loop3A_214, %parallel_loop3A_200 : vector<16xf32>
        %parallel_loop3A_216 = arith.index_cast %parallel_loop3A_181 : i32 to index
        %parallel_loop3A_217 = arith.constant 16 : index
        %parallel_loop3A_218 = tpu.vector_load %arg13[%parallel_loop3A_216, %parallel_loop3A_217] {strides = array<i32>} : memref<96x80xf32, #tpu.memory_space<vmem>>, vector<1x16xf32>,
        %parallel_loop3A_219 = vector.shape_cast %parallel_loop3A_218 : vector<1x16xf32> to vector<16xf32>
        %parallel_loop3A_220 = vector.shape_cast %parallel_loop3A_215 : vector<16xf32> to vector<1x16xf32>
        tpu.vector_store %arg13[%parallel_loop3A_216, %parallel_loop3A_217], %parallel_loop3A_220 {strides = array<i32>} : memref<96x80xf32, #tpu.memory_space<vmem>>, vector<1x16xf32>,
        %parallel_loop3A_221 = arith.index_cast %parallel_loop3A_183 : i32 to index
        %parallel_loop3A_222 = arith.constant 32 : index
        %parallel_loop3A_223 = tpu.vector_load %arg8[%parallel_loop3A_221, %parallel_loop3A_222] {strides = array<i32>} : memref<200x80xf32, #tpu.memory_space<vmem>>, vector<1x16xf32>,
        %parallel_loop3A_224 = vector.shape_cast %parallel_loop3A_223 : vector<1x16xf32> to vector<16xf32>
        %parallel_loop3A_225 = arith.mulf %parallel_loop3A_224, %parallel_loop3A_200 : vector<16xf32>
        %parallel_loop3A_226 = arith.index_cast %parallel_loop3A_181 : i32 to index
        %parallel_loop3A_227 = arith.constant 32 : index
        %parallel_loop3A_228 = tpu.vector_load %arg13[%parallel_loop3A_226, %parallel_loop3A_227] {strides = array<i32>} : memref<96x80xf32, #tpu.memory_space<vmem>>, vector<1x16xf32>,
        %parallel_loop3A_229 = vector.shape_cast %parallel_loop3A_228 : vector<1x16xf32> to vector<16xf32>
        %parallel_loop3A_230 = vector.shape_cast %parallel_loop3A_225 : vector<16xf32> to vector<1x16xf32>
        tpu.vector_store %arg13[%parallel_loop3A_226, %parallel_loop3A_227], %parallel_loop3A_230 {strides = array<i32>} : memref<96x80xf32, #tpu.memory_space<vmem>>, vector<1x16xf32>,
        %parallel_loop3A_231 = arith.index_cast %parallel_loop3A_183 : i32 to index
        %parallel_loop3A_232 = arith.constant 48 : index
        %parallel_loop3A_233 = tpu.vector_load %arg8[%parallel_loop3A_231, %parallel_loop3A_232] {strides = array<i32>} : memref<200x80xf32, #tpu.memory_space<vmem>>, vector<1x16xf32>,
        %parallel_loop3A_234 = vector.shape_cast %parallel_loop3A_233 : vector<1x16xf32> to vector<16xf32>
        %parallel_loop3A_235 = arith.mulf %parallel_loop3A_234, %parallel_loop3A_200 : vector<16xf32>
        %parallel_loop3A_236 = arith.index_cast %parallel_loop3A_181 : i32 to index
        %parallel_loop3A_237 = arith.constant 48 : index
        %parallel_loop3A_238 = tpu.vector_load %arg13[%parallel_loop3A_236, %parallel_loop3A_237] {strides = array<i32>} : memref<96x80xf32, #tpu.memory_space<vmem>>, vector<1x16xf32>,
        %parallel_loop3A_239 = vector.shape_cast %parallel_loop3A_238 : vector<1x16xf32> to vector<16xf32>
        %parallel_loop3A_240 = vector.shape_cast %parallel_loop3A_235 : vector<16xf32> to vector<1x16xf32>
        tpu.vector_store %arg13[%parallel_loop3A_236, %parallel_loop3A_237], %parallel_loop3A_240 {strides = array<i32>} : memref<96x80xf32, #tpu.memory_space<vmem>>, vector<1x16xf32>,
        %parallel_loop3A_241 = arith.index_cast %parallel_loop3A_181 : i32 to index
        %parallel_loop3A_242 = arith.constant 64 : index
        %parallel_loop3A_243 = tpu.vector_load %arg13[%parallel_loop3A_241, %parallel_loop3A_242] {strides = array<i32>} : memref<96x80xf32, #tpu.memory_space<vmem>>, vector<1x16xf32>,
        %parallel_loop3A_244 = vector.shape_cast %parallel_loop3A_243 : vector<1x16xf32> to vector<16xf32>
        %parallel_loop3A_245 = vector.shape_cast %parallel_loop3A_200 : vector<16xf32> to vector<1x16xf32>
        tpu.vector_store %arg13[%parallel_loop3A_241, %parallel_loop3A_242], %parallel_loop3A_245 {strides = array<i32>} : memref<96x80xf32, #tpu.memory_space<vmem>>, vector<1x16xf32>,
      } {sc.loop_unroll_factor = 8 : i64, sc.parallel_access}
      %mul3A_107 = arith.constant 200 : i32
      %mul3A_108 = arith.muli %mul3A_60, %mul3A_107 : i32
      %add3A_109 = arith.constant 104 : i32
      %add3A_110 = arith.addi %mul3A_108, %add3A_109 : i32
      %dma_start3A_111 = tpu.memref_slice %arg7[%add3A_110] : memref<10000xi32, #tpu.memory_space<vmem>> -> memref<96xi32, #tpu.memory_space<vmem>>
      %dma_start3A_112 = arith.constant 0 : i32
      %dma_start3A_113 = arith.constant 0 : i32
      %dma_start3A_114 = tpu.memref_slice %arg15[%dma_start3A_112, %dma_start3A_113] : memref<10240x80xf32, #tpu.memory_space<vmem_shared>> -> memref<10240x80xf32, #tpu.memory_space<vmem_shared>>
      tpu.enqueue_indirect_dma source(%arg13 : memref<96x80xf32, #tpu.memory_space<vmem>>) target(%dma_start3A_114 : memref<10240x80xf32, #tpu.memory_space<vmem_shared>>) offsets(%dma_start3A_111 : memref<96xi32, #tpu.memory_space<vmem>>) semaphore(%arg21 : memref<!tpu.dma_semaphore, #tpu.memory_space<semaphore_mem>>) {add = true}
      %add3A_115 = arith.constant 2 : i32
      %add3A_116 = arith.addi %mul3A_60, %add3A_115 : i32
      %lt3A = arith.constant 50 : i32
      %lt3A_117 = arith.cmpi slt, %add3A_116, %lt3A : i32
      %add3A_118 = arith.constant 2 : i32
      %add3A_119 = arith.addi %mul3A_60, %add3A_118 : i32
      %jit3A = arith.constant 0 : i32
      %select_n3A = arith.select %lt3A_117, %add3A_119, %jit3A : i32
      %mul3A_120 = arith.constant 200 : i32
      %mul3A_121 = arith.muli %select_n3A, %mul3A_120 : i32
      %dma_start3A_122 = tpu.memref_slice %arg6[%mul3A_121] : memref<10000xi32, #tpu.memory_space<vmem>> -> memref<200xi32, #tpu.memory_space<vmem>>
      %dma_start3A_123 = arith.constant 0 : i32
      %dma_start3A_124 = arith.constant 0 : i32
      %dma_start3A_125 = tpu.memref_slice %arg3[%dma_start3A_123, %dma_start3A_124] : memref<10000x80xf32, #tpu.memory_space<hbm>> -> memref<10000x80xf32, #tpu.memory_space<hbm>>
      tpu.enqueue_indirect_dma source(%dma_start3A_125 : memref<10000x80xf32, #tpu.memory_space<hbm>>) target(%arg8 : memref<200x80xf32, #tpu.memory_space<vmem>>) offsets(%dma_start3A_122 : memref<200xi32, #tpu.memory_space<vmem>>) semaphore(%arg16 : memref<!tpu.dma_semaphore, #tpu.memory_space<semaphore_mem>>)
      %mul3A_126 = arith.constant 200 : i32
      %mul3A_127 = arith.muli %select_n3A, %mul3A_126 : i32
      %dma_start3A_128 = tpu.memref_slice %arg7[%mul3A_127] : memref<10000xi32, #tpu.memory_space<vmem>> -> memref<200xi32, #tpu.memory_space<vmem>>
      %dma_start3A_129 = arith.constant 0 : i32
      %dma_start3A_130 = arith.constant 0 : i32
      %dma_start3A_131 = tpu.memref_slice %arg4[%dma_start3A_129, %dma_start3A_130] : memref<10000x16xf32, #tpu.memory_space<hbm>> -> memref<10000x16xf32, #tpu.memory_space<hbm>>
      tpu.enqueue_indirect_dma source(%dma_start3A_131 : memref<10000x16xf32, #tpu.memory_space<hbm>>) target(%arg9 : memref<200x16xf32, #tpu.memory_space<vmem>>) offsets(%dma_start3A_128 : memref<200xi32, #tpu.memory_space<vmem>>) semaphore(%arg17 : memref<!tpu.dma_semaphore, #tpu.memory_space<semaphore_mem>>)
      %add3A_132 = arith.constant 1 : i32
      %add3A_133 = arith.addi %mul3A_60, %add3A_132 : i32
      %mul3A_134 = arith.constant 200 : i32
      %mul3A_135 = arith.muli %add3A_133, %mul3A_134 : i32
      %dma_wait3A_136 = tpu.memref_slice %arg6[%mul3A_135] : memref<10000xi32, #tpu.memory_space<vmem>> -> memref<200xi32, #tpu.memory_space<vmem>>
      %dma_wait3A_137 = arith.constant 0 : i32
      %dma_wait3A_138 = arith.constant 0 : i32
      %dma_wait3A_139 = tpu.memref_slice %arg3[%dma_wait3A_137, %dma_wait3A_138] : memref<10000x80xf32, #tpu.memory_space<hbm>> -> memref<10000x80xf32, #tpu.memory_space<hbm>>
      tpu.wait_indirect_dma semaphore(%arg18 : memref<!tpu.dma_semaphore, #tpu.memory_space<semaphore_mem>>) src(%dma_wait3A_139 : memref<10000x80xf32, #tpu.memory_space<hbm>>) dst(%arg10 : memref<200x80xf32, #tpu.memory_space<vmem>>)
      %mul3A_140 = arith.constant 200 : i32
      %mul3A_141 = arith.muli %add3A_133, %mul3A_140 : i32
      %dma_wait3A_142 = tpu.memref_slice %arg7[%mul3A_141] : memref<10000xi32, #tpu.memory_space<vmem>> -> memref<200xi32, #tpu.memory_space<vmem>>
      %dma_wait3A_143 = arith.constant 0 : i32
      %dma_wait3A_144 = arith.constant 0 : i32
      %dma_wait3A_145 = tpu.memref_slice %arg4[%dma_wait3A_143, %dma_wait3A_144] : memref<10000x16xf32, #tpu.memory_space<hbm>> -> memref<10000x16xf32, #tpu.memory_space<hbm>>
      tpu.wait_indirect_dma semaphore(%arg19 : memref<!tpu.dma_semaphore, #tpu.memory_space<semaphore_mem>>) src(%dma_wait3A_145 : memref<10000x16xf32, #tpu.memory_space<hbm>>) dst(%arg11 : memref<200x16xf32, #tpu.memory_space<vmem>>)
      %add3A_146 = arith.constant 1 : i32
      %add3A_147 = arith.addi %mul3A_60, %add3A_146 : i32
      %dma_wait3A_148 = arith.constant 0 : i32
      %dma_wait3A_149 = tpu.memref_slice %arg7[%dma_wait3A_148] : memref<10000xi32, #tpu.memory_space<vmem>> -> memref<104xi32, #tpu.memory_space<vmem>>
      %dma_wait3A_150 = arith.constant 0 : i32
      %dma_wait3A_151 = arith.constant 0 : i32
      %dma_wait3A_152 = tpu.memref_slice %arg15[%dma_wait3A_150, %dma_wait3A_151] : memref<10240x80xf32, #tpu.memory_space<vmem_shared>> -> memref<10240x80xf32, #tpu.memory_space<vmem_shared>>
      tpu.wait_indirect_dma semaphore(%arg20 : memref<!tpu.dma_semaphore, #tpu.memory_space<semaphore_mem>>) src(%arg12 : memref<104x80xf32, #tpu.memory_space<vmem>>) dst(%dma_wait3A_152 : memref<10240x80xf32, #tpu.memory_space<vmem_shared>>)
      %parallel_loop3A_153 = arith.constant 0 : i32
      %parallel_loop3A_154 = arith.constant 104 : i32
      %parallel_loop3A_155 = arith.constant 1 : i32
      scf.for %parallel_loop3A_181 = %parallel_loop3A_153 to %parallel_loop3A_154 step %parallel_loop3A_155  : i32 {
        %parallel_loop3A_182 = arith.constant 0 : i32
        %parallel_loop3A_183 = arith.addi %parallel_loop3A_181, %parallel_loop3A_182 : i32
        %parallel_loop3A_184 = arith.index_cast %parallel_loop3A_183 : i32 to index
        %parallel_loop3A_185 = arith.constant 64 : index
        %parallel_loop3A_186 = tpu.vector_load %arg10[%parallel_loop3A_184, %parallel_loop3A_185] {strides = array<i32>} : memref<200x80xf32, #tpu.memory_space<vmem>>, vector<1x16xf32>,
        %parallel_loop3A_187 = vector.shape_cast %parallel_loop3A_186 : vector<1x16xf32> to vector<16xf32>
        %parallel_loop3A_188 = arith.index_cast %parallel_loop3A_183 : i32 to index
        %parallel_loop3A_189 = arith.constant 0 : index
        %parallel_loop3A_190 = tpu.vector_load %arg11[%parallel_loop3A_188, %parallel_loop3A_189] {strides = array<i32>} : memref<200x16xf32, #tpu.memory_space<vmem>>, vector<1x16xf32>,
        %parallel_loop3A_191 = vector.shape_cast %parallel_loop3A_190 : vector<1x16xf32> to vector<16xf32>
        %parallel_loop3A_192 = arith.addf %parallel_loop3A_187, %parallel_loop3A_191 : vector<16xf32>
        %parallel_loop3A_193 = arith.constant 0.000000e+00 : f32
        %parallel_loop3A_194 = vector.broadcast %parallel_loop3A_193 : f32 to vector<16xf32>
        %parallel_loop3A_195 = arith.cmpf oge, %parallel_loop3A_192, %parallel_loop3A_194 : vector<16xf32>
        %parallel_loop3A_196 = arith.constant 2.000000e-01 : f32
        %parallel_loop3A_197 = vector.broadcast %parallel_loop3A_196 : f32 to vector<16xf32>
        %parallel_loop3A_198 = arith.mulf %parallel_loop3A_197, %parallel_loop3A_192 : vector<16xf32>
        %parallel_loop3A_199 = arith.select %parallel_loop3A_195, %parallel_loop3A_192, %parallel_loop3A_198 : vector<16xi1>, vector<16xf32>
        %parallel_loop3A_200 = math.exp %parallel_loop3A_199 : vector<16xf32>
        %parallel_loop3A_201 = arith.index_cast %parallel_loop3A_183 : i32 to index
        %parallel_loop3A_202 = arith.constant 0 : index
        %parallel_loop3A_203 = tpu.vector_load %arg10[%parallel_loop3A_201, %parallel_loop3A_202] {strides = array<i32>} : memref<200x80xf32, #tpu.memory_space<vmem>>, vector<1x16xf32>,
        %parallel_loop3A_204 = vector.shape_cast %parallel_loop3A_203 : vector<1x16xf32> to vector<16xf32>
        %parallel_loop3A_205 = arith.mulf %parallel_loop3A_204, %parallel_loop3A_200 : vector<16xf32>
        %parallel_loop3A_206 = arith.index_cast %parallel_loop3A_181 : i32 to index
        %parallel_loop3A_207 = arith.constant 0 : index
        %parallel_loop3A_208 = tpu.vector_load %arg12[%parallel_loop3A_206, %parallel_loop3A_207] {strides = array<i32>} : memref<104x80xf32, #tpu.memory_space<vmem>>, vector<1x16xf32>,
        %parallel_loop3A_209 = vector.shape_cast %parallel_loop3A_208 : vector<1x16xf32> to vector<16xf32>
        %parallel_loop3A_210 = vector.shape_cast %parallel_loop3A_205 : vector<16xf32> to vector<1x16xf32>
        tpu.vector_store %arg12[%parallel_loop3A_206, %parallel_loop3A_207], %parallel_loop3A_210 {strides = array<i32>} : memref<104x80xf32, #tpu.memory_space<vmem>>, vector<1x16xf32>,
        %parallel_loop3A_211 = arith.index_cast %parallel_loop3A_183 : i32 to index
        %parallel_loop3A_212 = arith.constant 16 : index
        %parallel_loop3A_213 = tpu.vector_load %arg10[%parallel_loop3A_211, %parallel_loop3A_212] {strides = array<i32>} : memref<200x80xf32, #tpu.memory_space<vmem>>, vector<1x16xf32>,
        %parallel_loop3A_214 = vector.shape_cast %parallel_loop3A_213 : vector<1x16xf32> to vector<16xf32>
        %parallel_loop3A_215 = arith.mulf %parallel_loop3A_214, %parallel_loop3A_200 : vector<16xf32>
        %parallel_loop3A_216 = arith.index_cast %parallel_loop3A_181 : i32 to index
        %parallel_loop3A_217 = arith.constant 16 : index
        %parallel_loop3A_218 = tpu.vector_load %arg12[%parallel_loop3A_216, %parallel_loop3A_217] {strides = array<i32>} : memref<104x80xf32, #tpu.memory_space<vmem>>, vector<1x16xf32>,
        %parallel_loop3A_219 = vector.shape_cast %parallel_loop3A_218 : vector<1x16xf32> to vector<16xf32>
        %parallel_loop3A_220 = vector.shape_cast %parallel_loop3A_215 : vector<16xf32> to vector<1x16xf32>
        tpu.vector_store %arg12[%parallel_loop3A_216, %parallel_loop3A_217], %parallel_loop3A_220 {strides = array<i32>} : memref<104x80xf32, #tpu.memory_space<vmem>>, vector<1x16xf32>,
        %parallel_loop3A_221 = arith.index_cast %parallel_loop3A_183 : i32 to index
        %parallel_loop3A_222 = arith.constant 32 : index
        %parallel_loop3A_223 = tpu.vector_load %arg10[%parallel_loop3A_221, %parallel_loop3A_222] {strides = array<i32>} : memref<200x80xf32, #tpu.memory_space<vmem>>, vector<1x16xf32>,
        %parallel_loop3A_224 = vector.shape_cast %parallel_loop3A_223 : vector<1x16xf32> to vector<16xf32>
        %parallel_loop3A_225 = arith.mulf %parallel_loop3A_224, %parallel_loop3A_200 : vector<16xf32>
        %parallel_loop3A_226 = arith.index_cast %parallel_loop3A_181 : i32 to index
        %parallel_loop3A_227 = arith.constant 32 : index
        %parallel_loop3A_228 = tpu.vector_load %arg12[%parallel_loop3A_226, %parallel_loop3A_227] {strides = array<i32>} : memref<104x80xf32, #tpu.memory_space<vmem>>, vector<1x16xf32>,
        %parallel_loop3A_229 = vector.shape_cast %parallel_loop3A_228 : vector<1x16xf32> to vector<16xf32>
        %parallel_loop3A_230 = vector.shape_cast %parallel_loop3A_225 : vector<16xf32> to vector<1x16xf32>
        tpu.vector_store %arg12[%parallel_loop3A_226, %parallel_loop3A_227], %parallel_loop3A_230 {strides = array<i32>} : memref<104x80xf32, #tpu.memory_space<vmem>>, vector<1x16xf32>,
        %parallel_loop3A_231 = arith.index_cast %parallel_loop3A_183 : i32 to index
        %parallel_loop3A_232 = arith.constant 48 : index
        %parallel_loop3A_233 = tpu.vector_load %arg10[%parallel_loop3A_231, %parallel_loop3A_232] {strides = array<i32>} : memref<200x80xf32, #tpu.memory_space<vmem>>, vector<1x16xf32>,
        %parallel_loop3A_234 = vector.shape_cast %parallel_loop3A_233 : vector<1x16xf32> to vector<16xf32>
        %parallel_loop3A_235 = arith.mulf %parallel_loop3A_234, %parallel_loop3A_200 : vector<16xf32>
        %parallel_loop3A_236 = arith.index_cast %parallel_loop3A_181 : i32 to index
        %parallel_loop3A_237 = arith.constant 48 : index
        %parallel_loop3A_238 = tpu.vector_load %arg12[%parallel_loop3A_236, %parallel_loop3A_237] {strides = array<i32>} : memref<104x80xf32, #tpu.memory_space<vmem>>, vector<1x16xf32>,
        %parallel_loop3A_239 = vector.shape_cast %parallel_loop3A_238 : vector<1x16xf32> to vector<16xf32>
        %parallel_loop3A_240 = vector.shape_cast %parallel_loop3A_235 : vector<16xf32> to vector<1x16xf32>
        tpu.vector_store %arg12[%parallel_loop3A_236, %parallel_loop3A_237], %parallel_loop3A_240 {strides = array<i32>} : memref<104x80xf32, #tpu.memory_space<vmem>>, vector<1x16xf32>,
        %parallel_loop3A_241 = arith.index_cast %parallel_loop3A_181 : i32 to index
        %parallel_loop3A_242 = arith.constant 64 : index
        %parallel_loop3A_243 = tpu.vector_load %arg12[%parallel_loop3A_241, %parallel_loop3A_242] {strides = array<i32>} : memref<104x80xf32, #tpu.memory_space<vmem>>, vector<1x16xf32>,
        %parallel_loop3A_244 = vector.shape_cast %parallel_loop3A_243 : vector<1x16xf32> to vector<16xf32>
        %parallel_loop3A_245 = vector.shape_cast %parallel_loop3A_200 : vector<16xf32> to vector<1x16xf32>
        tpu.vector_store %arg12[%parallel_loop3A_241, %parallel_loop3A_242], %parallel_loop3A_245 {strides = array<i32>} : memref<104x80xf32, #tpu.memory_space<vmem>>, vector<1x16xf32>,
      } {sc.loop_unroll_factor = 8 : i64, sc.parallel_access}
      %mul3A_156 = arith.constant 200 : i32
      %mul3A_157 = arith.muli %add3A_147, %mul3A_156 : i32
      %add3A_158 = arith.constant 0 : i32
      %add3A_159 = arith.addi %mul3A_157, %add3A_158 : i32
      %dma_start3A_160 = tpu.memref_slice %arg7[%add3A_159] : memref<10000xi32, #tpu.memory_space<vmem>> -> memref<104xi32, #tpu.memory_space<vmem>>
      %dma_start3A_161 = arith.constant 0 : i32
      %dma_start3A_162 = arith.constant 0 : i32
      %dma_start3A_163 = tpu.memref_slice %arg15[%dma_start3A_161, %dma_start3A_162] : memref<10240x80xf32, #tpu.memory_space<vmem_shared>> -> memref<10240x80xf32, #tpu.memory_space<vmem_shared>>
      tpu.enqueue_indirect_dma source(%arg12 : memref<104x80xf32, #tpu.memory_space<vmem>>) target(%dma_start3A_163 : memref<10240x80xf32, #tpu.memory_space<vmem_shared>>) offsets(%dma_start3A_160 : memref<104xi32, #tpu.memory_space<vmem>>) semaphore(%arg20 : memref<!tpu.dma_semaphore, #tpu.memory_space<semaphore_mem>>) {add = true}
      %dma_wait3A_164 = arith.constant 0 : i32
      %dma_wait3A_165 = tpu.memref_slice %arg7[%dma_wait3A_164] : memref<10000xi32, #tpu.memory_space<vmem>> -> memref<96xi32, #tpu.memory_space<vmem>>
      %dma_wait3A_166 = arith.constant 0 : i32
      %dma_wait3A_167 = arith.constant 0 : i32
      %dma_wait3A_168 = tpu.memref_slice %arg15[%dma_wait3A_166, %dma_wait3A_167] : memref<10240x80xf32, #tpu.memory_space<vmem_shared>> -> memref<10240x80xf32, #tpu.memory_space<vmem_shared>>
      tpu.wait_indirect_dma semaphore(%arg21 : memref<!tpu.dma_semaphore, #tpu.memory_space<semaphore_mem>>) src(%arg13 : memref<96x80xf32, #tpu.memory_space<vmem>>) dst(%dma_wait3A_168 : memref<10240x80xf32, #tpu.memory_space<vmem_shared>>)
      %parallel_loop3A_169 = arith.constant 0 : i32
      %parallel_loop3A_170 = arith.constant 96 : i32
      %parallel_loop3A_171 = arith.constant 1 : i32
      scf.for %parallel_loop3A_181 = %parallel_loop3A_169 to %parallel_loop3A_170 step %parallel_loop3A_171  : i32 {
        %parallel_loop3A_182 = arith.constant 104 : i32
        %parallel_loop3A_183 = arith.addi %parallel_loop3A_181, %parallel_loop3A_182 : i32
        %parallel_loop3A_184 = arith.index_cast %parallel_loop3A_183 : i32 to index
        %parallel_loop3A_185 = arith.constant 64 : index
        %parallel_loop3A_186 = tpu.vector_load %arg10[%parallel_loop3A_184, %parallel_loop3A_185] {strides = array<i32>} : memref<200x80xf32, #tpu.memory_space<vmem>>, vector<1x16xf32>,
        %parallel_loop3A_187 = vector.shape_cast %parallel_loop3A_186 : vector<1x16xf32> to vector<16xf32>
        %parallel_loop3A_188 = arith.index_cast %parallel_loop3A_183 : i32 to index
        %parallel_loop3A_189 = arith.constant 0 : index
        %parallel_loop3A_190 = tpu.vector_load %arg11[%parallel_loop3A_188, %parallel_loop3A_189] {strides = array<i32>} : memref<200x16xf32, #tpu.memory_space<vmem>>, vector<1x16xf32>,
        %parallel_loop3A_191 = vector.shape_cast %parallel_loop3A_190 : vector<1x16xf32> to vector<16xf32>
        %parallel_loop3A_192 = arith.addf %parallel_loop3A_187, %parallel_loop3A_191 : vector<16xf32>
        %parallel_loop3A_193 = arith.constant 0.000000e+00 : f32
        %parallel_loop3A_194 = vector.broadcast %parallel_loop3A_193 : f32 to vector<16xf32>
        %parallel_loop3A_195 = arith.cmpf oge, %parallel_loop3A_192, %parallel_loop3A_194 : vector<16xf32>
        %parallel_loop3A_196 = arith.constant 2.000000e-01 : f32
        %parallel_loop3A_197 = vector.broadcast %parallel_loop3A_196 : f32 to vector<16xf32>
        %parallel_loop3A_198 = arith.mulf %parallel_loop3A_197, %parallel_loop3A_192 : vector<16xf32>
        %parallel_loop3A_199 = arith.select %parallel_loop3A_195, %parallel_loop3A_192, %parallel_loop3A_198 : vector<16xi1>, vector<16xf32>
        %parallel_loop3A_200 = math.exp %parallel_loop3A_199 : vector<16xf32>
        %parallel_loop3A_201 = arith.index_cast %parallel_loop3A_183 : i32 to index
        %parallel_loop3A_202 = arith.constant 0 : index
        %parallel_loop3A_203 = tpu.vector_load %arg10[%parallel_loop3A_201, %parallel_loop3A_202] {strides = array<i32>} : memref<200x80xf32, #tpu.memory_space<vmem>>, vector<1x16xf32>,
        %parallel_loop3A_204 = vector.shape_cast %parallel_loop3A_203 : vector<1x16xf32> to vector<16xf32>
        %parallel_loop3A_205 = arith.mulf %parallel_loop3A_204, %parallel_loop3A_200 : vector<16xf32>
        %parallel_loop3A_206 = arith.index_cast %parallel_loop3A_181 : i32 to index
        %parallel_loop3A_207 = arith.constant 0 : index
        %parallel_loop3A_208 = tpu.vector_load %arg13[%parallel_loop3A_206, %parallel_loop3A_207] {strides = array<i32>} : memref<96x80xf32, #tpu.memory_space<vmem>>, vector<1x16xf32>,
        %parallel_loop3A_209 = vector.shape_cast %parallel_loop3A_208 : vector<1x16xf32> to vector<16xf32>
        %parallel_loop3A_210 = vector.shape_cast %parallel_loop3A_205 : vector<16xf32> to vector<1x16xf32>
        tpu.vector_store %arg13[%parallel_loop3A_206, %parallel_loop3A_207], %parallel_loop3A_210 {strides = array<i32>} : memref<96x80xf32, #tpu.memory_space<vmem>>, vector<1x16xf32>,
        %parallel_loop3A_211 = arith.index_cast %parallel_loop3A_183 : i32 to index
        %parallel_loop3A_212 = arith.constant 16 : index
        %parallel_loop3A_213 = tpu.vector_load %arg10[%parallel_loop3A_211, %parallel_loop3A_212] {strides = array<i32>} : memref<200x80xf32, #tpu.memory_space<vmem>>, vector<1x16xf32>,
        %parallel_loop3A_214 = vector.shape_cast %parallel_loop3A_213 : vector<1x16xf32> to vector<16xf32>
        %parallel_loop3A_215 = arith.mulf %parallel_loop3A_214, %parallel_loop3A_200 : vector<16xf32>
        %parallel_loop3A_216 = arith.index_cast %parallel_loop3A_181 : i32 to index
        %parallel_loop3A_217 = arith.constant 16 : index
        %parallel_loop3A_218 = tpu.vector_load %arg13[%parallel_loop3A_216, %parallel_loop3A_217] {strides = array<i32>} : memref<96x80xf32, #tpu.memory_space<vmem>>, vector<1x16xf32>,
        %parallel_loop3A_219 = vector.shape_cast %parallel_loop3A_218 : vector<1x16xf32> to vector<16xf32>
        %parallel_loop3A_220 = vector.shape_cast %parallel_loop3A_215 : vector<16xf32> to vector<1x16xf32>
        tpu.vector_store %arg13[%parallel_loop3A_216, %parallel_loop3A_217], %parallel_loop3A_220 {strides = array<i32>} : memref<96x80xf32, #tpu.memory_space<vmem>>, vector<1x16xf32>,
        %parallel_loop3A_221 = arith.index_cast %parallel_loop3A_183 : i32 to index
        %parallel_loop3A_222 = arith.constant 32 : index
        %parallel_loop3A_223 = tpu.vector_load %arg10[%parallel_loop3A_221, %parallel_loop3A_222] {strides = array<i32>} : memref<200x80xf32, #tpu.memory_space<vmem>>, vector<1x16xf32>,
        %parallel_loop3A_224 = vector.shape_cast %parallel_loop3A_223 : vector<1x16xf32> to vector<16xf32>
        %parallel_loop3A_225 = arith.mulf %parallel_loop3A_224, %parallel_loop3A_200 : vector<16xf32>
        %parallel_loop3A_226 = arith.index_cast %parallel_loop3A_181 : i32 to index
        %parallel_loop3A_227 = arith.constant 32 : index
        %parallel_loop3A_228 = tpu.vector_load %arg13[%parallel_loop3A_226, %parallel_loop3A_227] {strides = array<i32>} : memref<96x80xf32, #tpu.memory_space<vmem>>, vector<1x16xf32>,
        %parallel_loop3A_229 = vector.shape_cast %parallel_loop3A_228 : vector<1x16xf32> to vector<16xf32>
        %parallel_loop3A_230 = vector.shape_cast %parallel_loop3A_225 : vector<16xf32> to vector<1x16xf32>
        tpu.vector_store %arg13[%parallel_loop3A_226, %parallel_loop3A_227], %parallel_loop3A_230 {strides = array<i32>} : memref<96x80xf32, #tpu.memory_space<vmem>>, vector<1x16xf32>,
        %parallel_loop3A_231 = arith.index_cast %parallel_loop3A_183 : i32 to index
        %parallel_loop3A_232 = arith.constant 48 : index
        %parallel_loop3A_233 = tpu.vector_load %arg10[%parallel_loop3A_231, %parallel_loop3A_232] {strides = array<i32>} : memref<200x80xf32, #tpu.memory_space<vmem>>, vector<1x16xf32>,
        %parallel_loop3A_234 = vector.shape_cast %parallel_loop3A_233 : vector<1x16xf32> to vector<16xf32>
        %parallel_loop3A_235 = arith.mulf %parallel_loop3A_234, %parallel_loop3A_200 : vector<16xf32>
        %parallel_loop3A_236 = arith.index_cast %parallel_loop3A_181 : i32 to index
        %parallel_loop3A_237 = arith.constant 48 : index
        %parallel_loop3A_238 = tpu.vector_load %arg13[%parallel_loop3A_236, %parallel_loop3A_237] {strides = array<i32>} : memref<96x80xf32, #tpu.memory_space<vmem>>, vector<1x16xf32>,
        %parallel_loop3A_239 = vector.shape_cast %parallel_loop3A_238 : vector<1x16xf32> to vector<16xf32>
        %parallel_loop3A_240 = vector.shape_cast %parallel_loop3A_235 : vector<16xf32> to vector<1x16xf32>
        tpu.vector_store %arg13[%parallel_loop3A_236, %parallel_loop3A_237], %parallel_loop3A_240 {strides = array<i32>} : memref<96x80xf32, #tpu.memory_space<vmem>>, vector<1x16xf32>,
        %parallel_loop3A_241 = arith.index_cast %parallel_loop3A_181 : i32 to index
        %parallel_loop3A_242 = arith.constant 64 : index
        %parallel_loop3A_243 = tpu.vector_load %arg13[%parallel_loop3A_241, %parallel_loop3A_242] {strides = array<i32>} : memref<96x80xf32, #tpu.memory_space<vmem>>, vector<1x16xf32>,
        %parallel_loop3A_244 = vector.shape_cast %parallel_loop3A_243 : vector<1x16xf32> to vector<16xf32>
        %parallel_loop3A_245 = vector.shape_cast %parallel_loop3A_200 : vector<16xf32> to vector<1x16xf32>
        tpu.vector_store %arg13[%parallel_loop3A_241, %parallel_loop3A_242], %parallel_loop3A_245 {strides = array<i32>} : memref<96x80xf32, #tpu.memory_space<vmem>>, vector<1x16xf32>,
      } {sc.loop_unroll_factor = 8 : i64, sc.parallel_access}
      %mul3A_172 = arith.constant 200 : i32
      %mul3A_173 = arith.muli %add3A_147, %mul3A_172 : i32
      %add3A_174 = arith.constant 104 : i32
      %add3A_175 = arith.addi %mul3A_173, %add3A_174 : i32
      %dma_start3A_176 = tpu.memref_slice %arg7[%add3A_175] : memref<10000xi32, #tpu.memory_space<vmem>> -> memref<96xi32, #tpu.memory_space<vmem>>
      %dma_start3A_177 = arith.constant 0 : i32
      %dma_start3A_178 = arith.constant 0 : i32
      %dma_start3A_179 = tpu.memref_slice %arg15[%dma_start3A_177, %dma_start3A_178] : memref<10240x80xf32, #tpu.memory_space<vmem_shared>> -> memref<10240x80xf32, #tpu.memory_space<vmem_shared>>
      tpu.enqueue_indirect_dma source(%arg13 : memref<96x80xf32, #tpu.memory_space<vmem>>) target(%dma_start3A_179 : memref<10240x80xf32, #tpu.memory_space<vmem_shared>>) offsets(%dma_start3A_176 : memref<96xi32, #tpu.memory_space<vmem>>) semaphore(%arg21 : memref<!tpu.dma_semaphore, #tpu.memory_space<semaphore_mem>>) {add = true}
      %scan3A_180 = arith.constant 0 : i32
      scf.yield %scan3A_180 : i32
    }
    %scan3A_32 = arith.constant 25 : i32
    %dma_wait3A = arith.constant 0 : i32
    %dma_wait3A_33 = tpu.memref_slice %arg6[%dma_wait3A] : memref<10000xi32, #tpu.memory_space<vmem>> -> memref<200xi32, #tpu.memory_space<vmem>>
    %dma_wait3A_34 = arith.constant 0 : i32
    %dma_wait3A_35 = arith.constant 0 : i32
    %dma_wait3A_36 = tpu.memref_slice %arg3[%dma_wait3A_34, %dma_wait3A_35] : memref<10000x80xf32, #tpu.memory_space<hbm>> -> memref<10000x80xf32, #tpu.memory_space<hbm>>
    tpu.wait_indirect_dma semaphore(%arg16 : memref<!tpu.dma_semaphore, #tpu.memory_space<semaphore_mem>>) src(%dma_wait3A_36 : memref<10000x80xf32, #tpu.memory_space<hbm>>) dst(%arg8 : memref<200x80xf32, #tpu.memory_space<vmem>>)
    %dma_wait3A_37 = arith.constant 0 : i32
    %dma_wait3A_38 = tpu.memref_slice %arg7[%dma_wait3A_37] : memref<10000xi32, #tpu.memory_space<vmem>> -> memref<200xi32, #tpu.memory_space<vmem>>
    %dma_wait3A_39 = arith.constant 0 : i32
    %dma_wait3A_40 = arith.constant 0 : i32
    %dma_wait3A_41 = tpu.memref_slice %arg4[%dma_wait3A_39, %dma_wait3A_40] : memref<10000x16xf32, #tpu.memory_space<hbm>> -> memref<10000x16xf32, #tpu.memory_space<hbm>>
    tpu.wait_indirect_dma semaphore(%arg17 : memref<!tpu.dma_semaphore, #tpu.memory_space<semaphore_mem>>) src(%dma_wait3A_41 : memref<10000x16xf32, #tpu.memory_space<hbm>>) dst(%arg9 : memref<200x16xf32, #tpu.memory_space<vmem>>)
    %dma_wait3A_42 = arith.constant 0 : i32
    %dma_wait3A_43 = tpu.memref_slice %arg7[%dma_wait3A_42] : memref<10000xi32, #tpu.memory_space<vmem>> -> memref<104xi32, #tpu.memory_space<vmem>>
    %dma_wait3A_44 = arith.constant 0 : i32
    %dma_wait3A_45 = arith.constant 0 : i32
    %dma_wait3A_46 = tpu.memref_slice %arg15[%dma_wait3A_44, %dma_wait3A_45] : memref<10240x80xf32, #tpu.memory_space<vmem_shared>> -> memref<10240x80xf32, #tpu.memory_space<vmem_shared>>
    tpu.wait_indirect_dma semaphore(%arg20 : memref<!tpu.dma_semaphore, #tpu.memory_space<semaphore_mem>>) src(%arg12 : memref<104x80xf32, #tpu.memory_space<vmem>>) dst(%dma_wait3A_46 : memref<10240x80xf32, #tpu.memory_space<vmem_shared>>)
    %dma_wait3A_47 = arith.constant 0 : i32
    %dma_wait3A_48 = tpu.memref_slice %arg7[%dma_wait3A_47] : memref<10000xi32, #tpu.memory_space<vmem>> -> memref<96xi32, #tpu.memory_space<vmem>>
    %dma_wait3A_49 = arith.constant 0 : i32
    %dma_wait3A_50 = arith.constant 0 : i32
    %dma_wait3A_51 = tpu.memref_slice %arg15[%dma_wait3A_49, %dma_wait3A_50] : memref<10240x80xf32, #tpu.memory_space<vmem_shared>> -> memref<10240x80xf32, #tpu.memory_space<vmem_shared>>
    tpu.wait_indirect_dma semaphore(%arg21 : memref<!tpu.dma_semaphore, #tpu.memory_space<semaphore_mem>>) src(%arg13 : memref<96x80xf32, #tpu.memory_space<vmem>>) dst(%dma_wait3A_51 : memref<10240x80xf32, #tpu.memory_space<vmem_shared>>)
    %barrier3A_52 = arith.constant 0 : index
    tpu.barrier barrier_id(%barrier3A_52)
    %mul3A_53 = arith.constant 640 : i32
    %mul3A_54 = arith.muli %arg1, %mul3A_53 : i32
    %mul3A_55 = arith.constant 640 : i32
    %mul3A_56 = arith.muli %arg1, %mul3A_55 : i32
    "tpu.region"() ({
      %run_scoped3A_57 = tpu.sem_alloc : memref<!tpu.dma_semaphore, #tpu.memory_space<semaphore_mem>>
      %dma_start3A_58 = arith.constant 0 : i32
      %dma_start3A_59 = tpu.memref_slice %arg5[%arg0, %mul3A_56, %dma_start3A_58] : memref<2x10240x80xf32, #tpu.memory_space<hbm>> -> memref<1x640x80xf32, #tpu.memory_space<hbm>>
      %dma_start3A_60 = tpu.memref_squeeze %dma_start3A_59 : memref<1x640x80xf32, #tpu.memory_space<hbm>> -> memref<640x80xf32, #tpu.memory_space<hbm>>
      %dma_start3A_61 = arith.constant 0 : i32
      %dma_start3A_62 = tpu.memref_slice %arg15[%mul3A_54, %dma_start3A_61] : memref<10240x80xf32, #tpu.memory_space<vmem_shared>> -> memref<640x80xf32, #tpu.memory_space<vmem_shared>>
      tpu.enqueue_dma source(%dma_start3A_62 : memref<640x80xf32, #tpu.memory_space<vmem_shared>>) target(%dma_start3A_60 : memref<640x80xf32, #tpu.memory_space<hbm>>) target_semaphore(%run_scoped3A_57 : memref<!tpu.dma_semaphore, #tpu.memory_space<semaphore_mem>>)
      %dma_wait3A_63 = arith.constant 0 : i32
      %dma_wait3A_64 = tpu.memref_slice %arg5[%arg0, %mul3A_56, %dma_wait3A_63] : memref<2x10240x80xf32, #tpu.memory_space<hbm>> -> memref<1x640x80xf32, #tpu.memory_space<hbm>>
      %dma_wait3A_65 = tpu.memref_squeeze %dma_wait3A_64 : memref<1x640x80xf32, #tpu.memory_space<hbm>> -> memref<640x80xf32, #tpu.memory_space<hbm>>
      %dma_wait3A_66 = arith.constant 0 : i32
      %dma_wait3A_67 = tpu.memref_slice %arg15[%mul3A_54, %dma_wait3A_66] : memref<10240x80xf32, #tpu.memory_space<vmem_shared>> -> memref<640x80xf32, #tpu.memory_space<vmem_shared>>
      tpu.wait_dma2 semaphore(%run_scoped3A_57 : memref<!tpu.dma_semaphore, #tpu.memory_space<semaphore_mem>>) src(%dma_wait3A_67 : memref<640x80xf32, #tpu.memory_space<vmem_shared>>) dst(%dma_wait3A_65 : memref<640x80xf32, #tpu.memory_space<hbm>>)
      tpu.yield
    }) : () -> ()
    return
  }
}

#map = affine_map<(d0, d1) -> (0, 0)>
#map1 = affine_map<(d0, d1) -> (0, 0, 0)>
module attributes {stable_mosaic.version = 14 : i64} {
  func.func @_sc2_body(%arg0: i32, %arg1: i32, %arg2: memref<2x320000xi32, #tpu.memory_space<hbm>>, %arg3: memref<10000x48xf32, #tpu.memory_space<hbm>>, %arg4: memref<10000x16xf32, #tpu.memory_space<hbm>>, %arg5: memref<2x10240x48xf32, #tpu.memory_space<hbm>>, %arg6: memref<10000xi32, #tpu.memory_space<vmem>>, %arg7: memref<10000xi32, #tpu.memory_space<vmem>>, %arg8: memref<200x48xf32, #tpu.memory_space<vmem>>, %arg9: memref<200x16xf32, #tpu.memory_space<vmem>>, %arg10: memref<200x48xf32, #tpu.memory_space<vmem>>, %arg11: memref<200x16xf32, #tpu.memory_space<vmem>>, %arg12: memref<104x48xf32, #tpu.memory_space<vmem>>, %arg13: memref<96x48xf32, #tpu.memory_space<vmem>>, %arg14: memref<32x48xf32, #tpu.memory_space<vmem>>, %arg15: memref<10240x48xf32, #tpu.memory_space<vmem_shared>>, %arg16: memref<!tpu.dma_semaphore, #tpu.memory_space<semaphore_mem>>, %arg17: memref<!tpu.dma_semaphore, #tpu.memory_space<semaphore_mem>>, %arg18: memref<!tpu.dma_semaphore, #tpu.memory_space<semaphore_mem>>, %arg19: memref<!tpu.dma_semaphore, #tpu.memory_space<semaphore_mem>>, %arg20: memref<!tpu.dma_semaphore, #tpu.memory_space<semaphore_mem>>, %arg21: memref<!tpu.dma_semaphore, #tpu.memory_space<semaphore_mem>>) attributes {dimension_semantics = [#tpu.dimension_semantics<core_parallel>, #tpu.dimension_semantics<subcore_parallel>], iteration_bounds = array<i64: 2, 16>, scalar_prefetch = 0 : i64, scratch_operands = 16 : i64, tpu.core_type = #tpu.core_type<sc_vector_subcore>, window_params = [{transform_indices = #map}, {transform_indices = #map}, {transform_indices = #map}, {transform_indices = #map1}]} {
    %mul3A = arith.constant 16 : i32
    %mul3A_0 = arith.muli %arg0, %mul3A : i32
    %add3A = arith.addi %mul3A_0, %arg1 : i32
    %mul3A_1 = arith.constant 10000 : i32
    %mul3A_2 = arith.muli %add3A, %mul3A_1 : i32
    %run_scoped3A = arith.constant 0 : i32
    "tpu.region"() ({
      %run_scoped3A_57 = tpu.sem_alloc : memref<!tpu.dma_semaphore, #tpu.memory_space<semaphore_mem>>
      %dma_start3A_58 = tpu.memref_slice %arg2[%run_scoped3A, %mul3A_2] : memref<2x320000xi32, #tpu.memory_space<hbm>> -> memref<1x10000xi32, #tpu.memory_space<hbm>>
      %dma_start3A_59 = tpu.memref_squeeze %dma_start3A_58 : memref<1x10000xi32, #tpu.memory_space<hbm>> -> memref<10000xi32, #tpu.memory_space<hbm>>
      %dma_start3A_60 = tpu.memref_slice %arg2[%run_scoped3A, %mul3A_2] : memref<2x320000xi32, #tpu.memory_space<hbm>> -> memref<1x10000xi32, #tpu.memory_space<hbm>>
      %dma_start3A_61 = tpu.memref_squeeze %dma_start3A_60 : memref<1x10000xi32, #tpu.memory_space<hbm>> -> memref<10000xi32, #tpu.memory_space<hbm>>
      tpu.enqueue_dma source(%dma_start3A_61 : memref<10000xi32, #tpu.memory_space<hbm>>) target(%arg6 : memref<10000xi32, #tpu.memory_space<vmem>>) target_semaphore(%run_scoped3A_57 : memref<!tpu.dma_semaphore, #tpu.memory_space<semaphore_mem>>)
      %dma_wait3A_62 = tpu.memref_slice %arg2[%run_scoped3A, %mul3A_2] : memref<2x320000xi32, #tpu.memory_space<hbm>> -> memref<1x10000xi32, #tpu.memory_space<hbm>>
      %dma_wait3A_63 = tpu.memref_squeeze %dma_wait3A_62 : memref<1x10000xi32, #tpu.memory_space<hbm>> -> memref<10000xi32, #tpu.memory_space<hbm>>
      %dma_wait3A_64 = tpu.memref_slice %arg2[%run_scoped3A, %mul3A_2] : memref<2x320000xi32, #tpu.memory_space<hbm>> -> memref<1x10000xi32, #tpu.memory_space<hbm>>
      %dma_wait3A_65 = tpu.memref_squeeze %dma_wait3A_64 : memref<1x10000xi32, #tpu.memory_space<hbm>> -> memref<10000xi32, #tpu.memory_space<hbm>>
      tpu.wait_dma2 semaphore(%run_scoped3A_57 : memref<!tpu.dma_semaphore, #tpu.memory_space<semaphore_mem>>) src(%dma_wait3A_65 : memref<10000xi32, #tpu.memory_space<hbm>>) dst(%arg6 : memref<10000xi32, #tpu.memory_space<vmem>>)
      tpu.yield
    }) : () -> ()
    %run_scoped3A_3 = arith.constant 1 : i32
    "tpu.region"() ({
      %run_scoped3A_57 = tpu.sem_alloc : memref<!tpu.dma_semaphore, #tpu.memory_space<semaphore_mem>>
      %dma_start3A_58 = tpu.memref_slice %arg2[%run_scoped3A_3, %mul3A_2] : memref<2x320000xi32, #tpu.memory_space<hbm>> -> memref<1x10000xi32, #tpu.memory_space<hbm>>
      %dma_start3A_59 = tpu.memref_squeeze %dma_start3A_58 : memref<1x10000xi32, #tpu.memory_space<hbm>> -> memref<10000xi32, #tpu.memory_space<hbm>>
      %dma_start3A_60 = tpu.memref_slice %arg2[%run_scoped3A_3, %mul3A_2] : memref<2x320000xi32, #tpu.memory_space<hbm>> -> memref<1x10000xi32, #tpu.memory_space<hbm>>
      %dma_start3A_61 = tpu.memref_squeeze %dma_start3A_60 : memref<1x10000xi32, #tpu.memory_space<hbm>> -> memref<10000xi32, #tpu.memory_space<hbm>>
      tpu.enqueue_dma source(%dma_start3A_61 : memref<10000xi32, #tpu.memory_space<hbm>>) target(%arg7 : memref<10000xi32, #tpu.memory_space<vmem>>) target_semaphore(%run_scoped3A_57 : memref<!tpu.dma_semaphore, #tpu.memory_space<semaphore_mem>>)
      %dma_wait3A_62 = tpu.memref_slice %arg2[%run_scoped3A_3, %mul3A_2] : memref<2x320000xi32, #tpu.memory_space<hbm>> -> memref<1x10000xi32, #tpu.memory_space<hbm>>
      %dma_wait3A_63 = tpu.memref_squeeze %dma_wait3A_62 : memref<1x10000xi32, #tpu.memory_space<hbm>> -> memref<10000xi32, #tpu.memory_space<hbm>>
      %dma_wait3A_64 = tpu.memref_slice %arg2[%run_scoped3A_3, %mul3A_2] : memref<2x320000xi32, #tpu.memory_space<hbm>> -> memref<1x10000xi32, #tpu.memory_space<hbm>>
      %dma_wait3A_65 = tpu.memref_squeeze %dma_wait3A_64 : memref<1x10000xi32, #tpu.memory_space<hbm>> -> memref<10000xi32, #tpu.memory_space<hbm>>
      tpu.wait_dma2 semaphore(%run_scoped3A_57 : memref<!tpu.dma_semaphore, #tpu.memory_space<semaphore_mem>>) src(%dma_wait3A_65 : memref<10000xi32, #tpu.memory_space<hbm>>) dst(%arg7 : memref<10000xi32, #tpu.memory_space<vmem>>)
      tpu.yield
    }) : () -> ()
    %scan3A = arith.constant 0 : i32
    %scan3A_4 = arith.constant 0 : i32
    %scan3A_5 = arith.constant 32 : i32
    %scan3A_6 = arith.addi %scan3A_4, %scan3A_5 : i32
    %scan3A_7 = arith.constant 1 : i32
    %scan3A_8 = scf.for %scan3A_57 = %scan3A_4 to %scan3A_6 step %scan3A_7 iter_args(%scan3A_58 = %scan3A) -> (i32)  : i32 {
      %broadcast_in_dim3A = arith.constant 0.000000e+00 : f32
      %broadcast_in_dim3A_59 = vector.broadcast %broadcast_in_dim3A : f32 to vector<16xf32>
      %swap3A = arith.index_cast %scan3A_57 : i32 to index
      %swap3A_60 = arith.constant 0 : index
      %swap3A_61 = tpu.vector_load %arg14[%swap3A, %swap3A_60] {strides = array<i32>} : memref<32x48xf32, #tpu.memory_space<vmem>>, vector<1x16xf32>,
      %swap3A_62 = vector.shape_cast %swap3A_61 : vector<1x16xf32> to vector<16xf32>
      %swap3A_63 = vector.shape_cast %broadcast_in_dim3A_59 : vector<16xf32> to vector<1x16xf32>
      tpu.vector_store %arg14[%swap3A, %swap3A_60], %swap3A_63 {strides = array<i32>} : memref<32x48xf32, #tpu.memory_space<vmem>>, vector<1x16xf32>,
      %broadcast_in_dim3A_64 = arith.constant 0.000000e+00 : f32
      %broadcast_in_dim3A_65 = vector.broadcast %broadcast_in_dim3A_64 : f32 to vector<16xf32>
      %swap3A_66 = arith.index_cast %scan3A_57 : i32 to index
      %swap3A_67 = arith.constant 16 : index
      %swap3A_68 = tpu.vector_load %arg14[%swap3A_66, %swap3A_67] {strides = array<i32>} : memref<32x48xf32, #tpu.memory_space<vmem>>, vector<1x16xf32>,
      %swap3A_69 = vector.shape_cast %swap3A_68 : vector<1x16xf32> to vector<16xf32>
      %swap3A_70 = vector.shape_cast %broadcast_in_dim3A_65 : vector<16xf32> to vector<1x16xf32>
      tpu.vector_store %arg14[%swap3A_66, %swap3A_67], %swap3A_70 {strides = array<i32>} : memref<32x48xf32, #tpu.memory_space<vmem>>, vector<1x16xf32>,
      %broadcast_in_dim3A_71 = arith.constant 0.000000e+00 : f32
      %broadcast_in_dim3A_72 = vector.broadcast %broadcast_in_dim3A_71 : f32 to vector<16xf32>
      %swap3A_73 = arith.index_cast %scan3A_57 : i32 to index
      %swap3A_74 = arith.constant 32 : index
      %swap3A_75 = tpu.vector_load %arg14[%swap3A_73, %swap3A_74] {strides = array<i32>} : memref<32x48xf32, #tpu.memory_space<vmem>>, vector<1x16xf32>,
      %swap3A_76 = vector.shape_cast %swap3A_75 : vector<1x16xf32> to vector<16xf32>
      %swap3A_77 = vector.shape_cast %broadcast_in_dim3A_72 : vector<16xf32> to vector<1x16xf32>
      tpu.vector_store %arg14[%swap3A_73, %swap3A_74], %swap3A_77 {strides = array<i32>} : memref<32x48xf32, #tpu.memory_space<vmem>>, vector<1x16xf32>,
      %scan3A_78 = arith.constant 0 : i32
      scf.yield %scan3A_78 : i32
    }
    %scan3A_9 = arith.constant 32 : i32
    %scan3A_10 = arith.constant 0 : i32
    %scan3A_11 = arith.constant 0 : i32
    %scan3A_12 = arith.constant 20 : i32
    %scan3A_13 = arith.addi %scan3A_11, %scan3A_12 : i32
    %scan3A_14 = arith.constant 1 : i32
    %scan3A_15 = scf.for %scan3A_57 = %scan3A_11 to %scan3A_13 step %scan3A_14 iter_args(%scan3A_58 = %scan3A_10) -> (i32)  : i32 {
      %mul3A_59 = arith.constant 640 : i32
      %mul3A_60 = arith.muli %arg1, %mul3A_59 : i32
      %mul3A_61 = arith.constant 32 : i32
      %mul3A_62 = arith.muli %scan3A_57, %mul3A_61 : i32
      %add3A_63 = arith.addi %mul3A_60, %mul3A_62 : i32
      "tpu.region"() ({
        %run_scoped3A_65 = tpu.sem_alloc : memref<!tpu.dma_semaphore, #tpu.memory_space<semaphore_mem>>
        %dma_start3A_66 = arith.constant 0 : i32
        %dma_start3A_67 = tpu.memref_slice %arg15[%add3A_63, %dma_start3A_66] : memref<10240x48xf32, #tpu.memory_space<vmem_shared>> -> memref<32x48xf32, #tpu.memory_space<vmem_shared>>
        %dma_start3A_68 = arith.constant 0 : i32
        %dma_start3A_69 = tpu.memref_slice %arg15[%add3A_63, %dma_start3A_68] : memref<10240x48xf32, #tpu.memory_space<vmem_shared>> -> memref<32x48xf32, #tpu.memory_space<vmem_shared>>
        tpu.enqueue_dma source(%arg14 : memref<32x48xf32, #tpu.memory_space<vmem>>) target(%dma_start3A_69 : memref<32x48xf32, #tpu.memory_space<vmem_shared>>) target_semaphore(%run_scoped3A_65 : memref<!tpu.dma_semaphore, #tpu.memory_space<semaphore_mem>>)
        %dma_wait3A_70 = arith.constant 0 : i32
        %dma_wait3A_71 = tpu.memref_slice %arg15[%add3A_63, %dma_wait3A_70] : memref<10240x48xf32, #tpu.memory_space<vmem_shared>> -> memref<32x48xf32, #tpu.memory_space<vmem_shared>>
        %dma_wait3A_72 = arith.constant 0 : i32
        %dma_wait3A_73 = tpu.memref_slice %arg15[%add3A_63, %dma_wait3A_72] : memref<10240x48xf32, #tpu.memory_space<vmem_shared>> -> memref<32x48xf32, #tpu.memory_space<vmem_shared>>
        tpu.wait_dma2 semaphore(%run_scoped3A_65 : memref<!tpu.dma_semaphore, #tpu.memory_space<semaphore_mem>>) src(%arg14 : memref<32x48xf32, #tpu.memory_space<vmem>>) dst(%dma_wait3A_73 : memref<32x48xf32, #tpu.memory_space<vmem_shared>>)
        tpu.yield
      }) : () -> ()
      %scan3A_64 = arith.constant 0 : i32
      scf.yield %scan3A_64 : i32
    }
    %scan3A_16 = arith.constant 20 : i32
    %barrier3A = arith.constant 0 : index
    tpu.barrier barrier_id(%barrier3A)
    %iota3A = tpu.iota {dimensions = array<i32: 0>} : vector<16xi32>
    %dma_start3A = arith.constant 0 : i32
    %dma_start3A_17 = tpu.memref_slice %arg6[%dma_start3A] : memref<10000xi32, #tpu.memory_space<vmem>> -> memref<200xi32, #tpu.memory_space<vmem>>
    %dma_start3A_18 = arith.constant 0 : i32
    %dma_start3A_19 = arith.constant 0 : i32
    %dma_start3A_20 = tpu.memref_slice %arg3[%dma_start3A_18, %dma_start3A_19] : memref<10000x48xf32, #tpu.memory_space<hbm>> -> memref<10000x48xf32, #tpu.memory_space<hbm>>
    tpu.enqueue_indirect_dma source(%dma_start3A_20 : memref<10000x48xf32, #tpu.memory_space<hbm>>) target(%arg8 : memref<200x48xf32, #tpu.memory_space<vmem>>) offsets(%dma_start3A_17 : memref<200xi32, #tpu.memory_space<vmem>>) semaphore(%arg16 : memref<!tpu.dma_semaphore, #tpu.memory_space<semaphore_mem>>)
    %dma_start3A_21 = arith.constant 0 : i32
    %dma_start3A_22 = tpu.memref_slice %arg7[%dma_start3A_21] : memref<10000xi32, #tpu.memory_space<vmem>> -> memref<200xi32, #tpu.memory_space<vmem>>
    %dma_start3A_23 = arith.constant 0 : i32
    %dma_start3A_24 = arith.constant 0 : i32
    %dma_start3A_25 = tpu.memref_slice %arg4[%dma_start3A_23, %dma_start3A_24] : memref<10000x16xf32, #tpu.memory_space<hbm>> -> memref<10000x16xf32, #tpu.memory_space<hbm>>
    tpu.enqueue_indirect_dma source(%dma_start3A_25 : memref<10000x16xf32, #tpu.memory_space<hbm>>) target(%arg9 : memref<200x16xf32, #tpu.memory_space<vmem>>) offsets(%dma_start3A_22 : memref<200xi32, #tpu.memory_space<vmem>>) semaphore(%arg17 : memref<!tpu.dma_semaphore, #tpu.memory_space<semaphore_mem>>)
    %scan3A_26 = arith.constant 0 : i32
    %scan3A_27 = arith.constant 0 : i32
    %scan3A_28 = arith.constant 25 : i32
    %scan3A_29 = arith.addi %scan3A_27, %scan3A_28 : i32
    %scan3A_30 = arith.constant 1 : i32
    %scan3A_31 = scf.for %scan3A_57 = %scan3A_27 to %scan3A_29 step %scan3A_30 iter_args(%scan3A_58 = %scan3A_26) -> (i32)  : i32 {
      %mul3A_59 = arith.constant 2 : i32
      %mul3A_60 = arith.muli %mul3A_59, %scan3A_57 : i32
      %add3A_61 = arith.constant 1 : i32
      %add3A_62 = arith.addi %mul3A_60, %add3A_61 : i32
      %mul3A_63 = arith.constant 200 : i32
      %mul3A_64 = arith.muli %add3A_62, %mul3A_63 : i32
      %dma_start3A_65 = tpu.memref_slice %arg6[%mul3A_64] : memref<10000xi32, #tpu.memory_space<vmem>> -> memref<200xi32, #tpu.memory_space<vmem>>
      %dma_start3A_66 = arith.constant 0 : i32
      %dma_start3A_67 = arith.constant 0 : i32
      %dma_start3A_68 = tpu.memref_slice %arg3[%dma_start3A_66, %dma_start3A_67] : memref<10000x48xf32, #tpu.memory_space<hbm>> -> memref<10000x48xf32, #tpu.memory_space<hbm>>
      tpu.enqueue_indirect_dma source(%dma_start3A_68 : memref<10000x48xf32, #tpu.memory_space<hbm>>) target(%arg10 : memref<200x48xf32, #tpu.memory_space<vmem>>) offsets(%dma_start3A_65 : memref<200xi32, #tpu.memory_space<vmem>>) semaphore(%arg18 : memref<!tpu.dma_semaphore, #tpu.memory_space<semaphore_mem>>)
      %mul3A_69 = arith.constant 200 : i32
      %mul3A_70 = arith.muli %add3A_62, %mul3A_69 : i32
      %dma_start3A_71 = tpu.memref_slice %arg7[%mul3A_70] : memref<10000xi32, #tpu.memory_space<vmem>> -> memref<200xi32, #tpu.memory_space<vmem>>
      %dma_start3A_72 = arith.constant 0 : i32
      %dma_start3A_73 = arith.constant 0 : i32
      %dma_start3A_74 = tpu.memref_slice %arg4[%dma_start3A_72, %dma_start3A_73] : memref<10000x16xf32, #tpu.memory_space<hbm>> -> memref<10000x16xf32, #tpu.memory_space<hbm>>
      tpu.enqueue_indirect_dma source(%dma_start3A_74 : memref<10000x16xf32, #tpu.memory_space<hbm>>) target(%arg11 : memref<200x16xf32, #tpu.memory_space<vmem>>) offsets(%dma_start3A_71 : memref<200xi32, #tpu.memory_space<vmem>>) semaphore(%arg19 : memref<!tpu.dma_semaphore, #tpu.memory_space<semaphore_mem>>)
      %mul3A_75 = arith.constant 200 : i32
      %mul3A_76 = arith.muli %mul3A_60, %mul3A_75 : i32
      %dma_wait3A_77 = tpu.memref_slice %arg6[%mul3A_76] : memref<10000xi32, #tpu.memory_space<vmem>> -> memref<200xi32, #tpu.memory_space<vmem>>
      %dma_wait3A_78 = arith.constant 0 : i32
      %dma_wait3A_79 = arith.constant 0 : i32
      %dma_wait3A_80 = tpu.memref_slice %arg3[%dma_wait3A_78, %dma_wait3A_79] : memref<10000x48xf32, #tpu.memory_space<hbm>> -> memref<10000x48xf32, #tpu.memory_space<hbm>>
      tpu.wait_indirect_dma semaphore(%arg16 : memref<!tpu.dma_semaphore, #tpu.memory_space<semaphore_mem>>) src(%dma_wait3A_80 : memref<10000x48xf32, #tpu.memory_space<hbm>>) dst(%arg8 : memref<200x48xf32, #tpu.memory_space<vmem>>)
      %mul3A_81 = arith.constant 200 : i32
      %mul3A_82 = arith.muli %mul3A_60, %mul3A_81 : i32
      %dma_wait3A_83 = tpu.memref_slice %arg7[%mul3A_82] : memref<10000xi32, #tpu.memory_space<vmem>> -> memref<200xi32, #tpu.memory_space<vmem>>
      %dma_wait3A_84 = arith.constant 0 : i32
      %dma_wait3A_85 = arith.constant 0 : i32
      %dma_wait3A_86 = tpu.memref_slice %arg4[%dma_wait3A_84, %dma_wait3A_85] : memref<10000x16xf32, #tpu.memory_space<hbm>> -> memref<10000x16xf32, #tpu.memory_space<hbm>>
      tpu.wait_indirect_dma semaphore(%arg17 : memref<!tpu.dma_semaphore, #tpu.memory_space<semaphore_mem>>) src(%dma_wait3A_86 : memref<10000x16xf32, #tpu.memory_space<hbm>>) dst(%arg9 : memref<200x16xf32, #tpu.memory_space<vmem>>)
      %gt3A = arith.constant 0 : i32
      %gt3A_87 = arith.cmpi sgt, %mul3A_60, %gt3A : i32
      %convert_element_type3A = arith.extui %gt3A_87 : i1 to i32
      %cond3A = arith.constant 0 : i32
      %cond3A_88 = arith.cmpi ne, %convert_element_type3A, %cond3A : i32
      scf.if %cond3A_88 {
        %dma_wait3A_181 = arith.constant 0 : i32
        %dma_wait3A_182 = tpu.memref_slice %arg7[%dma_wait3A_181] : memref<10000xi32, #tpu.memory_space<vmem>> -> memref<104xi32, #tpu.memory_space<vmem>>
        %dma_wait3A_183 = arith.constant 0 : i32
        %dma_wait3A_184 = arith.constant 0 : i32
        %dma_wait3A_185 = tpu.memref_slice %arg15[%dma_wait3A_183, %dma_wait3A_184] : memref<10240x48xf32, #tpu.memory_space<vmem_shared>> -> memref<10240x48xf32, #tpu.memory_space<vmem_shared>>
        tpu.wait_indirect_dma semaphore(%arg20 : memref<!tpu.dma_semaphore, #tpu.memory_space<semaphore_mem>>) src(%arg12 : memref<104x48xf32, #tpu.memory_space<vmem>>) dst(%dma_wait3A_185 : memref<10240x48xf32, #tpu.memory_space<vmem_shared>>)
      } else {
      }
      %parallel_loop3A = arith.constant 0 : i32
      %parallel_loop3A_89 = arith.constant 104 : i32
      %parallel_loop3A_90 = arith.constant 1 : i32
      scf.for %parallel_loop3A_181 = %parallel_loop3A to %parallel_loop3A_89 step %parallel_loop3A_90  : i32 {
        %parallel_loop3A_182 = arith.constant 0 : i32
        %parallel_loop3A_183 = arith.addi %parallel_loop3A_181, %parallel_loop3A_182 : i32
        %parallel_loop3A_184 = arith.index_cast %parallel_loop3A_183 : i32 to index
        %parallel_loop3A_185 = arith.constant 0 : index
        %parallel_loop3A_186 = tpu.vector_load %arg8[%parallel_loop3A_184, %parallel_loop3A_185] {strides = array<i32>} : memref<200x48xf32, #tpu.memory_space<vmem>>, vector<1x16xf32>,
        %parallel_loop3A_187 = vector.shape_cast %parallel_loop3A_186 : vector<1x16xf32> to vector<16xf32>
        %parallel_loop3A_188 = arith.index_cast %parallel_loop3A_183 : i32 to index
        %parallel_loop3A_189 = arith.constant 16 : index
        %parallel_loop3A_190 = tpu.vector_load %arg8[%parallel_loop3A_188, %parallel_loop3A_189] {strides = array<i32>} : memref<200x48xf32, #tpu.memory_space<vmem>>, vector<1x16xf32>,
        %parallel_loop3A_191 = vector.shape_cast %parallel_loop3A_190 : vector<1x16xf32> to vector<16xf32>
        %parallel_loop3A_192 = arith.index_cast %parallel_loop3A_183 : i32 to index
        %parallel_loop3A_193 = arith.constant 32 : index
        %parallel_loop3A_194 = tpu.vector_load %arg8[%parallel_loop3A_192, %parallel_loop3A_193] {strides = array<i32>} : memref<200x48xf32, #tpu.memory_space<vmem>>, vector<1x16xf32>,
        %parallel_loop3A_195 = vector.shape_cast %parallel_loop3A_194 : vector<1x16xf32> to vector<16xf32>
        %parallel_loop3A_196 = arith.index_cast %parallel_loop3A_183 : i32 to index
        %parallel_loop3A_197 = arith.constant 0 : index
        %parallel_loop3A_198 = tpu.vector_load %arg9[%parallel_loop3A_196, %parallel_loop3A_197] {strides = array<i32>} : memref<200x16xf32, #tpu.memory_space<vmem>>, vector<1x16xf32>,
        %parallel_loop3A_199 = vector.shape_cast %parallel_loop3A_198 : vector<1x16xf32> to vector<16xf32>
        %parallel_loop3A_200 = vector.extract_strided_slice %parallel_loop3A_195 {offsets = [8], sizes = [1], strides = [1]} : vector<16xf32> to vector<1xf32>
        %parallel_loop3A_201 = vector.extract %parallel_loop3A_200[0] : f32 from vector<1xf32>
        %parallel_loop3A_202 = vector.broadcast %parallel_loop3A_201 : f32 to vector<16xf32>
        %parallel_loop3A_203 = arith.addf %parallel_loop3A_202, %parallel_loop3A_199 : vector<16xf32>
        %parallel_loop3A_204 = arith.constant 0.000000e+00 : f32
        %parallel_loop3A_205 = vector.broadcast %parallel_loop3A_204 : f32 to vector<16xf32>
        %parallel_loop3A_206 = arith.cmpf oge, %parallel_loop3A_203, %parallel_loop3A_205 : vector<16xf32>
        %parallel_loop3A_207 = arith.constant 2.000000e-01 : f32
        %parallel_loop3A_208 = vector.broadcast %parallel_loop3A_207 : f32 to vector<16xf32>
        %parallel_loop3A_209 = arith.mulf %parallel_loop3A_208, %parallel_loop3A_203 : vector<16xf32>
        %parallel_loop3A_210 = arith.select %parallel_loop3A_206, %parallel_loop3A_203, %parallel_loop3A_209 : vector<16xi1>, vector<16xf32>
        %parallel_loop3A_211 = math.exp %parallel_loop3A_210 : vector<16xf32>
        %parallel_loop3A_212 = arith.mulf %parallel_loop3A_187, %parallel_loop3A_211 : vector<16xf32>
        %parallel_loop3A_213 = arith.index_cast %parallel_loop3A_181 : i32 to index
        %parallel_loop3A_214 = arith.constant 0 : index
        %parallel_loop3A_215 = tpu.vector_load %arg12[%parallel_loop3A_213, %parallel_loop3A_214] {strides = array<i32>} : memref<104x48xf32, #tpu.memory_space<vmem>>, vector<1x16xf32>,
        %parallel_loop3A_216 = vector.shape_cast %parallel_loop3A_215 : vector<1x16xf32> to vector<16xf32>
        %parallel_loop3A_217 = vector.shape_cast %parallel_loop3A_212 : vector<16xf32> to vector<1x16xf32>
        tpu.vector_store %arg12[%parallel_loop3A_213, %parallel_loop3A_214], %parallel_loop3A_217 {strides = array<i32>} : memref<104x48xf32, #tpu.memory_space<vmem>>, vector<1x16xf32>,
        %parallel_loop3A_218 = arith.mulf %parallel_loop3A_191, %parallel_loop3A_211 : vector<16xf32>
        %parallel_loop3A_219 = arith.index_cast %parallel_loop3A_181 : i32 to index
        %parallel_loop3A_220 = arith.constant 16 : index
        %parallel_loop3A_221 = tpu.vector_load %arg12[%parallel_loop3A_219, %parallel_loop3A_220] {strides = array<i32>} : memref<104x48xf32, #tpu.memory_space<vmem>>, vector<1x16xf32>,
        %parallel_loop3A_222 = vector.shape_cast %parallel_loop3A_221 : vector<1x16xf32> to vector<16xf32>
        %parallel_loop3A_223 = vector.shape_cast %parallel_loop3A_218 : vector<16xf32> to vector<1x16xf32>
        tpu.vector_store %arg12[%parallel_loop3A_219, %parallel_loop3A_220], %parallel_loop3A_223 {strides = array<i32>} : memref<104x48xf32, #tpu.memory_space<vmem>>, vector<1x16xf32>,
        %parallel_loop3A_224 = arith.constant 8 : i32
        %parallel_loop3A_225 = vector.broadcast %parallel_loop3A_224 : i32 to vector<16xi32>
        %parallel_loop3A_226 = arith.cmpi slt, %iota3A, %parallel_loop3A_225 : vector<16xi32>
        %parallel_loop3A_227 = arith.mulf %parallel_loop3A_195, %parallel_loop3A_211 : vector<16xf32>
        %parallel_loop3A_228 = arith.select %parallel_loop3A_226, %parallel_loop3A_227, %parallel_loop3A_211 : vector<16xi1>, vector<16xf32>
        %parallel_loop3A_229 = arith.index_cast %parallel_loop3A_181 : i32 to index
        %parallel_loop3A_230 = arith.constant 32 : index
        %parallel_loop3A_231 = tpu.vector_load %arg12[%parallel_loop3A_229, %parallel_loop3A_230] {strides = array<i32>} : memref<104x48xf32, #tpu.memory_space<vmem>>, vector<1x16xf32>,
        %parallel_loop3A_232 = vector.shape_cast %parallel_loop3A_231 : vector<1x16xf32> to vector<16xf32>
        %parallel_loop3A_233 = vector.shape_cast %parallel_loop3A_228 : vector<16xf32> to vector<1x16xf32>
        tpu.vector_store %arg12[%parallel_loop3A_229, %parallel_loop3A_230], %parallel_loop3A_233 {strides = array<i32>} : memref<104x48xf32, #tpu.memory_space<vmem>>, vector<1x16xf32>,
      } {sc.loop_unroll_factor = 8 : i64, sc.parallel_access}
      %mul3A_91 = arith.constant 200 : i32
      %mul3A_92 = arith.muli %mul3A_60, %mul3A_91 : i32
      %add3A_93 = arith.constant 0 : i32
      %add3A_94 = arith.addi %mul3A_92, %add3A_93 : i32
      %dma_start3A_95 = tpu.memref_slice %arg7[%add3A_94] : memref<10000xi32, #tpu.memory_space<vmem>> -> memref<104xi32, #tpu.memory_space<vmem>>
      %dma_start3A_96 = arith.constant 0 : i32
      %dma_start3A_97 = arith.constant 0 : i32
      %dma_start3A_98 = tpu.memref_slice %arg15[%dma_start3A_96, %dma_start3A_97] : memref<10240x48xf32, #tpu.memory_space<vmem_shared>> -> memref<10240x48xf32, #tpu.memory_space<vmem_shared>>
      tpu.enqueue_indirect_dma source(%arg12 : memref<104x48xf32, #tpu.memory_space<vmem>>) target(%dma_start3A_98 : memref<10240x48xf32, #tpu.memory_space<vmem_shared>>) offsets(%dma_start3A_95 : memref<104xi32, #tpu.memory_space<vmem>>) semaphore(%arg20 : memref<!tpu.dma_semaphore, #tpu.memory_space<semaphore_mem>>) {add = true}
      %gt3A_99 = arith.constant 0 : i32
      %gt3A_100 = arith.cmpi sgt, %mul3A_60, %gt3A_99 : i32
      %convert_element_type3A_101 = arith.extui %gt3A_100 : i1 to i32
      %cond3A_102 = arith.constant 0 : i32
      %cond3A_103 = arith.cmpi ne, %convert_element_type3A_101, %cond3A_102 : i32
      scf.if %cond3A_103 {
        %dma_wait3A_181 = arith.constant 0 : i32
        %dma_wait3A_182 = tpu.memref_slice %arg7[%dma_wait3A_181] : memref<10000xi32, #tpu.memory_space<vmem>> -> memref<96xi32, #tpu.memory_space<vmem>>
        %dma_wait3A_183 = arith.constant 0 : i32
        %dma_wait3A_184 = arith.constant 0 : i32
        %dma_wait3A_185 = tpu.memref_slice %arg15[%dma_wait3A_183, %dma_wait3A_184] : memref<10240x48xf32, #tpu.memory_space<vmem_shared>> -> memref<10240x48xf32, #tpu.memory_space<vmem_shared>>
        tpu.wait_indirect_dma semaphore(%arg21 : memref<!tpu.dma_semaphore, #tpu.memory_space<semaphore_mem>>) src(%arg13 : memref<96x48xf32, #tpu.memory_space<vmem>>) dst(%dma_wait3A_185 : memref<10240x48xf32, #tpu.memory_space<vmem_shared>>)
      } else {
      }
      %parallel_loop3A_104 = arith.constant 0 : i32
      %parallel_loop3A_105 = arith.constant 96 : i32
      %parallel_loop3A_106 = arith.constant 1 : i32
      scf.for %parallel_loop3A_181 = %parallel_loop3A_104 to %parallel_loop3A_105 step %parallel_loop3A_106  : i32 {
        %parallel_loop3A_182 = arith.constant 104 : i32
        %parallel_loop3A_183 = arith.addi %parallel_loop3A_181, %parallel_loop3A_182 : i32
        %parallel_loop3A_184 = arith.index_cast %parallel_loop3A_183 : i32 to index
        %parallel_loop3A_185 = arith.constant 0 : index
        %parallel_loop3A_186 = tpu.vector_load %arg8[%parallel_loop3A_184, %parallel_loop3A_185] {strides = array<i32>} : memref<200x48xf32, #tpu.memory_space<vmem>>, vector<1x16xf32>,
        %parallel_loop3A_187 = vector.shape_cast %parallel_loop3A_186 : vector<1x16xf32> to vector<16xf32>
        %parallel_loop3A_188 = arith.index_cast %parallel_loop3A_183 : i32 to index
        %parallel_loop3A_189 = arith.constant 16 : index
        %parallel_loop3A_190 = tpu.vector_load %arg8[%parallel_loop3A_188, %parallel_loop3A_189] {strides = array<i32>} : memref<200x48xf32, #tpu.memory_space<vmem>>, vector<1x16xf32>,
        %parallel_loop3A_191 = vector.shape_cast %parallel_loop3A_190 : vector<1x16xf32> to vector<16xf32>
        %parallel_loop3A_192 = arith.index_cast %parallel_loop3A_183 : i32 to index
        %parallel_loop3A_193 = arith.constant 32 : index
        %parallel_loop3A_194 = tpu.vector_load %arg8[%parallel_loop3A_192, %parallel_loop3A_193] {strides = array<i32>} : memref<200x48xf32, #tpu.memory_space<vmem>>, vector<1x16xf32>,
        %parallel_loop3A_195 = vector.shape_cast %parallel_loop3A_194 : vector<1x16xf32> to vector<16xf32>
        %parallel_loop3A_196 = arith.index_cast %parallel_loop3A_183 : i32 to index
        %parallel_loop3A_197 = arith.constant 0 : index
        %parallel_loop3A_198 = tpu.vector_load %arg9[%parallel_loop3A_196, %parallel_loop3A_197] {strides = array<i32>} : memref<200x16xf32, #tpu.memory_space<vmem>>, vector<1x16xf32>,
        %parallel_loop3A_199 = vector.shape_cast %parallel_loop3A_198 : vector<1x16xf32> to vector<16xf32>
        %parallel_loop3A_200 = vector.extract_strided_slice %parallel_loop3A_195 {offsets = [8], sizes = [1], strides = [1]} : vector<16xf32> to vector<1xf32>
        %parallel_loop3A_201 = vector.extract %parallel_loop3A_200[0] : f32 from vector<1xf32>
        %parallel_loop3A_202 = vector.broadcast %parallel_loop3A_201 : f32 to vector<16xf32>
        %parallel_loop3A_203 = arith.addf %parallel_loop3A_202, %parallel_loop3A_199 : vector<16xf32>
        %parallel_loop3A_204 = arith.constant 0.000000e+00 : f32
        %parallel_loop3A_205 = vector.broadcast %parallel_loop3A_204 : f32 to vector<16xf32>
        %parallel_loop3A_206 = arith.cmpf oge, %parallel_loop3A_203, %parallel_loop3A_205 : vector<16xf32>
        %parallel_loop3A_207 = arith.constant 2.000000e-01 : f32
        %parallel_loop3A_208 = vector.broadcast %parallel_loop3A_207 : f32 to vector<16xf32>
        %parallel_loop3A_209 = arith.mulf %parallel_loop3A_208, %parallel_loop3A_203 : vector<16xf32>
        %parallel_loop3A_210 = arith.select %parallel_loop3A_206, %parallel_loop3A_203, %parallel_loop3A_209 : vector<16xi1>, vector<16xf32>
        %parallel_loop3A_211 = math.exp %parallel_loop3A_210 : vector<16xf32>
        %parallel_loop3A_212 = arith.mulf %parallel_loop3A_187, %parallel_loop3A_211 : vector<16xf32>
        %parallel_loop3A_213 = arith.index_cast %parallel_loop3A_181 : i32 to index
        %parallel_loop3A_214 = arith.constant 0 : index
        %parallel_loop3A_215 = tpu.vector_load %arg13[%parallel_loop3A_213, %parallel_loop3A_214] {strides = array<i32>} : memref<96x48xf32, #tpu.memory_space<vmem>>, vector<1x16xf32>,
        %parallel_loop3A_216 = vector.shape_cast %parallel_loop3A_215 : vector<1x16xf32> to vector<16xf32>
        %parallel_loop3A_217 = vector.shape_cast %parallel_loop3A_212 : vector<16xf32> to vector<1x16xf32>
        tpu.vector_store %arg13[%parallel_loop3A_213, %parallel_loop3A_214], %parallel_loop3A_217 {strides = array<i32>} : memref<96x48xf32, #tpu.memory_space<vmem>>, vector<1x16xf32>,
        %parallel_loop3A_218 = arith.mulf %parallel_loop3A_191, %parallel_loop3A_211 : vector<16xf32>
        %parallel_loop3A_219 = arith.index_cast %parallel_loop3A_181 : i32 to index
        %parallel_loop3A_220 = arith.constant 16 : index
        %parallel_loop3A_221 = tpu.vector_load %arg13[%parallel_loop3A_219, %parallel_loop3A_220] {strides = array<i32>} : memref<96x48xf32, #tpu.memory_space<vmem>>, vector<1x16xf32>,
        %parallel_loop3A_222 = vector.shape_cast %parallel_loop3A_221 : vector<1x16xf32> to vector<16xf32>
        %parallel_loop3A_223 = vector.shape_cast %parallel_loop3A_218 : vector<16xf32> to vector<1x16xf32>
        tpu.vector_store %arg13[%parallel_loop3A_219, %parallel_loop3A_220], %parallel_loop3A_223 {strides = array<i32>} : memref<96x48xf32, #tpu.memory_space<vmem>>, vector<1x16xf32>,
        %parallel_loop3A_224 = arith.constant 8 : i32
        %parallel_loop3A_225 = vector.broadcast %parallel_loop3A_224 : i32 to vector<16xi32>
        %parallel_loop3A_226 = arith.cmpi slt, %iota3A, %parallel_loop3A_225 : vector<16xi32>
        %parallel_loop3A_227 = arith.mulf %parallel_loop3A_195, %parallel_loop3A_211 : vector<16xf32>
        %parallel_loop3A_228 = arith.select %parallel_loop3A_226, %parallel_loop3A_227, %parallel_loop3A_211 : vector<16xi1>, vector<16xf32>
        %parallel_loop3A_229 = arith.index_cast %parallel_loop3A_181 : i32 to index
        %parallel_loop3A_230 = arith.constant 32 : index
        %parallel_loop3A_231 = tpu.vector_load %arg13[%parallel_loop3A_229, %parallel_loop3A_230] {strides = array<i32>} : memref<96x48xf32, #tpu.memory_space<vmem>>, vector<1x16xf32>,
        %parallel_loop3A_232 = vector.shape_cast %parallel_loop3A_231 : vector<1x16xf32> to vector<16xf32>
        %parallel_loop3A_233 = vector.shape_cast %parallel_loop3A_228 : vector<16xf32> to vector<1x16xf32>
        tpu.vector_store %arg13[%parallel_loop3A_229, %parallel_loop3A_230], %parallel_loop3A_233 {strides = array<i32>} : memref<96x48xf32, #tpu.memory_space<vmem>>, vector<1x16xf32>,
      } {sc.loop_unroll_factor = 8 : i64, sc.parallel_access}
      %mul3A_107 = arith.constant 200 : i32
      %mul3A_108 = arith.muli %mul3A_60, %mul3A_107 : i32
      %add3A_109 = arith.constant 104 : i32
      %add3A_110 = arith.addi %mul3A_108, %add3A_109 : i32
      %dma_start3A_111 = tpu.memref_slice %arg7[%add3A_110] : memref<10000xi32, #tpu.memory_space<vmem>> -> memref<96xi32, #tpu.memory_space<vmem>>
      %dma_start3A_112 = arith.constant 0 : i32
      %dma_start3A_113 = arith.constant 0 : i32
      %dma_start3A_114 = tpu.memref_slice %arg15[%dma_start3A_112, %dma_start3A_113] : memref<10240x48xf32, #tpu.memory_space<vmem_shared>> -> memref<10240x48xf32, #tpu.memory_space<vmem_shared>>
      tpu.enqueue_indirect_dma source(%arg13 : memref<96x48xf32, #tpu.memory_space<vmem>>) target(%dma_start3A_114 : memref<10240x48xf32, #tpu.memory_space<vmem_shared>>) offsets(%dma_start3A_111 : memref<96xi32, #tpu.memory_space<vmem>>) semaphore(%arg21 : memref<!tpu.dma_semaphore, #tpu.memory_space<semaphore_mem>>) {add = true}
      %add3A_115 = arith.constant 2 : i32
      %add3A_116 = arith.addi %mul3A_60, %add3A_115 : i32
      %lt3A = arith.constant 50 : i32
      %lt3A_117 = arith.cmpi slt, %add3A_116, %lt3A : i32
      %add3A_118 = arith.constant 2 : i32
      %add3A_119 = arith.addi %mul3A_60, %add3A_118 : i32
      %jit3A = arith.constant 0 : i32
      %select_n3A = arith.select %lt3A_117, %add3A_119, %jit3A : i32
      %mul3A_120 = arith.constant 200 : i32
      %mul3A_121 = arith.muli %select_n3A, %mul3A_120 : i32
      %dma_start3A_122 = tpu.memref_slice %arg6[%mul3A_121] : memref<10000xi32, #tpu.memory_space<vmem>> -> memref<200xi32, #tpu.memory_space<vmem>>
      %dma_start3A_123 = arith.constant 0 : i32
      %dma_start3A_124 = arith.constant 0 : i32
      %dma_start3A_125 = tpu.memref_slice %arg3[%dma_start3A_123, %dma_start3A_124] : memref<10000x48xf32, #tpu.memory_space<hbm>> -> memref<10000x48xf32, #tpu.memory_space<hbm>>
      tpu.enqueue_indirect_dma source(%dma_start3A_125 : memref<10000x48xf32, #tpu.memory_space<hbm>>) target(%arg8 : memref<200x48xf32, #tpu.memory_space<vmem>>) offsets(%dma_start3A_122 : memref<200xi32, #tpu.memory_space<vmem>>) semaphore(%arg16 : memref<!tpu.dma_semaphore, #tpu.memory_space<semaphore_mem>>)
      %mul3A_126 = arith.constant 200 : i32
      %mul3A_127 = arith.muli %select_n3A, %mul3A_126 : i32
      %dma_start3A_128 = tpu.memref_slice %arg7[%mul3A_127] : memref<10000xi32, #tpu.memory_space<vmem>> -> memref<200xi32, #tpu.memory_space<vmem>>
      %dma_start3A_129 = arith.constant 0 : i32
      %dma_start3A_130 = arith.constant 0 : i32
      %dma_start3A_131 = tpu.memref_slice %arg4[%dma_start3A_129, %dma_start3A_130] : memref<10000x16xf32, #tpu.memory_space<hbm>> -> memref<10000x16xf32, #tpu.memory_space<hbm>>
      tpu.enqueue_indirect_dma source(%dma_start3A_131 : memref<10000x16xf32, #tpu.memory_space<hbm>>) target(%arg9 : memref<200x16xf32, #tpu.memory_space<vmem>>) offsets(%dma_start3A_128 : memref<200xi32, #tpu.memory_space<vmem>>) semaphore(%arg17 : memref<!tpu.dma_semaphore, #tpu.memory_space<semaphore_mem>>)
      %add3A_132 = arith.constant 1 : i32
      %add3A_133 = arith.addi %mul3A_60, %add3A_132 : i32
      %mul3A_134 = arith.constant 200 : i32
      %mul3A_135 = arith.muli %add3A_133, %mul3A_134 : i32
      %dma_wait3A_136 = tpu.memref_slice %arg6[%mul3A_135] : memref<10000xi32, #tpu.memory_space<vmem>> -> memref<200xi32, #tpu.memory_space<vmem>>
      %dma_wait3A_137 = arith.constant 0 : i32
      %dma_wait3A_138 = arith.constant 0 : i32
      %dma_wait3A_139 = tpu.memref_slice %arg3[%dma_wait3A_137, %dma_wait3A_138] : memref<10000x48xf32, #tpu.memory_space<hbm>> -> memref<10000x48xf32, #tpu.memory_space<hbm>>
      tpu.wait_indirect_dma semaphore(%arg18 : memref<!tpu.dma_semaphore, #tpu.memory_space<semaphore_mem>>) src(%dma_wait3A_139 : memref<10000x48xf32, #tpu.memory_space<hbm>>) dst(%arg10 : memref<200x48xf32, #tpu.memory_space<vmem>>)
      %mul3A_140 = arith.constant 200 : i32
      %mul3A_141 = arith.muli %add3A_133, %mul3A_140 : i32
      %dma_wait3A_142 = tpu.memref_slice %arg7[%mul3A_141] : memref<10000xi32, #tpu.memory_space<vmem>> -> memref<200xi32, #tpu.memory_space<vmem>>
      %dma_wait3A_143 = arith.constant 0 : i32
      %dma_wait3A_144 = arith.constant 0 : i32
      %dma_wait3A_145 = tpu.memref_slice %arg4[%dma_wait3A_143, %dma_wait3A_144] : memref<10000x16xf32, #tpu.memory_space<hbm>> -> memref<10000x16xf32, #tpu.memory_space<hbm>>
      tpu.wait_indirect_dma semaphore(%arg19 : memref<!tpu.dma_semaphore, #tpu.memory_space<semaphore_mem>>) src(%dma_wait3A_145 : memref<10000x16xf32, #tpu.memory_space<hbm>>) dst(%arg11 : memref<200x16xf32, #tpu.memory_space<vmem>>)
      %add3A_146 = arith.constant 1 : i32
      %add3A_147 = arith.addi %mul3A_60, %add3A_146 : i32
      %dma_wait3A_148 = arith.constant 0 : i32
      %dma_wait3A_149 = tpu.memref_slice %arg7[%dma_wait3A_148] : memref<10000xi32, #tpu.memory_space<vmem>> -> memref<104xi32, #tpu.memory_space<vmem>>
      %dma_wait3A_150 = arith.constant 0 : i32
      %dma_wait3A_151 = arith.constant 0 : i32
      %dma_wait3A_152 = tpu.memref_slice %arg15[%dma_wait3A_150, %dma_wait3A_151] : memref<10240x48xf32, #tpu.memory_space<vmem_shared>> -> memref<10240x48xf32, #tpu.memory_space<vmem_shared>>
      tpu.wait_indirect_dma semaphore(%arg20 : memref<!tpu.dma_semaphore, #tpu.memory_space<semaphore_mem>>) src(%arg12 : memref<104x48xf32, #tpu.memory_space<vmem>>) dst(%dma_wait3A_152 : memref<10240x48xf32, #tpu.memory_space<vmem_shared>>)
      %parallel_loop3A_153 = arith.constant 0 : i32
      %parallel_loop3A_154 = arith.constant 104 : i32
      %parallel_loop3A_155 = arith.constant 1 : i32
      scf.for %parallel_loop3A_181 = %parallel_loop3A_153 to %parallel_loop3A_154 step %parallel_loop3A_155  : i32 {
        %parallel_loop3A_182 = arith.constant 0 : i32
        %parallel_loop3A_183 = arith.addi %parallel_loop3A_181, %parallel_loop3A_182 : i32
        %parallel_loop3A_184 = arith.index_cast %parallel_loop3A_183 : i32 to index
        %parallel_loop3A_185 = arith.constant 0 : index
        %parallel_loop3A_186 = tpu.vector_load %arg10[%parallel_loop3A_184, %parallel_loop3A_185] {strides = array<i32>} : memref<200x48xf32, #tpu.memory_space<vmem>>, vector<1x16xf32>,
        %parallel_loop3A_187 = vector.shape_cast %parallel_loop3A_186 : vector<1x16xf32> to vector<16xf32>
        %parallel_loop3A_188 = arith.index_cast %parallel_loop3A_183 : i32 to index
        %parallel_loop3A_189 = arith.constant 16 : index
        %parallel_loop3A_190 = tpu.vector_load %arg10[%parallel_loop3A_188, %parallel_loop3A_189] {strides = array<i32>} : memref<200x48xf32, #tpu.memory_space<vmem>>, vector<1x16xf32>,
        %parallel_loop3A_191 = vector.shape_cast %parallel_loop3A_190 : vector<1x16xf32> to vector<16xf32>
        %parallel_loop3A_192 = arith.index_cast %parallel_loop3A_183 : i32 to index
        %parallel_loop3A_193 = arith.constant 32 : index
        %parallel_loop3A_194 = tpu.vector_load %arg10[%parallel_loop3A_192, %parallel_loop3A_193] {strides = array<i32>} : memref<200x48xf32, #tpu.memory_space<vmem>>, vector<1x16xf32>,
        %parallel_loop3A_195 = vector.shape_cast %parallel_loop3A_194 : vector<1x16xf32> to vector<16xf32>
        %parallel_loop3A_196 = arith.index_cast %parallel_loop3A_183 : i32 to index
        %parallel_loop3A_197 = arith.constant 0 : index
        %parallel_loop3A_198 = tpu.vector_load %arg11[%parallel_loop3A_196, %parallel_loop3A_197] {strides = array<i32>} : memref<200x16xf32, #tpu.memory_space<vmem>>, vector<1x16xf32>,
        %parallel_loop3A_199 = vector.shape_cast %parallel_loop3A_198 : vector<1x16xf32> to vector<16xf32>
        %parallel_loop3A_200 = vector.extract_strided_slice %parallel_loop3A_195 {offsets = [8], sizes = [1], strides = [1]} : vector<16xf32> to vector<1xf32>
        %parallel_loop3A_201 = vector.extract %parallel_loop3A_200[0] : f32 from vector<1xf32>
        %parallel_loop3A_202 = vector.broadcast %parallel_loop3A_201 : f32 to vector<16xf32>
        %parallel_loop3A_203 = arith.addf %parallel_loop3A_202, %parallel_loop3A_199 : vector<16xf32>
        %parallel_loop3A_204 = arith.constant 0.000000e+00 : f32
        %parallel_loop3A_205 = vector.broadcast %parallel_loop3A_204 : f32 to vector<16xf32>
        %parallel_loop3A_206 = arith.cmpf oge, %parallel_loop3A_203, %parallel_loop3A_205 : vector<16xf32>
        %parallel_loop3A_207 = arith.constant 2.000000e-01 : f32
        %parallel_loop3A_208 = vector.broadcast %parallel_loop3A_207 : f32 to vector<16xf32>
        %parallel_loop3A_209 = arith.mulf %parallel_loop3A_208, %parallel_loop3A_203 : vector<16xf32>
        %parallel_loop3A_210 = arith.select %parallel_loop3A_206, %parallel_loop3A_203, %parallel_loop3A_209 : vector<16xi1>, vector<16xf32>
        %parallel_loop3A_211 = math.exp %parallel_loop3A_210 : vector<16xf32>
        %parallel_loop3A_212 = arith.mulf %parallel_loop3A_187, %parallel_loop3A_211 : vector<16xf32>
        %parallel_loop3A_213 = arith.index_cast %parallel_loop3A_181 : i32 to index
        %parallel_loop3A_214 = arith.constant 0 : index
        %parallel_loop3A_215 = tpu.vector_load %arg12[%parallel_loop3A_213, %parallel_loop3A_214] {strides = array<i32>} : memref<104x48xf32, #tpu.memory_space<vmem>>, vector<1x16xf32>,
        %parallel_loop3A_216 = vector.shape_cast %parallel_loop3A_215 : vector<1x16xf32> to vector<16xf32>
        %parallel_loop3A_217 = vector.shape_cast %parallel_loop3A_212 : vector<16xf32> to vector<1x16xf32>
        tpu.vector_store %arg12[%parallel_loop3A_213, %parallel_loop3A_214], %parallel_loop3A_217 {strides = array<i32>} : memref<104x48xf32, #tpu.memory_space<vmem>>, vector<1x16xf32>,
        %parallel_loop3A_218 = arith.mulf %parallel_loop3A_191, %parallel_loop3A_211 : vector<16xf32>
        %parallel_loop3A_219 = arith.index_cast %parallel_loop3A_181 : i32 to index
        %parallel_loop3A_220 = arith.constant 16 : index
        %parallel_loop3A_221 = tpu.vector_load %arg12[%parallel_loop3A_219, %parallel_loop3A_220] {strides = array<i32>} : memref<104x48xf32, #tpu.memory_space<vmem>>, vector<1x16xf32>,
        %parallel_loop3A_222 = vector.shape_cast %parallel_loop3A_221 : vector<1x16xf32> to vector<16xf32>
        %parallel_loop3A_223 = vector.shape_cast %parallel_loop3A_218 : vector<16xf32> to vector<1x16xf32>
        tpu.vector_store %arg12[%parallel_loop3A_219, %parallel_loop3A_220], %parallel_loop3A_223 {strides = array<i32>} : memref<104x48xf32, #tpu.memory_space<vmem>>, vector<1x16xf32>,
        %parallel_loop3A_224 = arith.constant 8 : i32
        %parallel_loop3A_225 = vector.broadcast %parallel_loop3A_224 : i32 to vector<16xi32>
        %parallel_loop3A_226 = arith.cmpi slt, %iota3A, %parallel_loop3A_225 : vector<16xi32>
        %parallel_loop3A_227 = arith.mulf %parallel_loop3A_195, %parallel_loop3A_211 : vector<16xf32>
        %parallel_loop3A_228 = arith.select %parallel_loop3A_226, %parallel_loop3A_227, %parallel_loop3A_211 : vector<16xi1>, vector<16xf32>
        %parallel_loop3A_229 = arith.index_cast %parallel_loop3A_181 : i32 to index
        %parallel_loop3A_230 = arith.constant 32 : index
        %parallel_loop3A_231 = tpu.vector_load %arg12[%parallel_loop3A_229, %parallel_loop3A_230] {strides = array<i32>} : memref<104x48xf32, #tpu.memory_space<vmem>>, vector<1x16xf32>,
        %parallel_loop3A_232 = vector.shape_cast %parallel_loop3A_231 : vector<1x16xf32> to vector<16xf32>
        %parallel_loop3A_233 = vector.shape_cast %parallel_loop3A_228 : vector<16xf32> to vector<1x16xf32>
        tpu.vector_store %arg12[%parallel_loop3A_229, %parallel_loop3A_230], %parallel_loop3A_233 {strides = array<i32>} : memref<104x48xf32, #tpu.memory_space<vmem>>, vector<1x16xf32>,
      } {sc.loop_unroll_factor = 8 : i64, sc.parallel_access}
      %mul3A_156 = arith.constant 200 : i32
      %mul3A_157 = arith.muli %add3A_147, %mul3A_156 : i32
      %add3A_158 = arith.constant 0 : i32
      %add3A_159 = arith.addi %mul3A_157, %add3A_158 : i32
      %dma_start3A_160 = tpu.memref_slice %arg7[%add3A_159] : memref<10000xi32, #tpu.memory_space<vmem>> -> memref<104xi32, #tpu.memory_space<vmem>>
      %dma_start3A_161 = arith.constant 0 : i32
      %dma_start3A_162 = arith.constant 0 : i32
      %dma_start3A_163 = tpu.memref_slice %arg15[%dma_start3A_161, %dma_start3A_162] : memref<10240x48xf32, #tpu.memory_space<vmem_shared>> -> memref<10240x48xf32, #tpu.memory_space<vmem_shared>>
      tpu.enqueue_indirect_dma source(%arg12 : memref<104x48xf32, #tpu.memory_space<vmem>>) target(%dma_start3A_163 : memref<10240x48xf32, #tpu.memory_space<vmem_shared>>) offsets(%dma_start3A_160 : memref<104xi32, #tpu.memory_space<vmem>>) semaphore(%arg20 : memref<!tpu.dma_semaphore, #tpu.memory_space<semaphore_mem>>) {add = true}
      %dma_wait3A_164 = arith.constant 0 : i32
      %dma_wait3A_165 = tpu.memref_slice %arg7[%dma_wait3A_164] : memref<10000xi32, #tpu.memory_space<vmem>> -> memref<96xi32, #tpu.memory_space<vmem>>
      %dma_wait3A_166 = arith.constant 0 : i32
      %dma_wait3A_167 = arith.constant 0 : i32
      %dma_wait3A_168 = tpu.memref_slice %arg15[%dma_wait3A_166, %dma_wait3A_167] : memref<10240x48xf32, #tpu.memory_space<vmem_shared>> -> memref<10240x48xf32, #tpu.memory_space<vmem_shared>>
      tpu.wait_indirect_dma semaphore(%arg21 : memref<!tpu.dma_semaphore, #tpu.memory_space<semaphore_mem>>) src(%arg13 : memref<96x48xf32, #tpu.memory_space<vmem>>) dst(%dma_wait3A_168 : memref<10240x48xf32, #tpu.memory_space<vmem_shared>>)
      %parallel_loop3A_169 = arith.constant 0 : i32
      %parallel_loop3A_170 = arith.constant 96 : i32
      %parallel_loop3A_171 = arith.constant 1 : i32
      scf.for %parallel_loop3A_181 = %parallel_loop3A_169 to %parallel_loop3A_170 step %parallel_loop3A_171  : i32 {
        %parallel_loop3A_182 = arith.constant 104 : i32
        %parallel_loop3A_183 = arith.addi %parallel_loop3A_181, %parallel_loop3A_182 : i32
        %parallel_loop3A_184 = arith.index_cast %parallel_loop3A_183 : i32 to index
        %parallel_loop3A_185 = arith.constant 0 : index
        %parallel_loop3A_186 = tpu.vector_load %arg10[%parallel_loop3A_184, %parallel_loop3A_185] {strides = array<i32>} : memref<200x48xf32, #tpu.memory_space<vmem>>, vector<1x16xf32>,
        %parallel_loop3A_187 = vector.shape_cast %parallel_loop3A_186 : vector<1x16xf32> to vector<16xf32>
        %parallel_loop3A_188 = arith.index_cast %parallel_loop3A_183 : i32 to index
        %parallel_loop3A_189 = arith.constant 16 : index
        %parallel_loop3A_190 = tpu.vector_load %arg10[%parallel_loop3A_188, %parallel_loop3A_189] {strides = array<i32>} : memref<200x48xf32, #tpu.memory_space<vmem>>, vector<1x16xf32>,
        %parallel_loop3A_191 = vector.shape_cast %parallel_loop3A_190 : vector<1x16xf32> to vector<16xf32>
        %parallel_loop3A_192 = arith.index_cast %parallel_loop3A_183 : i32 to index
        %parallel_loop3A_193 = arith.constant 32 : index
        %parallel_loop3A_194 = tpu.vector_load %arg10[%parallel_loop3A_192, %parallel_loop3A_193] {strides = array<i32>} : memref<200x48xf32, #tpu.memory_space<vmem>>, vector<1x16xf32>,
        %parallel_loop3A_195 = vector.shape_cast %parallel_loop3A_194 : vector<1x16xf32> to vector<16xf32>
        %parallel_loop3A_196 = arith.index_cast %parallel_loop3A_183 : i32 to index
        %parallel_loop3A_197 = arith.constant 0 : index
        %parallel_loop3A_198 = tpu.vector_load %arg11[%parallel_loop3A_196, %parallel_loop3A_197] {strides = array<i32>} : memref<200x16xf32, #tpu.memory_space<vmem>>, vector<1x16xf32>,
        %parallel_loop3A_199 = vector.shape_cast %parallel_loop3A_198 : vector<1x16xf32> to vector<16xf32>
        %parallel_loop3A_200 = vector.extract_strided_slice %parallel_loop3A_195 {offsets = [8], sizes = [1], strides = [1]} : vector<16xf32> to vector<1xf32>
        %parallel_loop3A_201 = vector.extract %parallel_loop3A_200[0] : f32 from vector<1xf32>
        %parallel_loop3A_202 = vector.broadcast %parallel_loop3A_201 : f32 to vector<16xf32>
        %parallel_loop3A_203 = arith.addf %parallel_loop3A_202, %parallel_loop3A_199 : vector<16xf32>
        %parallel_loop3A_204 = arith.constant 0.000000e+00 : f32
        %parallel_loop3A_205 = vector.broadcast %parallel_loop3A_204 : f32 to vector<16xf32>
        %parallel_loop3A_206 = arith.cmpf oge, %parallel_loop3A_203, %parallel_loop3A_205 : vector<16xf32>
        %parallel_loop3A_207 = arith.constant 2.000000e-01 : f32
        %parallel_loop3A_208 = vector.broadcast %parallel_loop3A_207 : f32 to vector<16xf32>
        %parallel_loop3A_209 = arith.mulf %parallel_loop3A_208, %parallel_loop3A_203 : vector<16xf32>
        %parallel_loop3A_210 = arith.select %parallel_loop3A_206, %parallel_loop3A_203, %parallel_loop3A_209 : vector<16xi1>, vector<16xf32>
        %parallel_loop3A_211 = math.exp %parallel_loop3A_210 : vector<16xf32>
        %parallel_loop3A_212 = arith.mulf %parallel_loop3A_187, %parallel_loop3A_211 : vector<16xf32>
        %parallel_loop3A_213 = arith.index_cast %parallel_loop3A_181 : i32 to index
        %parallel_loop3A_214 = arith.constant 0 : index
        %parallel_loop3A_215 = tpu.vector_load %arg13[%parallel_loop3A_213, %parallel_loop3A_214] {strides = array<i32>} : memref<96x48xf32, #tpu.memory_space<vmem>>, vector<1x16xf32>,
        %parallel_loop3A_216 = vector.shape_cast %parallel_loop3A_215 : vector<1x16xf32> to vector<16xf32>
        %parallel_loop3A_217 = vector.shape_cast %parallel_loop3A_212 : vector<16xf32> to vector<1x16xf32>
        tpu.vector_store %arg13[%parallel_loop3A_213, %parallel_loop3A_214], %parallel_loop3A_217 {strides = array<i32>} : memref<96x48xf32, #tpu.memory_space<vmem>>, vector<1x16xf32>,
        %parallel_loop3A_218 = arith.mulf %parallel_loop3A_191, %parallel_loop3A_211 : vector<16xf32>
        %parallel_loop3A_219 = arith.index_cast %parallel_loop3A_181 : i32 to index
        %parallel_loop3A_220 = arith.constant 16 : index
        %parallel_loop3A_221 = tpu.vector_load %arg13[%parallel_loop3A_219, %parallel_loop3A_220] {strides = array<i32>} : memref<96x48xf32, #tpu.memory_space<vmem>>, vector<1x16xf32>,
        %parallel_loop3A_222 = vector.shape_cast %parallel_loop3A_221 : vector<1x16xf32> to vector<16xf32>
        %parallel_loop3A_223 = vector.shape_cast %parallel_loop3A_218 : vector<16xf32> to vector<1x16xf32>
        tpu.vector_store %arg13[%parallel_loop3A_219, %parallel_loop3A_220], %parallel_loop3A_223 {strides = array<i32>} : memref<96x48xf32, #tpu.memory_space<vmem>>, vector<1x16xf32>,
        %parallel_loop3A_224 = arith.constant 8 : i32
        %parallel_loop3A_225 = vector.broadcast %parallel_loop3A_224 : i32 to vector<16xi32>
        %parallel_loop3A_226 = arith.cmpi slt, %iota3A, %parallel_loop3A_225 : vector<16xi32>
        %parallel_loop3A_227 = arith.mulf %parallel_loop3A_195, %parallel_loop3A_211 : vector<16xf32>
        %parallel_loop3A_228 = arith.select %parallel_loop3A_226, %parallel_loop3A_227, %parallel_loop3A_211 : vector<16xi1>, vector<16xf32>
        %parallel_loop3A_229 = arith.index_cast %parallel_loop3A_181 : i32 to index
        %parallel_loop3A_230 = arith.constant 32 : index
        %parallel_loop3A_231 = tpu.vector_load %arg13[%parallel_loop3A_229, %parallel_loop3A_230] {strides = array<i32>} : memref<96x48xf32, #tpu.memory_space<vmem>>, vector<1x16xf32>,
        %parallel_loop3A_232 = vector.shape_cast %parallel_loop3A_231 : vector<1x16xf32> to vector<16xf32>
        %parallel_loop3A_233 = vector.shape_cast %parallel_loop3A_228 : vector<16xf32> to vector<1x16xf32>
        tpu.vector_store %arg13[%parallel_loop3A_229, %parallel_loop3A_230], %parallel_loop3A_233 {strides = array<i32>} : memref<96x48xf32, #tpu.memory_space<vmem>>, vector<1x16xf32>,
      } {sc.loop_unroll_factor = 8 : i64, sc.parallel_access}
      %mul3A_172 = arith.constant 200 : i32
      %mul3A_173 = arith.muli %add3A_147, %mul3A_172 : i32
      %add3A_174 = arith.constant 104 : i32
      %add3A_175 = arith.addi %mul3A_173, %add3A_174 : i32
      %dma_start3A_176 = tpu.memref_slice %arg7[%add3A_175] : memref<10000xi32, #tpu.memory_space<vmem>> -> memref<96xi32, #tpu.memory_space<vmem>>
      %dma_start3A_177 = arith.constant 0 : i32
      %dma_start3A_178 = arith.constant 0 : i32
      %dma_start3A_179 = tpu.memref_slice %arg15[%dma_start3A_177, %dma_start3A_178] : memref<10240x48xf32, #tpu.memory_space<vmem_shared>> -> memref<10240x48xf32, #tpu.memory_space<vmem_shared>>
      tpu.enqueue_indirect_dma source(%arg13 : memref<96x48xf32, #tpu.memory_space<vmem>>) target(%dma_start3A_179 : memref<10240x48xf32, #tpu.memory_space<vmem_shared>>) offsets(%dma_start3A_176 : memref<96xi32, #tpu.memory_space<vmem>>) semaphore(%arg21 : memref<!tpu.dma_semaphore, #tpu.memory_space<semaphore_mem>>) {add = true}
      %scan3A_180 = arith.constant 0 : i32
      scf.yield %scan3A_180 : i32
    }
    %scan3A_32 = arith.constant 25 : i32
    %dma_wait3A = arith.constant 0 : i32
    %dma_wait3A_33 = tpu.memref_slice %arg6[%dma_wait3A] : memref<10000xi32, #tpu.memory_space<vmem>> -> memref<200xi32, #tpu.memory_space<vmem>>
    %dma_wait3A_34 = arith.constant 0 : i32
    %dma_wait3A_35 = arith.constant 0 : i32
    %dma_wait3A_36 = tpu.memref_slice %arg3[%dma_wait3A_34, %dma_wait3A_35] : memref<10000x48xf32, #tpu.memory_space<hbm>> -> memref<10000x48xf32, #tpu.memory_space<hbm>>
    tpu.wait_indirect_dma semaphore(%arg16 : memref<!tpu.dma_semaphore, #tpu.memory_space<semaphore_mem>>) src(%dma_wait3A_36 : memref<10000x48xf32, #tpu.memory_space<hbm>>) dst(%arg8 : memref<200x48xf32, #tpu.memory_space<vmem>>)
    %dma_wait3A_37 = arith.constant 0 : i32
    %dma_wait3A_38 = tpu.memref_slice %arg7[%dma_wait3A_37] : memref<10000xi32, #tpu.memory_space<vmem>> -> memref<200xi32, #tpu.memory_space<vmem>>
    %dma_wait3A_39 = arith.constant 0 : i32
    %dma_wait3A_40 = arith.constant 0 : i32
    %dma_wait3A_41 = tpu.memref_slice %arg4[%dma_wait3A_39, %dma_wait3A_40] : memref<10000x16xf32, #tpu.memory_space<hbm>> -> memref<10000x16xf32, #tpu.memory_space<hbm>>
    tpu.wait_indirect_dma semaphore(%arg17 : memref<!tpu.dma_semaphore, #tpu.memory_space<semaphore_mem>>) src(%dma_wait3A_41 : memref<10000x16xf32, #tpu.memory_space<hbm>>) dst(%arg9 : memref<200x16xf32, #tpu.memory_space<vmem>>)
    %dma_wait3A_42 = arith.constant 0 : i32
    %dma_wait3A_43 = tpu.memref_slice %arg7[%dma_wait3A_42] : memref<10000xi32, #tpu.memory_space<vmem>> -> memref<104xi32, #tpu.memory_space<vmem>>
    %dma_wait3A_44 = arith.constant 0 : i32
    %dma_wait3A_45 = arith.constant 0 : i32
    %dma_wait3A_46 = tpu.memref_slice %arg15[%dma_wait3A_44, %dma_wait3A_45] : memref<10240x48xf32, #tpu.memory_space<vmem_shared>> -> memref<10240x48xf32, #tpu.memory_space<vmem_shared>>
    tpu.wait_indirect_dma semaphore(%arg20 : memref<!tpu.dma_semaphore, #tpu.memory_space<semaphore_mem>>) src(%arg12 : memref<104x48xf32, #tpu.memory_space<vmem>>) dst(%dma_wait3A_46 : memref<10240x48xf32, #tpu.memory_space<vmem_shared>>)
    %dma_wait3A_47 = arith.constant 0 : i32
    %dma_wait3A_48 = tpu.memref_slice %arg7[%dma_wait3A_47] : memref<10000xi32, #tpu.memory_space<vmem>> -> memref<96xi32, #tpu.memory_space<vmem>>
    %dma_wait3A_49 = arith.constant 0 : i32
    %dma_wait3A_50 = arith.constant 0 : i32
    %dma_wait3A_51 = tpu.memref_slice %arg15[%dma_wait3A_49, %dma_wait3A_50] : memref<10240x48xf32, #tpu.memory_space<vmem_shared>> -> memref<10240x48xf32, #tpu.memory_space<vmem_shared>>
    tpu.wait_indirect_dma semaphore(%arg21 : memref<!tpu.dma_semaphore, #tpu.memory_space<semaphore_mem>>) src(%arg13 : memref<96x48xf32, #tpu.memory_space<vmem>>) dst(%dma_wait3A_51 : memref<10240x48xf32, #tpu.memory_space<vmem_shared>>)
    %barrier3A_52 = arith.constant 0 : index
    tpu.barrier barrier_id(%barrier3A_52)
    %mul3A_53 = arith.constant 640 : i32
    %mul3A_54 = arith.muli %arg1, %mul3A_53 : i32
    %mul3A_55 = arith.constant 640 : i32
    %mul3A_56 = arith.muli %arg1, %mul3A_55 : i32
    "tpu.region"() ({
      %run_scoped3A_57 = tpu.sem_alloc : memref<!tpu.dma_semaphore, #tpu.memory_space<semaphore_mem>>
      %dma_start3A_58 = arith.constant 0 : i32
      %dma_start3A_59 = tpu.memref_slice %arg5[%arg0, %mul3A_56, %dma_start3A_58] : memref<2x10240x48xf32, #tpu.memory_space<hbm>> -> memref<1x640x48xf32, #tpu.memory_space<hbm>>
      %dma_start3A_60 = tpu.memref_squeeze %dma_start3A_59 : memref<1x640x48xf32, #tpu.memory_space<hbm>> -> memref<640x48xf32, #tpu.memory_space<hbm>>
      %dma_start3A_61 = arith.constant 0 : i32
      %dma_start3A_62 = tpu.memref_slice %arg15[%mul3A_54, %dma_start3A_61] : memref<10240x48xf32, #tpu.memory_space<vmem_shared>> -> memref<640x48xf32, #tpu.memory_space<vmem_shared>>
      tpu.enqueue_dma source(%dma_start3A_62 : memref<640x48xf32, #tpu.memory_space<vmem_shared>>) target(%dma_start3A_60 : memref<640x48xf32, #tpu.memory_space<hbm>>) target_semaphore(%run_scoped3A_57 : memref<!tpu.dma_semaphore, #tpu.memory_space<semaphore_mem>>)
      %dma_wait3A_63 = arith.constant 0 : i32
      %dma_wait3A_64 = tpu.memref_slice %arg5[%arg0, %mul3A_56, %dma_wait3A_63] : memref<2x10240x48xf32, #tpu.memory_space<hbm>> -> memref<1x640x48xf32, #tpu.memory_space<hbm>>
      %dma_wait3A_65 = tpu.memref_squeeze %dma_wait3A_64 : memref<1x640x48xf32, #tpu.memory_space<hbm>> -> memref<640x48xf32, #tpu.memory_space<hbm>>
      %dma_wait3A_66 = arith.constant 0 : i32
      %dma_wait3A_67 = tpu.memref_slice %arg15[%mul3A_54, %dma_wait3A_66] : memref<10240x48xf32, #tpu.memory_space<vmem_shared>> -> memref<640x48xf32, #tpu.memory_space<vmem_shared>>
      tpu.wait_dma2 semaphore(%run_scoped3A_57 : memref<!tpu.dma_semaphore, #tpu.memory_space<semaphore_mem>>) src(%dma_wait3A_67 : memref<640x48xf32, #tpu.memory_space<vmem_shared>>) dst(%dma_wait3A_65 : memref<640x48xf32, #tpu.memory_space<hbm>>)
      tpu.yield
    }) : () -> ()
    return
  }
}

module attributes {stable_mosaic.version = 14 : i64} {
  func.func @_k1_body(%arg0: i32, %arg1: memref<5000x128xf32, #tpu.memory_space<vmem>>, %arg2: memref<128x64xf32, #tpu.memory_space<vmem>>, %arg3: memref<64x80xf32, #tpu.memory_space<vmem>>, %arg4: memref<64x16xf32, #tpu.memory_space<vmem>>, %arg5: memref<64x16xf32, #tpu.memory_space<vmem>>, %arg6: memref<5000x80xf32, #tpu.memory_space<vmem>>, %arg7: memref<5000x64xf32, #tpu.memory_space<vmem>>, %arg8: memref<5000x16xf32, #tpu.memory_space<vmem>>, %arg9: memref<5000x16xf32, #tpu.memory_space<vmem>>) attributes {dimension_semantics = [#tpu.dimension_semantics<arbitrary>], iteration_bounds = array<i64: 2>, scalar_prefetch = 0 : i64, scratch_operands = 0 : i64, tpu.core_type = #tpu.core_type<tc>, window_params = [{transform_indices = @transform_0, window_bounds = array<i64: 5000, 128>}, {pipeline_mode = #tpu.pipeline_mode<synchronous>, transform_indices = @transform_1, window_bounds = array<i64: 128, 64>}, {pipeline_mode = #tpu.pipeline_mode<synchronous>, transform_indices = @transform_2, window_bounds = array<i64: 64, 80>}, {pipeline_mode = #tpu.pipeline_mode<synchronous>, transform_indices = @transform_3, window_bounds = array<i64: 64, 16>}, {pipeline_mode = #tpu.pipeline_mode<synchronous>, transform_indices = @transform_4, window_bounds = array<i64: 64, 16>}, {transform_indices = @transform_5, window_bounds = array<i64: 5000, 80>}, {transform_indices = @transform_6, window_bounds = array<i64: 5000, 64>}, {transform_indices = @transform_7, window_bounds = array<i64: 5000, 16>}, {transform_indices = @transform_8, window_bounds = array<i64: 5000, 16>}]} {
    %get3A = arith.constant 0 : index
    %get3A_0 = arith.constant 0 : index
    %get3A_1 = vector.load %arg1[%get3A, %get3A_0] : memref<5000x128xf32, #tpu.memory_space<vmem>>, vector<5000x128xf32>
    %get3A_2 = arith.constant 0 : index
    %get3A_3 = arith.constant 0 : index
    %get3A_4 = vector.load %arg2[%get3A_2, %get3A_3] : memref<128x64xf32, #tpu.memory_space<vmem>>, vector<128x64xf32>
    %dot_general3A = arith.constant dense<0.000000e+00> : vector<5000x64xf32>
    %dot_general3A_5 = tpu.matmul %get3A_1, %get3A_4, %dot_general3A {dimension_numbers = #tpu.dot_dimension_numbers<[1], [0], [0], [1], [0, 0, 1, 1], [], []>, transpose_lhs_hint = false} : vector<5000x128xf32>, vector<128x64xf32>, vector<5000x64xf32> -> vector<5000x64xf32>
    %get3A_6 = arith.constant 0 : index
    %get3A_7 = arith.constant 0 : index
    %get3A_8 = vector.load %arg3[%get3A_6, %get3A_7] : memref<64x80xf32, #tpu.memory_space<vmem>>, vector<64x80xf32>
    %dot_general3A_9 = arith.constant dense<0.000000e+00> : vector<5000x80xf32>
    %dot_general3A_10 = tpu.matmul %dot_general3A_5, %get3A_8, %dot_general3A_9 {dimension_numbers = #tpu.dot_dimension_numbers<[1], [0], [0], [1], [0, 0, 1, 1], [], []>, transpose_lhs_hint = false} : vector<5000x64xf32>, vector<64x80xf32>, vector<5000x80xf32> -> vector<5000x80xf32>
    %swap3A = arith.constant 0 : index
    %swap3A_11 = arith.constant 0 : index
    %swap3A_12 = vector.load %arg6[%swap3A, %swap3A_11] : memref<5000x80xf32, #tpu.memory_space<vmem>>, vector<5000x80xf32>
    tpu.vector_store %arg6[%swap3A, %swap3A_11], %dot_general3A_10 {strides = array<i32>} : memref<5000x80xf32, #tpu.memory_space<vmem>>, vector<5000x80xf32>,
    %swap3A_13 = arith.constant 0 : index
    %swap3A_14 = arith.constant 0 : index
    %swap3A_15 = vector.load %arg7[%swap3A_13, %swap3A_14] : memref<5000x64xf32, #tpu.memory_space<vmem>>, vector<5000x64xf32>
    tpu.vector_store %arg7[%swap3A_13, %swap3A_14], %dot_general3A_5 {strides = array<i32>} : memref<5000x64xf32, #tpu.memory_space<vmem>>, vector<5000x64xf32>,
    %get3A_16 = arith.constant 0 : index
    %get3A_17 = arith.constant 0 : index
    %get3A_18 = vector.load %arg4[%get3A_16, %get3A_17] : memref<64x16xf32, #tpu.memory_space<vmem>>, vector<64x16xf32>
    %dot_general3A_19 = arith.constant dense<0.000000e+00> : vector<5000x16xf32>
    %dot_general3A_20 = tpu.matmul %dot_general3A_5, %get3A_18, %dot_general3A_19 {dimension_numbers = #tpu.dot_dimension_numbers<[1], [0], [0], [1], [0, 0, 1, 1], [], []>, transpose_lhs_hint = false} : vector<5000x64xf32>, vector<64x16xf32>, vector<5000x16xf32> -> vector<5000x16xf32>
    %swap3A_21 = arith.constant 0 : index
    %swap3A_22 = arith.constant 0 : index
    %swap3A_23 = vector.load %arg8[%swap3A_21, %swap3A_22] : memref<5000x16xf32, #tpu.memory_space<vmem>>, vector<5000x16xf32>
    tpu.vector_store %arg8[%swap3A_21, %swap3A_22], %dot_general3A_20 {strides = array<i32>} : memref<5000x16xf32, #tpu.memory_space<vmem>>, vector<5000x16xf32>,
    %get3A_24 = arith.constant 0 : index
    %get3A_25 = arith.constant 0 : index
    %get3A_26 = vector.load %arg5[%get3A_24, %get3A_25] : memref<64x16xf32, #tpu.memory_space<vmem>>, vector<64x16xf32>
    %dot_general3A_27 = arith.constant dense<0.000000e+00> : vector<5000x16xf32>
    %dot_general3A_28 = tpu.matmul %dot_general3A_5, %get3A_26, %dot_general3A_27 {dimension_numbers = #tpu.dot_dimension_numbers<[1], [0], [0], [1], [0, 0, 1, 1], [], []>, transpose_lhs_hint = false} : vector<5000x64xf32>, vector<64x16xf32>, vector<5000x16xf32> -> vector<5000x16xf32>
    %swap3A_29 = arith.constant 0 : index
    %swap3A_30 = arith.constant 0 : index
    %swap3A_31 = vector.load %arg9[%swap3A_29, %swap3A_30] : memref<5000x16xf32, #tpu.memory_space<vmem>>, vector<5000x16xf32>
    tpu.vector_store %arg9[%swap3A_29, %swap3A_30], %dot_general3A_28 {strides = array<i32>} : memref<5000x16xf32, #tpu.memory_space<vmem>>, vector<5000x16xf32>,
    return
  }
  func.func @transform_0(%arg0: i32) -> (i32, i32) {
    %c0_i32 = arith.constant 0 : i32
    %c0_i32_0 = arith.constant 0 : i32
    return %arg0, %c0_i32 : i32, i32
  }
  func.func @transform_1(%arg0: i32) -> (i32, i32) {
    %c0_i32 = arith.constant 0 : i32
    %c0_i32_0 = arith.constant 0 : i32
    %c0_i32_1 = arith.constant 0 : i32
    return %c0_i32, %c0_i32_0 : i32, i32
  }
  func.func @transform_2(%arg0: i32) -> (i32, i32) {
    %c0_i32 = arith.constant 0 : i32
    %c0_i32_0 = arith.constant 0 : i32
    %c0_i32_1 = arith.constant 0 : i32
    return %c0_i32, %c0_i32_0 : i32, i32
  }
  func.func @transform_3(%arg0: i32) -> (i32, i32) {
    %c0_i32 = arith.constant 0 : i32
    %c0_i32_0 = arith.constant 0 : i32
    %c0_i32_1 = arith.constant 0 : i32
    return %c0_i32, %c0_i32_0 : i32, i32
  }
  func.func @transform_4(%arg0: i32) -> (i32, i32) {
    %c0_i32 = arith.constant 0 : i32
    %c0_i32_0 = arith.constant 0 : i32
    %c0_i32_1 = arith.constant 0 : i32
    return %c0_i32, %c0_i32_0 : i32, i32
  }
  func.func @transform_5(%arg0: i32) -> (i32, i32) {
    %c0_i32 = arith.constant 0 : i32
    %c0_i32_0 = arith.constant 0 : i32
    return %arg0, %c0_i32 : i32, i32
  }
  func.func @transform_6(%arg0: i32) -> (i32, i32) {
    %c0_i32 = arith.constant 0 : i32
    %c0_i32_0 = arith.constant 0 : i32
    return %arg0, %c0_i32 : i32, i32
  }
  func.func @transform_7(%arg0: i32) -> (i32, i32) {
    %c0_i32 = arith.constant 0 : i32
    %c0_i32_0 = arith.constant 0 : i32
    return %arg0, %c0_i32 : i32, i32
  }
  func.func @transform_8(%arg0: i32) -> (i32, i32) {
    %c0_i32 = arith.constant 0 : i32
    %c0_i32_0 = arith.constant 0 : i32
    return %arg0, %c0_i32 : i32, i32
  }
}

module attributes {stable_mosaic.version = 14 : i64} {
  func.func @_k2_body(%arg0: i32, %arg1: memref<1x5000x80xf32, #tpu.memory_space<vmem>>, %arg2: memref<1x5000x80xf32, #tpu.memory_space<vmem>>, %arg3: memref<5000x64xf32, #tpu.memory_space<vmem>>, %arg4: memref<5000x16xf32, #tpu.memory_space<vmem>>, %arg5: memref<5000x16xf32, #tpu.memory_space<vmem>>, %arg6: memref<80x64xf32, #tpu.memory_space<vmem>>, %arg7: memref<80x64xf32, #tpu.memory_space<vmem>>, %arg8: memref<16x64xf32, #tpu.memory_space<vmem>>, %arg9: memref<1x64xf32, #tpu.memory_space<vmem>>, %arg10: memref<64x48xf32, #tpu.memory_space<vmem>>, %arg11: memref<48x16xf32, #tpu.memory_space<vmem>>, %arg12: memref<5000x48xf32, #tpu.memory_space<vmem>>, %arg13: memref<5000x16xf32, #tpu.memory_space<vmem>>) attributes {dimension_semantics = [#tpu.dimension_semantics<arbitrary>], iteration_bounds = array<i64: 2>, scalar_prefetch = 0 : i64, scratch_operands = 0 : i64, tpu.core_type = #tpu.core_type<tc>, window_params = [{transform_indices = @transform_0, window_bounds = array<i64: 1, 5000, 80>}, {transform_indices = @transform_1, window_bounds = array<i64: 1, 5000, 80>}, {transform_indices = @transform_2, window_bounds = array<i64: 5000, 64>}, {transform_indices = @transform_3, window_bounds = array<i64: 5000, 16>}, {transform_indices = @transform_4, window_bounds = array<i64: 5000, 16>}, {pipeline_mode = #tpu.pipeline_mode<synchronous>, transform_indices = @transform_5, window_bounds = array<i64: 80, 64>}, {pipeline_mode = #tpu.pipeline_mode<synchronous>, transform_indices = @transform_6, window_bounds = array<i64: 80, 64>}, {pipeline_mode = #tpu.pipeline_mode<synchronous>, transform_indices = @transform_7, window_bounds = array<i64: 16, 64>}, {pipeline_mode = #tpu.pipeline_mode<synchronous>, transform_indices = @transform_8, window_bounds = array<i64: 1, 64>}, {pipeline_mode = #tpu.pipeline_mode<synchronous>, transform_indices = @transform_9, window_bounds = array<i64: 64, 48>}, {pipeline_mode = #tpu.pipeline_mode<synchronous>, transform_indices = @transform_10, window_bounds = array<i64: 48, 16>}, {transform_indices = @transform_11, window_bounds = array<i64: 5000, 48>}, {transform_indices = @transform_12, window_bounds = array<i64: 5000, 16>}]} {
    %get3A = arith.constant 0 : index
    %get3A_0 = arith.constant 0 : index
    %get3A_1 = arith.constant 0 : index
    %get3A_2 = vector.load %arg1[%get3A, %get3A_0, %get3A_1] : memref<1x5000x80xf32, #tpu.memory_space<vmem>>, vector<1x5000x80xf32>
    %get3A_3 = vector.shape_cast %get3A_2 : vector<1x5000x80xf32> to vector<5000x80xf32>
    %get3A_4 = arith.constant 0 : index
    %get3A_5 = arith.constant 0 : index
    %get3A_6 = arith.constant 0 : index
    %get3A_7 = vector.load %arg2[%get3A_4, %get3A_5, %get3A_6] : memref<1x5000x80xf32, #tpu.memory_space<vmem>>, vector<1x5000x80xf32>
    %get3A_8 = vector.shape_cast %get3A_7 : vector<1x5000x80xf32> to vector<5000x80xf32>
    %add3A = arith.addf %get3A_3, %get3A_8 : vector<5000x80xf32>
    %get3A_9 = arith.constant 0 : index
    %get3A_10 = arith.constant 0 : index
    %get3A_11 = vector.load %arg6[%get3A_9, %get3A_10] : memref<80x64xf32, #tpu.memory_space<vmem>>, vector<80x64xf32>
    %dot_general3A = arith.constant dense<0.000000e+00> : vector<5000x64xf32>
    %dot_general3A_12 = tpu.matmul %add3A, %get3A_11, %dot_general3A {dimension_numbers = #tpu.dot_dimension_numbers<[1], [0], [0], [1], [0, 0, 1, 1], [], []>, transpose_lhs_hint = false} : vector<5000x80xf32>, vector<80x64xf32>, vector<5000x64xf32> -> vector<5000x64xf32>
    %get3A_13 = arith.constant 0 : index
    %get3A_14 = arith.constant 0 : index
    %get3A_15 = vector.load %arg7[%get3A_13, %get3A_14] : memref<80x64xf32, #tpu.memory_space<vmem>>, vector<80x64xf32>
    %dot_general3A_16 = arith.constant dense<0.000000e+00> : vector<5000x64xf32>
    %dot_general3A_17 = tpu.matmul %add3A, %get3A_15, %dot_general3A_16 {dimension_numbers = #tpu.dot_dimension_numbers<[1], [0], [0], [1], [0, 0, 1, 1], [], []>, transpose_lhs_hint = false} : vector<5000x80xf32>, vector<80x64xf32>, vector<5000x64xf32> -> vector<5000x64xf32>
    %get3A_18 = arith.constant 0 : index
    %get3A_19 = arith.constant 0 : index
    %get3A_20 = vector.load %arg4[%get3A_18, %get3A_19] : memref<5000x16xf32, #tpu.memory_space<vmem>>, vector<5000x16xf32>
    %get3A_21 = arith.constant 0 : index
    %get3A_22 = arith.constant 0 : index
    %get3A_23 = vector.load %arg8[%get3A_21, %get3A_22] : memref<16x64xf32, #tpu.memory_space<vmem>>, vector<16x64xf32>
    %dot_general3A_24 = arith.constant dense<0.000000e+00> : vector<5000x64xf32>
    %dot_general3A_25 = tpu.matmul %get3A_20, %get3A_23, %dot_general3A_24 {dimension_numbers = #tpu.dot_dimension_numbers<[1], [0], [0], [1], [0, 0, 1, 1], [], []>, transpose_lhs_hint = false} : vector<5000x16xf32>, vector<16x64xf32>, vector<5000x64xf32> -> vector<5000x64xf32>
    %get3A_26 = arith.constant 0 : index
    %get3A_27 = arith.constant 0 : index
    %get3A_28 = vector.load %arg5[%get3A_26, %get3A_27] : memref<5000x16xf32, #tpu.memory_space<vmem>>, vector<5000x16xf32>
    %get3A_29 = arith.constant 0 : index
    %get3A_30 = arith.constant 0 : index
    %get3A_31 = vector.load %arg8[%get3A_29, %get3A_30] : memref<16x64xf32, #tpu.memory_space<vmem>>, vector<16x64xf32>
    %dot_general3A_32 = arith.constant dense<0.000000e+00> : vector<5000x64xf32>
    %dot_general3A_33 = tpu.matmul %get3A_28, %get3A_31, %dot_general3A_32 {dimension_numbers = #tpu.dot_dimension_numbers<[1], [0], [0], [1], [0, 0, 1, 1], [], []>, transpose_lhs_hint = false} : vector<5000x16xf32>, vector<16x64xf32>, vector<5000x64xf32> -> vector<5000x64xf32>
    %add3A_34 = arith.addf %dot_general3A_25, %dot_general3A_33 : vector<5000x64xf32>
    %ge3A = arith.constant 0.000000e+00 : f32
    %ge3A_35 = vector.broadcast %ge3A : f32 to vector<5000x64xf32>
    %ge3A_36 = arith.cmpf oge, %add3A_34, %ge3A_35 : vector<5000x64xf32>
    %mul3A = arith.constant 2.000000e-01 : f32
    %mul3A_37 = vector.broadcast %mul3A : f32 to vector<5000x64xf32>
    %mul3A_38 = arith.mulf %mul3A_37, %add3A_34 : vector<5000x64xf32>
    %select_n3A = arith.select %ge3A_36, %add3A_34, %mul3A_38 : vector<5000x64xi1>, vector<5000x64xf32>
    %exp3A = math.exp %select_n3A : vector<5000x64xf32>
    %get3A_39 = arith.constant 0 : index
    %get3A_40 = arith.constant 0 : index
    %get3A_41 = vector.load %arg3[%get3A_39, %get3A_40] : memref<5000x64xf32, #tpu.memory_space<vmem>>, vector<5000x64xf32>
    %mul3A_42 = arith.mulf %get3A_41, %exp3A : vector<5000x64xf32>
    %add3A_43 = arith.addf %dot_general3A_12, %mul3A_42 : vector<5000x64xf32>
    %add3A_44 = arith.addf %dot_general3A_17, %exp3A : vector<5000x64xf32>
    %div3A = arith.divf %add3A_43, %add3A_44 : vector<5000x64xf32>
    %get3A_45 = arith.constant 0 : index
    %get3A_46 = arith.constant 0 : index
    %get3A_47 = vector.load %arg9[%get3A_45, %get3A_46] : memref<1x64xf32, #tpu.memory_space<vmem>>, vector<1x64xf32>
    %add3A_48 = vector.broadcast %get3A_47 : vector<1x64xf32> to vector<5000x64xf32>
    %add3A_49 = arith.addf %div3A, %add3A_48 : vector<5000x64xf32>
    %gt3A = arith.constant 0.000000e+00 : f32
    %gt3A_50 = vector.broadcast %gt3A : f32 to vector<5000x64xf32>
    %gt3A_51 = arith.cmpf ogt, %add3A_49, %gt3A_50 : vector<5000x64xf32>
    %exp3A_52 = math.exp %add3A_49 : vector<5000x64xf32>
    %sub3A = arith.constant 1.000000e+00 : f32
    %sub3A_53 = vector.broadcast %sub3A : f32 to vector<5000x64xf32>
    %sub3A_54 = arith.subf %exp3A_52, %sub3A_53 : vector<5000x64xf32>
    %select_n3A_55 = arith.select %gt3A_51, %add3A_49, %sub3A_54 : vector<5000x64xi1>, vector<5000x64xf32>
    %get3A_56 = arith.constant 0 : index
    %get3A_57 = arith.constant 0 : index
    %get3A_58 = vector.load %arg10[%get3A_56, %get3A_57] : memref<64x48xf32, #tpu.memory_space<vmem>>, vector<64x48xf32>
    %dot_general3A_59 = arith.constant dense<0.000000e+00> : vector<5000x48xf32>
    %dot_general3A_60 = tpu.matmul %select_n3A_55, %get3A_58, %dot_general3A_59 {dimension_numbers = #tpu.dot_dimension_numbers<[1], [0], [0], [1], [0, 0, 1, 1], [], []>, transpose_lhs_hint = false} : vector<5000x64xf32>, vector<64x48xf32>, vector<5000x48xf32> -> vector<5000x48xf32>
    %swap3A = arith.constant 0 : index
    %swap3A_61 = arith.constant 0 : index
    %swap3A_62 = vector.load %arg12[%swap3A, %swap3A_61] : memref<5000x48xf32, #tpu.memory_space<vmem>>, vector<5000x48xf32>
    tpu.vector_store %arg12[%swap3A, %swap3A_61], %dot_general3A_60 {strides = array<i32>} : memref<5000x48xf32, #tpu.memory_space<vmem>>, vector<5000x48xf32>,
    %get3A_63 = arith.constant 0 : index
    %get3A_64 = arith.constant 0 : index
    %get3A_65 = vector.load %arg11[%get3A_63, %get3A_64] : memref<48x16xf32, #tpu.memory_space<vmem>>, vector<48x16xf32>
    %dot_general3A_66 = arith.constant dense<0.000000e+00> : vector<5000x16xf32>
    %dot_general3A_67 = tpu.matmul %dot_general3A_60, %get3A_65, %dot_general3A_66 {dimension_numbers = #tpu.dot_dimension_numbers<[1], [0], [0], [1], [0, 0, 1, 1], [], []>, transpose_lhs_hint = false} : vector<5000x48xf32>, vector<48x16xf32>, vector<5000x16xf32> -> vector<5000x16xf32>
    %swap3A_68 = arith.constant 0 : index
    %swap3A_69 = arith.constant 0 : index
    %swap3A_70 = vector.load %arg13[%swap3A_68, %swap3A_69] : memref<5000x16xf32, #tpu.memory_space<vmem>>, vector<5000x16xf32>
    tpu.vector_store %arg13[%swap3A_68, %swap3A_69], %dot_general3A_67 {strides = array<i32>} : memref<5000x16xf32, #tpu.memory_space<vmem>>, vector<5000x16xf32>,
    return
  }
  func.func @transform_0(%arg0: i32) -> (i32, i32, i32) {
    %c0_i32 = arith.constant 0 : i32
    %c0_i32_0 = arith.constant 0 : i32
    %c0_i32_1 = arith.constant 0 : i32
    return %c0_i32, %arg0, %c0_i32_0 : i32, i32, i32
  }
  func.func @transform_1(%arg0: i32) -> (i32, i32, i32) {
    %c1_i32 = arith.constant 1 : i32
    %c0_i32 = arith.constant 0 : i32
    %c0_i32_0 = arith.constant 0 : i32
    return %c1_i32, %arg0, %c0_i32 : i32, i32, i32
  }
  func.func @transform_2(%arg0: i32) -> (i32, i32) {
    %c0_i32 = arith.constant 0 : i32
    %c0_i32_0 = arith.constant 0 : i32
    return %arg0, %c0_i32 : i32, i32
  }
  func.func @transform_3(%arg0: i32) -> (i32, i32) {
    %c0_i32 = arith.constant 0 : i32
    %c0_i32_0 = arith.constant 0 : i32
    return %arg0, %c0_i32 : i32, i32
  }
  func.func @transform_4(%arg0: i32) -> (i32, i32) {
    %c0_i32 = arith.constant 0 : i32
    %c0_i32_0 = arith.constant 0 : i32
    return %arg0, %c0_i32 : i32, i32
  }
  func.func @transform_5(%arg0: i32) -> (i32, i32) {
    %c0_i32 = arith.constant 0 : i32
    %c0_i32_0 = arith.constant 0 : i32
    %c0_i32_1 = arith.constant 0 : i32
    return %c0_i32, %c0_i32_0 : i32, i32
  }
  func.func @transform_6(%arg0: i32) -> (i32, i32) {
    %c0_i32 = arith.constant 0 : i32
    %c0_i32_0 = arith.constant 0 : i32
    %c0_i32_1 = arith.constant 0 : i32
    return %c0_i32, %c0_i32_0 : i32, i32
  }
  func.func @transform_7(%arg0: i32) -> (i32, i32) {
    %c0_i32 = arith.constant 0 : i32
    %c0_i32_0 = arith.constant 0 : i32
    %c0_i32_1 = arith.constant 0 : i32
    return %c0_i32, %c0_i32_0 : i32, i32
  }
  func.func @transform_8(%arg0: i32) -> (i32, i32) {
    %c0_i32 = arith.constant 0 : i32
    %c0_i32_0 = arith.constant 0 : i32
    %c0_i32_1 = arith.constant 0 : i32
    return %c0_i32, %c0_i32_0 : i32, i32
  }
  func.func @transform_9(%arg0: i32) -> (i32, i32) {
    %c0_i32 = arith.constant 0 : i32
    %c0_i32_0 = arith.constant 0 : i32
    %c0_i32_1 = arith.constant 0 : i32
    return %c0_i32, %c0_i32_0 : i32, i32
  }
  func.func @transform_10(%arg0: i32) -> (i32, i32) {
    %c0_i32 = arith.constant 0 : i32
    %c0_i32_0 = arith.constant 0 : i32
    %c0_i32_1 = arith.constant 0 : i32
    return %c0_i32, %c0_i32_0 : i32, i32
  }
  func.func @transform_11(%arg0: i32) -> (i32, i32) {
    %c0_i32 = arith.constant 0 : i32
    %c0_i32_0 = arith.constant 0 : i32
    return %arg0, %c0_i32 : i32, i32
  }
  func.func @transform_12(%arg0: i32) -> (i32, i32) {
    %c0_i32 = arith.constant 0 : i32
    %c0_i32_0 = arith.constant 0 : i32
    return %arg0, %c0_i32 : i32, i32
  }
}

module attributes {stable_mosaic.version = 14 : i64} {
  func.func @_k3_body(%arg0: i32, %arg1: memref<1x5000x48xf32, #tpu.memory_space<vmem>>, %arg2: memref<1x5000x48xf32, #tpu.memory_space<vmem>>, %arg3: memref<5000x48xf32, #tpu.memory_space<vmem>>, %arg4: memref<5000x16xf32, #tpu.memory_space<vmem>>, %arg5: memref<16x48xf32, #tpu.memory_space<vmem>>, %arg6: memref<48x48xf32, #tpu.memory_space<vmem>>, %arg7: memref<1x48xf32, #tpu.memory_space<vmem>>, %arg8: memref<5000x40xf32, #tpu.memory_space<vmem>>) attributes {dimension_semantics = [#tpu.dimension_semantics<arbitrary>], iteration_bounds = array<i64: 2>, scalar_prefetch = 0 : i64, scratch_operands = 0 : i64, tpu.core_type = #tpu.core_type<tc>, window_params = [{transform_indices = @transform_0, window_bounds = array<i64: 1, 5000, 48>}, {transform_indices = @transform_1, window_bounds = array<i64: 1, 5000, 48>}, {transform_indices = @transform_2, window_bounds = array<i64: 5000, 48>}, {transform_indices = @transform_3, window_bounds = array<i64: 5000, 16>}, {pipeline_mode = #tpu.pipeline_mode<synchronous>, transform_indices = @transform_4, window_bounds = array<i64: 16, 48>}, {pipeline_mode = #tpu.pipeline_mode<synchronous>, transform_indices = @transform_5, window_bounds = array<i64: 48, 48>}, {pipeline_mode = #tpu.pipeline_mode<synchronous>, transform_indices = @transform_6, window_bounds = array<i64: 1, 48>}, {transform_indices = @transform_7, window_bounds = array<i64: 5000, 40>}]} {
    %get3A = arith.constant 0 : index
    %get3A_0 = arith.constant 0 : index
    %get3A_1 = arith.constant 0 : index
    %get3A_2 = vector.load %arg1[%get3A, %get3A_0, %get3A_1] : memref<1x5000x48xf32, #tpu.memory_space<vmem>>, vector<1x5000x48xf32>
    %get3A_3 = vector.shape_cast %get3A_2 : vector<1x5000x48xf32> to vector<5000x48xf32>
    %get3A_4 = arith.constant 0 : index
    %get3A_5 = arith.constant 0 : index
    %get3A_6 = arith.constant 0 : index
    %get3A_7 = vector.load %arg2[%get3A_4, %get3A_5, %get3A_6] : memref<1x5000x48xf32, #tpu.memory_space<vmem>>, vector<1x5000x48xf32>
    %get3A_8 = vector.shape_cast %get3A_7 : vector<1x5000x48xf32> to vector<5000x48xf32>
    %add3A = arith.addf %get3A_3, %get3A_8 : vector<5000x48xf32>
    %get3A_9 = arith.constant 0 : index
    %get3A_10 = arith.constant 0 : index
    %get3A_11 = vector.load %arg3[%get3A_9, %get3A_10] : memref<5000x48xf32, #tpu.memory_space<vmem>>, vector<5000x48xf32>
    %get3A_12 = arith.constant 0 : index
    %get3A_13 = arith.constant 0 : index
    %get3A_14 = vector.load %arg6[%get3A_12, %get3A_13] : memref<48x48xf32, #tpu.memory_space<vmem>>, vector<48x48xf32>
    %dot_general3A = arith.constant dense<0.000000e+00> : vector<5000x48xf32>
    %dot_general3A_15 = tpu.matmul %get3A_11, %get3A_14, %dot_general3A {dimension_numbers = #tpu.dot_dimension_numbers<[1], [0], [0], [1], [0, 0, 1, 1], [], []>, transpose_lhs_hint = false} : vector<5000x48xf32>, vector<48x48xf32>, vector<5000x48xf32> -> vector<5000x48xf32>
    %get3A_16 = arith.constant 0 : index
    %get3A_17 = arith.constant 0 : index
    %get3A_18 = vector.load %arg4[%get3A_16, %get3A_17] : memref<5000x16xf32, #tpu.memory_space<vmem>>, vector<5000x16xf32>
    %get3A_19 = arith.constant 0 : index
    %get3A_20 = arith.constant 0 : index
    %get3A_21 = vector.load %arg5[%get3A_19, %get3A_20] : memref<16x48xf32, #tpu.memory_space<vmem>>, vector<16x48xf32>
    %dot_general3A_22 = arith.constant dense<0.000000e+00> : vector<5000x48xf32>
    %dot_general3A_23 = tpu.matmul %get3A_18, %get3A_21, %dot_general3A_22 {dimension_numbers = #tpu.dot_dimension_numbers<[1], [0], [0], [1], [0, 0, 1, 1], [], []>, transpose_lhs_hint = false} : vector<5000x16xf32>, vector<16x48xf32>, vector<5000x48xf32> -> vector<5000x48xf32>
    %add3A_24 = arith.addf %dot_general3A_15, %dot_general3A_23 : vector<5000x48xf32>
    %ge3A = arith.constant 0.000000e+00 : f32
    %ge3A_25 = vector.broadcast %ge3A : f32 to vector<5000x48xf32>
    %ge3A_26 = arith.cmpf oge, %add3A_24, %ge3A_25 : vector<5000x48xf32>
    %mul3A = arith.constant 2.000000e-01 : f32
    %mul3A_27 = vector.broadcast %mul3A : f32 to vector<5000x48xf32>
    %mul3A_28 = arith.mulf %mul3A_27, %add3A_24 : vector<5000x48xf32>
    %select_n3A = arith.select %ge3A_26, %add3A_24, %mul3A_28 : vector<5000x48xi1>, vector<5000x48xf32>
    %exp3A = math.exp %select_n3A : vector<5000x48xf32>
    %iota3A = tpu.iota {dimensions = array<i32: 1>} : vector<5000x48xi32>
    %lt3A = arith.constant 40 : i32
    %lt3A_29 = vector.broadcast %lt3A : i32 to vector<5000x48xi32>
    %lt3A_30 = arith.cmpi slt, %iota3A, %lt3A_29 : vector<5000x48xi32>
    %jit3A = arith.constant 0.000000e+00 : f32
    %broadcast_in_dim3A = vector.broadcast %jit3A : f32 to vector<5000x48xf32>
    %select_n3A_31 = arith.select %lt3A_30, %add3A, %broadcast_in_dim3A : vector<5000x48xi1>, vector<5000x48xf32>
    %get3A_32 = arith.constant 0 : index
    %get3A_33 = arith.constant 0 : index
    %get3A_34 = vector.load %arg3[%get3A_32, %get3A_33] : memref<5000x48xf32, #tpu.memory_space<vmem>>, vector<5000x48xf32>
    %mul3A_35 = arith.mulf %get3A_34, %exp3A : vector<5000x48xf32>
    %add3A_36 = arith.addf %select_n3A_31, %mul3A_35 : vector<5000x48xf32>
    %get3A_37 = arith.constant 0 : index
    %get3A_38 = arith.constant 0 : index
    %get3A_39 = vector.load %arg6[%get3A_37, %get3A_38] : memref<48x48xf32, #tpu.memory_space<vmem>>, vector<48x48xf32>
    %dot_general3A_40 = arith.constant dense<0.000000e+00> : vector<5000x48xf32>
    %dot_general3A_41 = tpu.matmul %add3A, %get3A_39, %dot_general3A_40 {dimension_numbers = #tpu.dot_dimension_numbers<[1], [0], [0], [1], [0, 0, 1, 1], [], []>, transpose_lhs_hint = false} : vector<5000x48xf32>, vector<48x48xf32>, vector<5000x48xf32> -> vector<5000x48xf32>
    %add3A_42 = arith.addf %dot_general3A_41, %exp3A : vector<5000x48xf32>
    %div3A = arith.divf %add3A_36, %add3A_42 : vector<5000x48xf32>
    %get3A_43 = arith.constant 0 : index
    %get3A_44 = arith.constant 0 : index
    %get3A_45 = vector.load %arg7[%get3A_43, %get3A_44] : memref<1x48xf32, #tpu.memory_space<vmem>>, vector<1x48xf32>
    %add3A_46 = vector.broadcast %get3A_45 : vector<1x48xf32> to vector<5000x48xf32>
    %add3A_47 = arith.addf %div3A, %add3A_46 : vector<5000x48xf32>
    %jit3A_48 = arith.constant 0xFF800000 : f32
    %broadcast_in_dim3A_49 = vector.broadcast %jit3A_48 : f32 to vector<5000x48xf32>
    %select_n3A_50 = arith.select %lt3A_30, %add3A_47, %broadcast_in_dim3A_49 : vector<5000x48xi1>, vector<5000x48xf32>
    %reduce_max3A = arith.constant dense<0xFF800000> : vector<5000xf32>
    %reduce_max3A_51 = vector.multi_reduction <maximumf>, %select_n3A_50, %reduce_max3A [1] : vector<5000x48xf32> to vector<5000xf32>
    %broadcast_in_dim3A_52 = vector.shape_cast %reduce_max3A_51 : vector<5000xf32> to vector<5000x1xf32>
    %sub3A = vector.broadcast %broadcast_in_dim3A_52 : vector<5000x1xf32> to vector<5000x48xf32>
    %sub3A_53 = arith.subf %select_n3A_50, %sub3A : vector<5000x48xf32>
    %exp3A_54 = math.exp %sub3A_53 : vector<5000x48xf32>
    %reduce_sum3A = arith.constant dense<0.000000e+00> : vector<5000xf32>
    %reduce_sum3A_55 = vector.multi_reduction <add>, %exp3A_54, %reduce_sum3A [1] : vector<5000x48xf32> to vector<5000xf32>
    %broadcast_in_dim3A_56 = vector.shape_cast %reduce_sum3A_55 : vector<5000xf32> to vector<5000x1xf32>
    %sub3A_57 = vector.broadcast %broadcast_in_dim3A_52 : vector<5000x1xf32> to vector<5000x48xf32>
    %sub3A_58 = arith.subf %select_n3A_50, %sub3A_57 : vector<5000x48xf32>
    %log3A = math.log %broadcast_in_dim3A_56 : vector<5000x1xf32>
    %sub3A_59 = vector.broadcast %log3A : vector<5000x1xf32> to vector<5000x48xf32>
    %sub3A_60 = arith.subf %sub3A_58, %sub3A_59 : vector<5000x48xf32>
    %slice3A = vector.extract_strided_slice %sub3A_60 {offsets = [0, 0], sizes = [5000, 40], strides = [1, 1]} : vector<5000x48xf32> to vector<5000x40xf32>
    %swap3A = arith.constant 0 : index
    %swap3A_61 = arith.constant 0 : index
    %swap3A_62 = vector.load %arg8[%swap3A, %swap3A_61] : memref<5000x40xf32, #tpu.memory_space<vmem>>, vector<5000x40xf32>
    tpu.vector_store %arg8[%swap3A, %swap3A_61], %slice3A {strides = array<i32>} : memref<5000x40xf32, #tpu.memory_space<vmem>>, vector<5000x40xf32>,
    return
  }
  func.func @transform_0(%arg0: i32) -> (i32, i32, i32) {
    %c0_i32 = arith.constant 0 : i32
    %c0_i32_0 = arith.constant 0 : i32
    %c0_i32_1 = arith.constant 0 : i32
    return %c0_i32, %arg0, %c0_i32_0 : i32, i32, i32
  }
  func.func @transform_1(%arg0: i32) -> (i32, i32, i32) {
    %c1_i32 = arith.constant 1 : i32
    %c0_i32 = arith.constant 0 : i32
    %c0_i32_0 = arith.constant 0 : i32
    return %c1_i32, %arg0, %c0_i32 : i32, i32, i32
  }
  func.func @transform_2(%arg0: i32) -> (i32, i32) {
    %c0_i32 = arith.constant 0 : i32
    %c0_i32_0 = arith.constant 0 : i32
    return %arg0, %c0_i32 : i32, i32
  }
  func.func @transform_3(%arg0: i32) -> (i32, i32) {
    %c0_i32 = arith.constant 0 : i32
    %c0_i32_0 = arith.constant 0 : i32
    return %arg0, %c0_i32 : i32, i32
  }
  func.func @transform_4(%arg0: i32) -> (i32, i32) {
    %c0_i32 = arith.constant 0 : i32
    %c0_i32_0 = arith.constant 0 : i32
    %c0_i32_1 = arith.constant 0 : i32
    return %c0_i32, %c0_i32_0 : i32, i32
  }
  func.func @transform_5(%arg0: i32) -> (i32, i32) {
    %c0_i32 = arith.constant 0 : i32
    %c0_i32_0 = arith.constant 0 : i32
    %c0_i32_1 = arith.constant 0 : i32
    return %c0_i32, %c0_i32_0 : i32, i32
  }
  func.func @transform_6(%arg0: i32) -> (i32, i32) {
    %c0_i32 = arith.constant 0 : i32
    %c0_i32_0 = arith.constant 0 : i32
    %c0_i32_1 = arith.constant 0 : i32
    return %c0_i32, %c0_i32_0 : i32, i32
  }
  func.func @transform_7(%arg0: i32) -> (i32, i32) {
    %c0_i32 = arith.constant 0 : i32
    %c0_i32_0 = arith.constant 0 : i32
    return %arg0, %c0_i32 : i32, i32
  }
}

</mosaic_0001>

<sc_bundles>
// kernel: kernel.10.cloned.1.call-start
scs
__scs_entry_jumppad:
0x0: {  	(pc) =	sbr.rel $0x88, $3  }
0x1: {  	(tag) =	ssettag $0x0;
	lr =	simm.s32 $0x1  }
0x2: {  	[smem:$0x3F97] =	sst lr;
	_ =	strace $0xD0000000  }
0x3: {  	_ = 	snop  }
0x4: {  	_ = 	snop  }
0x5: {  	_ = 	snop  }
0x6: {  	_ = 	snop  }
0x7: {  	_ = 	snop  }
__scs_overlays_trampoline_lowered:
0x8: {  	[smem:$0x3FA6] =	sst s0  }
0x9: {  	[smem:$0x3FA7] =	sst s1  }
0xa: {  	[smem:$0x3FA8] =	sst s2  }
0xb: {  	[smem:$0x3FA9] =	sst s3  }
0xc: {  	[smem:$0x3FAA] =	sst s4  }
0xd: {  	[smem:$0x3FAB] =	sst s5  }
0xe: {  	[smem:$0x3FAC] =	sst s6  }
0xf: {  	[smem:$0x3FAD] =	sst s7  }
0x10: {  	[smem:$0x3FAE] =	sst s8  }
0x11: {  	[smem:$0x3FAF] =	sst s9;
	s0 =	simm.s32 @!p0 $0x0  }
0x12: {  	s1 =	sld [smem:$0x3F95];
	s0 =	simm.s32 @p0 $0x1  }
0x13: {  	[smem:$0x3FB0] =	sst s0;
	s0 =	simm.s32 @!p1 $0x0  }
0x14: {  	s2 =	sld [smem:$0x3F94];
	s0 =	simm.s32 @p1 $0x1  }
0x15: {  	[smem:$0x3FB1] =	sst s0;
	s0 =	simm.s32 @!p2 $0x0  }
0x16: {  	s3 =	sld [smem:$0x3FDB];
	s0 =	simm.s32 @p2 $0x1  }
0x17: {  	s4 =	simm.s32 $0x1BF5;
	[smem:$0x3FB3] =	sst s0  }
0x18: {  	s0 =	sld [smem:$0x3F96];
	_ =	swait.ge [sflag:s4], $0x0  }
0x19: {  	s7 =	sld [smem:$0x3F97]  }
0x1a: {  	s8 =	sadd.s32 $0xFFFFE003, lr  }
0x1b: {  	s9 =	sadd.s32 $0xFFFFFEF7, lr;
	s5 =	simm.s32 $0xFFFFFFFF;
	p2 =	slt.u32 s8, $0xFFFFF086  }
0x1c: {  	p1 =	slt.u32 s9, $0xF7A;
	s5 =	simm.s32 @!p2 $0x0  }
0x1d: {  	s5 =	simm.s32 @p1 $0x1;
	p0 =	seq.s32 s7, s2  }
0x1e: {  	s7 =	smul.u32 @!p0 $0xF7A, s2;
	p2 =	seq.s32 @!p0 s5, $0x0  }
0x1f: {  	s9 =	smul.u32 $0xF7A, s1;
	s8 =	simm.s32 @!p0 $0x1BF5;
	p2 =	por !p2, p0  }
0x20: {  	[sflag:s8] =	ssyncset.s32 @!p0 $0xFFFFF086;
	s6 =	sadd.s32 @!p0 s3, s7;
	s7 =	simm.s32 @!p0 $0x108  }
0x21: {  	s3 =	sadd.s32 s3, s9;
	s6 =	sadd.s32 @!p0 $0x88, s6;
	s7 =	simm.s32 @p2 $0x1082  }
0x22: {  	[simem:s7], [sflag:s8] =	dma.local @!p0 [hbm:s6], $0xF7A  }
0x23: {  	s9 =	sor.u32 $0xD0000000, s2;
	s6 =	simm.s32 $0x108;
	_ =	swait.ge @!p0 [sflag:s8], $0x0  }
0x24: {  	s3 =	sadd.s32 $0x88, s3;
	s6 =	simm.s32 @!p1 $0x1082;
	[sflag:s4] =	ssyncset.s32 $0xFFFFF086  }
0x25: {  	[simem:s6], [sflag:s4] =	dma.local [hbm:s3], $0xF7A  }
0x26: {  	[smem:$0x3F97] =	sst s1;
	(tag) =	ssettag s2;
	_ =	strace s9  }
0x27: {  	s1 =	sld [smem:$0x3FA7]  }
0x28: {  	s2 =	sld [smem:$0x3FA8]  }
0x29: {  	s4 =	sld [smem:$0x3FAA]  }
0x2a: {  	p0 =	seq.s32 s5, $0x0;
	s5 =	sld [smem:$0x3FAB]  }
0x2b: {  	s6 =	sld [smem:$0x3FAC]  }
0x2c: {  	s7 =	sld [smem:$0x3FAD]  }
0x2d: {  	s3 =	simm.s32 $0x108;
	s8 =	sld [smem:$0x3FAE]  }
0x2e: {  	s3 =	simm.s32 @!p0 $0x1082;
	s9 =	sld [smem:$0x3FAF]  }
0x2f: {  	lr =	sadd.s32 s0, s3;
	s0 =	sld [smem:$0x3FA6]  }
0x30: {  	s3 =	sld [smem:$0x3FA9]  }
0x31: {  	[smem:$0x3FB2] =	sst s10  }
0x32: {  	s10 =	sld [smem:$0x3FB0];
	_ =	sdelay $0x3  }
0x33: {  	p0 =	seq.s32 s10, $0x1;
	s10 =	sld [smem:$0x3FB2];
	_ =	sdelay $0x3  }
0x34: {  	[smem:$0x3FB2] =	sst s10  }
0x35: {  	s10 =	sld [smem:$0x3FB1];
	_ =	sdelay $0x3  }
0x36: {  	p1 =	seq.s32 s10, $0x1;
	s10 =	sld [smem:$0x3FB2];
	_ =	sdelay $0x3  }
0x37: {  	[smem:$0x3FB2] =	sst s10  }
0x38: {  	s10 =	sld [smem:$0x3FB3]  }
0x39: {  	_ = 	snop;
	(pc) =	sbr.ind lr, $3  }
0x3a: {  	_ = 	snop  }
0x3b: {  	_ = 	snop  }
0x3c: {  	p2 =	seq.s32 s10, $0x1;
	s10 =	sld [smem:$0x3FB2]  }
0x3d: {  	_ =	shalt  }
0x3e: {  	_ =	shalt  }
0x3f: {  	_ =	shalt  }
0x40: {  	_ =	shalt  }
0x41: {  	_ =	shalt  }
0x42: {  	_ =	shalt  }
0x43: {  	_ =	shalt  }
0x44: {  	_ =	shalt  }
0x45: {  	_ =	shalt  }
0x46: {  	_ =	shalt  }
0x47: {  	_ =	shalt  }
0x48: {  	_ =	shalt  }
0x49: {  	_ =	shalt  }
0x4a: {  	_ =	shalt  }
0x4b: {  	_ =	shalt  }
0x4c: {  	_ =	shalt  }
0x4d: {  	_ =	shalt  }
0x4e: {  	_ =	shalt  }
0x4f: {  	_ =	shalt  }
0x50: {  	_ =	shalt  }
0x51: {  	_ =	shalt  }
0x52: {  	_ =	shalt  }
0x53: {  	_ =	shalt  }
0x54: {  	_ =	shalt  }
0x55: {  	_ =	shalt  }
0x56: {  	_ =	shalt  }
0x57: {  	_ =	shalt  }
0x58: {  	_ =	shalt  }
0x59: {  	_ =	shalt  }
0x5a: {  	_ =	shalt  }
0x5b: {  	_ =	shalt  }
0x5c: {  	_ =	shalt  }
0x5d: {  	_ =	shalt  }
0x5e: {  	_ =	shalt  }
0x5f: {  	_ =	shalt  }
0x60: {  	_ =	shalt  }
0x61: {  	_ =	shalt  }
0x62: {  	_ =	shalt  }
0x63: {  	_ =	shalt  }
0x64: {  	_ =	shalt  }
0x65: {  	_ =	shalt  }
0x66: {  	_ =	shalt  }
0x67: {  	_ =	shalt  }
0x68: {  	_ =	shalt  }
0x69: {  	_ =	shalt  }
0x6a: {  	_ =	shalt  }
0x6b: {  	_ =	shalt  }
0x6c: {  	_ =	shalt  }
0x6d: {  	_ =	shalt  }
0x6e: {  	_ =	shalt  }
0x6f: {  	_ =	shalt  }
0x70: {  	_ =	shalt  }
0x71: {  	_ =	shalt  }
0x72: {  	_ =	shalt  }
0x73: {  	_ =	shalt  }
0x74: {  	_ =	shalt  }
0x75: {  	_ =	shalt  }
0x76: {  	_ =	shalt  }
0x77: {  	_ =	shalt  }
0x78: {  	_ =	shalt  }
0x79: {  	_ =	shalt  }
0x7a: {  	_ =	shalt  }
0x7b: {  	_ =	shalt  }
0x7c: {  	_ =	shalt  }
0x7d: {  	_ =	shalt  }
0x7e: {  	_ =	shalt  }
0x7f: {  	_ =	shalt  }
0x80: {  	_ =	shalt  }
0x81: {  	_ =	shalt  }
0x82: {  	_ =	shalt  }
0x83: {  	_ =	shalt  }
0x84: {  	_ =	shalt  }
0x85: {  	_ =	shalt  }
0x86: {  	_ =	shalt  }
0x87: {  	_ =	shalt  }
.Lfunc_end0:
.L_simem_size_0:
called_computation.1_lowered:
.L_overlay_start_0:
0x88: {  	s2 =	sld [smem:$0x3FD9]  }
0x89: {  	s3 =	sld [smem:$0x3FFE];
	_ =	sdelay $0x1  }
0x8a: {  	s1 =	srdreg.scid  }
0x8b: {  	s0 =	sand.u32 $0x1, s1  }
0x8c: {  	s17 =	sshll.u32 s0, $0xA;
	s2 =	sadd.s32 s3, s2  }
0x8d: {  	s2 =	sadd.s32 s2, s17  }
0x8e: {  	[smem:$0x3FBE] =	sst s2  }
0x8f: {  	_ = 	snop  }
0x90: {  	s2 =	sld [smem:$0x3FD0];
	(tm) =	ssettm $0x1  }
0x91: {  	s18 =	sld [smem:$0x3FFB];
	_ =	sdelay $0x3  }
0x92: {  	_ =	strace s18  }
0x93: {  	s3 =	sld [smem:$0x3FFC];
	_ =	sdelay $0x3  }
0x94: {  	_ =	strace s3  }
0x95: {  	s3 =	sld [smem:$0x3FFD];
	_ =	sdelay $0x3  }
0x96: {  	_ =	strace s3  }
0x97: {  	_ =	strace $0x8FFFFFFF  }
0x98: {  	s19 =	sld [smem:$0x3FDB];
	_ =	sdelay $0x1  }
0x99: {  	s4 =	simm.s32 $_scs_section_size  }
0x9a: {  	s5 =	simm.s32 $_size__tile_overlayer_lowered;
	s6 =	simm.s32 $_tile_overlayer_lowered  }
0x9b: {  	s22 =	simm.s32 $0x1BFF;
	s21 =	sshll.u32 s6, $0x1;
	s3 =	sadd.s32 s4, s19  }
0x9c: {  	s7 =	simm.s32 $0x0;
	s20 =	sshll.u32 s5, $0x1;
	s5 =	sadd.s32 s21, s3  }
0x9d: {  	[timem:s7], [sflag:s22] =	dma.local [hbm:s5], s20  }
0x9e: {  	_ =	swait.ge [sflag:s22], s20  }
0x9f: {  	s4 =	ssub.s32 $0x0, s20;
	[sflag:s22] =	ssyncset.done $0x0  }
0xa0: {  	[sflag:s22] =	ssyncadd.s32 s4;
	_ =	sdelay $0x1  }
0xa1: {  	s23 =	simm.s32 $0x1B8B  }
0xa2: {  	_ =	swait.ge [sflag:s23], $0x1  }
0xa3: {  	[sflag:s23] =	ssyncset.done $0x0  }
0xa4: {  	s25 =	simm.s32 $0x1B8E;
	s24 =	sld [smem:$0x3FFE];
	[sflag:s23] =	ssyncadd.s32 $0xFFFFFFFF  }
0xa5: {  	s26 =	simm.s32 $execute0_lowered;
	[smem:$0x3FD2] =	sst s25  }
0xa6: {  	s5 =	sshll.u32 s26, $0x1;
	_ =	strace $0x80000049;
	[dreg:$0x1] =	wrdreg $0xFFFFFFFF  }
0xa7: {  	s28 =	simm.s32 $_size_execute0_lowered;
	s3 =	sadd.s32 s3, s5;
	[dreg:$0x0] =	wrdreg $0x0  }
0xa8: {  	s5 =	sshll.u32 s28, $0x1;
	[dreg:$0x2] =	wrdreg s3  }
0xa9: {  	[dreg:$0x3] =	wrdreg s5  }
0xaa: {  	[dreg:$0x4] =	wrdreg $0xC0  }
0xab: {  	_ =	task [dreg:s7], $0x5FFFF  }
0xac: {  	[dreg:$0x1] =	wrdreg $0xFFFFFFFF  }
0xad: {  	[dreg:$0x0] =	wrdreg $0x60  }
0xae: {  	[dreg:$0x2] =	wrdreg s24  }
0xaf: {  	[dreg:$0x3] =	wrdreg s2  }
0xb0: {  	[dreg:$0x4] =	wrdreg $0xDDA00  }
0xb1: {  	[dreg:$0x5] =	wrdreg $0x9  }
0xb2: {  	_ =	task.clear_ibuf [dreg:s7], $0x6FFFF;
	_ =	strace $0x90000049  }
0xb3: {  	s29 =	simm.s32 $0x9;
	_ =	strace $0x8000004B  }
0xb4: {  	_ =	swait.ge [sflag:s29], $0x1  }
0xb5: {  	[sflag:s29] =	ssyncadd.s32 $0xFFFFFFFF  }
0xb6: {  	_ =	strace $0x9000004B  }
0xb7: {  	_ =	sfence  }
0xb8: {  	s30 =	sld [smem:$0x0];
	_ =	sdelay $0x2  }
0xb9: {  	s31 =	sshll.u32 s1, $0xD;
	s1 =	sshrl.u32 s1, $0x2  }
0xba: {  	s3 =	sand.u32 $0x4000, s31;
	s1 =	sadd.s32 s1, s30  }
0xbb: {  	s0 =	sor.u32 s3, s0;
	s1 =	sshll.u32 s1, $0x11  }
0xbc: {  	s0 =	sor.u32 s1, s0  }
0xbd: {  	s0 =	sadd.s32 $0x8F2B, s0  }
0xbe: {  	[sflag:s0] =	ssyncadd.remote.s32 $0x1  }
0xbf: {  	_ =	sfence.sel $0xFFFF  }
0xc0: {  	[dreg:$0x0] =	wrdreg $0xFFFFFFFF;
	(pc) =	sbr.abs _section_cstart, $3  }
0xc1: {  	[dreg:$0x1] =	wrdreg $0xFFFFFFFF  }
0xc2: {  	_ =	task.clear_ibuf [dreg:s7], $0x2FFFF;
	_ =	strace $0x9FFFFFFF  }
0xc3: {  	(tm) =	ssettm $0x7FFFFFFF  }
tec
execute0_lowered:
.L_overlay_start_1:
0x0: {  	(tag) =	ssettag $0x1  }
0x1: {  	s0 =	srdreg.scid;
	s1 =	rddreg [dreg:$0x0]  }
0x2: {  	s9 =	stileid.u32;
	s2 =	rddreg [dreg:$0x1];
	s6 =	simm.s32 $0x0  }
0x3: {  	s11 =	simm.s32 $0x7;
	s13 =	simm.s32 $0xD7A0;
	s14 =	simm.s32 $0xC8  }
0x4: {  	s15 =	simm.s32 $0x4E20;
	s16 =	simm.s32 $0x73A0;
	s17 =	simm.s32 $0x8020  }
0x5: {  	s18 =	simm.s32 $0xA5A0;
	s19 =	simm.s32 $0x1;
	s20 =	simm.s32 $0x2  }
0x6: {  	s21 =	simm.s32 $0x68;
	s28 =	simm.s32 $0x4;
	s29 =	simm.s32 $0x5  }
0x7: {  	s30 =	simm.s32 $0x6;
	s0 =	sand.u32 $0x1, s0;
	s22 =	smul.u32 $0x7800, s9  }
0x8: {  	[smem:$0x7FF] =	sst s6;
	s23 =	smul.u32 $0x1E000, s9;
	s3 =	sshll.u32 s0, $0x4  }
0x9: {  	s5 =	smul.u32 $0x78000, s0;
	s0 =	ssub.s32 $0x2, s0;
	s4 =	sor.u32 s9, s3  }
0xa: {  	s3 =	rddreg [dreg:$0x2];
	_ =	strace $0x8000004A;
	s8 =	sshrl.u32 s0, $0x1  }
0xb: {  	s26 =	sshrl.u32 s23, $0x2;
	s23 =	simm.s32 $0x60;
	s4 =	smul.u32 $0x2710, s4  }
0xc: {  	s7 =	sadd.s32 s22, s5;
	s5 =	sadd.s32 $0x2000, s1;
	s0 =	ssub.s32 s0, s8  }
0xd: {  	s25 =	sadd.s32 s22, s3;
	s0 =	smax.u32 s0, $0x1;
	s4 =	sshrl.u32 s4, $0x3  }
0xe: {  	s31 =	sshrl.u32 s25, $0x3;
	[dreg:$0x7] =	wrdreg s0;
	s4 =	sadd.s32 s4, s1  }
0xf: {  	s7 =	sshrl.u32 s7, $0x3;
	[dreg:$0x8] =	wrdreg s31;
	s24 =	sadd.s32 $0x41A00, s4  }
0x10: {  	s1 =	sadd.s32 s7, s1;
	s4 =	sadd.s32 $0x4B640, s4;
	[dreg:$0x4] =	wrdreg s24  }
0x11: {  	s10 =	sadd.s32 s26, s3;
	s1 =	sadd.s32 $0x10C00, s1;
	[dreg:$0x5] =	wrdreg s4  }
0x12: {  	s22 =	simm.s32 $0xB220;
	s26 =	simm.s32 $0x3;
	[dreg:$0x6] =	wrdreg s1  }
0x13: {  	v0 =	vimm.f32 $0.0e+00;
	vm0 =	vmmov $0xff;
	s4 =	simm.s32 $0x2710;
	s24 =	simm.s32 $0xC5A0;
	s1 =	simm.s32 $0x0  }
.LBB2_1:
0x14: {  	[dreg:$0x9] =	wrdreg s1  }
0x15: {  	s0 =	simm.s32 $0x0;
	s25 =	rddreg [dreg:$0x4]  }
0x16: {  	[tilespmem:s0], [sflag:$0x7] =	stream.linear.gather [hbm4b:s25+s0], $0x2710, $0x38;
	[tilespmem:$0x155A0] =	vst v63  }
0x17: {  	_ =	swait.ge [sflag:s11], $0x2710  }
0x18: {  	[sflag:s11] =	ssyncset.done $0x0  }
0x19: {  	s31 =	rddreg [dreg:$0x5];
	[sflag:s11] =	ssyncadd.s32 $0xFFFFD8F0  }
0x1a: {  	[tilespmem:s4], [sflag:$0x7] =	stream.linear.gather [hbm4b:s31+s0], $0x2710, $0x38;
	[tilespmem:$0x155A0] =	vst v63  }
0x1b: {  	_ =	swait.ge [sflag:s11], $0x2710  }
0x1c: {  	[sflag:s11] =	ssyncset.done $0x0  }
0x1d: {  	s0 =	simm.s32 $0x0;
	[sflag:s11] =	ssyncadd.s32 $0xFFFFD8F0  }
.LBB2_2:
0x1e: {  	p0 =	sne.s32 s0, $0x1740  }
.Ltmp0:
0x1f: {  	_ = 	snop;
	(pc) =	sbr.rel @p0 .LBB2_2-.Ltmp0, $4  }
0x20: {  	s1 =	sshra.s32 s0, $0x2  }
0x21: {  	[tilespmem:s1+$0xD7A0] =	vst v0  }
0x22: {  	[tilespmem:s1+$0xD7B0] =	vst v0  }
0x23: {  	s0 =	sadd.s32 $0xC0, s0;
	[tilespmem:s1+$0xD7C0] =	vst v0  }
0x24: {  	s0 =	sadd.s32 $0x0, s10  }
0x25: {  	[spmem:s0] =	stream.linear.scatter [tilespmem:s13], [sflag:$0x7], $0x600, $0x38;
	[tilespmem:$0x155A0] =	vst v63  }
0x26: {  	s0 =	simm.s32 $0x1800;
	_ =	swait.ge [sflag:s11], $0x600  }
.LBB2_4:
0x27: {  	s1 =	sshra.s32 s0, $0x2;
	[sflag:s11] =	ssyncset.done $0x0;
	p0 =	sne.s32 s0, $0x1C800  }
.Ltmp1:
0x28: {  	s1 =	sadd.s32 s1, s10;
	[sflag:s11] =	ssyncadd.s32 $0xFFFFFA00;
	(pc) =	sbr.rel @p0 .LBB2_4-.Ltmp1, $3  }
0x29: {  	[spmem:s1] =	stream.linear.scatter [tilespmem:s13], [sflag:$0x7], $0x600, $0x38;
	[tilespmem:$0x155A0] =	vst v63  }
0x2a: {  	s0 =	sadd.s32 $0x1800, s0;
	_ =	sdelay $0x1  }
0x2b: {  	_ =	swait.ge [sflag:s11], $0x600  }
0x2c: {  	[sflag:s11] =	ssyncset.done $0x0  }
0x2d: {  	[sflag:s11] =	ssyncadd.s32 $0xFFFFFA00  }
0x2e: {  	s1 =	simm.s32 $0x0;
	[bflag:$0x0] =	sbarrier.arrive $0xFFFF  }
0x2f: {  	[tilespmem:s15], [sflag:$0x1] =	stream.indirect.gather [hbm4b:s5+s14], $0x30, s1, s14, $0xb8;
	[tilespmem:$0x155A0] =	vst v63  }
0x30: {  	_ = 	snop  }
0x31: {  	[tilespmem:s16], [sflag:$0x2] =	stream.indirect.gather [hbm4b:s2+s14], $0x10, s4, s14, $0xb8;
	[tilespmem:$0x155A0] =	vst v63  }
.LBB2_6:
0x32: {  	s0 =	smul.u32 $0x190, s1;
	_ =	sdelay $0x1  }
0x33: {  	s4 =	sadd.s32 $0xC8, s0  }
0x34: {  	[tilespmem:s17], [sflag:$0x3] =	stream.indirect.gather [hbm4b:s5+s14], $0x30, s4, s14, $0xb8;
	[tilespmem:$0x155A0] =	vst v63  }
0x35: {  	s12 =	sadd.s32 $0x27D8, s0  }
0x36: {  	[tilespmem:s18], [sflag:$0x4] =	stream.indirect.gather [hbm4b:s2+s14], $0x10, s12, s14, $0xb8;
	[tilespmem:$0x155A0] =	vst v63  }
0x37: {  	_ =	swait.ge [sflag:s19], $0x2580  }
0x38: {  	[sflag:s19] =	ssyncset.done $0x0  }
0x39: {  	[sflag:s19] =	ssyncadd.s32 $0xFFFFDA80  }
0x3a: {  	_ =	swait.ge [sflag:s20], $0xC80  }
0x3b: {  	p0 =	seq.s32 s1, $0x0;
	[sflag:s20] =	ssyncset.done $0x0  }
0x3c: {  	s4 =	simm.s32 @!p0 $0x5;
	[sflag:s20] =	ssyncadd.s32 $0xFFFFF380  }
0x3d: {  	_ =	swait.ge @!p0 [sflag:s4], $0x1380  }
0x3e: {  	[sflag:s4] =	ssyncset.done @!p0 $0x0  }
0x3f: {  	s8 =	simm.s32 $0x4EE0;
	[sflag:s4] =	ssyncadd.s32 @!p0 $0xFFFFEC80  }
0x40: {  	s25 =	simm.s32 $0x73E0;
	v14 =	vld [tilespmem:s8+$0x50]  }
0x41: {  	v1 =	vld [tilespmem:s25+$0xFFFFFFC0]  }
0x42: {  	v2 =	vld [tilespmem:s25+$0x20]  }
0x43: {  	v4 =	vld [tilespmem:s25+$0x0]  }
0x44: {  	v5 =	vld [tilespmem:s8+$0xB0]  }
0x45: {  	v6 =	vld [tilespmem:s25+$0x10]  }
0x46: {  	v3 =	vld [tilespmem:s25+$0x30]  }
0x47: {  	v7 =	vld [tilespmem:s8+$0xFFFFFF90]  }
0x48: {  	v13 =	vld [tilespmem:s8+$0x80]  }
0x49: {  	v8 =	vld [tilespmem:s25+$0xFFFFFFD0]  }
0x4a: {  	v10 =	vld [tilespmem:s8+$0x20];
	v9 =	vbroadcast v5, $0x8  }
0x4b: {  	v20 =	vld [tilespmem:s8+$0xFFFFFF60]  }
0x4c: {  	v12 =	vld [tilespmem:s25+$0xFFFFFFE0];
	v11 =	vbroadcast v7, $0x8;
	v9 =	vadd.f32 v3, v9  }
0x4d: {  	v18 =	vld [tilespmem:s8+$0xFFFFFFF0]  }
0x4e: {  	v3 =	vld [tilespmem:s8+$0xFFFFFFC0];
	v8 =	vadd.f32 v8, v11;
	v11 =	vbroadcast v14, $0x8;
	v15 =	vmul.f32 $2.000000030e-01, v9  }
0x4f: {  	v16 =	vld [tilespmem:s8+$0xFFFFFF80];
	vm1 =	vge.f32 v9, $0.0e+00  }
0x50: {  	v21 =	vld [tilespmem:s8+$0x30];
	v6 =	vadd.f32 v6, v11;
	v11 =	vbroadcast v10, $0x8;
	v9 =	vsel vm1, v9, v15  }
0x51: {  	v17 =	vmul.f32 $2.000000030e-01, v8;
	v15 =	vld [tilespmem:s25+$0xFFFFFFF0];
	v9 =	vmul.f32 $1.442695020e+00, v9  }
0x52: {  	v19 =	vld [tilespmem:s8+$0x40];
	vm1 =	vge.f32 v8, $0.0e+00;
	v4 =	vadd.f32 v4, v11;
	v11 =	vbroadcast v18, $0x8  }
0x53: {  	v22 =	vld [tilespmem:s8+$0xA0];
	v8 =	vsel vm1, v8, v17;
	v23 =	vbroadcast v3, $0x8;
	(erf) = vpow2.f32 v9  }
0x54: {  	v24 =	vld [tilespmem:s8+$0x90];
	v8 =	vmul.f32 $1.442695020e+00, v8;
	v25 =	vmul.f32 $2.000000030e-01, v4  }
0x55: {  	s6 =	simm.s32 $0x7460;
	v26 =	vld [tilespmem:s8+$0xFFFFFF70];
	vm2 =	vge.f32 v4, $0.0e+00;
	v9 =	vbroadcast v20, $0x8;
	v12 =	vadd.f32 v12, v23  }
0x56: {  	v28 =	vld [tilespmem:s6+$0x20];
	(erf) = vpow2.f32 v8;
	v8 =	vadd.f32 v15, v11;
	v11 =	vbroadcast v13, $0x8  }
0x57: {  	v31 =	vld [tilespmem:s6+$0x0];
	v4 =	vsel vm2, v4, v25;
	v9 =	vadd.f32 v1, v9;
	v1 =	vmul.f32 $2.000000030e-01, v6  }
0x58: {  	s4 =	simm.s32 $0x5060;
	v52 =	vld [tilespmem:s6+$0xFFFFFFE0];
	vm1 =	vge.f32 v6, $0.0e+00;
	v4 =	vmul.f32 $1.442695020e+00, v4;
	v2 =	vadd.f32 v2, v11  }
0x59: {  	v33 =	vmul.f32 $2.000000030e-01, v12;
	v6 =	vsel vm1, v6, v1;
	v27 =	vmul.f32 $2.000000030e-01, v8;
	v1 =	vld [tilespmem:s4+$0x50]  }
0x5a: {  	v17 =	vld [tilespmem:s8+$0x0];
	vm3 =	vge.f32 v9, $0.0e+00;
	vm1 =	vge.f32 v8, $0.0e+00;
	v25 =	vmul.f32 $2.000000030e-01, v2  }
0x5b: {  	v15 =	vld [tilespmem:s8+$0x10];
	v8 =	vsel vm1, v8, v27;
	v27 =	vmul.f32 $2.000000030e-01, v9;
	vm1 =	vge.f32 v2, $0.0e+00  }
0x5c: {  	v29 =	vmul.f32 $1.442695020e+00, v8;
	v8 =	vld [tilespmem:s4+$0xB0];
	v2 =	vsel vm1, v2, v25;
	v30 =	vpop (erf);
	(erf) = vpow2.f32 v4  }
0x5d: {  	v6 =	vmul.f32 $1.442695020e+00, v6;
	v25 =	vld [tilespmem:s6+$0x10];
	v4 =	vsel vm3, v9, v27;
	v9 =	vmul.f32 $1.442695020e+00, v2  }
0x5e: {  	v32 =	vbroadcast v1, $0x8;
	v2 =	vld [tilespmem:s4+$0xFFFFFF60];
	v23 =	vmul.f32 $1.442695020e+00, v4  }
0x5f: {  	v5 =	vmul.f32 v30, v5;
	v27 =	vpop (erf);
	(erf) = vpow2.f32 v6;
	v6 =	vld [tilespmem:s4+$0x20]  }
0x60: {  	vm1 =	vge.f32 v12, $0.0e+00;
	v34 =	vmul.f32 v27, v7;
	v7 =	vld [tilespmem:s4+$0xFFFFFFC0];
	(erf) = vpow2.f32 v23  }
0x61: {  	v12 =	vsel vm1, v12, v33;
	v22 =	vmul.f32 v30, v22;
	(erf) = vpow2.f32 v9;
	v9 =	vld [tilespmem:s4+$0xFFFFFF90]  }
0x62: {  	v51 =	vmul.f32 $1.442695020e+00, v12;
	v23 =	vmul.f32 v30, v24;
	v24 =	vadd.f32 v25, v32;
	v25 =	vld [tilespmem:s6+$0x30]  }
0x63: {  	v11 =	vld [tilespmem:s6+$0xFFFFFFC0];
	v16 =	vmul.f32 v27, v16;
	v26 =	vmul.f32 v27, v26;
	v30 =	vsel vm0, v5, v30  }
0x64: {  	v37 =	vld [tilespmem:s6+$0xFFFFFFD0];
	v53 =	vbroadcast v8, $0x8;
	v27 =	vsel vm0, v34, v27;
	v12 =	vbroadcast v6, $0x8  }
0x65: {  	s7 =	simm.s32 $0xB2E0;
	v40 =	vld [tilespmem:s8+$0x70];
	(erf) = vpow2.f32 v29;
	v35 =	vbroadcast v2, $0x8;
	vm3 =	vge.f32 v24, $0.0e+00;
	v29 =	vpop (erf)  }
0x66: {  	v42 =	vld [tilespmem:s8+$0xFFFFFF40];
	[tilespmem:s7+$0xA0] =	vst v22;
	v31 =	vadd.f32 v31, v12;
	v22 =	vbroadcast v9, $0x8;
	v36 =	vmul.f32 v29, v10  }
0x67: {  	v58 =	vld [tilespmem:s8+$0xFFFFFFE0];
	v25 =	vadd.f32 v25, v53;
	v38 =	vmul.f32 v29, v15;
	v15 =	vbroadcast v7, $0x8  }
0x68: {  	v59 =	vld [tilespmem:s8+$0xFFFFFF50];
	v39 =	vmul.f32 v29, v17;
	v17 =	vadd.f32 v11, v35;
	v54 =	vmul.f32 $2.000000030e-01, v31  }
0x69: {  	v60 =	vld [tilespmem:s8+$0xFFFFFFD0];
	v10 =	vpop (erf);
	vm2 =	vge.f32 v31, $0.0e+00;
	(erf) = vpow2.f32 v51;
	v56 =	vmul.f32 $2.000000030e-01, v25  }
0x6a: {  	v5 =	vld [tilespmem:s4+$0xFFFFFFF0];
	[tilespmem:s7+$0xB0] =	vst v30;
	vm1 =	vge.f32 v25, $0.0e+00;
	v11 =	vadd.f32 v52, v15;
	v15 =	vmul.f32 v10, v14  }
0x6b: {  	v30 =	vld [tilespmem:s6+$0xFFFFFFF0];
	[tilespmem:s7+$0x90] =	vst v23;
	v14 =	vadd.f32 v37, v22;
	v23 =	vsel vm1, v25, v56;
	v25 =	vmul.f32 $2.000000030e-01, v24  }
0x6c: {  	[tilespmem:s7+$0xFFFFFF80] =	vst v16;
	v55 =	vmul.f32 v10, v19;
	v41 =	vmul.f32 v10, v21;
	v22 =	vld [tilespmem:s8+$0x60];
	v16 =	vpop (erf);
	v31 =	vsel vm2, v31, v54  }
0x6d: {  	v4 =	vld [tilespmem:s4+$0x80];
	[tilespmem:s7+$0xFFFFFF70] =	vst v26;
	v26 =	vpop (erf);
	v23 =	vmul.f32 $1.442695020e+00, v23;
	v24 =	vsel vm3, v24, v25;
	v25 =	vmul.f32 $2.000000030e-01, v14  }
0x6e: {  	[tilespmem:s7+$0xFFFFFF90] =	vst v27;
	v12 =	vld [tilespmem:s4+$0xFFFFFF80];
	v35 =	vmul.f32 $2.000000030e-01, v17;
	v13 =	vmul.f32 v26, v13;
	vm3 =	vge.f32 v14, $0.0e+00  }
0x6f: {  	v19 =	vld [tilespmem:s8+$0xFFFFFFA0];
	[tilespmem:s7+$0x10] =	vst v38;
	(erf) = vpow2.f32 v23;
	v14 =	vsel vm3, v14, v25;
	v25 =	vbroadcast v5, $0x8  }
0x70: {  	v21 =	vld [tilespmem:s8+$0xFFFFFFB0];
	[tilespmem:s7+$0x0] =	vst v39;
	v31 =	vmul.f32 $1.442695020e+00, v31;
	v57 =	vmul.f32 v26, v40;
	v62 =	vsel vm0, v13, v26  }
0x71: {  	[tilespmem:s7+$0x40] =	vst v55;
	v13 =	vld [tilespmem:s4+$0x30];
	v61 =	vmul.f32 v26, v22;
	v22 =	vmul.f32 $1.442695020e+00, v14;
	v63 =	vadd.f32 v30, v25  }
0x72: {  	[tilespmem:s7+$0x30] =	vst v41;
	v26 =	vmul.f32 v16, v20;
	v20 =	vsel vm0, v36, v29;
	v14 =	vld [tilespmem:s4+$0x40];
	v25 =	vbroadcast v4, $0x8  }
0x73: {  	vm2 =	vge.f32 v17, $0.0e+00;
	v23 =	vpop (erf);
	[tilespmem:s7+$0x20] =	vst v20;
	v20 =	vld [tilespmem:s4+$0x10];
	(erf) = vpow2.f32 v22;
	v29 =	vmul.f32 $2.000000030e-01, v63  }
0x74: {  	v34 =	vmul.f32 v16, v42;
	[tilespmem:s7+$0x70] =	vst v57;
	v27 =	vmul.f32 v23, v18;
	v18 =	vld [tilespmem:s4+$0x0];
	v22 =	vadd.f32 v28, v25  }
0x75: {  	vm1 =	vge.f32 v11, $0.0e+00;
	v24 =	vmul.f32 $1.442695020e+00, v24;
	[tilespmem:s7+$0x80] =	vst v62;
	v30 =	vld [tilespmem:s4+$0xA0];
	v28 =	vmul.f32 v16, v59  }
0x76: {  	s9 =	simm.s32 $0x8;
	[tilespmem:s7+$0x60] =	vst v61;
	v37 =	vmul.f32 v23, v58;
	vm3 =	vge.f32 v63, $0.0e+00;
	v25 =	vld [tilespmem:s4+$0x90];
	v36 =	vmul.f32 $2.000000030e-01, v22  }
0x77: {  	s31 =	simm.s32 $0x51E0;
	s25 =	simm.s32 $0xB460;
	s8 =	simm.s32 $0xB460;
	v33 =	vmul.f32 v23, v60;
	v32 =	vsel vm3, v63, v29;
	[tilespmem:s7+$0xFFFFFF50] =	vst v28;
	v28 =	vld [tilespmem:s4+$0xFFFFFF70];
	vm3 =	vge.f32 v22, $0.0e+00;
	v29 =	vpop (erf)  }
.LBB2_7:
0x78: {  	v38 =	vld [tilespmem:s31+$0x50];
	s9 =	sadd.s32 $0x8, s9;
	v32 =	vmul.f32 $1.442695020e+00, v32;
	v36 =	vsel vm3, v22, v36;
	s6 =	sadd.s32 $0x80, s6;
	s25 =	sadd.s32 $0x180, s25;
	v39 =	vpop (erf);
	v21 =	vmul.f32 v29, v21;
	[tilespmem:s7+$0xFFFFFFE0] =	vst v37  }
0x79: {  	v19 =	vmul.f32 v29, v19;
	v37 =	vld [tilespmem:s6+$0xFFFFFFC0];
	p1 =	slt.u32 s9, $0x60;
	v17 =	vsel vm2, v17, v35;
	v8 =	vmul.f32 v39, v8;
	[tilespmem:s7+$0xFFFFFFD0] =	vst v33  }
0x7a: {  	v23 =	vsel vm0, v27, v23;
	v30 =	vmul.f32 v39, v30;
	v22 =	vld [tilespmem:s6+$0x20];
	[tilespmem:s7+$0xFFFFFFB0] =	vst v21;
	v21 =	vmul.f32 v29, v3  }
0x7b: {  	v33 =	vmul.f32 $1.442695020e+00, v36;
	v3 =	vmovc v7;
	v27 =	vld [tilespmem:s6+$0x0];
	v35 =	vsel vm0, v8, v39;
	(erf) = vpow2.f32 v31;
	[tilespmem:s7+$0xFFFFFF40] =	vst v34  }
0x7c: {  	v16 =	vsel vm0, v26, v16;
	v7 =	vmul.f32 $1.442695020e+00, v17;
	v8 =	vld [tilespmem:s31+$0xB0];
	v17 =	vpop (erf);
	(erf) = vpow2.f32 v24;
	[tilespmem:s7+$0xFFFFFFA0] =	vst v19  }
0x7d: {  	v21 =	vsel vm0, v21, v29;
	v19 =	vld [tilespmem:s6+$0x10];
	v24 =	vbroadcast v38, $0x8;
	v12 =	vmul.f32 v17, v12;
	[tilespmem:s7+$0xFFFFFFF0] =	vst v23  }
0x7e: {  	v23 =	vmul.f32 v17, v28;
	v28 =	vmul.f32 v17, v9;
	v9 =	vsel vm0, v15, v10;
	v26 =	vld [tilespmem:s31+$0x80];
	[tilespmem:s7+$0xFFFFFF60] =	vst v16  }
0x7f: {  	v10 =	vmul.f32 $2.000000030e-01, v11;
	v15 =	vld [tilespmem:s31+$0x20];
	(erf) = vpow2.f32 v7;
	[tilespmem:s7+$0x50] =	vst v9  }
0x80: {  	v9 =	vmul.f32 v39, v25;
	v29 =	vld [tilespmem:s31+$0xFFFFFF60];
	(erf) = vpow2.f32 v33;
	[tilespmem:s7+$0xFFFFFFC0] =	vst v21;
	s7 =	smov.u32 s8;
	s8 =	smov.u32 s25  }
0x81: {  	v10 =	vsel vm1, v11, v10;
	v7 =	vld [tilespmem:s31+$0xFFFFFFC0];
	[tilespmem:s7+$0xA0] =	vst v30  }
0x82: {  	v24 =	vadd.f32 v19, v24;
	v11 =	vld [tilespmem:s6+$0x30];
	[tilespmem:s7+$0x90] =	vst v9  }
0x83: {  	v25 =	vmul.f32 $1.442695020e+00, v10;
	v9 =	vld [tilespmem:s31+$0xFFFFFF90];
	[tilespmem:s7+$0xFFFFFF80] =	vst v12  }
0x84: {  	v19 =	vld [tilespmem:s6+$0xFFFFFFE0];
	v12 =	vbroadcast v15, $0x8;
	vm3 =	vge.f32 v24, $0.0e+00;
	[tilespmem:s7+$0xFFFFFF70] =	vst v23;
	(erf) = vpow2.f32 v32;
	v30 =	vpop (erf)  }
0x85: {  	v17 =	vsel vm0, v28, v17;
	v34 =	vbroadcast v29, $0x8;
	v31 =	vld [tilespmem:s31+$0xFFFFFFF0];
	v28 =	vmul.f32 v30, v6;
	[tilespmem:s7+$0xB0] =	vst v35;
	v10 =	vpop (erf)  }
0x86: {  	v21 =	vbroadcast v8, $0x8;
	v20 =	vmul.f32 v30, v20;
	v6 =	vmovc v15;
	v23 =	vld [tilespmem:s6+$0xFFFFFFD0];
	v27 =	vadd.f32 v27, v12;
	[tilespmem:s7+$0xFFFFFF90] =	vst v17  }
0x87: {  	v35 =	vmul.f32 v30, v18;
	v15 =	vbroadcast v7, $0x8;
	v17 =	vadd.f32 v37, v34;
	v12 =	vld [tilespmem:s31+$0xFFFFFF80]  }
0x88: {  	v14 =	vmul.f32 v10, v14;
	v33 =	vadd.f32 v11, v21;
	v32 =	vmul.f32 $2.000000030e-01, v27;
	[tilespmem:s7+$0x10] =	vst v20;
	v20 =	vld [tilespmem:s4+$0x70];
	v16 =	vpop (erf)  }
0x89: {  	v13 =	vmul.f32 v10, v13;
	v34 =	vbroadcast v9, $0x8;
	v11 =	vadd.f32 v19, v15;
	v19 =	vld [tilespmem:s4+$0xFFFFFFA0];
	[tilespmem:s7+$0x0] =	vst v35;
	v18 =	vpop (erf)  }
0x8a: {  	vm4 =	vge.f32 v27, $0.0e+00;
	v35 =	vmul.f32 $2.000000030e-01, v33;
	v15 =	vmul.f32 v10, v1;
	v1 =	vmovc v38;
	v21 =	vld [tilespmem:s4+$0xFFFFFFB0];
	[tilespmem:s7+$0x40] =	vst v14  }
0x8b: {  	vm2 =	vge.f32 v33, $0.0e+00;
	v14 =	vadd.f32 v23, v34;
	v34 =	vmul.f32 $2.000000030e-01, v24;
	[tilespmem:s7+$0x30] =	vst v13;
	v13 =	vld [tilespmem:s4+$0x60]  }
0x8c: {  	vm1 =	vge.f32 v11, $0.0e+00;
	v35 =	vsel vm2, v33, v35;
	v38 =	vld [tilespmem:s4+$0xFFFFFF40];
	(erf) = vpow2.f32 v25  }
0x8d: {  	vm2 =	vge.f32 v17, $0.0e+00;
	v33 =	vmul.f32 $1.442695020e+00, v35;
	v25 =	vld [tilespmem:s6+$0xFFFFFFF0];
	v20 =	vmul.f32 v18, v20;
	v23 =	vpop (erf)  }
0x8e: {  	v32 =	vsel vm4, v27, v32;
	v27 =	vmul.f32 v18, v4;
	v4 =	vmovc v26;
	v35 =	vmul.f32 $2.000000030e-01, v14;
	v37 =	vld [tilespmem:s4+$0xFFFFFFE0]  }
0x8f: {  	vm4 =	vge.f32 v14, $0.0e+00;
	v24 =	vsel vm3, v24, v34;
	(erf) = vpow2.f32 v33;
	v33 =	vld [tilespmem:s4+$0xFFFFFF50];
	[tilespmem:s7+$0x70] =	vst v20  }
0x90: {  	v14 =	vsel vm4, v14, v35;
	v20 =	vbroadcast v31, $0x8;
	v34 =	vld [tilespmem:s4+$0xFFFFFFD0];
	v35 =	vmul.f32 v18, v13;
	s4 =	smov.u32 s31  }
0x91: {  	v24 =	vmul.f32 $1.442695020e+00, v24;
	v26 =	vmul.f32 $1.442695020e+00, v14;
	v18 =	vsel vm0, v27, v18;
	v13 =	vld [tilespmem:s31+$0x30]  }
0x92: {  	v27 =	vmul.f32 v23, v5;
	v5 =	vmovc v31;
	v20 =	vadd.f32 v25, v20;
	v14 =	vld [tilespmem:s31+$0x40];
	v25 =	vbroadcast v4, $0x8;
	[tilespmem:s7+$0x80] =	vst v18  }
.Ltmp2:
0x93: {  	v28 =	vsel vm0, v28, v30;
	v18 =	vld [tilespmem:s31+$0x0];
	(erf) = vpow2.f32 v26;
	v26 =	vmul.f32 v16, v2;
	[tilespmem:s7+$0x60] =	vst v35;
	v2 =	vmovc v29;
	(pc) =	sbr.rel @p1 .LBB2_7-.Ltmp2, $4  }
0x94: {  	v35 =	vmul.f32 $2.000000030e-01, v20;
	v22 =	vadd.f32 v22, v25;
	v30 =	vld [tilespmem:s31+$0xA0];
	v39 =	vmul.f32 v16, v33;
	[tilespmem:s7+$0x20] =	vst v28  }
0x95: {  	v31 =	vmul.f32 $1.442695020e+00, v32;
	vm3 =	vge.f32 v20, $0.0e+00;
	v25 =	vld [tilespmem:s31+$0x90];
	v33 =	vmul.f32 v23, v34;
	v29 =	vpop (erf)  }
0x96: {  	v37 =	vmul.f32 v23, v37;
	v32 =	vsel vm3, v20, v35;
	v20 =	vld [tilespmem:s31+$0x10];
	v36 =	vmul.f32 $2.000000030e-01, v22;
	[tilespmem:s7+$0xFFFFFF50] =	vst v39  }
0x97: {  	v34 =	vmul.f32 v16, v38;
	v35 =	vmul.f32 $2.000000030e-01, v17;
	vm3 =	vge.f32 v22, $0.0e+00;
	s31 =	sadd.s32 $0x180, s31;
	v28 =	vld [tilespmem:s4+$0xFFFFFF70]  }
0x98: {  	[tilespmem:s7+$0xFFFFFFE0] =	vst v37  }
0x99: {  	v21 =	vmul.f32 v29, v21;
	[tilespmem:s7+$0xFFFFFFD0] =	vst v33  }
0x9a: {  	v19 =	vmul.f32 v29, v19;
	[tilespmem:s7+$0xFFFFFF40] =	vst v34  }
0x9b: {  	(erf) = vpow2.f32 v31;
	v16 =	vsel vm0, v26, v16;
	[tilespmem:s7+$0xFFFFFFB0] =	vst v21;
	v21 =	vsel vm3, v22, v36  }
0x9c: {  	v3 =	vmul.f32 v29, v3;
	v10 =	vsel vm0, v15, v10;
	v17 =	vsel vm2, v17, v35;
	[tilespmem:s7+$0xFFFFFF60] =	vst v16  }
0x9d: {  	(erf) = vpow2.f32 v24;
	[tilespmem:s7+$0x50] =	vst v10;
	v17 =	vmul.f32 $1.442695020e+00, v17  }
0x9e: {  	v10 =	vmul.f32 $1.442695020e+00, v32;
	v22 =	vsel vm0, v27, v23;
	[tilespmem:s7+$0xFFFFFFA0] =	vst v19;
	v19 =	vmul.f32 $1.442695020e+00, v21;
	v21 =	vpop (erf)  }
0x9f: {  	v3 =	vsel vm0, v3, v29;
	[tilespmem:s7+$0xFFFFFFF0] =	vst v22;
	(erf) = vpow2.f32 v17;
	v15 =	vmul.f32 v21, v30  }
0xa0: {  	[tilespmem:s7+$0xFFFFFFC0] =	vst v3;
	(erf) = vpow2.f32 v19;
	v16 =	vpop (erf);
	v17 =	vmul.f32 v21, v25  }
0xa1: {  	v8 =	vmul.f32 v21, v8;
	v3 =	vmul.f32 v16, v12;
	[tilespmem:s8+$0xA0] =	vst v15  }
0xa2: {  	v12 =	vmul.f32 $2.000000030e-01, v11;
	v15 =	vmul.f32 v16, v28;
	[tilespmem:s8+$0x90] =	vst v17  }
0xa3: {  	v9 =	vmul.f32 v16, v9;
	[tilespmem:s8+$0xFFFFFF80] =	vst v3  }
0xa4: {  	(erf) = vpow2.f32 v10;
	v11 =	vsel vm1, v11, v12;
	v3 =	vsel vm0, v8, v21;
	v10 =	vpop (erf);
	[tilespmem:s8+$0xFFFFFF70] =	vst v15  }
0xa5: {  	v9 =	vsel vm0, v9, v16;
	v8 =	vmul.f32 $1.442695020e+00, v11;
	[tilespmem:s8+$0xB0] =	vst v3;
	v3 =	vmul.f32 v10, v20  }
0xa6: {  	v11 =	vld [tilespmem:s4+$0x70];
	[tilespmem:s8+$0xFFFFFF90] =	vst v9;
	v9 =	vmul.f32 v10, v18;
	v6 =	vmul.f32 v10, v6  }
0xa7: {  	v12 =	vpop (erf);
	[tilespmem:s8+$0x10] =	vst v3  }
0xa8: {  	(erf) = vpow2.f32 v8;
	[tilespmem:s8+$0x0] =	vst v9;
	v9 =	vmul.f32 v12, v13;
	v6 =	vsel vm0, v6, v10  }
0xa9: {  	v15 =	vld [tilespmem:s4+$0x60];
	v3 =	vmul.f32 v12, v14;
	v1 =	vmul.f32 v12, v1;
	[tilespmem:s8+$0x20] =	vst v6;
	v8 =	vpop (erf)  }
0xaa: {  	[tilespmem:s8+$0x30] =	vst v9;
	v9 =	vld [tilespmem:s4+$0xFFFFFFD0];
	v13 =	vpop (erf)  }
0xab: {  	v14 =	vld [tilespmem:s4+$0xFFFFFF50];
	[tilespmem:s8+$0x40] =	vst v3;
	v1 =	vsel vm0, v1, v12;
	v3 =	vmul.f32 v13, v11;
	v4 =	vmul.f32 v13, v4  }
0xac: {  	v2 =	vmul.f32 v8, v2;
	[tilespmem:s8+$0x50] =	vst v1;
	v11 =	vld [tilespmem:s4+$0xFFFFFFE0]  }
0xad: {  	v16 =	vld [tilespmem:s4+$0xFFFFFFB0];
	[tilespmem:s8+$0x70] =	vst v3;
	v4 =	vsel vm0, v4, v13  }
0xae: {  	v2 =	vsel vm0, v2, v8;
	v3 =	vmul.f32 v13, v15;
	v15 =	vpop (erf);
	[tilespmem:s8+$0x80] =	vst v4;
	v4 =	vld [tilespmem:s4+$0xFFFFFFA0]  }
0xaf: {  	v13 =	vld [tilespmem:s4+$0xFFFFFF40];
	[tilespmem:s8+$0xFFFFFF60] =	vst v2;
	v9 =	vmul.f32 v15, v9  }
0xb0: {  	[tilespmem:s8+$0x60] =	vst v3;
	v3 =	vmul.f32 v8, v14  }
0xb1: {  	v6 =	vmul.f32 v15, v11;
	v10 =	vpop (erf);
	[tilespmem:s8+$0xFFFFFFD0] =	vst v9  }
0xb2: {  	[tilespmem:s8+$0xFFFFFF50] =	vst v3;
	v3 =	vmul.f32 v10, v16  }
0xb3: {  	[tilespmem:s8+$0xFFFFFFE0] =	vst v6;
	v4 =	vmul.f32 v10, v4  }
0xb4: {  	v5 =	vmul.f32 v15, v5;
	v6 =	vmul.f32 v8, v13;
	[tilespmem:s8+$0xFFFFFFB0] =	vst v3  }
0xb5: {  	[tilespmem:s8+$0xFFFFFFA0] =	vst v4;
	v4 =	vmul.f32 v10, v7  }
0xb6: {  	v3 =	vsel vm0, v5, v15;
	[tilespmem:s8+$0xFFFFFF40] =	vst v6  }
0xb7: {  	[tilespmem:s8+$0xFFFFFFF0] =	vst v3;
	v2 =	vsel vm0, v4, v10  }
0xb8: {  	s4 =	simm.s32 @!p0 $0x6;
	[tilespmem:s8+$0xFFFFFFC0] =	vst v2;
	s8 =	sadd.s32 $0x2710, s0  }
0xb9: {  	[spmem:s3] =	stream.indirect.scatter.add.f32 [tilespmem:s22], [sflag:$0x5], $0x30, s8, s21, $0xb8;
	[tilespmem:$0x155A0] =	vst v63  }
0xba: {  	_ =	swait.ge @!p0 [sflag:s4], $0x1200  }
0xbb: {  	[sflag:s4] =	ssyncset.done @!p0 $0x0  }
0xbc: {  	s9 =	simm.s32 $0x6310;
	[sflag:s4] =	ssyncadd.s32 @!p0 $0xFFFFEE00  }
0xbd: {  	s25 =	simm.s32 $0x7A90;
	v14 =	vld [tilespmem:s9+$0xFFFFFFA0]  }
0xbe: {  	v1 =	vld [tilespmem:s25+$0xFFFFFF90]  }
0xbf: {  	v2 =	vld [tilespmem:s25+$0xFFFFFFF0]  }
0xc0: {  	v4 =	vld [tilespmem:s25+$0xFFFFFFD0]  }
0xc1: {  	v5 =	vld [tilespmem:s9+$0x0]  }
0xc2: {  	v6 =	vld [tilespmem:s25+$0xFFFFFFE0]  }
0xc3: {  	v7 =	vld [tilespmem:s9+$0xFFFFFEE0]  }
0xc4: {  	v3 =	vld [tilespmem:s25+$0x0]  }
0xc5: {  	v8 =	vld [tilespmem:s25+$0xFFFFFFA0]  }
0xc6: {  	v13 =	vld [tilespmem:s9+$0xFFFFFFD0]  }
0xc7: {  	v10 =	vld [tilespmem:s9+$0xFFFFFF70]  }
0xc8: {  	v20 =	vld [tilespmem:s9+$0xFFFFFEB0];
	v9 =	vbroadcast v5, $0x8;
	v11 =	vbroadcast v7, $0x8  }
0xc9: {  	v12 =	vld [tilespmem:s25+$0xFFFFFFB0]  }
0xca: {  	v18 =	vld [tilespmem:s9+$0xFFFFFF40];
	v9 =	vadd.f32 v3, v9;
	v8 =	vadd.f32 v8, v11;
	v11 =	vbroadcast v14, $0x8  }
0xcb: {  	v3 =	vld [tilespmem:s9+$0xFFFFFF10]  }
0xcc: {  	v16 =	vld [tilespmem:s9+$0xFFFFFED0];
	v15 =	vmul.f32 $2.000000030e-01, v9;
	v6 =	vadd.f32 v6, v11;
	v11 =	vbroadcast v10, $0x8  }
0xcd: {  	v21 =	vld [tilespmem:s9+$0xFFFFFF80];
	vm1 =	vge.f32 v9, $0.0e+00;
	v17 =	vmul.f32 $2.000000030e-01, v8  }
0xce: {  	v9 =	vsel vm1, v9, v15;
	v15 =	vld [tilespmem:s25+$0xFFFFFFC0];
	vm1 =	vge.f32 v8, $0.0e+00;
	v4 =	vadd.f32 v4, v11  }
0xcf: {  	v19 =	vld [tilespmem:s9+$0xFFFFFF90];
	v11 =	vbroadcast v18, $0x8;
	v9 =	vmul.f32 $1.442695020e+00, v9;
	v8 =	vsel vm1, v8, v17  }
0xd0: {  	v22 =	vld [tilespmem:s9+$0xFFFFFFF0];
	v23 =	vbroadcast v3, $0x8;
	v8 =	vmul.f32 $1.442695020e+00, v8  }
0xd1: {  	v24 =	vld [tilespmem:s9+$0xFFFFFFE0];
	v25 =	vmul.f32 $2.000000030e-01, v4;
	vm2 =	vge.f32 v4, $0.0e+00;
	(erf) = vpow2.f32 v9  }
0xd2: {  	s6 =	simm.s32 $0x7B10;
	v26 =	vld [tilespmem:s9+$0xFFFFFEC0];
	v9 =	vbroadcast v20, $0x8;
	v12 =	vadd.f32 v12, v23;
	(erf) = vpow2.f32 v8  }
0xd3: {  	v28 =	vld [tilespmem:s6+$0xFFFFFFF0];
	v4 =	vsel vm2, v4, v25;
	v8 =	vadd.f32 v15, v11;
	v11 =	vbroadcast v13, $0x8  }
0xd4: {  	v31 =	vld [tilespmem:s6+$0xFFFFFFD0];
	v9 =	vadd.f32 v1, v9;
	v1 =	vmul.f32 $2.000000030e-01, v6;
	v4 =	vmul.f32 $1.442695020e+00, v4  }
0xd5: {  	s4 =	simm.s32 $0x6490;
	v49 =	vld [tilespmem:s6+$0xFFFFFFB0];
	vm1 =	vge.f32 v6, $0.0e+00;
	v46 =	vmul.f32 $2.000000030e-01, v12;
	v2 =	vadd.f32 v2, v11  }
0xd6: {  	v6 =	vsel vm1, v6, v1;
	v27 =	vmul.f32 $2.000000030e-01, v8;
	v1 =	vld [tilespmem:s4+$0xFFFFFFA0];
	(erf) = vpow2.f32 v4  }
0xd7: {  	v53 =	vld [tilespmem:s6+$0xFFFFFFA0];
	vm1 =	vge.f32 v8, $0.0e+00;
	v6 =	vmul.f32 $1.442695020e+00, v6;
	v25 =	vmul.f32 $2.000000030e-01, v2  }
0xd8: {  	v17 =	vld [tilespmem:s9+$0xFFFFFF50];
	v8 =	vsel vm1, v8, v27;
	v27 =	vmul.f32 $2.000000030e-01, v9;
	vm1 =	vge.f32 v2, $0.0e+00  }
0xd9: {  	v15 =	vld [tilespmem:s9+$0xFFFFFF60];
	vm3 =	vge.f32 v9, $0.0e+00;
	v29 =	vmul.f32 $1.442695020e+00, v8;
	v2 =	vsel vm1, v2, v25  }
0xda: {  	(erf) = vpow2.f32 v6;
	v4 =	vsel vm3, v9, v27;
	v25 =	vld [tilespmem:s6+$0xFFFFFFE0];
	v9 =	vmul.f32 $1.442695020e+00, v2  }
0xdb: {  	v6 =	vld [tilespmem:s4+$0xFFFFFF70];
	vm1 =	vge.f32 v12, $0.0e+00;
	v30 =	vpop (erf);
	v23 =	vmul.f32 $1.442695020e+00, v4;
	v45 =	vbroadcast v1, $0x8  }
0xdc: {  	v8 =	vld [tilespmem:s4+$0x0];
	v12 =	vsel vm1, v12, v46;
	v5 =	vmul.f32 v30, v5;
	v22 =	vmul.f32 v30, v22;
	v27 =	vpop (erf)  }
0xdd: {  	v2 =	vld [tilespmem:s4+$0xFFFFFEB0];
	v48 =	vmul.f32 $1.442695020e+00, v12;
	v16 =	vmul.f32 v27, v16  }
0xde: {  	v26 =	vmul.f32 v27, v26;
	v47 =	vmul.f32 v27, v7;
	v7 =	vld [tilespmem:s4+$0xFFFFFF10]  }
0xdf: {  	(erf) = vpow2.f32 v23;
	v23 =	vmul.f32 v30, v24;
	v24 =	vadd.f32 v25, v45;
	v25 =	vld [tilespmem:s6+$0x0]  }
0xe0: {  	v11 =	vld [tilespmem:s6+$0xFFFFFF90];
	v30 =	vsel vm0, v5, v30;
	(erf) = vpow2.f32 v9;
	v12 =	vbroadcast v6, $0x8  }
0xe1: {  	v9 =	vld [tilespmem:s4+$0xFFFFFEE0];
	v51 =	vbroadcast v8, $0x8;
	(erf) = vpow2.f32 v29;
	v29 =	vpop (erf);
	v27 =	vsel vm0, v47, v27  }
0xe2: {  	v40 =	vld [tilespmem:s9+$0xFFFFFFC0];
	v50 =	vbroadcast v2, $0x8;
	v52 =	vmul.f32 v29, v10;
	v31 =	vadd.f32 v31, v12  }
0xe3: {  	v42 =	vld [tilespmem:s9+$0xFFFFFE90];
	v38 =	vmul.f32 v29, v15;
	v39 =	vmul.f32 v29, v17;
	vm3 =	vge.f32 v24, $0.0e+00  }
0xe4: {  	v58 =	vld [tilespmem:s9+$0xFFFFFF30];
	v10 =	vpop (erf);
	v15 =	vbroadcast v7, $0x8;
	v54 =	vmul.f32 $2.000000030e-01, v31;
	v25 =	vadd.f32 v25, v51  }
0xe5: {  	s7 =	simm.s32 $0xC660;
	v59 =	vld [tilespmem:s9+$0xFFFFFEA0];
	v17 =	vadd.f32 v11, v50;
	(erf) = vpow2.f32 v48;
	v55 =	vmul.f32 v10, v19  }
0xe6: {  	v60 =	vld [tilespmem:s9+$0xFFFFFF20];
	[tilespmem:s7+$0xA0] =	vst v22;
	vm2 =	vge.f32 v31, $0.0e+00;
	v22 =	vbroadcast v9, $0x8;
	v56 =	vmul.f32 $2.000000030e-01, v25  }
0xe7: {  	v5 =	vld [tilespmem:s4+$0xFFFFFF40];
	[tilespmem:s7+$0x90] =	vst v23;
	v11 =	vadd.f32 v49, v15;
	v15 =	vmul.f32 v10, v14;
	vm1 =	vge.f32 v25, $0.0e+00  }
0xe8: {  	[tilespmem:s7+$0xFFFFFF80] =	vst v16;
	v14 =	vadd.f32 v53, v22;
	v22 =	vld [tilespmem:s9+$0xFFFFFFB0];
	v23 =	vsel vm1, v25, v56;
	v25 =	vmul.f32 $2.000000030e-01, v24  }
0xe9: {  	[tilespmem:s7+$0xB0] =	vst v30;
	v30 =	vld [tilespmem:s6+$0xFFFFFFC0];
	v41 =	vmul.f32 v10, v21;
	v31 =	vsel vm2, v31, v54;
	v35 =	vmul.f32 $2.000000030e-01, v17;
	v16 =	vpop (erf)  }
0xea: {  	v4 =	vld [tilespmem:s4+$0xFFFFFFD0];
	[tilespmem:s7+$0xFFFFFF70] =	vst v26;
	v26 =	vpop (erf);
	v23 =	vmul.f32 $1.442695020e+00, v23;
	v24 =	vsel vm3, v24, v25;
	v25 =	vmul.f32 $2.000000030e-01, v14  }
0xeb: {  	v12 =	vld [tilespmem:s4+$0xFFFFFED0];
	[tilespmem:s7+$0xFFFFFF90] =	vst v27;
	v57 =	vmul.f32 v26, v40;
	v13 =	vmul.f32 v26, v13;
	vm3 =	vge.f32 v14, $0.0e+00  }
0xec: {  	[tilespmem:s7+$0x10] =	vst v38;
	v19 =	vld [tilespmem:s9+$0xFFFFFEF0];
	(erf) = vpow2.f32 v23;
	v14 =	vsel vm3, v14, v25;
	v25 =	vbroadcast v5, $0x8  }
0xed: {  	[tilespmem:s7+$0x0] =	vst v39;
	v21 =	vld [tilespmem:s9+$0xFFFFFF00];
	v61 =	vmul.f32 v26, v22;
	v62 =	vsel vm0, v13, v26;
	v26 =	vmul.f32 v16, v20  }
0xee: {  	[tilespmem:s7+$0x40] =	vst v55;
	v13 =	vld [tilespmem:s4+$0xFFFFFF80];
	v20 =	vsel vm0, v52, v29;
	v22 =	vmul.f32 $1.442695020e+00, v14;
	v63 =	vadd.f32 v30, v25  }
0xef: {  	v31 =	vmul.f32 $1.442695020e+00, v31;
	[tilespmem:s7+$0x20] =	vst v20;
	v20 =	vld [tilespmem:s4+$0xFFFFFF60];
	v25 =	vbroadcast v4, $0x8  }
0xf0: {  	vm2 =	vge.f32 v17, $0.0e+00;
	[tilespmem:s7+$0x30] =	vst v41;
	v23 =	vpop (erf);
	v14 =	vld [tilespmem:s4+$0xFFFFFF90];
	(erf) = vpow2.f32 v22;
	v29 =	vmul.f32 $2.000000030e-01, v63  }
0xf1: {  	v34 =	vmul.f32 v16, v42;
	[tilespmem:s7+$0x70] =	vst v57;
	v27 =	vmul.f32 v23, v18;
	v18 =	vld [tilespmem:s4+$0xFFFFFF50];
	v22 =	vadd.f32 v28, v25  }
0xf2: {  	vm1 =	vge.f32 v11, $0.0e+00;
	v24 =	vmul.f32 $1.442695020e+00, v24;
	[tilespmem:s7+$0x80] =	vst v62;
	v30 =	vld [tilespmem:s4+$0xFFFFFFF0];
	v28 =	vmul.f32 v16, v59  }
0xf3: {  	s31 =	simm.s32 $0x6610;
	[tilespmem:s7+$0x60] =	vst v61;
	v37 =	vmul.f32 v23, v58;
	vm3 =	vge.f32 v63, $0.0e+00;
	v25 =	vld [tilespmem:s4+$0xFFFFFFE0];
	v36 =	vmul.f32 $2.000000030e-01, v22  }
0xf4: {  	s8 =	simm.s32 $0xC7E0;
	s25 =	simm.s32 $0xC7E0;
	s9 =	simm.s32 $0x8;
	v33 =	vmul.f32 v23, v60;
	v32 =	vsel vm3, v63, v29;
	[tilespmem:s7+$0xFFFFFF50] =	vst v28;
	v28 =	vld [tilespmem:s4+$0xFFFFFEC0];
	vm3 =	vge.f32 v22, $0.0e+00;
	v29 =	vpop (erf)  }
.LBB2_9:
0xf5: {  	v38 =	vld [tilespmem:s31+$0xFFFFFFA0];
	s9 =	sadd.s32 $0x8, s9;
	v32 =	vmul.f32 $1.442695020e+00, v32;
	v36 =	vsel vm3, v22, v36;
	s25 =	sadd.s32 $0x180, s25;
	s6 =	sadd.s32 $0x80, s6;
	v39 =	vpop (erf);
	v21 =	vmul.f32 v29, v21;
	[tilespmem:s7+$0xFFFFFFE0] =	vst v37  }
0xf6: {  	v19 =	vmul.f32 v29, v19;
	v37 =	vld [tilespmem:s6+$0xFFFFFF90];
	p0 =	slt.u32 s9, $0x58;
	v17 =	vsel vm2, v17, v35;
	v8 =	vmul.f32 v39, v8;
	[tilespmem:s7+$0xFFFFFFD0] =	vst v33  }
0xf7: {  	v23 =	vsel vm0, v27, v23;
	v30 =	vmul.f32 v39, v30;
	v22 =	vld [tilespmem:s6+$0xFFFFFFF0];
	[tilespmem:s7+$0xFFFFFFB0] =	vst v21;
	v21 =	vmul.f32 v29, v3  }
0xf8: {  	v33 =	vmul.f32 $1.442695020e+00, v36;
	v3 =	vmovc v7;
	v27 =	vld [tilespmem:s6+$0xFFFFFFD0];
	v35 =	vsel vm0, v8, v39;
	(erf) = vpow2.f32 v31;
	[tilespmem:s7+$0xFFFFFF40] =	vst v34  }
0xf9: {  	v16 =	vsel vm0, v26, v16;
	v7 =	vmul.f32 $1.442695020e+00, v17;
	v8 =	vld [tilespmem:s31+$0x0];
	v17 =	vpop (erf);
	(erf) = vpow2.f32 v24;
	[tilespmem:s7+$0xFFFFFFA0] =	vst v19  }
0xfa: {  	v21 =	vsel vm0, v21, v29;
	v19 =	vld [tilespmem:s6+$0xFFFFFFE0];
	v24 =	vbroadcast v38, $0x8;
	v12 =	vmul.f32 v17, v12;
	[tilespmem:s7+$0xFFFFFFF0] =	vst v23  }
0xfb: {  	v23 =	vmul.f32 v17, v28;
	v28 =	vmul.f32 v17, v9;
	v9 =	vsel vm0, v15, v10;
	v26 =	vld [tilespmem:s31+$0xFFFFFFD0];
	[tilespmem:s7+$0xFFFFFF60] =	vst v16  }
0xfc: {  	v10 =	vmul.f32 $2.000000030e-01, v11;
	v15 =	vld [tilespmem:s31+$0xFFFFFF70];
	(erf) = vpow2.f32 v7;
	[tilespmem:s7+$0x50] =	vst v9  }
0xfd: {  	v9 =	vmul.f32 v39, v25;
	v29 =	vld [tilespmem:s31+$0xFFFFFEB0];
	(erf) = vpow2.f32 v33;
	[tilespmem:s7+$0xFFFFFFC0] =	vst v21;
	s7 =	smov.u32 s8;
	s8 =	smov.u32 s25  }
0xfe: {  	v10 =	vsel vm1, v11, v10;
	v7 =	vld [tilespmem:s31+$0xFFFFFF10];
	[tilespmem:s7+$0xA0] =	vst v30  }
0xff: {  	v24 =	vadd.f32 v19, v24;
	v11 =	vld [tilespmem:s6+$0x0];
	[tilespmem:s7+$0x90] =	vst v9  }
0x100: {  	v25 =	vmul.f32 $1.442695020e+00, v10;
	v9 =	vld [tilespmem:s31+$0xFFFFFEE0];
	[tilespmem:s7+$0xFFFFFF80] =	vst v12  }
0x101: {  	v19 =	vld [tilespmem:s6+$0xFFFFFFB0];
	v12 =	vbroadcast v15, $0x8;
	vm3 =	vge.f32 v24, $0.0e+00;
	[tilespmem:s7+$0xFFFFFF70] =	vst v23;
	(erf) = vpow2.f32 v32;
	v30 =	vpop (erf)  }
0x102: {  	v17 =	vsel vm0, v28, v17;
	v34 =	vbroadcast v29, $0x8;
	v31 =	vld [tilespmem:s31+$0xFFFFFF40];
	v28 =	vmul.f32 v30, v6;
	[tilespmem:s7+$0xB0] =	vst v35;
	v10 =	vpop (erf)  }
0x103: {  	v21 =	vbroadcast v8, $0x8;
	v20 =	vmul.f32 v30, v20;
	v6 =	vmovc v15;
	v23 =	vld [tilespmem:s6+$0xFFFFFFA0];
	v27 =	vadd.f32 v27, v12;
	[tilespmem:s7+$0xFFFFFF90] =	vst v17  }
0x104: {  	v35 =	vmul.f32 v30, v18;
	v15 =	vbroadcast v7, $0x8;
	v17 =	vadd.f32 v37, v34;
	v12 =	vld [tilespmem:s31+$0xFFFFFED0]  }
0x105: {  	v14 =	vmul.f32 v10, v14;
	v33 =	vadd.f32 v11, v21;
	v32 =	vmul.f32 $2.000000030e-01, v27;
	[tilespmem:s7+$0x10] =	vst v20;
	v20 =	vld [tilespmem:s4+$0xFFFFFFC0];
	v16 =	vpop (erf)  }
0x106: {  	v13 =	vmul.f32 v10, v13;
	v34 =	vbroadcast v9, $0x8;
	v11 =	vadd.f32 v19, v15;
	v19 =	vld [tilespmem:s4+$0xFFFFFEF0];
	[tilespmem:s7+$0x0] =	vst v35;
	v18 =	vpop (erf)  }
0x107: {  	vm4 =	vge.f32 v27, $0.0e+00;
	v35 =	vmul.f32 $2.000000030e-01, v33;
	v15 =	vmul.f32 v10, v1;
	v1 =	vmovc v38;
	v21 =	vld [tilespmem:s4+$0xFFFFFF00];
	[tilespmem:s7+$0x40] =	vst v14  }
0x108: {  	vm2 =	vge.f32 v33, $0.0e+00;
	v14 =	vadd.f32 v23, v34;
	v34 =	vmul.f32 $2.000000030e-01, v24;
	[tilespmem:s7+$0x30] =	vst v13;
	v13 =	vld [tilespmem:s4+$0xFFFFFFB0]  }
0x109: {  	vm1 =	vge.f32 v11, $0.0e+00;
	v35 =	vsel vm2, v33, v35;
	v38 =	vld [tilespmem:s4+$0xFFFFFE90];
	(erf) = vpow2.f32 v25  }
0x10a: {  	vm2 =	vge.f32 v17, $0.0e+00;
	v33 =	vmul.f32 $1.442695020e+00, v35;
	v25 =	vld [tilespmem:s6+$0xFFFFFFC0];
	v20 =	vmul.f32 v18, v20;
	v23 =	vpop (erf)  }
0x10b: {  	v32 =	vsel vm4, v27, v32;
	v27 =	vmul.f32 v18, v4;
	v4 =	vmovc v26;
	v35 =	vmul.f32 $2.000000030e-01, v14;
	v37 =	vld [tilespmem:s4+$0xFFFFFF30]  }
0x10c: {  	vm4 =	vge.f32 v14, $0.0e+00;
	v24 =	vsel vm3, v24, v34;
	(erf) = vpow2.f32 v33;
	v33 =	vld [tilespmem:s4+$0xFFFFFEA0];
	[tilespmem:s7+$0x70] =	vst v20  }
0x10d: {  	v14 =	vsel vm4, v14, v35;
	v20 =	vbroadcast v31, $0x8;
	v34 =	vld [tilespmem:s4+$0xFFFFFF20];
	v35 =	vmul.f32 v18, v13;
	s4 =	smov.u32 s31  }
0x10e: {  	v24 =	vmul.f32 $1.442695020e+00, v24;
	v26 =	vmul.f32 $1.442695020e+00, v14;
	v18 =	vsel vm0, v27, v18;
	v13 =	vld [tilespmem:s31+$0xFFFFFF80]  }
0x10f: {  	v27 =	vmul.f32 v23, v5;
	v5 =	vmovc v31;
	v20 =	vadd.f32 v25, v20;
	v14 =	vld [tilespmem:s31+$0xFFFFFF90];
	v25 =	vbroadcast v4, $0x8;
	[tilespmem:s7+$0x80] =	vst v18  }
.Ltmp3:
0x110: {  	v28 =	vsel vm0, v28, v30;
	v18 =	vld [tilespmem:s31+$0xFFFFFF50];
	(erf) = vpow2.f32 v26;
	v26 =	vmul.f32 v16, v2;
	[tilespmem:s7+$0x60] =	vst v35;
	v2 =	vmovc v29;
	(pc) =	sbr.rel @p0 .LBB2_9-.Ltmp3, $4  }
0x111: {  	v35 =	vmul.f32 $2.000000030e-01, v20;
	v22 =	vadd.f32 v22, v25;
	v30 =	vld [tilespmem:s31+$0xFFFFFFF0];
	v39 =	vmul.f32 v16, v33;
	[tilespmem:s7+$0x20] =	vst v28  }
0x112: {  	v31 =	vmul.f32 $1.442695020e+00, v32;
	vm3 =	vge.f32 v20, $0.0e+00;
	v25 =	vld [tilespmem:s31+$0xFFFFFFE0];
	v33 =	vmul.f32 v23, v34;
	v29 =	vpop (erf)  }
0x113: {  	v37 =	vmul.f32 v23, v37;
	v32 =	vsel vm3, v20, v35;
	v20 =	vld [tilespmem:s31+$0xFFFFFF60];
	v36 =	vmul.f32 $2.000000030e-01, v22;
	[tilespmem:s7+$0xFFFFFF50] =	vst v39  }
0x114: {  	v34 =	vmul.f32 v16, v38;
	v35 =	vmul.f32 $2.000000030e-01, v17;
	vm3 =	vge.f32 v22, $0.0e+00;
	s31 =	sadd.s32 $0x180, s31;
	v28 =	vld [tilespmem:s4+$0xFFFFFEC0]  }
0x115: {  	[tilespmem:s7+$0xFFFFFFE0] =	vst v37  }
0x116: {  	v21 =	vmul.f32 v29, v21;
	[tilespmem:s7+$0xFFFFFFD0] =	vst v33  }
0x117: {  	v19 =	vmul.f32 v29, v19;
	[tilespmem:s7+$0xFFFFFF40] =	vst v34  }
0x118: {  	(erf) = vpow2.f32 v31;
	v16 =	vsel vm0, v26, v16;
	[tilespmem:s7+$0xFFFFFFB0] =	vst v21;
	v21 =	vsel vm3, v22, v36  }
0x119: {  	v3 =	vmul.f32 v29, v3;
	v10 =	vsel vm0, v15, v10;
	v17 =	vsel vm2, v17, v35;
	[tilespmem:s7+$0xFFFFFF60] =	vst v16  }
0x11a: {  	(erf) = vpow2.f32 v24;
	[tilespmem:s7+$0x50] =	vst v10;
	v17 =	vmul.f32 $1.442695020e+00, v17  }
0x11b: {  	v10 =	vmul.f32 $1.442695020e+00, v32;
	v22 =	vsel vm0, v27, v23;
	[tilespmem:s7+$0xFFFFFFA0] =	vst v19;
	v19 =	vmul.f32 $1.442695020e+00, v21;
	v21 =	vpop (erf)  }
0x11c: {  	v3 =	vsel vm0, v3, v29;
	[tilespmem:s7+$0xFFFFFFF0] =	vst v22;
	(erf) = vpow2.f32 v17;
	v15 =	vmul.f32 v21, v30  }
0x11d: {  	[tilespmem:s7+$0xFFFFFFC0] =	vst v3;
	(erf) = vpow2.f32 v19;
	v16 =	vpop (erf);
	v17 =	vmul.f32 v21, v25  }
0x11e: {  	v8 =	vmul.f32 v21, v8;
	v3 =	vmul.f32 v16, v12;
	[tilespmem:s8+$0xA0] =	vst v15  }
0x11f: {  	v12 =	vmul.f32 $2.000000030e-01, v11;
	v15 =	vmul.f32 v16, v28;
	[tilespmem:s8+$0x90] =	vst v17  }
0x120: {  	v9 =	vmul.f32 v16, v9;
	[tilespmem:s8+$0xFFFFFF80] =	vst v3  }
0x121: {  	(erf) = vpow2.f32 v10;
	v11 =	vsel vm1, v11, v12;
	v3 =	vsel vm0, v8, v21;
	v10 =	vpop (erf);
	[tilespmem:s8+$0xFFFFFF70] =	vst v15  }
0x122: {  	v9 =	vsel vm0, v9, v16;
	v8 =	vmul.f32 $1.442695020e+00, v11;
	[tilespmem:s8+$0xB0] =	vst v3;
	v3 =	vmul.f32 v10, v20  }
0x123: {  	v11 =	vld [tilespmem:s4+$0xFFFFFFC0];
	[tilespmem:s8+$0xFFFFFF90] =	vst v9;
	v9 =	vmul.f32 v10, v18;
	v6 =	vmul.f32 v10, v6  }
0x124: {  	v12 =	vpop (erf);
	[tilespmem:s8+$0x10] =	vst v3  }
0x125: {  	(erf) = vpow2.f32 v8;
	[tilespmem:s8+$0x0] =	vst v9;
	v9 =	vmul.f32 v12, v13;
	v6 =	vsel vm0, v6, v10  }
0x126: {  	v15 =	vld [tilespmem:s4+$0xFFFFFFB0];
	v3 =	vmul.f32 v12, v14;
	v1 =	vmul.f32 v12, v1;
	[tilespmem:s8+$0x20] =	vst v6;
	v8 =	vpop (erf)  }
0x127: {  	[tilespmem:s8+$0x30] =	vst v9;
	v9 =	vld [tilespmem:s4+$0xFFFFFF20];
	v13 =	vpop (erf)  }
0x128: {  	v14 =	vld [tilespmem:s4+$0xFFFFFEA0];
	[tilespmem:s8+$0x40] =	vst v3;
	v1 =	vsel vm0, v1, v12;
	v3 =	vmul.f32 v13, v11;
	v4 =	vmul.f32 v13, v4  }
0x129: {  	v2 =	vmul.f32 v8, v2;
	[tilespmem:s8+$0x50] =	vst v1;
	v11 =	vld [tilespmem:s4+$0xFFFFFF30]  }
0x12a: {  	v16 =	vld [tilespmem:s4+$0xFFFFFF00];
	[tilespmem:s8+$0x70] =	vst v3;
	v4 =	vsel vm0, v4, v13  }
0x12b: {  	v2 =	vsel vm0, v2, v8;
	v3 =	vmul.f32 v13, v15;
	v15 =	vpop (erf);
	[tilespmem:s8+$0x80] =	vst v4;
	v4 =	vld [tilespmem:s4+$0xFFFFFEF0]  }
0x12c: {  	v13 =	vld [tilespmem:s4+$0xFFFFFE90];
	[tilespmem:s8+$0xFFFFFF60] =	vst v2;
	v9 =	vmul.f32 v15, v9  }
0x12d: {  	[tilespmem:s8+$0x60] =	vst v3;
	v3 =	vmul.f32 v8, v14  }
0x12e: {  	v6 =	vmul.f32 v15, v11;
	v10 =	vpop (erf);
	[tilespmem:s8+$0xFFFFFFD0] =	vst v9  }
0x12f: {  	[tilespmem:s8+$0xFFFFFF50] =	vst v3;
	v3 =	vmul.f32 v10, v16  }
0x130: {  	[tilespmem:s8+$0xFFFFFFE0] =	vst v6;
	v4 =	vmul.f32 v10, v4  }
0x131: {  	v5 =	vmul.f32 v15, v5;
	v6 =	vmul.f32 v8, v13;
	[tilespmem:s8+$0xFFFFFFB0] =	vst v3  }
0x132: {  	[tilespmem:s8+$0xFFFFFFA0] =	vst v4;
	v4 =	vmul.f32 v10, v7  }
0x133: {  	v3 =	vsel vm0, v5, v15;
	[tilespmem:s8+$0xFFFFFF40] =	vst v6  }
0x134: {  	[tilespmem:s8+$0xFFFFFFF0] =	vst v3;
	v2 =	vsel vm0, v4, v10  }
0x135: {  	p0 =	seq.s32 s1, $0x18;
	s4 =	sadd.s32 $0x190, s0;
	[tilespmem:s8+$0xFFFFFFC0] =	vst v2;
	s8 =	sadd.s32 $0x2778, s0  }
0x136: {  	[spmem:s3] =	stream.indirect.scatter.add.f32 [tilespmem:s24], [sflag:$0x6], $0x30, s8, s23, $0xb8;
	[tilespmem:$0x155A0] =	vst v63  }
0x137: {  	s4 =	simm.s32 @p0 $0x0  }
0x138: {  	[tilespmem:s15], [sflag:$0x1] =	stream.indirect.gather [hbm4b:s5+s14], $0x30, s4, s14, $0xb8;
	[tilespmem:$0x155A0] =	vst v63  }
0x139: {  	s4 =	sadd.s32 $0x2710, s4  }
0x13a: {  	[tilespmem:s16], [sflag:$0x2] =	stream.indirect.gather [hbm4b:s2+s14], $0x10, s4, s14, $0xb8;
	[tilespmem:$0x155A0] =	vst v63  }
0x13b: {  	_ =	swait.ge [sflag:s26], $0x2580  }
0x13c: {  	[sflag:s26] =	ssyncset.done $0x0  }
0x13d: {  	[sflag:s26] =	ssyncadd.s32 $0xFFFFDA80  }
0x13e: {  	_ =	swait.ge [sflag:s28], $0xC80  }
0x13f: {  	[sflag:s28] =	ssyncset.done $0x0  }
0x140: {  	[sflag:s28] =	ssyncadd.s32 $0xFFFFF380  }
0x141: {  	_ =	swait.ge [sflag:s29], $0x1380  }
0x142: {  	[sflag:s29] =	ssyncset.done $0x0  }
0x143: {  	s9 =	simm.s32 $0x80E0;
	[sflag:s29] =	ssyncadd.s32 $0xFFFFEC80  }
0x144: {  	s25 =	simm.s32 $0xA5E0;
	v14 =	vld [tilespmem:s9+$0x50]  }
0x145: {  	v1 =	vld [tilespmem:s25+$0xFFFFFFC0]  }
0x146: {  	v2 =	vld [tilespmem:s25+$0x20]  }
0x147: {  	v4 =	vld [tilespmem:s25+$0x0]  }
0x148: {  	v5 =	vld [tilespmem:s9+$0xB0]  }
0x149: {  	v6 =	vld [tilespmem:s25+$0x10]  }
0x14a: {  	v7 =	vld [tilespmem:s9+$0xFFFFFF90]  }
0x14b: {  	v3 =	vld [tilespmem:s25+$0x30]  }
0x14c: {  	v8 =	vld [tilespmem:s25+$0xFFFFFFD0]  }
0x14d: {  	v13 =	vld [tilespmem:s9+$0x80]  }
0x14e: {  	v10 =	vld [tilespmem:s9+$0x20]  }
0x14f: {  	v20 =	vld [tilespmem:s9+$0xFFFFFF60];
	v9 =	vbroadcast v5, $0x8;
	v11 =	vbroadcast v7, $0x8  }
0x150: {  	v12 =	vld [tilespmem:s25+$0xFFFFFFE0]  }
0x151: {  	v18 =	vld [tilespmem:s9+$0xFFFFFFF0];
	v9 =	vadd.f32 v3, v9;
	v8 =	vadd.f32 v8, v11;
	v11 =	vbroadcast v14, $0x8  }
0x152: {  	v3 =	vld [tilespmem:s9+$0xFFFFFFC0]  }
0x153: {  	v16 =	vld [tilespmem:s9+$0xFFFFFF80];
	v15 =	vmul.f32 $2.000000030e-01, v9;
	v6 =	vadd.f32 v6, v11;
	v11 =	vbroadcast v10, $0x8  }
0x154: {  	v21 =	vld [tilespmem:s9+$0x30];
	vm1 =	vge.f32 v9, $0.0e+00;
	v17 =	vmul.f32 $2.000000030e-01, v8  }
0x155: {  	v9 =	vsel vm1, v9, v15;
	v15 =	vld [tilespmem:s25+$0xFFFFFFF0];
	vm1 =	vge.f32 v8, $0.0e+00;
	v4 =	vadd.f32 v4, v11  }
0x156: {  	v19 =	vld [tilespmem:s9+$0x40];
	v11 =	vbroadcast v18, $0x8;
	v9 =	vmul.f32 $1.442695020e+00, v9;
	v8 =	vsel vm1, v8, v17  }
0x157: {  	v22 =	vld [tilespmem:s9+$0xA0];
	v23 =	vbroadcast v3, $0x8;
	v8 =	vmul.f32 $1.442695020e+00, v8  }
0x158: {  	v24 =	vld [tilespmem:s9+$0x90];
	v25 =	vmul.f32 $2.000000030e-01, v4;
	vm2 =	vge.f32 v4, $0.0e+00;
	(erf) = vpow2.f32 v9  }
0x159: {  	s6 =	simm.s32 $0xA660;
	v26 =	vld [tilespmem:s9+$0xFFFFFF70];
	v9 =	vbroadcast v20, $0x8;
	v12 =	vadd.f32 v12, v23;
	(erf) = vpow2.f32 v8  }
0x15a: {  	v28 =	vld [tilespmem:s6+$0x20];
	v4 =	vsel vm2, v4, v25;
	v8 =	vadd.f32 v15, v11;
	v11 =	vbroadcast v13, $0x8  }
0x15b: {  	v31 =	vld [tilespmem:s6+$0x0];
	v9 =	vadd.f32 v1, v9;
	v1 =	vmul.f32 $2.000000030e-01, v6;
	v4 =	vmul.f32 $1.442695020e+00, v4  }
0x15c: {  	s4 =	simm.s32 $0x8260;
	v49 =	vld [tilespmem:s6+$0xFFFFFFE0];
	vm1 =	vge.f32 v6, $0.0e+00;
	v46 =	vmul.f32 $2.000000030e-01, v12;
	v2 =	vadd.f32 v2, v11  }
0x15d: {  	v6 =	vsel vm1, v6, v1;
	v27 =	vmul.f32 $2.000000030e-01, v8;
	v1 =	vld [tilespmem:s4+$0x50];
	(erf) = vpow2.f32 v4  }
0x15e: {  	v53 =	vld [tilespmem:s6+$0xFFFFFFD0];
	vm1 =	vge.f32 v8, $0.0e+00;
	v6 =	vmul.f32 $1.442695020e+00, v6;
	v25 =	vmul.f32 $2.000000030e-01, v2  }
0x15f: {  	v17 =	vld [tilespmem:s9+$0x0];
	v8 =	vsel vm1, v8, v27;
	v27 =	vmul.f32 $2.000000030e-01, v9;
	vm1 =	vge.f32 v2, $0.0e+00  }
0x160: {  	v15 =	vld [tilespmem:s9+$0x10];
	vm3 =	vge.f32 v9, $0.0e+00;
	v29 =	vmul.f32 $1.442695020e+00, v8;
	v2 =	vsel vm1, v2, v25  }
0x161: {  	(erf) = vpow2.f32 v6;
	v4 =	vsel vm3, v9, v27;
	v25 =	vld [tilespmem:s6+$0x10];
	v9 =	vmul.f32 $1.442695020e+00, v2  }
0x162: {  	v6 =	vld [tilespmem:s4+$0x20];
	vm1 =	vge.f32 v12, $0.0e+00;
	v30 =	vpop (erf);
	v23 =	vmul.f32 $1.442695020e+00, v4;
	v45 =	vbroadcast v1, $0x8  }
0x163: {  	v8 =	vld [tilespmem:s4+$0xB0];
	v12 =	vsel vm1, v12, v46;
	v5 =	vmul.f32 v30, v5;
	v22 =	vmul.f32 v30, v22;
	v27 =	vpop (erf)  }
0x164: {  	v2 =	vld [tilespmem:s4+$0xFFFFFF60];
	v48 =	vmul.f32 $1.442695020e+00, v12;
	v16 =	vmul.f32 v27, v16  }
0x165: {  	v26 =	vmul.f32 v27, v26;
	v47 =	vmul.f32 v27, v7;
	v7 =	vld [tilespmem:s4+$0xFFFFFFC0]  }
0x166: {  	(erf) = vpow2.f32 v23;
	v23 =	vmul.f32 v30, v24;
	v24 =	vadd.f32 v25, v45;
	v25 =	vld [tilespmem:s6+$0x30]  }
0x167: {  	v11 =	vld [tilespmem:s6+$0xFFFFFFC0];
	v30 =	vsel vm0, v5, v30;
	(erf) = vpow2.f32 v9;
	v12 =	vbroadcast v6, $0x8  }
0x168: {  	v9 =	vld [tilespmem:s4+$0xFFFFFF90];
	v51 =	vbroadcast v8, $0x8;
	(erf) = vpow2.f32 v29;
	v29 =	vpop (erf);
	v27 =	vsel vm0, v47, v27  }
0x169: {  	v40 =	vld [tilespmem:s9+$0x70];
	v50 =	vbroadcast v2, $0x8;
	v52 =	vmul.f32 v29, v10;
	v31 =	vadd.f32 v31, v12  }
0x16a: {  	v42 =	vld [tilespmem:s9+$0xFFFFFF40];
	v38 =	vmul.f32 v29, v15;
	v39 =	vmul.f32 v29, v17;
	vm3 =	vge.f32 v24, $0.0e+00  }
0x16b: {  	v58 =	vld [tilespmem:s9+$0xFFFFFFE0];
	v10 =	vpop (erf);
	v15 =	vbroadcast v7, $0x8;
	v54 =	vmul.f32 $2.000000030e-01, v31;
	v25 =	vadd.f32 v25, v51  }
0x16c: {  	s7 =	simm.s32 $0xB2E0;
	v59 =	vld [tilespmem:s9+$0xFFFFFF50];
	v17 =	vadd.f32 v11, v50;
	(erf) = vpow2.f32 v48;
	v55 =	vmul.f32 v10, v19  }
0x16d: {  	v60 =	vld [tilespmem:s9+$0xFFFFFFD0];
	[tilespmem:s7+$0xA0] =	vst v22;
	vm2 =	vge.f32 v31, $0.0e+00;
	v22 =	vbroadcast v9, $0x8;
	v56 =	vmul.f32 $2.000000030e-01, v25  }
0x16e: {  	v5 =	vld [tilespmem:s4+$0xFFFFFFF0];
	[tilespmem:s7+$0x90] =	vst v23;
	v11 =	vadd.f32 v49, v15;
	v15 =	vmul.f32 v10, v14;
	vm1 =	vge.f32 v25, $0.0e+00  }
0x16f: {  	[tilespmem:s7+$0xFFFFFF80] =	vst v16;
	v14 =	vadd.f32 v53, v22;
	v22 =	vld [tilespmem:s9+$0x60];
	v23 =	vsel vm1, v25, v56;
	v25 =	vmul.f32 $2.000000030e-01, v24  }
0x170: {  	[tilespmem:s7+$0xB0] =	vst v30;
	v30 =	vld [tilespmem:s6+$0xFFFFFFF0];
	v41 =	vmul.f32 v10, v21;
	v31 =	vsel vm2, v31, v54;
	v35 =	vmul.f32 $2.000000030e-01, v17;
	v16 =	vpop (erf)  }
0x171: {  	v4 =	vld [tilespmem:s4+$0x80];
	[tilespmem:s7+$0xFFFFFF70] =	vst v26;
	v26 =	vpop (erf);
	v23 =	vmul.f32 $1.442695020e+00, v23;
	v24 =	vsel vm3, v24, v25;
	v25 =	vmul.f32 $2.000000030e-01, v14  }
0x172: {  	v12 =	vld [tilespmem:s4+$0xFFFFFF80];
	[tilespmem:s7+$0xFFFFFF90] =	vst v27;
	v57 =	vmul.f32 v26, v40;
	v13 =	vmul.f32 v26, v13;
	vm3 =	vge.f32 v14, $0.0e+00  }
0x173: {  	[tilespmem:s7+$0x10] =	vst v38;
	v19 =	vld [tilespmem:s9+$0xFFFFFFA0];
	(erf) = vpow2.f32 v23;
	v14 =	vsel vm3, v14, v25;
	v25 =	vbroadcast v5, $0x8  }
0x174: {  	[tilespmem:s7+$0x0] =	vst v39;
	v21 =	vld [tilespmem:s9+$0xFFFFFFB0];
	v61 =	vmul.f32 v26, v22;
	v62 =	vsel vm0, v13, v26;
	v26 =	vmul.f32 v16, v20  }
0x175: {  	[tilespmem:s7+$0x40] =	vst v55;
	v13 =	vld [tilespmem:s4+$0x30];
	v20 =	vsel vm0, v52, v29;
	v22 =	vmul.f32 $1.442695020e+00, v14;
	v63 =	vadd.f32 v30, v25  }
0x176: {  	v31 =	vmul.f32 $1.442695020e+00, v31;
	[tilespmem:s7+$0x20] =	vst v20;
	v20 =	vld [tilespmem:s4+$0x10];
	v25 =	vbroadcast v4, $0x8  }
0x177: {  	vm2 =	vge.f32 v17, $0.0e+00;
	[tilespmem:s7+$0x30] =	vst v41;
	v23 =	vpop (erf);
	v14 =	vld [tilespmem:s4+$0x40];
	(erf) = vpow2.f32 v22;
	v29 =	vmul.f32 $2.000000030e-01, v63  }
0x178: {  	v34 =	vmul.f32 v16, v42;
	[tilespmem:s7+$0x70] =	vst v57;
	v27 =	vmul.f32 v23, v18;
	v18 =	vld [tilespmem:s4+$0x0];
	v22 =	vadd.f32 v28, v25  }
0x179: {  	vm1 =	vge.f32 v11, $0.0e+00;
	v24 =	vmul.f32 $1.442695020e+00, v24;
	[tilespmem:s7+$0x80] =	vst v62;
	v30 =	vld [tilespmem:s4+$0xA0];
	v28 =	vmul.f32 v16, v59  }
0x17a: {  	s31 =	simm.s32 $0x83E0;
	[tilespmem:s7+$0x60] =	vst v61;
	v37 =	vmul.f32 v23, v58;
	vm3 =	vge.f32 v63, $0.0e+00;
	v25 =	vld [tilespmem:s4+$0x90];
	v36 =	vmul.f32 $2.000000030e-01, v22  }
0x17b: {  	s8 =	simm.s32 $0xB460;
	s25 =	simm.s32 $0xB460;
	s9 =	simm.s32 $0x8;
	v33 =	vmul.f32 v23, v60;
	v32 =	vsel vm3, v63, v29;
	[tilespmem:s7+$0xFFFFFF50] =	vst v28;
	v28 =	vld [tilespmem:s4+$0xFFFFFF70];
	vm3 =	vge.f32 v22, $0.0e+00;
	v29 =	vpop (erf)  }
.LBB2_11:
0x17c: {  	v38 =	vld [tilespmem:s31+$0x50];
	s9 =	sadd.s32 $0x8, s9;
	v32 =	vmul.f32 $1.442695020e+00, v32;
	v36 =	vsel vm3, v22, v36;
	s6 =	sadd.s32 $0x80, s6;
	s25 =	sadd.s32 $0x180, s25;
	v39 =	vpop (erf);
	v21 =	vmul.f32 v29, v21;
	[tilespmem:s7+$0xFFFFFFE0] =	vst v37  }
0x17d: {  	v19 =	vmul.f32 v29, v19;
	v37 =	vld [tilespmem:s6+$0xFFFFFFC0];
	p0 =	slt.u32 s9, $0x60;
	v17 =	vsel vm2, v17, v35;
	v8 =	vmul.f32 v39, v8;
	[tilespmem:s7+$0xFFFFFFD0] =	vst v33  }
0x17e: {  	v23 =	vsel vm0, v27, v23;
	v30 =	vmul.f32 v39, v30;
	v22 =	vld [tilespmem:s6+$0x20];
	[tilespmem:s7+$0xFFFFFFB0] =	vst v21;
	v21 =	vmul.f32 v29, v3  }
0x17f: {  	v33 =	vmul.f32 $1.442695020e+00, v36;
	v3 =	vmovc v7;
	v27 =	vld [tilespmem:s6+$0x0];
	v35 =	vsel vm0, v8, v39;
	(erf) = vpow2.f32 v31;
	[tilespmem:s7+$0xFFFFFF40] =	vst v34  }
0x180: {  	v16 =	vsel vm0, v26, v16;
	v7 =	vmul.f32 $1.442695020e+00, v17;
	v8 =	vld [tilespmem:s31+$0xB0];
	v17 =	vpop (erf);
	(erf) = vpow2.f32 v24;
	[tilespmem:s7+$0xFFFFFFA0] =	vst v19  }
0x181: {  	v21 =	vsel vm0, v21, v29;
	v19 =	vld [tilespmem:s6+$0x10];
	v24 =	vbroadcast v38, $0x8;
	v12 =	vmul.f32 v17, v12;
	[tilespmem:s7+$0xFFFFFFF0] =	vst v23  }
0x182: {  	v23 =	vmul.f32 v17, v28;
	v28 =	vmul.f32 v17, v9;
	v9 =	vsel vm0, v15, v10;
	v26 =	vld [tilespmem:s31+$0x80];
	[tilespmem:s7+$0xFFFFFF60] =	vst v16  }
0x183: {  	v10 =	vmul.f32 $2.000000030e-01, v11;
	v15 =	vld [tilespmem:s31+$0x20];
	(erf) = vpow2.f32 v7;
	[tilespmem:s7+$0x50] =	vst v9  }
0x184: {  	v9 =	vmul.f32 v39, v25;
	v29 =	vld [tilespmem:s31+$0xFFFFFF60];
	(erf) = vpow2.f32 v33;
	[tilespmem:s7+$0xFFFFFFC0] =	vst v21;
	s7 =	smov.u32 s8;
	s8 =	smov.u32 s25  }
0x185: {  	v10 =	vsel vm1, v11, v10;
	v7 =	vld [tilespmem:s31+$0xFFFFFFC0];
	[tilespmem:s7+$0xA0] =	vst v30  }
0x186: {  	v24 =	vadd.f32 v19, v24;
	v11 =	vld [tilespmem:s6+$0x30];
	[tilespmem:s7+$0x90] =	vst v9  }
0x187: {  	v25 =	vmul.f32 $1.442695020e+00, v10;
	v9 =	vld [tilespmem:s31+$0xFFFFFF90];
	[tilespmem:s7+$0xFFFFFF80] =	vst v12  }
0x188: {  	v19 =	vld [tilespmem:s6+$0xFFFFFFE0];
	v12 =	vbroadcast v15, $0x8;
	vm3 =	vge.f32 v24, $0.0e+00;
	[tilespmem:s7+$0xFFFFFF70] =	vst v23;
	(erf) = vpow2.f32 v32;
	v30 =	vpop (erf)  }
0x189: {  	v17 =	vsel vm0, v28, v17;
	v34 =	vbroadcast v29, $0x8;
	v31 =	vld [tilespmem:s31+$0xFFFFFFF0];
	v28 =	vmul.f32 v30, v6;
	[tilespmem:s7+$0xB0] =	vst v35;
	v10 =	vpop (erf)  }
0x18a: {  	v21 =	vbroadcast v8, $0x8;
	v20 =	vmul.f32 v30, v20;
	v6 =	vmovc v15;
	v23 =	vld [tilespmem:s6+$0xFFFFFFD0];
	v27 =	vadd.f32 v27, v12;
	[tilespmem:s7+$0xFFFFFF90] =	vst v17  }
0x18b: {  	v35 =	vmul.f32 v30, v18;
	v15 =	vbroadcast v7, $0x8;
	v17 =	vadd.f32 v37, v34;
	v12 =	vld [tilespmem:s31+$0xFFFFFF80]  }
0x18c: {  	v14 =	vmul.f32 v10, v14;
	v33 =	vadd.f32 v11, v21;
	v32 =	vmul.f32 $2.000000030e-01, v27;
	[tilespmem:s7+$0x10] =	vst v20;
	v20 =	vld [tilespmem:s4+$0x70];
	v16 =	vpop (erf)  }
0x18d: {  	v13 =	vmul.f32 v10, v13;
	v34 =	vbroadcast v9, $0x8;
	v11 =	vadd.f32 v19, v15;
	v19 =	vld [tilespmem:s4+$0xFFFFFFA0];
	[tilespmem:s7+$0x0] =	vst v35;
	v18 =	vpop (erf)  }
0x18e: {  	vm4 =	vge.f32 v27, $0.0e+00;
	v35 =	vmul.f32 $2.000000030e-01, v33;
	v15 =	vmul.f32 v10, v1;
	v1 =	vmovc v38;
	v21 =	vld [tilespmem:s4+$0xFFFFFFB0];
	[tilespmem:s7+$0x40] =	vst v14  }
0x18f: {  	vm2 =	vge.f32 v33, $0.0e+00;
	v14 =	vadd.f32 v23, v34;
	v34 =	vmul.f32 $2.000000030e-01, v24;
	[tilespmem:s7+$0x30] =	vst v13;
	v13 =	vld [tilespmem:s4+$0x60]  }
0x190: {  	vm1 =	vge.f32 v11, $0.0e+00;
	v35 =	vsel vm2, v33, v35;
	v38 =	vld [tilespmem:s4+$0xFFFFFF40];
	(erf) = vpow2.f32 v25  }
0x191: {  	vm2 =	vge.f32 v17, $0.0e+00;
	v33 =	vmul.f32 $1.442695020e+00, v35;
	v25 =	vld [tilespmem:s6+$0xFFFFFFF0];
	v20 =	vmul.f32 v18, v20;
	v23 =	vpop (erf)  }
0x192: {  	v32 =	vsel vm4, v27, v32;
	v27 =	vmul.f32 v18, v4;
	v4 =	vmovc v26;
	v35 =	vmul.f32 $2.000000030e-01, v14;
	v37 =	vld [tilespmem:s4+$0xFFFFFFE0]  }
0x193: {  	vm4 =	vge.f32 v14, $0.0e+00;
	v24 =	vsel vm3, v24, v34;
	(erf) = vpow2.f32 v33;
	v33 =	vld [tilespmem:s4+$0xFFFFFF50];
	[tilespmem:s7+$0x70] =	vst v20  }
0x194: {  	v14 =	vsel vm4, v14, v35;
	v20 =	vbroadcast v31, $0x8;
	v34 =	vld [tilespmem:s4+$0xFFFFFFD0];
	v35 =	vmul.f32 v18, v13;
	s4 =	smov.u32 s31  }
0x195: {  	v24 =	vmul.f32 $1.442695020e+00, v24;
	v26 =	vmul.f32 $1.442695020e+00, v14;
	v18 =	vsel vm0, v27, v18;
	v13 =	vld [tilespmem:s31+$0x30]  }
0x196: {  	v27 =	vmul.f32 v23, v5;
	v5 =	vmovc v31;
	v20 =	vadd.f32 v25, v20;
	v14 =	vld [tilespmem:s31+$0x40];
	v25 =	vbroadcast v4, $0x8;
	[tilespmem:s7+$0x80] =	vst v18  }
.Ltmp4:
0x197: {  	v28 =	vsel vm0, v28, v30;
	v18 =	vld [tilespmem:s31+$0x0];
	(erf) = vpow2.f32 v26;
	v26 =	vmul.f32 v16, v2;
	[tilespmem:s7+$0x60] =	vst v35;
	v2 =	vmovc v29;
	(pc) =	sbr.rel @p0 .LBB2_11-.Ltmp4, $4  }
0x198: {  	v35 =	vmul.f32 $2.000000030e-01, v20;
	v22 =	vadd.f32 v22, v25;
	v30 =	vld [tilespmem:s31+$0xA0];
	v39 =	vmul.f32 v16, v33;
	[tilespmem:s7+$0x20] =	vst v28  }
0x199: {  	v31 =	vmul.f32 $1.442695020e+00, v32;
	vm3 =	vge.f32 v20, $0.0e+00;
	v25 =	vld [tilespmem:s31+$0x90];
	v33 =	vmul.f32 v23, v34;
	v29 =	vpop (erf)  }
0x19a: {  	v37 =	vmul.f32 v23, v37;
	v32 =	vsel vm3, v20, v35;
	v20 =	vld [tilespmem:s31+$0x10];
	v36 =	vmul.f32 $2.000000030e-01, v22;
	[tilespmem:s7+$0xFFFFFF50] =	vst v39  }
0x19b: {  	v34 =	vmul.f32 v16, v38;
	v35 =	vmul.f32 $2.000000030e-01, v17;
	vm3 =	vge.f32 v22, $0.0e+00;
	s31 =	sadd.s32 $0x180, s31;
	v28 =	vld [tilespmem:s4+$0xFFFFFF70]  }
0x19c: {  	[tilespmem:s7+$0xFFFFFFE0] =	vst v37  }
0x19d: {  	v21 =	vmul.f32 v29, v21;
	[tilespmem:s7+$0xFFFFFFD0] =	vst v33  }
0x19e: {  	v19 =	vmul.f32 v29, v19;
	[tilespmem:s7+$0xFFFFFF40] =	vst v34  }
0x19f: {  	(erf) = vpow2.f32 v31;
	v16 =	vsel vm0, v26, v16;
	[tilespmem:s7+$0xFFFFFFB0] =	vst v21;
	v21 =	vsel vm3, v22, v36  }
0x1a0: {  	v3 =	vmul.f32 v29, v3;
	v10 =	vsel vm0, v15, v10;
	v17 =	vsel vm2, v17, v35;
	[tilespmem:s7+$0xFFFFFF60] =	vst v16  }
0x1a1: {  	(erf) = vpow2.f32 v24;
	[tilespmem:s7+$0x50] =	vst v10;
	v17 =	vmul.f32 $1.442695020e+00, v17  }
0x1a2: {  	v10 =	vmul.f32 $1.442695020e+00, v32;
	v22 =	vsel vm0, v27, v23;
	[tilespmem:s7+$0xFFFFFFA0] =	vst v19;
	v19 =	vmul.f32 $1.442695020e+00, v21;
	v21 =	vpop (erf)  }
0x1a3: {  	v3 =	vsel vm0, v3, v29;
	[tilespmem:s7+$0xFFFFFFF0] =	vst v22;
	(erf) = vpow2.f32 v17;
	v15 =	vmul.f32 v21, v30  }
0x1a4: {  	[tilespmem:s7+$0xFFFFFFC0] =	vst v3;
	(erf) = vpow2.f32 v19;
	v16 =	vpop (erf);
	v17 =	vmul.f32 v21, v25  }
0x1a5: {  	v8 =	vmul.f32 v21, v8;
	v3 =	vmul.f32 v16, v12;
	[tilespmem:s8+$0xA0] =	vst v15  }
0x1a6: {  	v12 =	vmul.f32 $2.000000030e-01, v11;
	v15 =	vmul.f32 v16, v28;
	[tilespmem:s8+$0x90] =	vst v17  }
0x1a7: {  	v9 =	vmul.f32 v16, v9;
	[tilespmem:s8+$0xFFFFFF80] =	vst v3  }
0x1a8: {  	(erf) = vpow2.f32 v10;
	v11 =	vsel vm1, v11, v12;
	v3 =	vsel vm0, v8, v21;
	v10 =	vpop (erf);
	[tilespmem:s8+$0xFFFFFF70] =	vst v15  }
0x1a9: {  	v9 =	vsel vm0, v9, v16;
	v8 =	vmul.f32 $1.442695020e+00, v11;
	[tilespmem:s8+$0xB0] =	vst v3;
	v3 =	vmul.f32 v10, v20  }
0x1aa: {  	v11 =	vld [tilespmem:s4+$0x70];
	[tilespmem:s8+$0xFFFFFF90] =	vst v9;
	v9 =	vmul.f32 v10, v18;
	v6 =	vmul.f32 v10, v6  }
0x1ab: {  	v12 =	vpop (erf);
	[tilespmem:s8+$0x10] =	vst v3  }
0x1ac: {  	(erf) = vpow2.f32 v8;
	[tilespmem:s8+$0x0] =	vst v9;
	v9 =	vmul.f32 v12, v13;
	v6 =	vsel vm0, v6, v10  }
0x1ad: {  	v15 =	vld [tilespmem:s4+$0x60];
	v3 =	vmul.f32 v12, v14;
	v1 =	vmul.f32 v12, v1;
	[tilespmem:s8+$0x20] =	vst v6;
	v8 =	vpop (erf)  }
0x1ae: {  	[tilespmem:s8+$0x30] =	vst v9;
	v9 =	vld [tilespmem:s4+$0xFFFFFFD0];
	v13 =	vpop (erf)  }
0x1af: {  	v14 =	vld [tilespmem:s4+$0xFFFFFF50];
	[tilespmem:s8+$0x40] =	vst v3;
	v1 =	vsel vm0, v1, v12;
	v3 =	vmul.f32 v13, v11;
	v4 =	vmul.f32 v13, v4  }
0x1b0: {  	v2 =	vmul.f32 v8, v2;
	[tilespmem:s8+$0x50] =	vst v1;
	v11 =	vld [tilespmem:s4+$0xFFFFFFE0]  }
0x1b1: {  	v16 =	vld [tilespmem:s4+$0xFFFFFFB0];
	[tilespmem:s8+$0x70] =	vst v3;
	v4 =	vsel vm0, v4, v13  }
0x1b2: {  	v2 =	vsel vm0, v2, v8;
	v3 =	vmul.f32 v13, v15;
	v15 =	vpop (erf);
	[tilespmem:s8+$0x80] =	vst v4;
	v4 =	vld [tilespmem:s4+$0xFFFFFFA0]  }
0x1b3: {  	v13 =	vld [tilespmem:s4+$0xFFFFFF40];
	[tilespmem:s8+$0xFFFFFF60] =	vst v2;
	v9 =	vmul.f32 v15, v9  }
0x1b4: {  	[tilespmem:s8+$0x60] =	vst v3;
	v3 =	vmul.f32 v8, v14  }
0x1b5: {  	v6 =	vmul.f32 v15, v11;
	v10 =	vpop (erf);
	[tilespmem:s8+$0xFFFFFFD0] =	vst v9  }
0x1b6: {  	[tilespmem:s8+$0xFFFFFF50] =	vst v3;
	v3 =	vmul.f32 v10, v16  }
0x1b7: {  	[tilespmem:s8+$0xFFFFFFE0] =	vst v6;
	v4 =	vmul.f32 v10, v4  }
0x1b8: {  	v5 =	vmul.f32 v15, v5;
	v6 =	vmul.f32 v8, v13;
	[tilespmem:s8+$0xFFFFFFB0] =	vst v3  }
0x1b9: {  	[tilespmem:s8+$0xFFFFFFA0] =	vst v4;
	v4 =	vmul.f32 v10, v7  }
0x1ba: {  	v3 =	vsel vm0, v5, v15;
	[tilespmem:s8+$0xFFFFFF40] =	vst v6  }
0x1bb: {  	[tilespmem:s8+$0xFFFFFFF0] =	vst v3;
	v2 =	vsel vm0, v4, v10  }
0x1bc: {  	[tilespmem:s8+$0xFFFFFFC0] =	vst v2  }
0x1bd: {  	[spmem:s3] =	stream.indirect.scatter.add.f32 [tilespmem:s22], [sflag:$0x5], $0x30, s12, s21, $0xb8;
	[tilespmem:$0x155A0] =	vst v63  }
0x1be: {  	_ =	swait.ge [sflag:s30], $0x1200  }
0x1bf: {  	[sflag:s30] =	ssyncset.done $0x0  }
0x1c0: {  	s25 =	simm.s32 $0x9510;
	[sflag:s30] =	ssyncadd.s32 $0xFFFFEE00  }
0x1c1: {  	s31 =	simm.s32 $0xAC90;
	v14 =	vld [tilespmem:s25+$0xFFFFFFA0]  }
0x1c2: {  	v1 =	vld [tilespmem:s31+$0xFFFFFF90]  }
0x1c3: {  	v2 =	vld [tilespmem:s31+$0xFFFFFFF0]  }
0x1c4: {  	v4 =	vld [tilespmem:s31+$0xFFFFFFD0]  }
0x1c5: {  	v5 =	vld [tilespmem:s25+$0x0]  }
0x1c6: {  	v6 =	vld [tilespmem:s31+$0xFFFFFFE0]  }
0x1c7: {  	v7 =	vld [tilespmem:s25+$0xFFFFFEE0]  }
0x1c8: {  	v3 =	vld [tilespmem:s31+$0x0]  }
0x1c9: {  	v8 =	vld [tilespmem:s31+$0xFFFFFFA0]  }
0x1ca: {  	v13 =	vld [tilespmem:s25+$0xFFFFFFD0]  }
0x1cb: {  	v10 =	vld [tilespmem:s25+$0xFFFFFF70]  }
0x1cc: {  	v20 =	vld [tilespmem:s25+$0xFFFFFEB0];
	v9 =	vbroadcast v5, $0x8;
	v11 =	vbroadcast v7, $0x8  }
0x1cd: {  	v12 =	vld [tilespmem:s31+$0xFFFFFFB0]  }
0x1ce: {  	v18 =	vld [tilespmem:s25+$0xFFFFFF40];
	v9 =	vadd.f32 v3, v9;
	v8 =	vadd.f32 v8, v11;
	v11 =	vbroadcast v14, $0x8  }
0x1cf: {  	v3 =	vld [tilespmem:s25+$0xFFFFFF10]  }
0x1d0: {  	v16 =	vld [tilespmem:s25+$0xFFFFFED0];
	v15 =	vmul.f32 $2.000000030e-01, v9;
	v6 =	vadd.f32 v6, v11;
	v11 =	vbroadcast v10, $0x8  }
0x1d1: {  	v21 =	vld [tilespmem:s25+$0xFFFFFF80];
	vm1 =	vge.f32 v9, $0.0e+00;
	v17 =	vmul.f32 $2.000000030e-01, v8  }
0x1d2: {  	v9 =	vsel vm1, v9, v15;
	v15 =	vld [tilespmem:s31+$0xFFFFFFC0];
	vm1 =	vge.f32 v8, $0.0e+00;
	v4 =	vadd.f32 v4, v11  }
0x1d3: {  	v19 =	vld [tilespmem:s25+$0xFFFFFF90];
	v11 =	vbroadcast v18, $0x8;
	v9 =	vmul.f32 $1.442695020e+00, v9;
	v8 =	vsel vm1, v8, v17  }
0x1d4: {  	v22 =	vld [tilespmem:s25+$0xFFFFFFF0];
	v23 =	vbroadcast v3, $0x8;
	v8 =	vmul.f32 $1.442695020e+00, v8  }
0x1d5: {  	v24 =	vld [tilespmem:s25+$0xFFFFFFE0];
	v25 =	vmul.f32 $2.000000030e-01, v4;
	vm2 =	vge.f32 v4, $0.0e+00;
	(erf) = vpow2.f32 v9  }
0x1d6: {  	s6 =	simm.s32 $0xAD10;
	v26 =	vld [tilespmem:s25+$0xFFFFFEC0];
	v9 =	vbroadcast v20, $0x8;
	v12 =	vadd.f32 v12, v23;
	(erf) = vpow2.f32 v8  }
0x1d7: {  	v28 =	vld [tilespmem:s6+$0xFFFFFFF0];
	v4 =	vsel vm2, v4, v25;
	v8 =	vadd.f32 v15, v11;
	v11 =	vbroadcast v13, $0x8  }
0x1d8: {  	v31 =	vld [tilespmem:s6+$0xFFFFFFD0];
	v9 =	vadd.f32 v1, v9;
	v1 =	vmul.f32 $2.000000030e-01, v6;
	v4 =	vmul.f32 $1.442695020e+00, v4  }
0x1d9: {  	s4 =	simm.s32 $0x9690;
	v49 =	vld [tilespmem:s6+$0xFFFFFFB0];
	vm1 =	vge.f32 v6, $0.0e+00;
	v46 =	vmul.f32 $2.000000030e-01, v12;
	v2 =	vadd.f32 v2, v11  }
0x1da: {  	v6 =	vsel vm1, v6, v1;
	v27 =	vmul.f32 $2.000000030e-01, v8;
	v1 =	vld [tilespmem:s4+$0xFFFFFFA0];
	(erf) = vpow2.f32 v4  }
0x1db: {  	v53 =	vld [tilespmem:s6+$0xFFFFFFA0];
	vm1 =	vge.f32 v8, $0.0e+00;
	v6 =	vmul.f32 $1.442695020e+00, v6;
	v25 =	vmul.f32 $2.000000030e-01, v2  }
0x1dc: {  	v17 =	vld [tilespmem:s25+$0xFFFFFF50];
	v8 =	vsel vm1, v8, v27;
	v27 =	vmul.f32 $2.000000030e-01, v9;
	vm1 =	vge.f32 v2, $0.0e+00  }
0x1dd: {  	v15 =	vld [tilespmem:s25+$0xFFFFFF60];
	vm3 =	vge.f32 v9, $0.0e+00;
	v29 =	vmul.f32 $1.442695020e+00, v8;
	v2 =	vsel vm1, v2, v25  }
0x1de: {  	(erf) = vpow2.f32 v6;
	v4 =	vsel vm3, v9, v27;
	v25 =	vld [tilespmem:s6+$0xFFFFFFE0];
	v9 =	vmul.f32 $1.442695020e+00, v2  }
0x1df: {  	v6 =	vld [tilespmem:s4+$0xFFFFFF70];
	vm1 =	vge.f32 v12, $0.0e+00;
	v30 =	vpop (erf);
	v23 =	vmul.f32 $1.442695020e+00, v4;
	v45 =	vbroadcast v1, $0x8  }
0x1e0: {  	v8 =	vld [tilespmem:s4+$0x0];
	v12 =	vsel vm1, v12, v46;
	v5 =	vmul.f32 v30, v5;
	v22 =	vmul.f32 v30, v22;
	v27 =	vpop (erf)  }
0x1e1: {  	v2 =	vld [tilespmem:s4+$0xFFFFFEB0];
	v48 =	vmul.f32 $1.442695020e+00, v12;
	v16 =	vmul.f32 v27, v16  }
0x1e2: {  	v26 =	vmul.f32 v27, v26;
	v47 =	vmul.f32 v27, v7;
	v7 =	vld [tilespmem:s4+$0xFFFFFF10]  }
0x1e3: {  	(erf) = vpow2.f32 v23;
	v23 =	vmul.f32 v30, v24;
	v24 =	vadd.f32 v25, v45;
	v25 =	vld [tilespmem:s6+$0x0]  }
0x1e4: {  	v11 =	vld [tilespmem:s6+$0xFFFFFF90];
	v30 =	vsel vm0, v5, v30;
	(erf) = vpow2.f32 v9;
	v12 =	vbroadcast v6, $0x8  }
0x1e5: {  	v9 =	vld [tilespmem:s4+$0xFFFFFEE0];
	v51 =	vbroadcast v8, $0x8;
	(erf) = vpow2.f32 v29;
	v29 =	vpop (erf);
	v27 =	vsel vm0, v47, v27  }
0x1e6: {  	v40 =	vld [tilespmem:s25+$0xFFFFFFC0];
	v50 =	vbroadcast v2, $0x8;
	v52 =	vmul.f32 v29, v10;
	v31 =	vadd.f32 v31, v12  }
0x1e7: {  	v42 =	vld [tilespmem:s25+$0xFFFFFE90];
	v38 =	vmul.f32 v29, v15;
	v39 =	vmul.f32 v29, v17;
	vm3 =	vge.f32 v24, $0.0e+00  }
0x1e8: {  	v58 =	vld [tilespmem:s25+$0xFFFFFF30];
	v10 =	vpop (erf);
	v15 =	vbroadcast v7, $0x8;
	v54 =	vmul.f32 $2.000000030e-01, v31;
	v25 =	vadd.f32 v25, v51  }
0x1e9: {  	s7 =	simm.s32 $0xC660;
	v59 =	vld [tilespmem:s25+$0xFFFFFEA0];
	v17 =	vadd.f32 v11, v50;
	(erf) = vpow2.f32 v48;
	v55 =	vmul.f32 v10, v19  }
0x1ea: {  	v60 =	vld [tilespmem:s25+$0xFFFFFF20];
	[tilespmem:s7+$0xA0] =	vst v22;
	vm2 =	vge.f32 v31, $0.0e+00;
	v22 =	vbroadcast v9, $0x8;
	v56 =	vmul.f32 $2.000000030e-01, v25  }
0x1eb: {  	v5 =	vld [tilespmem:s4+$0xFFFFFF40];
	[tilespmem:s7+$0x90] =	vst v23;
	v11 =	vadd.f32 v49, v15;
	v15 =	vmul.f32 v10, v14;
	vm1 =	vge.f32 v25, $0.0e+00  }
0x1ec: {  	[tilespmem:s7+$0xFFFFFF80] =	vst v16;
	v14 =	vadd.f32 v53, v22;
	v22 =	vld [tilespmem:s25+$0xFFFFFFB0];
	v23 =	vsel vm1, v25, v56;
	v25 =	vmul.f32 $2.000000030e-01, v24  }
0x1ed: {  	[tilespmem:s7+$0xB0] =	vst v30;
	v30 =	vld [tilespmem:s6+$0xFFFFFFC0];
	v41 =	vmul.f32 v10, v21;
	v31 =	vsel vm2, v31, v54;
	v35 =	vmul.f32 $2.000000030e-01, v17;
	v16 =	vpop (erf)  }
0x1ee: {  	v4 =	vld [tilespmem:s4+$0xFFFFFFD0];
	[tilespmem:s7+$0xFFFFFF70] =	vst v26;
	v26 =	vpop (erf);
	v23 =	vmul.f32 $1.442695020e+00, v23;
	v24 =	vsel vm3, v24, v25;
	v25 =	vmul.f32 $2.000000030e-01, v14  }
0x1ef: {  	v12 =	vld [tilespmem:s4+$0xFFFFFED0];
	[tilespmem:s7+$0xFFFFFF90] =	vst v27;
	v57 =	vmul.f32 v26, v40;
	v13 =	vmul.f32 v26, v13;
	vm3 =	vge.f32 v14, $0.0e+00  }
0x1f0: {  	[tilespmem:s7+$0x10] =	vst v38;
	v19 =	vld [tilespmem:s25+$0xFFFFFEF0];
	(erf) = vpow2.f32 v23;
	v14 =	vsel vm3, v14, v25;
	v25 =	vbroadcast v5, $0x8  }
0x1f1: {  	[tilespmem:s7+$0x0] =	vst v39;
	v21 =	vld [tilespmem:s25+$0xFFFFFF00];
	v61 =	vmul.f32 v26, v22;
	v62 =	vsel vm0, v13, v26;
	v26 =	vmul.f32 v16, v20  }
0x1f2: {  	[tilespmem:s7+$0x40] =	vst v55;
	v13 =	vld [tilespmem:s4+$0xFFFFFF80];
	v20 =	vsel vm0, v52, v29;
	v22 =	vmul.f32 $1.442695020e+00, v14;
	v63 =	vadd.f32 v30, v25  }
0x1f3: {  	v31 =	vmul.f32 $1.442695020e+00, v31;
	[tilespmem:s7+$0x20] =	vst v20;
	v20 =	vld [tilespmem:s4+$0xFFFFFF60];
	v25 =	vbroadcast v4, $0x8  }
0x1f4: {  	vm2 =	vge.f32 v17, $0.0e+00;
	[tilespmem:s7+$0x30] =	vst v41;
	v23 =	vpop (erf);
	v14 =	vld [tilespmem:s4+$0xFFFFFF90];
	(erf) = vpow2.f32 v22;
	v29 =	vmul.f32 $2.000000030e-01, v63  }
0x1f5: {  	v34 =	vmul.f32 v16, v42;
	[tilespmem:s7+$0x70] =	vst v57;
	v27 =	vmul.f32 v23, v18;
	v18 =	vld [tilespmem:s4+$0xFFFFFF50];
	v22 =	vadd.f32 v28, v25  }
0x1f6: {  	vm1 =	vge.f32 v11, $0.0e+00;
	v24 =	vmul.f32 $1.442695020e+00, v24;
	[tilespmem:s7+$0x80] =	vst v62;
	v30 =	vld [tilespmem:s4+$0xFFFFFFF0];
	v28 =	vmul.f32 v16, v59  }
0x1f7: {  	s9 =	simm.s32 $0x8;
	[tilespmem:s7+$0x60] =	vst v61;
	v37 =	vmul.f32 v23, v58;
	vm3 =	vge.f32 v63, $0.0e+00;
	v25 =	vld [tilespmem:s4+$0xFFFFFFE0];
	v36 =	vmul.f32 $2.000000030e-01, v22  }
0x1f8: {  	s8 =	simm.s32 $0xC7E0;
	s12 =	simm.s32 $0xC7E0;
	s25 =	simm.s32 $0x9810;
	v33 =	vmul.f32 v23, v60;
	v32 =	vsel vm3, v63, v29;
	[tilespmem:s7+$0xFFFFFF50] =	vst v28;
	v28 =	vld [tilespmem:s4+$0xFFFFFEC0];
	vm3 =	vge.f32 v22, $0.0e+00;
	v29 =	vpop (erf)  }
.LBB2_13:
0x1f9: {  	v38 =	vld [tilespmem:s25+$0xFFFFFFA0];
	s9 =	sadd.s32 $0x8, s9;
	v32 =	vmul.f32 $1.442695020e+00, v32;
	v36 =	vsel vm3, v22, v36;
	s12 =	sadd.s32 $0x180, s12;
	s6 =	sadd.s32 $0x80, s6;
	v39 =	vpop (erf);
	v21 =	vmul.f32 v29, v21;
	[tilespmem:s7+$0xFFFFFFE0] =	vst v37  }
0x1fa: {  	v19 =	vmul.f32 v29, v19;
	v37 =	vld [tilespmem:s6+$0xFFFFFF90];
	p0 =	slt.u32 s9, $0x58;
	v17 =	vsel vm2, v17, v35;
	v8 =	vmul.f32 v39, v8;
	[tilespmem:s7+$0xFFFFFFD0] =	vst v33  }
0x1fb: {  	v23 =	vsel vm0, v27, v23;
	v30 =	vmul.f32 v39, v30;
	v22 =	vld [tilespmem:s6+$0xFFFFFFF0];
	[tilespmem:s7+$0xFFFFFFB0] =	vst v21;
	v21 =	vmul.f32 v29, v3  }
0x1fc: {  	v33 =	vmul.f32 $1.442695020e+00, v36;
	v3 =	vmovc v7;
	v27 =	vld [tilespmem:s6+$0xFFFFFFD0];
	v35 =	vsel vm0, v8, v39;
	(erf) = vpow2.f32 v31;
	[tilespmem:s7+$0xFFFFFF40] =	vst v34  }
0x1fd: {  	v16 =	vsel vm0, v26, v16;
	v7 =	vmul.f32 $1.442695020e+00, v17;
	v8 =	vld [tilespmem:s25+$0x0];
	v17 =	vpop (erf);
	(erf) = vpow2.f32 v24;
	[tilespmem:s7+$0xFFFFFFA0] =	vst v19  }
0x1fe: {  	v21 =	vsel vm0, v21, v29;
	v19 =	vld [tilespmem:s6+$0xFFFFFFE0];
	v24 =	vbroadcast v38, $0x8;
	v12 =	vmul.f32 v17, v12;
	[tilespmem:s7+$0xFFFFFFF0] =	vst v23  }
0x1ff: {  	v23 =	vmul.f32 v17, v28;
	v28 =	vmul.f32 v17, v9;
	v9 =	vsel vm0, v15, v10;
	v26 =	vld [tilespmem:s25+$0xFFFFFFD0];
	[tilespmem:s7+$0xFFFFFF60] =	vst v16  }
0x200: {  	v10 =	vmul.f32 $2.000000030e-01, v11;
	v15 =	vld [tilespmem:s25+$0xFFFFFF70];
	(erf) = vpow2.f32 v7;
	[tilespmem:s7+$0x50] =	vst v9  }
0x201: {  	v9 =	vmul.f32 v39, v25;
	v29 =	vld [tilespmem:s25+$0xFFFFFEB0];
	(erf) = vpow2.f32 v33;
	[tilespmem:s7+$0xFFFFFFC0] =	vst v21;
	s7 =	smov.u32 s8;
	s8 =	smov.u32 s12  }
0x202: {  	v10 =	vsel vm1, v11, v10;
	v7 =	vld [tilespmem:s25+$0xFFFFFF10];
	[tilespmem:s7+$0xA0] =	vst v30  }
0x203: {  	v24 =	vadd.f32 v19, v24;
	v11 =	vld [tilespmem:s6+$0x0];
	[tilespmem:s7+$0x90] =	vst v9  }
0x204: {  	v25 =	vmul.f32 $1.442695020e+00, v10;
	v9 =	vld [tilespmem:s25+$0xFFFFFEE0];
	[tilespmem:s7+$0xFFFFFF80] =	vst v12  }
0x205: {  	v19 =	vld [tilespmem:s6+$0xFFFFFFB0];
	v12 =	vbroadcast v15, $0x8;
	vm3 =	vge.f32 v24, $0.0e+00;
	[tilespmem:s7+$0xFFFFFF70] =	vst v23;
	(erf) = vpow2.f32 v32;
	v30 =	vpop (erf)  }
0x206: {  	v17 =	vsel vm0, v28, v17;
	v34 =	vbroadcast v29, $0x8;
	v31 =	vld [tilespmem:s25+$0xFFFFFF40];
	v28 =	vmul.f32 v30, v6;
	[tilespmem:s7+$0xB0] =	vst v35;
	v10 =	vpop (erf)  }
0x207: {  	v21 =	vbroadcast v8, $0x8;
	v20 =	vmul.f32 v30, v20;
	v6 =	vmovc v15;
	v23 =	vld [tilespmem:s6+$0xFFFFFFA0];
	v27 =	vadd.f32 v27, v12;
	[tilespmem:s7+$0xFFFFFF90] =	vst v17  }
0x208: {  	v35 =	vmul.f32 v30, v18;
	v15 =	vbroadcast v7, $0x8;
	v17 =	vadd.f32 v37, v34;
	v12 =	vld [tilespmem:s25+$0xFFFFFED0]  }
0x209: {  	v14 =	vmul.f32 v10, v14;
	v33 =	vadd.f32 v11, v21;
	v32 =	vmul.f32 $2.000000030e-01, v27;
	[tilespmem:s7+$0x10] =	vst v20;
	v20 =	vld [tilespmem:s4+$0xFFFFFFC0];
	v16 =	vpop (erf)  }
0x20a: {  	v13 =	vmul.f32 v10, v13;
	v34 =	vbroadcast v9, $0x8;
	v11 =	vadd.f32 v19, v15;
	v19 =	vld [tilespmem:s4+$0xFFFFFEF0];
	[tilespmem:s7+$0x0] =	vst v35;
	v18 =	vpop (erf)  }
0x20b: {  	vm4 =	vge.f32 v27, $0.0e+00;
	v35 =	vmul.f32 $2.000000030e-01, v33;
	v15 =	vmul.f32 v10, v1;
	v1 =	vmovc v38;
	v21 =	vld [tilespmem:s4+$0xFFFFFF00];
	[tilespmem:s7+$0x40] =	vst v14  }
0x20c: {  	vm2 =	vge.f32 v33, $0.0e+00;
	v14 =	vadd.f32 v23, v34;
	v34 =	vmul.f32 $2.000000030e-01, v24;
	[tilespmem:s7+$0x30] =	vst v13;
	v13 =	vld [tilespmem:s4+$0xFFFFFFB0]  }
0x20d: {  	vm1 =	vge.f32 v11, $0.0e+00;
	v35 =	vsel vm2, v33, v35;
	v38 =	vld [tilespmem:s4+$0xFFFFFE90];
	(erf) = vpow2.f32 v25  }
0x20e: {  	vm2 =	vge.f32 v17, $0.0e+00;
	v33 =	vmul.f32 $1.442695020e+00, v35;
	v25 =	vld [tilespmem:s6+$0xFFFFFFC0];
	v20 =	vmul.f32 v18, v20;
	v23 =	vpop (erf)  }
0x20f: {  	v32 =	vsel vm4, v27, v32;
	v27 =	vmul.f32 v18, v4;
	v4 =	vmovc v26;
	v35 =	vmul.f32 $2.000000030e-01, v14;
	v37 =	vld [tilespmem:s4+$0xFFFFFF30]  }
0x210: {  	vm4 =	vge.f32 v14, $0.0e+00;
	v24 =	vsel vm3, v24, v34;
	(erf) = vpow2.f32 v33;
	v33 =	vld [tilespmem:s4+$0xFFFFFEA0];
	[tilespmem:s7+$0x70] =	vst v20  }
0x211: {  	v14 =	vsel vm4, v14, v35;
	v20 =	vbroadcast v31, $0x8;
	v34 =	vld [tilespmem:s4+$0xFFFFFF20];
	v35 =	vmul.f32 v18, v13;
	s4 =	smov.u32 s25  }
0x212: {  	v24 =	vmul.f32 $1.442695020e+00, v24;
	v26 =	vmul.f32 $1.442695020e+00, v14;
	v18 =	vsel vm0, v27, v18;
	v13 =	vld [tilespmem:s25+$0xFFFFFF80]  }
0x213: {  	v27 =	vmul.f32 v23, v5;
	v5 =	vmovc v31;
	v20 =	vadd.f32 v25, v20;
	v14 =	vld [tilespmem:s25+$0xFFFFFF90];
	v25 =	vbroadcast v4, $0x8;
	[tilespmem:s7+$0x80] =	vst v18  }
.Ltmp5:
0x214: {  	v28 =	vsel vm0, v28, v30;
	v18 =	vld [tilespmem:s25+$0xFFFFFF50];
	(erf) = vpow2.f32 v26;
	v26 =	vmul.f32 v16, v2;
	[tilespmem:s7+$0x60] =	vst v35;
	v2 =	vmovc v29;
	(pc) =	sbr.rel @p0 .LBB2_13-.Ltmp5, $4  }
0x215: {  	v35 =	vmul.f32 $2.000000030e-01, v20;
	v22 =	vadd.f32 v22, v25;
	v30 =	vld [tilespmem:s25+$0xFFFFFFF0];
	v39 =	vmul.f32 v16, v33;
	[tilespmem:s7+$0x20] =	vst v28  }
0x216: {  	v31 =	vmul.f32 $1.442695020e+00, v32;
	vm3 =	vge.f32 v20, $0.0e+00;
	v25 =	vld [tilespmem:s25+$0xFFFFFFE0];
	v33 =	vmul.f32 v23, v34;
	v29 =	vpop (erf)  }
0x217: {  	v37 =	vmul.f32 v23, v37;
	v32 =	vsel vm3, v20, v35;
	v20 =	vld [tilespmem:s25+$0xFFFFFF60];
	v36 =	vmul.f32 $2.000000030e-01, v22;
	[tilespmem:s7+$0xFFFFFF50] =	vst v39  }
0x218: {  	v34 =	vmul.f32 v16, v38;
	v35 =	vmul.f32 $2.000000030e-01, v17;
	vm3 =	vge.f32 v22, $0.0e+00;
	s25 =	sadd.s32 $0x180, s25;
	v28 =	vld [tilespmem:s4+$0xFFFFFEC0]  }
0x219: {  	[tilespmem:s7+$0xFFFFFFE0] =	vst v37  }
0x21a: {  	[tilespmem:s7+$0xFFFFFFD0] =	vst v33  }
0x21b: {  	v16 =	vsel vm0, v26, v16;
	[tilespmem:s7+$0xFFFFFF40] =	vst v34  }
0x21c: {  	v21 =	vmul.f32 v29, v21;
	(erf) = vpow2.f32 v31;
	v10 =	vsel vm0, v15, v10;
	[tilespmem:s7+$0xFFFFFF60] =	vst v16  }
0x21d: {  	v19 =	vmul.f32 v29, v19;
	v3 =	vmul.f32 v29, v3;
	[tilespmem:s7+$0x50] =	vst v10  }
0x21e: {  	v33 =	vsel vm3, v22, v36;
	v42 =	vmul.f32 $2.000000030e-01, v11;
	(erf) = vpow2.f32 v24;
	[tilespmem:s7+$0xFFFFFFB0] =	vst v21  }
0x21f: {  	v37 =	vpop (erf);
	v17 =	vsel vm2, v17, v35;
	v35 =	vsel vm0, v27, v23;
	v36 =	vmul.f32 $1.442695020e+00, v33;
	[tilespmem:s7+$0xFFFFFFA0] =	vst v19  }
0x220: {  	v38 =	vmul.f32 v37, v30;
	v17 =	vmul.f32 $1.442695020e+00, v17;
	[tilespmem:s7+$0xFFFFFFF0] =	vst v35;
	v3 =	vsel vm0, v3, v29  }
0x221: {  	v8 =	vmul.f32 v37, v8;
	v41 =	vmul.f32 v37, v25;
	[tilespmem:s7+$0xFFFFFFC0] =	vst v3;
	v40 =	vpop (erf)  }
0x222: {  	[tilespmem:s8+$0xA0] =	vst v38;
	(erf) = vpow2.f32 v17;
	v3 =	vmul.f32 v40, v12  }
0x223: {  	[tilespmem:s8+$0x90] =	vst v41;
	(erf) = vpow2.f32 v36;
	v43 =	vmul.f32 v40, v28  }
0x224: {  	v39 =	vmul.f32 $1.442695020e+00, v32;
	v9 =	vmul.f32 v40, v9;
	[tilespmem:s8+$0xFFFFFF80] =	vst v3  }
0x225: {  	v11 =	vsel vm1, v11, v42;
	v3 =	vsel vm0, v8, v37;
	[tilespmem:s8+$0xFFFFFF70] =	vst v43;
	v45 =	vpop (erf)  }
0x226: {  	(erf) = vpow2.f32 v39;
	v9 =	vsel vm0, v9, v40;
	[tilespmem:s8+$0xB0] =	vst v3;
	v3 =	vmul.f32 v45, v20  }
0x227: {  	v57 =	vld [tilespmem:s4+$0xFFFFFE90];
	v44 =	vmul.f32 $1.442695020e+00, v11;
	[tilespmem:s8+$0xFFFFFF90] =	vst v9;
	v47 =	vpop (erf);
	v48 =	vmul.f32 v45, v18  }
0x228: {  	v46 =	vld [tilespmem:s4+$0xFFFFFFC0];
	v6 =	vmul.f32 v45, v6;
	v51 =	vmul.f32 v47, v13;
	[tilespmem:s8+$0x10] =	vst v3  }
0x229: {  	(erf) = vpow2.f32 v44;
	[tilespmem:s8+$0x0] =	vst v48  }
0x22a: {  	v1 =	vmul.f32 v47, v1;
	v3 =	vmul.f32 v47, v14;
	v6 =	vsel vm0, v6, v45;
	[tilespmem:s8+$0x30] =	vst v51  }
0x22b: {  	v54 =	vld [tilespmem:s4+$0xFFFFFF30];
	v50 =	vpop (erf);
	[tilespmem:s8+$0x20] =	vst v6  }
0x22c: {  	v49 =	vld [tilespmem:s4+$0xFFFFFFB0];
	v1 =	vsel vm0, v1, v47;
	v52 =	vpop (erf);
	[tilespmem:s8+$0x40] =	vst v3;
	v62 =	vmul.f32 v50, v57  }
0x22d: {  	v55 =	vld [tilespmem:s4+$0xFFFFFF20];
	v2 =	vmul.f32 v50, v2;
	[tilespmem:s8+$0x50] =	vst v1;
	v3 =	vmul.f32 v52, v46  }
0x22e: {  	v53 =	vld [tilespmem:s4+$0xFFFFFEA0];
	v4 =	vmul.f32 v52, v4;
	[tilespmem:s8+$0xFFFFFF40] =	vst v62  }
0x22f: {  	v58 =	vld [tilespmem:s4+$0xFFFFFEF0];
	v59 =	vpop (erf);
	v2 =	vsel vm0, v2, v50;
	[tilespmem:s8+$0x70] =	vst v3  }
0x230: {  	v60 =	vmul.f32 v59, v54;
	v4 =	vsel vm0, v4, v52;
	[tilespmem:s8+$0xFFFFFF60] =	vst v2  }
0x231: {  	v56 =	vld [tilespmem:s4+$0xFFFFFF00];
	v3 =	vmul.f32 v52, v49;
	[tilespmem:s8+$0x80] =	vst v4  }
0x232: {  	v9 =	vmul.f32 v59, v55;
	[tilespmem:s8+$0xFFFFFFE0] =	vst v60  }
0x233: {  	v61 =	vpop (erf);
	[tilespmem:s8+$0x60] =	vst v3;
	v3 =	vmul.f32 v50, v53  }
0x234: {  	s1 =	sadd.s32 $0x1, s1;
	[tilespmem:s8+$0xFFFFFFD0] =	vst v9;
	v4 =	vmul.f32 v61, v58;
	v63 =	vmul.f32 v61, v7  }
0x235: {  	p0 =	sne.s32 s1, $0x19;
	[tilespmem:s8+$0xFFFFFF50] =	vst v3  }
.Ltmp6:
0x236: {  	v5 =	vmul.f32 v59, v5;
	v3 =	vmul.f32 v61, v56;
	[tilespmem:s8+$0xFFFFFFA0] =	vst v4;
	v2 =	vsel vm0, v63, v61;
	(pc) =	sbr.rel @p0 .LBB2_6-.Ltmp6, $4  }
0x237: {  	[tilespmem:s8+$0xFFFFFFC0] =	vst v2  }
0x238: {  	[tilespmem:s8+$0xFFFFFFB0] =	vst v3;
	v3 =	vsel vm0, v5, v59  }
0x239: {  	s0 =	sadd.s32 $0x2840, s0;
	[tilespmem:s8+$0xFFFFFFF0] =	vst v3  }
0x23a: {  	[spmem:s3] =	stream.indirect.scatter.add.f32 [tilespmem:s24], [sflag:$0x6], $0x30, s0, s23, $0xb8;
	[tilespmem:$0x155A0] =	vst v63  }
0x23b: {  	_ =	swait.ge [sflag:s19], $0x2580  }
0x23c: {  	[sflag:s19] =	ssyncset.done $0x0  }
0x23d: {  	[sflag:s19] =	ssyncadd.s32 $0xFFFFDA80  }
0x23e: {  	_ =	swait.ge [sflag:s20], $0xC80  }
0x23f: {  	[sflag:s20] =	ssyncset.done $0x0  }
0x240: {  	[sflag:s20] =	ssyncadd.s32 $0xFFFFF380  }
0x241: {  	_ =	swait.ge [sflag:s29], $0x1380  }
0x242: {  	[sflag:s29] =	ssyncset.done $0x0  }
0x243: {  	[sflag:s29] =	ssyncadd.s32 $0xFFFFEC80  }
0x244: {  	_ =	swait.ge [sflag:s30], $0x1200  }
0x245: {  	[sflag:s30] =	ssyncset.done $0x0  }
0x246: {  	[sflag:s30] =	ssyncadd.s32 $0xFFFFEE00  }
0x247: {  	s0 =	stileid.u32;
	[bflag:$0x0] =	sbarrier.arrive $0xFFFF  }
0x248: {  	s0 =	sshll.u32 s0, $0x6;
	s1 =	rddreg [dreg:$0x6]  }
0x249: {  	s0 =	sor.u32 $0x1C07, s0;
	s4 =	rddreg [dreg:$0x8]  }
0x24a: {  	[hbm:s1], [sflag:s0] =	dma.local [spmem:s4], $0xF00  }
0x24b: {  	_ =	swait.ge [sflag:s11], $0xF00  }
0x24c: {  	s25 =	rddreg [dreg:$0x9]  }
0x24d: {  	s31 =	rddreg [dreg:$0x7];
	s1 =	sadd.s32 $0x1, s25  }
0x24e: {  	p0 =	sne.s32 s1, s31  }
.Ltmp7:
0x24f: {  	_ = 	snop;
	(pc) =	sbr.rel @p0 .LBB2_1-.Ltmp7, $3  }
0x250: {  	_ =	sdelay $0x1  }
0x251: {  	[sflag:s11] =	ssyncset.done $0x0  }
0x252: {  	s4 =	simm.s32 $0x2710;
	[sflag:s11] =	ssyncadd.s32 $0xFFFFF100  }
0x253: {  	_ =	sfence.sel $0x180000  }
0x254: {  	[bflag:$0x0] =	sbarrier.arrive $0xFFFF  }
0x255: {  	_ =	strace $0x9000004A  }
0x256: {  	s0 =	stileid.u32;
	[bflag:$0x2] =	sbarrier.arrive $0xFFFF  }
0x257: {  	p0 =	sne.s32 s0, $0x0;
	s0 =	rddreg [dreg:$0x3]  }
0x258: {  	s0 =	sadd.s32 @!p0 $0x100000, s0  }
0x259: {  	[sflag:s0] =	ssyncadd.tile.s32 @!p0 $0x1;
	_ =	shalt  }
.Lfunc_end2:
_tile_overlayer_lowered:
.L_overlay_start_2:
0x25a: {  	(tag) =	ssettag $0x2  }
0x25b: {  	s0 =	rddreg [dreg:$0x0];
	s2 =	stileid.u32  }
0x25c: {  	s1 =	rddreg [dreg:$0x1];
	p0 =	sne.s32 s2, $0x0  }
0x25d: {  	s3 =	rddreg [dreg:$0x2];
	[bflag:$0x3] =	sbarrier.arrive $0xFFFF;
	s2 =	simm.s32 @!p0 $0x1C07  }
0x25e: {  	[timem:s3], [sflag:s2] =	dma.local @!p0 [hbm:s0], s1  }
0x25f: {  	s0 =	simm.s32 @!p0 $0x7  }
0x260: {  	_ =	swait.ge @!p0 [sflag:s0], s1  }
0x261: {  	s1 =	ssub.s32 @!p0 $0x0, s1;
	[sflag:s0] =	ssyncset.done @!p0 $0x0  }
0x262: {  	[sflag:s0] =	ssyncadd.s32 @!p0 s1  }
0x263: {  	[bflag:$0x3] =	sbarrier.arrive $0xFFFF  }
0x264: {  	_ =	shalt  }

// kernel: kernel.7.cloned.1.call-start
scs
__scs_entry_jumppad:
0x0: {  	(pc) =	sbr.rel $0x88, $3  }
0x1: {  	(tag) =	ssettag $0x0;
	lr =	simm.s32 $0x1  }
0x2: {  	[smem:$0x3F97] =	sst lr;
	_ =	strace $0xD0000000  }
0x3: {  	_ = 	snop  }
0x4: {  	_ = 	snop  }
0x5: {  	_ = 	snop  }
0x6: {  	_ = 	snop  }
0x7: {  	_ = 	snop  }
__scs_overlays_trampoline_lowered:
0x8: {  	[smem:$0x3FA6] =	sst s0  }
0x9: {  	[smem:$0x3FA7] =	sst s1  }
0xa: {  	[smem:$0x3FA8] =	sst s2  }
0xb: {  	[smem:$0x3FA9] =	sst s3  }
0xc: {  	[smem:$0x3FAA] =	sst s4  }
0xd: {  	[smem:$0x3FAB] =	sst s5  }
0xe: {  	[smem:$0x3FAC] =	sst s6  }
0xf: {  	[smem:$0x3FAD] =	sst s7  }
0x10: {  	[smem:$0x3FAE] =	sst s8  }
0x11: {  	[smem:$0x3FAF] =	sst s9;
	s0 =	simm.s32 @!p0 $0x0  }
0x12: {  	s1 =	sld [smem:$0x3F95];
	s0 =	simm.s32 @p0 $0x1  }
0x13: {  	[smem:$0x3FB0] =	sst s0;
	s0 =	simm.s32 @!p1 $0x0  }
0x14: {  	s2 =	sld [smem:$0x3F94];
	s0 =	simm.s32 @p1 $0x1  }
0x15: {  	[smem:$0x3FB1] =	sst s0;
	s0 =	simm.s32 @!p2 $0x0  }
0x16: {  	s3 =	sld [smem:$0x3FDB];
	s0 =	simm.s32 @p2 $0x1  }
0x17: {  	s4 =	simm.s32 $0x1BF5;
	[smem:$0x3FB3] =	sst s0  }
0x18: {  	s0 =	sld [smem:$0x3F96];
	_ =	swait.ge [sflag:s4], $0x0  }
0x19: {  	s7 =	sld [smem:$0x3F97]  }
0x1a: {  	s8 =	sadd.s32 $0xFFFFE003, lr  }
0x1b: {  	s9 =	sadd.s32 $0xFFFFFEF7, lr;
	s5 =	simm.s32 $0xFFFFFFFF;
	p2 =	slt.u32 s8, $0xFFFFF086  }
0x1c: {  	p1 =	slt.u32 s9, $0xF7A;
	s5 =	simm.s32 @!p2 $0x0  }
0x1d: {  	s5 =	simm.s32 @p1 $0x1;
	p0 =	seq.s32 s7, s2  }
0x1e: {  	s7 =	smul.u32 @!p0 $0xF7A, s2;
	p2 =	seq.s32 @!p0 s5, $0x0  }
0x1f: {  	s9 =	smul.u32 $0xF7A, s1;
	s8 =	simm.s32 @!p0 $0x1BF5;
	p2 =	por !p2, p0  }
0x20: {  	[sflag:s8] =	ssyncset.s32 @!p0 $0xFFFFF086;
	s6 =	sadd.s32 @!p0 s3, s7;
	s7 =	simm.s32 @!p0 $0x108  }
0x21: {  	s3 =	sadd.s32 s3, s9;
	s6 =	sadd.s32 @!p0 $0x88, s6;
	s7 =	simm.s32 @p2 $0x1082  }
0x22: {  	[simem:s7], [sflag:s8] =	dma.local @!p0 [hbm:s6], $0xF7A  }
0x23: {  	s9 =	sor.u32 $0xD0000000, s2;
	s6 =	simm.s32 $0x108;
	_ =	swait.ge @!p0 [sflag:s8], $0x0  }
0x24: {  	s3 =	sadd.s32 $0x88, s3;
	s6 =	simm.s32 @!p1 $0x1082;
	[sflag:s4] =	ssyncset.s32 $0xFFFFF086  }
0x25: {  	[simem:s6], [sflag:s4] =	dma.local [hbm:s3], $0xF7A  }
0x26: {  	[smem:$0x3F97] =	sst s1;
	(tag) =	ssettag s2;
	_ =	strace s9  }
0x27: {  	s1 =	sld [smem:$0x3FA7]  }
0x28: {  	s2 =	sld [smem:$0x3FA8]  }
0x29: {  	s4 =	sld [smem:$0x3FAA]  }
0x2a: {  	p0 =	seq.s32 s5, $0x0;
	s5 =	sld [smem:$0x3FAB]  }
0x2b: {  	s6 =	sld [smem:$0x3FAC]  }
0x2c: {  	s7 =	sld [smem:$0x3FAD]  }
0x2d: {  	s3 =	simm.s32 $0x108;
	s8 =	sld [smem:$0x3FAE]  }
0x2e: {  	s3 =	simm.s32 @!p0 $0x1082;
	s9 =	sld [smem:$0x3FAF]  }
0x2f: {  	lr =	sadd.s32 s0, s3;
	s0 =	sld [smem:$0x3FA6]  }
0x30: {  	s3 =	sld [smem:$0x3FA9]  }
0x31: {  	[smem:$0x3FB2] =	sst s10  }
0x32: {  	s10 =	sld [smem:$0x3FB0];
	_ =	sdelay $0x3  }
0x33: {  	p0 =	seq.s32 s10, $0x1;
	s10 =	sld [smem:$0x3FB2];
	_ =	sdelay $0x3  }
0x34: {  	[smem:$0x3FB2] =	sst s10  }
0x35: {  	s10 =	sld [smem:$0x3FB1];
	_ =	sdelay $0x3  }
0x36: {  	p1 =	seq.s32 s10, $0x1;
	s10 =	sld [smem:$0x3FB2];
	_ =	sdelay $0x3  }
0x37: {  	[smem:$0x3FB2] =	sst s10  }
0x38: {  	s10 =	sld [smem:$0x3FB3]  }
0x39: {  	_ = 	snop;
	(pc) =	sbr.ind lr, $3  }
0x3a: {  	_ = 	snop  }
0x3b: {  	_ = 	snop  }
0x3c: {  	p2 =	seq.s32 s10, $0x1;
	s10 =	sld [smem:$0x3FB2]  }
0x3d: {  	_ =	shalt  }
0x3e: {  	_ =	shalt  }
0x3f: {  	_ =	shalt  }
0x40: {  	_ =	shalt  }
0x41: {  	_ =	shalt  }
0x42: {  	_ =	shalt  }
0x43: {  	_ =	shalt  }
0x44: {  	_ =	shalt  }
0x45: {  	_ =	shalt  }
0x46: {  	_ =	shalt  }
0x47: {  	_ =	shalt  }
0x48: {  	_ =	shalt  }
0x49: {  	_ =	shalt  }
0x4a: {  	_ =	shalt  }
0x4b: {  	_ =	shalt  }
0x4c: {  	_ =	shalt  }
0x4d: {  	_ =	shalt  }
0x4e: {  	_ =	shalt  }
0x4f: {  	_ =	shalt  }
0x50: {  	_ =	shalt  }
0x51: {  	_ =	shalt  }
0x52: {  	_ =	shalt  }
0x53: {  	_ =	shalt  }
0x54: {  	_ =	shalt  }
0x55: {  	_ =	shalt  }
0x56: {  	_ =	shalt  }
0x57: {  	_ =	shalt  }
0x58: {  	_ =	shalt  }
0x59: {  	_ =	shalt  }
0x5a: {  	_ =	shalt  }
0x5b: {  	_ =	shalt  }
0x5c: {  	_ =	shalt  }
0x5d: {  	_ =	shalt  }
0x5e: {  	_ =	shalt  }
0x5f: {  	_ =	shalt  }
0x60: {  	_ =	shalt  }
0x61: {  	_ =	shalt  }
0x62: {  	_ =	shalt  }
0x63: {  	_ =	shalt  }
0x64: {  	_ =	shalt  }
0x65: {  	_ =	shalt  }
0x66: {  	_ =	shalt  }
0x67: {  	_ =	shalt  }
0x68: {  	_ =	shalt  }
0x69: {  	_ =	shalt  }
0x6a: {  	_ =	shalt  }
0x6b: {  	_ =	shalt  }
0x6c: {  	_ =	shalt  }
0x6d: {  	_ =	shalt  }
0x6e: {  	_ =	shalt  }
0x6f: {  	_ =	shalt  }
0x70: {  	_ =	shalt  }
0x71: {  	_ =	shalt  }
0x72: {  	_ =	shalt  }
0x73: {  	_ =	shalt  }
0x74: {  	_ =	shalt  }
0x75: {  	_ =	shalt  }
0x76: {  	_ =	shalt  }
0x77: {  	_ =	shalt  }
0x78: {  	_ =	shalt  }
0x79: {  	_ =	shalt  }
0x7a: {  	_ =	shalt  }
0x7b: {  	_ =	shalt  }
0x7c: {  	_ =	shalt  }
0x7d: {  	_ =	shalt  }
0x7e: {  	_ =	shalt  }
0x7f: {  	_ =	shalt  }
0x80: {  	_ =	shalt  }
0x81: {  	_ =	shalt  }
0x82: {  	_ =	shalt  }
0x83: {  	_ =	shalt  }
0x84: {  	_ =	shalt  }
0x85: {  	_ =	shalt  }
0x86: {  	_ =	shalt  }
0x87: {  	_ =	shalt  }
.Lfunc_end0:
.L_simem_size_0:
called_computation_lowered:
.L_overlay_start_0:
0x88: {  	s2 =	sld [smem:$0x3FD9]  }
0x89: {  	s3 =	sld [smem:$0x3FFE];
	_ =	sdelay $0x1  }
0x8a: {  	s1 =	srdreg.scid  }
0x8b: {  	s0 =	sand.u32 $0x1, s1  }
0x8c: {  	s17 =	sshll.u32 s0, $0xA;
	s2 =	sadd.s32 s3, s2  }
0x8d: {  	s2 =	sadd.s32 s2, s17  }
0x8e: {  	[smem:$0x3FBE] =	sst s2  }
0x8f: {  	_ = 	snop  }
0x90: {  	s2 =	sld [smem:$0x3FD0];
	(tm) =	ssettm $0x1  }
0x91: {  	s18 =	sld [smem:$0x3FFB];
	_ =	sdelay $0x3  }
0x92: {  	_ =	strace s18  }
0x93: {  	s3 =	sld [smem:$0x3FFC];
	_ =	sdelay $0x3  }
0x94: {  	_ =	strace s3  }
0x95: {  	s3 =	sld [smem:$0x3FFD];
	_ =	sdelay $0x3  }
0x96: {  	_ =	strace s3  }
0x97: {  	_ =	strace $0x8FFFFFFF  }
0x98: {  	s19 =	sld [smem:$0x3FDB];
	_ =	sdelay $0x1  }
0x99: {  	s4 =	simm.s32 $_scs_section_size  }
0x9a: {  	s5 =	simm.s32 $_size__tile_overlayer_lowered;
	s6 =	simm.s32 $_tile_overlayer_lowered  }
0x9b: {  	s22 =	simm.s32 $0x1BFF;
	s21 =	sshll.u32 s6, $0x1;
	s3 =	sadd.s32 s4, s19  }
0x9c: {  	s7 =	simm.s32 $0x0;
	s20 =	sshll.u32 s5, $0x1;
	s5 =	sadd.s32 s21, s3  }
0x9d: {  	[timem:s7], [sflag:s22] =	dma.local [hbm:s5], s20  }
0x9e: {  	_ =	swait.ge [sflag:s22], s20  }
0x9f: {  	s4 =	ssub.s32 $0x0, s20;
	[sflag:s22] =	ssyncset.done $0x0  }
0xa0: {  	[sflag:s22] =	ssyncadd.s32 s4;
	_ =	sdelay $0x1  }
0xa1: {  	s23 =	simm.s32 $0x1B8B  }
0xa2: {  	_ =	swait.ge [sflag:s23], $0x1  }
0xa3: {  	[sflag:s23] =	ssyncset.done $0x0  }
0xa4: {  	s25 =	simm.s32 $0x1B8E;
	s24 =	sld [smem:$0x3FFE];
	[sflag:s23] =	ssyncadd.s32 $0xFFFFFFFF  }
0xa5: {  	s26 =	simm.s32 $execute0_lowered;
	[smem:$0x3FD2] =	sst s25  }
0xa6: {  	s5 =	sshll.u32 s26, $0x1;
	_ =	strace $0x80000046;
	[dreg:$0x1] =	wrdreg $0xFFFFFFFF  }
0xa7: {  	s28 =	simm.s32 $_size_execute0_lowered;
	s3 =	sadd.s32 s3, s5;
	[dreg:$0x0] =	wrdreg $0x0  }
0xa8: {  	s5 =	sshll.u32 s28, $0x1;
	[dreg:$0x2] =	wrdreg s3  }
0xa9: {  	[dreg:$0x3] =	wrdreg s5  }
0xaa: {  	[dreg:$0x4] =	wrdreg $0xC0  }
0xab: {  	_ =	task [dreg:s7], $0x5FFFF  }
0xac: {  	[dreg:$0x1] =	wrdreg $0xFFFFFFFF  }
0xad: {  	[dreg:$0x0] =	wrdreg $0x60  }
0xae: {  	[dreg:$0x2] =	wrdreg s24  }
0xaf: {  	[dreg:$0x3] =	wrdreg s2  }
0xb0: {  	[dreg:$0x4] =	wrdreg $0x12CA00  }
0xb1: {  	[dreg:$0x5] =	wrdreg $0x9  }
0xb2: {  	_ =	task.clear_ibuf [dreg:s7], $0x6FFFF;
	_ =	strace $0x90000046  }
0xb3: {  	s29 =	simm.s32 $0x9;
	_ =	strace $0x80000048  }
0xb4: {  	_ =	swait.ge [sflag:s29], $0x1  }
0xb5: {  	[sflag:s29] =	ssyncadd.s32 $0xFFFFFFFF  }
0xb6: {  	_ =	strace $0x90000048  }
0xb7: {  	_ =	sfence  }
0xb8: {  	s30 =	sld [smem:$0x0];
	_ =	sdelay $0x2  }
0xb9: {  	s31 =	sshll.u32 s1, $0xD;
	s1 =	sshrl.u32 s1, $0x2  }
0xba: {  	s3 =	sand.u32 $0x4000, s31;
	s1 =	sadd.s32 s1, s30  }
0xbb: {  	s0 =	sor.u32 s3, s0;
	s1 =	sshll.u32 s1, $0x11  }
0xbc: {  	s0 =	sor.u32 s1, s0  }
0xbd: {  	s0 =	sadd.s32 $0x8F2B, s0  }
0xbe: {  	[sflag:s0] =	ssyncadd.remote.s32 $0x1  }
0xbf: {  	_ =	sfence.sel $0xFFFF  }
0xc0: {  	[dreg:$0x0] =	wrdreg $0xFFFFFFFF;
	(pc) =	sbr.abs _section_cstart, $3  }
0xc1: {  	[dreg:$0x1] =	wrdreg $0xFFFFFFFF  }
0xc2: {  	_ =	task.clear_ibuf [dreg:s7], $0x2FFFF;
	_ =	strace $0x9FFFFFFF  }
0xc3: {  	(tm) =	ssettm $0x7FFFFFFF  }
tec
execute0_lowered:
.L_overlay_start_1:
0x0: {  	(tag) =	ssettag $0x1  }
0x1: {  	s0 =	srdreg.scid;
	s1 =	rddreg [dreg:$0x0]  }
0x2: {  	s9 =	stileid.u32;
	s2 =	rddreg [dreg:$0x1];
	s6 =	simm.s32 $0x0  }
0x3: {  	s13 =	simm.s32 $0x122A0;
	s14 =	simm.s32 $0xC8;
	s15 =	simm.s32 $0x4E20  }
0x4: {  	s16 =	simm.s32 $0x8CA0;
	s17 =	simm.s32 $0x9920;
	s18 =	simm.s32 $0xD7A0  }
0x5: {  	s19 =	simm.s32 $0x1;
	s20 =	simm.s32 $0x2;
	s21 =	simm.s32 $0x68  }
0x6: {  	s22 =	simm.s32 $0xE420;
	s23 =	simm.s32 $0x60;
	s24 =	simm.s32 $0x104A0  }
0x7: {  	s28 =	simm.s32 $0x4;
	s29 =	simm.s32 $0x5;
	s30 =	simm.s32 $0x6  }
0x8: {  	s31 =	simm.s32 $0x0;
	s0 =	sand.u32 $0x1, s0;
	s26 =	smul.u32 $0xC800, s9  }
0x9: {  	[smem:$0x7FF] =	sst s6;
	s10 =	smul.u32 $0x32000, s9;
	s6 =	simm.s32 $0x2710  }
0xa: {  	s3 =	sshll.u32 s0, $0x4;
	s5 =	smul.u32 $0xC8000, s0;
	s0 =	ssub.s32 $0x2, s0  }
0xb: {  	s4 =	sor.u32 s9, s3;
	s3 =	rddreg [dreg:$0x2];
	_ =	strace $0x80000047  }
0xc: {  	s8 =	sshrl.u32 s0, $0x1;
	s25 =	sshrl.u32 s10, $0x2;
	s4 =	smul.u32 $0x2710, s4  }
0xd: {  	s7 =	sadd.s32 s26, s5;
	s5 =	sadd.s32 $0x29200, s1;
	s0 =	ssub.s32 s0, s8  }
0xe: {  	s12 =	sadd.s32 s26, s3;
	s0 =	smax.u32 s0, $0x1;
	s4 =	sshrl.u32 s4, $0x3  }
0xf: {  	s26 =	sshrl.u32 s12, $0x3;
	[dreg:$0x7] =	wrdreg s0;
	s4 =	sadd.s32 s4, s1  }
0x10: {  	s7 =	sshrl.u32 s7, $0x3;
	[dreg:$0x8] =	wrdreg s26;
	s11 =	sadd.s32 $0x41A00, s4  }
0x11: {  	s1 =	sadd.s32 s7, s1;
	s4 =	sadd.s32 $0x4B640, s4;
	[dreg:$0x4] =	wrdreg s11  }
0x12: {  	s10 =	sadd.s32 s25, s3;
	s1 =	sadd.s32 $0x55400, s1;
	[dreg:$0x5] =	wrdreg s4  }
0x13: {  	v0 =	vimm.f32 $0.0e+00;
	s26 =	simm.s32 $0x3;
	[dreg:$0x6] =	wrdreg s1;
	s11 =	simm.s32 $0x7  }
.LBB2_1:
0x14: {  	s0 =	simm.s32 $0x0;
	s1 =	rddreg [dreg:$0x4]  }
0x15: {  	[tilespmem:s0], [sflag:$0x7] =	stream.linear.gather [hbm4b:s1+s0], $0x2710, $0x38;
	[tilespmem:$0x1F4A0] =	vst v63  }
0x16: {  	_ =	swait.ge [sflag:s11], $0x2710  }
0x17: {  	[sflag:s11] =	ssyncset.done $0x0  }
0x18: {  	s25 =	rddreg [dreg:$0x5];
	[sflag:s11] =	ssyncadd.s32 $0xFFFFD8F0  }
0x19: {  	[tilespmem:s6], [sflag:$0x7] =	stream.linear.gather [hbm4b:s25+s0], $0x2710, $0x38;
	[tilespmem:$0x1F4A0] =	vst v63  }
0x1a: {  	_ =	swait.ge [sflag:s11], $0x2710  }
0x1b: {  	[sflag:s11] =	ssyncset.done $0x0  }
0x1c: {  	s1 =	simm.s32 $0x140;
	s0 =	simm.s32 $0x0;
	[sflag:s11] =	ssyncadd.s32 $0xFFFFD8F0  }
.LBB2_2:
0x1d: {  	p0 =	sne.s32 s1, $0x26C0;
	[tilespmem:s0+$0x122E0] =	vst v0;
	s4 =	smov.u32 s1;
	s1 =	sadd.s32 $0x140, s1  }
.Ltmp0:
0x1e: {  	[tilespmem:s0+$0x122D0] =	vst v0;
	(pc) =	sbr.rel @p0 .LBB2_2-.Ltmp0, $4  }
0x1f: {  	[tilespmem:s0+$0x122C0] =	vst v0  }
0x20: {  	[tilespmem:s0+$0x122A0] =	vst v0  }
0x21: {  	[tilespmem:s0+$0x122B0] =	vst v0  }
0x22: {  	s0 =	sshra.s32 s4, $0x2  }
0x23: {  	[tilespmem:s0+$0x122E0] =	vst v0  }
0x24: {  	[tilespmem:s0+$0x122D0] =	vst v0  }
0x25: {  	[tilespmem:s0+$0x122C0] =	vst v0  }
0x26: {  	[tilespmem:s0+$0x122A0] =	vst v0  }
0x27: {  	[tilespmem:s0+$0x122B0] =	vst v0;
	s25 =	sadd.s32 $0x0, s10  }
0x28: {  	[spmem:s25] =	stream.linear.scatter [tilespmem:s13], [sflag:$0x7], $0xA00, $0x38;
	[tilespmem:$0x1F4A0] =	vst v63  }
0x29: {  	s0 =	simm.s32 $0x2800;
	_ =	swait.ge [sflag:s11], $0xA00  }
.LBB2_4:
0x2a: {  	s1 =	sshra.s32 s0, $0x2;
	[sflag:s11] =	ssyncset.done $0x0;
	p0 =	sne.s32 s0, $0x2F800  }
.Ltmp1:
0x2b: {  	s1 =	sadd.s32 s1, s10;
	[sflag:s11] =	ssyncadd.s32 $0xFFFFF600;
	(pc) =	sbr.rel @p0 .LBB2_4-.Ltmp1, $3  }
0x2c: {  	[spmem:s1] =	stream.linear.scatter [tilespmem:s13], [sflag:$0x7], $0xA00, $0x38;
	[tilespmem:$0x1F4A0] =	vst v63  }
0x2d: {  	s0 =	sadd.s32 $0x2800, s0;
	_ =	sdelay $0x1  }
0x2e: {  	_ =	swait.ge [sflag:s11], $0xA00  }
0x2f: {  	[sflag:s11] =	ssyncset.done $0x0  }
0x30: {  	[sflag:s11] =	ssyncadd.s32 $0xFFFFF600  }
0x31: {  	s1 =	simm.s32 $0x0;
	[bflag:$0x0] =	sbarrier.arrive $0xFFFF  }
0x32: {  	[tilespmem:s15], [sflag:$0x1] =	stream.indirect.gather [hbm4b:s5+s14], $0x50, s1, s14, $0xb8;
	[tilespmem:$0x1F4A0] =	vst v63  }
0x33: {  	_ = 	snop  }
0x34: {  	[tilespmem:s16], [sflag:$0x2] =	stream.indirect.gather [hbm4b:s2+s14], $0x10, s6, s14, $0xb8;
	[tilespmem:$0x1F4A0] =	vst v63  }
.LBB2_6:
0x35: {  	s0 =	smul.u32 $0x190, s1;
	_ =	sdelay $0x1  }
0x36: {  	s4 =	sadd.s32 $0xC8, s0  }
0x37: {  	[tilespmem:s17], [sflag:$0x3] =	stream.indirect.gather [hbm4b:s5+s14], $0x50, s4, s14, $0xb8;
	[tilespmem:$0x1F4A0] =	vst v63  }
0x38: {  	s12 =	sadd.s32 $0x27D8, s0  }
0x39: {  	[tilespmem:s18], [sflag:$0x4] =	stream.indirect.gather [hbm4b:s2+s14], $0x10, s12, s14, $0xb8;
	[tilespmem:$0x1F4A0] =	vst v63  }
0x3a: {  	_ =	swait.ge [sflag:s19], $0x3E80  }
0x3b: {  	[sflag:s19] =	ssyncset.done $0x0  }
0x3c: {  	[sflag:s19] =	ssyncadd.s32 $0xFFFFC180  }
0x3d: {  	_ =	swait.ge [sflag:s20], $0xC80  }
0x3e: {  	p0 =	seq.s32 s1, $0x0;
	[sflag:s20] =	ssyncset.done $0x0  }
0x3f: {  	s4 =	simm.s32 @!p0 $0x5;
	[sflag:s20] =	ssyncadd.s32 $0xFFFFF380  }
0x40: {  	_ =	swait.ge @!p0 [sflag:s4], $0x2080  }
0x41: {  	[sflag:s4] =	ssyncset.done @!p0 $0x0  }
0x42: {  	s9 =	simm.s32 $0x4F60;
	[sflag:s4] =	ssyncadd.s32 @!p0 $0xFFFFDF80  }
0x43: {  	s25 =	simm.s32 $0x8CE0;
	v1 =	vld [tilespmem:s9+$0x130]  }
0x44: {  	v2 =	vld [tilespmem:s25+$0x30];
	_ =	sdelay $0x1  }
0x45: {  	v3 =	vld [tilespmem:s25+$0xFFFFFFC0]  }
0x46: {  	v4 =	vld [tilespmem:s9+$0xFFFFFF50]  }
0x47: {  	v5 =	vld [tilespmem:s25+$0xFFFFFFD0]  }
0x48: {  	v6 =	vld [tilespmem:s9+$0xFFFFFFA0];
	v1 =	vadd.f32 v2, v1  }
0x49: {  	v7 =	vld [tilespmem:s9+$0xFFFFFFF0]  }
0x4a: {  	v9 =	vld [tilespmem:s25+$0xFFFFFFF0];
	v8 =	vmul.f32 $2.000000030e-01, v1  }
0x4b: {  	v2 =	vld [tilespmem:s25+$0xFFFFFFE0];
	vm0 =	vge.f32 v1, $0.0e+00  }
0x4c: {  	v10 =	vld [tilespmem:s9+$0x40];
	v1 =	vsel vm0, v1, v8  }
0x4d: {  	v8 =	vld [tilespmem:s25+$0x0];
	v1 =	vmul.f32 $1.442695020e+00, v1  }
0x4e: {  	v11 =	vld [tilespmem:s25+$0x10];
	v4 =	vadd.f32 v5, v4  }
0x4f: {  	v5 =	vld [tilespmem:s9+$0x90];
	v7 =	vadd.f32 v9, v7;
	(erf) = vpow2.f32 v1  }
0x50: {  	v9 =	vld [tilespmem:s9+$0xFFFFFF00];
	v2 =	vadd.f32 v2, v6;
	v1 =	vmul.f32 $2.000000030e-01, v4  }
0x51: {  	vm14 =	vge.f32 v4, $0.0e+00;
	vm1 =	vge.f32 v7, $0.0e+00;
	v6 =	vld [tilespmem:s9+$0xE0]  }
0x52: {  	v12 =	vmul.f32 $2.000000030e-01, v2;
	v1 =	vsel vm14, v4, v1;
	v4 =	vld [tilespmem:s25+$0x20];
	v8 =	vadd.f32 v8, v10  }
0x53: {  	vm15 =	vge.f32 v2, $0.0e+00;
	v10 =	vmul.f32 $2.000000030e-01, v7;
	v1 =	vmul.f32 $1.442695020e+00, v1  }
0x54: {  	v5 =	vadd.f32 v11, v5;
	v2 =	vsel vm15, v2, v12;
	v12 =	vld [tilespmem:s9+$0xF0];
	v13 =	vmul.f32 $2.000000030e-01, v8  }
0x55: {  	v7 =	vsel vm1, v7, v10;
	(erf) = vpow2.f32 v1;
	v1 =	vadd.f32 v3, v9  }
0x56: {  	v2 =	vmul.f32 $1.442695020e+00, v2;
	vm4 =	vge.f32 v8, $0.0e+00;
	v3 =	vmul.f32 $2.000000030e-01, v5  }
0x57: {  	v8 =	vsel vm4, v8, v13;
	v4 =	vadd.f32 v4, v6;
	v9 =	vmul.f32 $2.000000030e-01, v1  }
0x58: {  	v6 =	vmul.f32 $1.442695020e+00, v7;
	vm6 =	vge.f32 v1, $0.0e+00;
	v8 =	vmul.f32 $1.442695020e+00, v8;
	v7 =	vpop (erf)  }
0x59: {  	v1 =	vsel vm6, v1, v9;
	(erf) = vpow2.f32 v2;
	v11 =	vmul.f32 v7, v12  }
0x5a: {  	s6 =	simm.s32 $0x51E0;
	v1 =	vmul.f32 $1.442695020e+00, v1;
	(erf) = vpow2.f32 v6  }
0x5b: {  	s4 =	simm.s32 $0xE560;
	v17 =	vld [tilespmem:s6+$0x130];
	vm5 =	vge.f32 v5, $0.0e+00;
	v10 =	vmul.f32 $2.000000030e-01, v4;
	(erf) = vpow2.f32 v8  }
0x5c: {  	v2 =	vsel vm5, v5, v3;
	vm7 =	vge.f32 v4, $0.0e+00;
	v5 =	vld [tilespmem:s9+$0xFFFFFFB0];
	[tilespmem:s4+$0xF0] =	vst v11;
	(erf) = vpow2.f32 v1  }
0x5d: {  	v2 =	vmul.f32 $1.442695020e+00, v2;
	v4 =	vsel vm7, v4, v10;
	v3 =	vld [tilespmem:s9+$0x100]  }
0x5e: {  	v1 =	vld [tilespmem:s9+$0xFFFFFF10];
	v4 =	vmul.f32 $1.442695020e+00, v4  }
0x5f: {  	(erf) = vpow2.f32 v2;
	v2 =	vld [tilespmem:s9+$0xFFFFFF60]  }
0x60: {  	(erf) = vpow2.f32 v4;
	v4 =	vld [tilespmem:s9+$0x0]  }
0x61: {  	s7 =	simm.s32 $0x8D60;
	v6 =	vld [tilespmem:s9+$0xFFFFFEC0];
	v9 =	vpop (erf)  }
0x62: {  	v19 =	vld [tilespmem:s7+$0xFFFFFFC0];
	v3 =	vmul.f32 v7, v3;
	v14 =	vpop (erf)  }
0x63: {  	v20 =	vld [tilespmem:s6+$0xFFFFFF50];
	v10 =	vmul.f32 v9, v1;
	v1 =	vpop (erf)  }
0x64: {  	v21 =	vld [tilespmem:s7+$0xFFFFFFD0];
	[tilespmem:s4+$0x100] =	vst v3;
	v3 =	vmul.f32 v14, v2;
	v2 =	vpop (erf)  }
0x65: {  	v22 =	vld [tilespmem:s6+$0xFFFFFFA0];
	[tilespmem:s4+$0xFFFFFF10] =	vst v10;
	v10 =	vmul.f32 v1, v5;
	v4 =	vmul.f32 v2, v4;
	v5 =	vpop (erf)  }
0x66: {  	v23 =	vld [tilespmem:s6+$0xFFFFFFF0];
	v6 =	vmul.f32 v5, v6  }
0x67: {  	v25 =	vld [tilespmem:s7+$0xFFFFFFF0];
	[tilespmem:s4+$0x0] =	vst v4  }
0x68: {  	[tilespmem:s4+$0xFFFFFEC0] =	vst v6;
	v6 =	vld [tilespmem:s9+$0x10]  }
0x69: {  	v26 =	vld [tilespmem:s6+$0x40]  }
0x6a: {  	v27 =	vld [tilespmem:s7+$0x10]  }
0x6b: {  	v28 =	vld [tilespmem:s7+$0x20]  }
0x6c: {  	v12 =	vld [tilespmem:s9+$0xA0]  }
0x6d: {  	v8 =	vld [tilespmem:s9+$0x50];
	v6 =	vmul.f32 v2, v6  }
0x6e: {  	v11 =	vld [tilespmem:s9+$0x110]  }
0x6f: {  	[tilespmem:s4+$0x10] =	vst v6;
	v6 =	vld [tilespmem:s7+$0x30]  }
0x70: {  	v13 =	vld [tilespmem:s9+$0xFFFFFF20];
	[tilespmem:s4+$0xFFFFFF60] =	vst v3  }
0x71: {  	[tilespmem:s4+$0xFFFFFFB0] =	vst v10;
	v15 =	vld [tilespmem:s9+$0xFFFFFF70];
	v3 =	vpop (erf)  }
0x72: {  	v10 =	vld [tilespmem:s9+$0xFFFFFFC0];
	v8 =	vmul.f32 v3, v8  }
0x73: {  	v4 =	vpop (erf);
	v16 =	vld [tilespmem:s9+$0xFFFFFED0];
	v11 =	vmul.f32 v7, v11  }
0x74: {  	v20 =	vadd.f32 v21, v20;
	v21 =	vld [tilespmem:s6+$0x90];
	v12 =	vmul.f32 v4, v12;
	[tilespmem:s4+$0x50] =	vst v8;
	v6 =	vadd.f32 v6, v17  }
0x75: {  	v8 =	vmul.f32 v9, v13;
	v13 =	vld [tilespmem:s9+$0x60];
	[tilespmem:s4+$0x110] =	vst v11  }
0x76: {  	[tilespmem:s4+$0xA0] =	vst v12;
	v12 =	vld [tilespmem:s9+$0x120];
	v24 =	vmul.f32 $2.000000030e-01, v6  }
0x77: {  	v11 =	vmul.f32 v14, v15;
	[tilespmem:s4+$0xFFFFFF20] =	vst v8;
	v8 =	vmul.f32 v1, v10;
	v10 =	vld [tilespmem:s9+$0xB0];
	vm8 =	vge.f32 v6, $0.0e+00  }
0x78: {  	v23 =	vadd.f32 v25, v23;
	v16 =	vmul.f32 v5, v16;
	v17 =	vld [tilespmem:s7+$0xFFFFFFE0];
	v6 =	vsel vm8, v6, v24  }
0x79: {  	v15 =	vld [tilespmem:s9+$0xFFFFFF30];
	[tilespmem:s4+$0xFFFFFF70] =	vst v11;
	v6 =	vmul.f32 $1.442695020e+00, v6  }
0x7a: {  	v11 =	vld [tilespmem:s9+$0xFFFFFF80];
	[tilespmem:s4+$0xFFFFFED0] =	vst v16;
	v16 =	vmul.f32 $2.000000030e-01, v23  }
0x7b: {  	vm9 =	vge.f32 v20, $0.0e+00;
	v24 =	vld [tilespmem:s7+$0x0];
	(erf) = vpow2.f32 v6;
	v6 =	vmul.f32 $2.000000030e-01, v20  }
0x7c: {  	v21 =	vadd.f32 v27, v21;
	v18 =	vld [tilespmem:s9+$0x20];
	v13 =	vmul.f32 v3, v13;
	v12 =	vmul.f32 v12, v7  }
0x7d: {  	v29 =	vld [tilespmem:s6+$0xFFFFFF60];
	v10 =	vmul.f32 v4, v10;
	v17 =	vadd.f32 v17, v22;
	v6 =	vsel vm9, v20, v6  }
0x7e: {  	vm11 =	vge.f32 v23, $0.0e+00;
	[tilespmem:s4+$0xFFFFFFC0] =	vst v8;
	v15 =	vmul.f32 v9, v15;
	v20 =	vld [tilespmem:s6+$0xFFFFFF00];
	v6 =	vmul.f32 $1.442695020e+00, v6  }
0x7f: {  	vm13 =	vge.f32 v21, $0.0e+00;
	v8 =	vld [tilespmem:s9+$0xFFFFFFD0];
	[tilespmem:s4+$0xB0] =	vst v10;
	v10 =	vmul.f32 $2.000000030e-01, v21;
	v25 =	vmul.f32 $2.000000030e-01, v17  }
0x80: {  	v22 =	vld [tilespmem:s6+$0xE0];
	vm10 =	vge.f32 v17, $0.0e+00;
	v24 =	vadd.f32 v24, v26;
	(erf) = vpow2.f32 v6  }
0x81: {  	v27 =	vld [tilespmem:s6+$0xFFFFFF10];
	[tilespmem:s4+$0x60] =	vst v13;
	v11 =	vmul.f32 v14, v11;
	v18 =	vmul.f32 v2, v18;
	v17 =	vsel vm10, v17, v25  }
0x82: {  	[tilespmem:s4+$0x120] =	vst v12;
	v10 =	vsel vm13, v21, v10;
	v25 =	vld [tilespmem:s6+$0xF0];
	v17 =	vmul.f32 $1.442695020e+00, v17;
	v13 =	vmul.f32 $2.000000030e-01, v24  }
0x83: {  	[tilespmem:s4+$0xFFFFFF80] =	vst v11;
	v21 =	vld [tilespmem:s9+$0xFFFFFEE0];
	vm12 =	vge.f32 v24, $0.0e+00;
	v6 =	vsel vm11, v23, v16;
	v12 =	vadd.f32 v19, v20  }
0x84: {  	v8 =	vmul.f32 v1, v8;
	[tilespmem:s4+$0x20] =	vst v18;
	v18 =	vld [tilespmem:s9+$0xFFFFFF90];
	v13 =	vsel vm12, v24, v13  }
0x85: {  	[tilespmem:s4+$0xFFFFFF30] =	vst v15;
	v26 =	vld [tilespmem:s6+$0xFFFFFEC0];
	(erf) = vpow2.f32 v17;
	v19 =	vadd.f32 v28, v22;
	v15 =	vmul.f32 $2.000000030e-01, v12  }
0x86: {  	v16 =	vld [tilespmem:s6+$0xFFFFFFB0];
	v20 =	vmul.f32 $1.442695020e+00, v6;
	v13 =	vmul.f32 $1.442695020e+00, v13;
	v6 =	vpop (erf);
	vm14 =	vge.f32 v12, $0.0e+00  }
0x87: {  	[tilespmem:s4+$0x130] =	vst v7;
	v11 =	vmul.f32 $2.000000030e-01, v19;
	v24 =	vmul.f32 v6, v25;
	v12 =	vsel vm14, v12, v15;
	v15 =	vld [tilespmem:s9+$0x70]  }
0x88: {  	s8 =	simm.s32 $0xE7E0;
	[tilespmem:s4+$0xFFFFFFD0] =	vst v8;
	v23 =	vld [tilespmem:s6+$0x50];
	(erf) = vpow2.f32 v20;
	v8 =	vmul.f32 $1.442695020e+00, v12  }
0x89: {  	v10 =	vmul.f32 $1.442695020e+00, v10;
	vm15 =	vge.f32 v19, $0.0e+00;
	(erf) = vpow2.f32 v13;
	v13 =	vld [tilespmem:s9+$0xC0];
	[tilespmem:s8+$0xF0] =	vst v24;
	v7 =	vpop (erf)  }
0x8a: {  	v11 =	vsel vm15, v19, v11;
	v12 =	vld [tilespmem:s6+$0x100];
	(erf) = vpow2.f32 v8;
	v8 =	vmul.f32 v7, v27  }
0x8b: {  	v17 =	vld [tilespmem:s9+$0xFFFFFF40];
	v11 =	vmul.f32 $1.442695020e+00, v11;
	(erf) = vpow2.f32 v10  }
0x8c: {  	v22 =	vld [tilespmem:s6+$0x0];
	v10 =	vmul.f32 v5, v21;
	[tilespmem:s8+$0xFFFFFF10] =	vst v8;
	v8 =	vmul.f32 v3, v15  }
0x8d: {  	[tilespmem:s4+$0xFFFFFFA0] =	vst v14;
	v20 =	vld [tilespmem:s9+$0xFFFFFFE0]  }
0x8e: {  	v19 =	vld [tilespmem:s6+$0xA0];
	(erf) = vpow2.f32 v11;
	[tilespmem:s4+$0xFFFFFEE0] =	vst v10;
	v10 =	vmul.f32 v4, v13  }
0x8f: {  	[tilespmem:s4+$0xFFFFFF50] =	vst v9;
	v15 =	vld [tilespmem:s6+$0xFFFFFF20];
	v11 =	vmul.f32 v6, v12  }
0x90: {  	v24 =	vld [tilespmem:s9+$0xFFFFFEF0];
	[tilespmem:s4+$0x70] =	vst v8;
	v8 =	vpop (erf)  }
0x91: {  	[tilespmem:s8+$0x100] =	vst v11;
	v11 =	vmul.f32 v17, v9;
	v17 =	vld [tilespmem:s9+$0x30];
	v12 =	vmul.f32 v8, v29;
	v9 =	vpop (erf)  }
0x92: {  	[tilespmem:s4+$0xC0] =	vst v10;
	v21 =	vld [tilespmem:s6+$0x110];
	v10 =	vpop (erf)  }
0x93: {  	v25 =	vld [tilespmem:s9+$0x80];
	v16 =	vmul.f32 v9, v16;
	[tilespmem:s8+$0xFFFFFF60] =	vst v12;
	v12 =	vmul.f32 v10, v22  }
0x94: {  	[tilespmem:s4+$0xFFFFFF40] =	vst v11;
	v13 =	vpop (erf);
	v22 =	vld [tilespmem:s9+$0xD0]  }
0x95: {  	v26 =	vmul.f32 v13, v26;
	v27 =	vld [tilespmem:s6+$0xFFFFFF70];
	[tilespmem:s8+$0xFFFFFFB0] =	vst v16;
	v11 =	vpop (erf)  }
0x96: {  	v16 =	vld [tilespmem:s6+$0xFFFFFFC0];
	[tilespmem:s8+$0x0] =	vst v12;
	v23 =	vmul.f32 v11, v23  }
0x97: {  	v21 =	vmul.f32 v6, v21;
	[tilespmem:s8+$0xFFFFFEC0] =	vst v26;
	v26 =	vld [tilespmem:s6+$0x10];
	v12 =	vpop (erf)  }
0x98: {  	[tilespmem:s8+$0x50] =	vst v23;
	v23 =	vld [tilespmem:s6+$0xFFFFFED0];
	v19 =	vmul.f32 v12, v19  }
0x99: {  	v61 =	vmul.f32 v7, v15;
	[tilespmem:s8+$0x110] =	vst v21;
	v62 =	vld [tilespmem:s6+$0x60]  }
0x9a: {  	v14 =	vmul.f32 v18, v14;
	v18 =	vmul.f32 v8, v27;
	v27 =	vld [tilespmem:s6+$0x120];
	[tilespmem:s8+$0xA0] =	vst v19  }
0x9b: {  	v15 =	vmul.f32 v20, v1;
	[tilespmem:s8+$0xFFFFFF20] =	vst v61;
	v63 =	vmul.f32 v9, v16;
	v21 =	vld [tilespmem:s6+$0xB0]  }
0x9c: {  	v20 =	vld [tilespmem:s6+$0xFFFFFF30];
	v19 =	vmul.f32 v24, v5;
	[tilespmem:s8+$0xFFFFFF70] =	vst v18;
	v24 =	vmul.f32 v10, v26  }
0x9d: {  	v16 =	vmul.f32 v17, v2;
	v30 =	vmul.f32 v13, v23;
	v23 =	vld [tilespmem:s6+$0xFFFFFF80];
	[tilespmem:s8+$0xFFFFFFC0] =	vst v63  }
0x9e: {  	v18 =	vmul.f32 v22, v4;
	v22 =	vld [tilespmem:s6+$0xFFFFFFD0];
	[tilespmem:s8+$0x10] =	vst v24;
	v26 =	vmul.f32 v11, v62  }
0x9f: {  	s25 =	simm.s32 $0x5460;
	s9 =	simm.s32 $0x8;
	v17 =	vmul.f32 v25, v3;
	[tilespmem:s8+$0xFFFFFED0] =	vst v30;
	v24 =	vld [tilespmem:s6+$0x20];
	v25 =	vmul.f32 v27, v6  }
.LBB2_7:
0xa0: {  	v27 =	vld [tilespmem:s25+$0x130];
	[tilespmem:s8+$0x60] =	vst v26;
	v21 =	vmul.f32 v12, v21;
	s7 =	sadd.s32 $0x80, s7  }
0xa1: {  	s9 =	sadd.s32 $0x8, s9;
	v26 =	vld [tilespmem:s7+$0x30];
	v20 =	vmul.f32 v7, v20;
	[tilespmem:s8+$0x120] =	vst v25  }
0xa2: {  	p1 =	slt.u32 s9, $0x60;
	v25 =	vld [tilespmem:s7+$0xFFFFFFC0];
	v23 =	vmul.f32 v8, v23;
	[tilespmem:s8+$0xB0] =	vst v21  }
0xa3: {  	v21 =	vld [tilespmem:s25+$0xFFFFFF50];
	[tilespmem:s8+$0xFFFFFF30] =	vst v20;
	v20 =	vmul.f32 v9, v22  }
0xa4: {  	v22 =	vld [tilespmem:s7+$0xFFFFFFD0];
	[tilespmem:s8+$0xFFFFFF80] =	vst v23;
	v23 =	vmul.f32 v10, v24  }
0xa5: {  	v24 =	vld [tilespmem:s25+$0xFFFFFFA0];
	[tilespmem:s8+$0xFFFFFFD0] =	vst v20  }
0xa6: {  	v20 =	vld [tilespmem:s7+$0xFFFFFFE0];
	v26 =	vadd.f32 v26, v27;
	[tilespmem:s8+$0x20] =	vst v23  }
0xa7: {  	v23 =	vld [tilespmem:s25+$0xFFFFFFF0];
	[tilespmem:s4+$0xFFFFFEF0] =	vst v19  }
0xa8: {  	v19 =	vld [tilespmem:s7+$0xFFFFFFF0];
	v27 =	vmul.f32 $2.000000030e-01, v26;
	[tilespmem:s4+$0xFFFFFF90] =	vst v14  }
0xa9: {  	vm0 =	vge.f32 v26, $0.0e+00;
	v14 =	vadd.f32 v22, v21;
	v21 =	vld [tilespmem:s25+$0x40];
	[tilespmem:s4+$0xFFFFFFE0] =	vst v15  }
0xaa: {  	v15 =	vld [tilespmem:s7+$0x0];
	v22 =	vsel vm0, v26, v27;
	[tilespmem:s4+$0x30] =	vst v16  }
0xab: {  	v16 =	vmul.f32 $2.000000030e-01, v14;
	v20 =	vadd.f32 v20, v24;
	v24 =	vld [tilespmem:s25+$0x90];
	v22 =	vmul.f32 $1.442695020e+00, v22;
	[tilespmem:s4+$0x80] =	vst v17  }
0xac: {  	vm0 =	vge.f32 v14, $0.0e+00;
	v17 =	vld [tilespmem:s7+$0x10];
	[tilespmem:s4+$0xD0] =	vst v18  }
0xad: {  	v18 =	vmul.f32 $2.000000030e-01, v20;
	v19 =	vadd.f32 v19, v23;
	v23 =	vld [tilespmem:s25+$0xE0];
	(erf) = vpow2.f32 v22;
	[tilespmem:s4+$0xFFFFFF00] =	vst v5;
	v5 =	vmovc v13  }
0xae: {  	v13 =	vsel vm0, v14, v16;
	vm0 =	vge.f32 v20, $0.0e+00;
	v14 =	vld [tilespmem:s7+$0x20];
	[tilespmem:s4+$0xFFFFFFF0] =	vst v1;
	v1 =	vmov v9  }
0xaf: {  	v9 =	vld [tilespmem:s25+$0xFFFFFF00];
	vm1 =	vge.f32 v19, $0.0e+00;
	v16 =	vmul.f32 $2.000000030e-01, v19;
	v15 =	vadd.f32 v15, v21;
	[tilespmem:s4+$0x40] =	vst v2;
	v2 =	vmovc v10  }
0xb0: {  	v10 =	vmul.f32 $1.442695020e+00, v13;
	v13 =	vsel vm0, v20, v18;
	v21 =	vld [tilespmem:s25+$0xFFFFFEC0];
	[tilespmem:s4+$0x90] =	vst v3;
	v3 =	vmov v11  }
0xb1: {  	v11 =	vld [tilespmem:s25+$0xFFFFFF10];
	vm0 =	vge.f32 v15, $0.0e+00;
	v18 =	vmul.f32 $2.000000030e-01, v15;
	v17 =	vadd.f32 v17, v24;
	[tilespmem:s4+$0xE0] =	vst v4;
	v4 =	vmovc v12;
	s4 =	smov.u32 s8  }
0xb2: {  	v12 =	vmul.f32 $1.442695020e+00, v13;
	v13 =	vsel vm1, v19, v16;
	v16 =	vld [tilespmem:s25+$0xF0];
	(erf) = vpow2.f32 v10;
	[tilespmem:s8+$0x130] =	vst v6  }
0xb3: {  	v10 =	vld [tilespmem:s25+$0xFFFFFF60];
	vm1 =	vge.f32 v17, $0.0e+00;
	v24 =	vmul.f32 $2.000000030e-01, v17;
	v14 =	vadd.f32 v14, v23  }
0xb4: {  	v13 =	vmul.f32 $1.442695020e+00, v13;
	v15 =	vsel vm0, v15, v18;
	v9 =	vadd.f32 v25, v9;
	v19 =	vld [tilespmem:s25+$0xFFFFFFB0]  }
0xb5: {  	v18 =	vld [tilespmem:s25+$0x0];
	v17 =	vsel vm1, v17, v24;
	vm0 =	vge.f32 v14, $0.0e+00;
	v20 =	vmul.f32 $2.000000030e-01, v14  }
0xb6: {  	v15 =	vmul.f32 $1.442695020e+00, v15;
	vm1 =	vge.f32 v9, $0.0e+00;
	v22 =	vmul.f32 $2.000000030e-01, v9;
	v23 =	vld [tilespmem:s25+$0x50];
	v6 =	vpop (erf)  }
0xb7: {  	v17 =	vmul.f32 $1.442695020e+00, v17;
	v14 =	vsel vm0, v14, v20;
	v20 =	vld [tilespmem:s25+$0xA0];
	v16 =	vmul.f32 v6, v16  }
0xb8: {  	s8 =	sadd.s32 $0x280, s8;
	v9 =	vsel vm1, v9, v22;
	v14 =	vmul.f32 $1.442695020e+00, v14;
	(erf) = vpow2.f32 v12;
	v12 =	vld [tilespmem:s6+$0xFFFFFEE0]  }
0xb9: {  	v22 =	vmul.f32 $1.442695020e+00, v9;
	[tilespmem:s8+$0xF0] =	vst v16;
	(erf) = vpow2.f32 v13;
	v13 =	vld [tilespmem:s6+$0x70]  }
0xba: {  	v16 =	vld [tilespmem:s25+$0x100];
	(erf) = vpow2.f32 v15  }
0xbb: {  	(erf) = vpow2.f32 v22;
	v9 =	vpop (erf);
	v15 =	vld [tilespmem:s6+$0xC0]  }
0xbc: {  	v11 =	vmul.f32 v9, v11;
	(erf) = vpow2.f32 v17;
	v17 =	vld [tilespmem:s6+$0xFFFFFF40];
	[tilespmem:s4+$0xFFFFFF50] =	vst v7  }
0xbd: {  	(erf) = vpow2.f32 v14;
	v12 =	vmul.f32 v5, v12;
	v14 =	vld [tilespmem:s6+$0xFFFFFF90];
	[tilespmem:s4+$0xFFFFFFA0] =	vst v8  }
0xbe: {  	[tilespmem:s8+$0xFFFFFF10] =	vst v11;
	v11 =	vld [tilespmem:s6+$0xFFFFFFE0];
	v13 =	vmul.f32 v3, v13  }
0xbf: {  	v22 =	vld [tilespmem:s25+$0xFFFFFF20];
	v16 =	vmul.f32 v6, v16;
	[tilespmem:s4+$0xFFFFFEE0] =	vst v12  }
0xc0: {  	v12 =	vld [tilespmem:s6+$0xFFFFFEF0];
	[tilespmem:s4+$0x70] =	vst v13;
	v13 =	vmul.f32 v4, v15  }
0xc1: {  	[tilespmem:s8+$0x100] =	vst v16;
	v15 =	vpop (erf);
	v16 =	vmul.f32 v17, v7;
	v17 =	vld [tilespmem:s6+$0x30];
	v7 =	vmov v9  }
0xc2: {  	v24 =	vmul.f32 v15, v10;
	v25 =	vld [tilespmem:s25+$0x110];
	v9 =	vpop (erf);
	v14 =	vmul.f32 v14, v8;
	[tilespmem:s4+$0xC0] =	vst v13;
	v8 =	vmov v15  }
0xc3: {  	v19 =	vmul.f32 v9, v19;
	v10 =	vpop (erf);
	[tilespmem:s4+$0xFFFFFF40] =	vst v16;
	v15 =	vmul.f32 v11, v1;
	v26 =	vld [tilespmem:s6+$0x80]  }
0xc4: {  	v22 =	vmul.f32 v7, v22;
	[tilespmem:s8+$0xFFFFFF60] =	vst v24;
	v16 =	vmul.f32 v10, v18;
	v13 =	vpop (erf);
	v18 =	vld [tilespmem:s6+$0xD0];
	s6 =	smov.u32 s25  }
0xc5: {  	v21 =	vmul.f32 v13, v21;
	v24 =	vld [tilespmem:s25+$0xFFFFFF70];
	[tilespmem:s8+$0xFFFFFFB0] =	vst v19;
	v11 =	vpop (erf);
	v19 =	vmul.f32 v12, v5  }
0xc6: {  	v27 =	vld [tilespmem:s25+$0xFFFFFFC0];
	[tilespmem:s8+$0x0] =	vst v16;
	v23 =	vmul.f32 v11, v23;
	v12 =	vpop (erf);
	v16 =	vmul.f32 v17, v2  }
0xc7: {  	[tilespmem:s8+$0xFFFFFEC0] =	vst v21;
	v28 =	vld [tilespmem:s25+$0x10];
	v20 =	vmul.f32 v12, v20;
	v21 =	vmul.f32 v6, v25  }
0xc8: {  	v25 =	vld [tilespmem:s25+$0xFFFFFED0];
	[tilespmem:s8+$0x50] =	vst v23;
	v17 =	vmul.f32 v26, v3  }
0xc9: {  	v26 =	vld [tilespmem:s25+$0x60];
	[tilespmem:s8+$0x110] =	vst v21;
	v18 =	vmul.f32 v18, v4  }
0xca: {  	v23 =	vmul.f32 v8, v24;
	[tilespmem:s8+$0xA0] =	vst v20;
	v29 =	vld [tilespmem:s25+$0x120]  }
.Ltmp2:
0xcb: {  	[tilespmem:s8+$0xFFFFFF20] =	vst v22;
	v22 =	vmul.f32 v9, v27;
	v21 =	vld [tilespmem:s25+$0xB0];
	(pc) =	sbr.rel @p1 .LBB2_7-.Ltmp2, $4  }
0xcc: {  	v20 =	vld [tilespmem:s25+$0xFFFFFF30];
	[tilespmem:s8+$0xFFFFFF70] =	vst v23;
	v24 =	vmul.f32 v10, v28  }
0xcd: {  	v25 =	vmul.f32 v13, v25;
	v23 =	vld [tilespmem:s25+$0xFFFFFF80];
	[tilespmem:s8+$0xFFFFFFC0] =	vst v22  }
0xce: {  	v22 =	vld [tilespmem:s25+$0xFFFFFFD0];
	[tilespmem:s8+$0x10] =	vst v24;
	v26 =	vmul.f32 v11, v26  }
0xcf: {  	s25 =	sadd.s32 $0x280, s25;
	[tilespmem:s8+$0xFFFFFED0] =	vst v25;
	v24 =	vld [tilespmem:s6+$0x20];
	v25 =	vmul.f32 v29, v6  }
0xd0: {  	[tilespmem:s8+$0x60] =	vst v26  }
0xd1: {  	[tilespmem:s4+$0xFFFFFEF0] =	vst v19  }
0xd2: {  	[tilespmem:s4+$0xFFFFFF90] =	vst v14  }
0xd3: {  	[tilespmem:s4+$0xFFFFFFE0] =	vst v15  }
0xd4: {  	[tilespmem:s4+$0x30] =	vst v16  }
0xd5: {  	[tilespmem:s4+$0x80] =	vst v17  }
0xd6: {  	[tilespmem:s4+$0xD0] =	vst v18  }
0xd7: {  	[tilespmem:s4+$0xFFFFFF00] =	vst v5  }
0xd8: {  	[tilespmem:s4+$0xFFFFFFF0] =	vst v1  }
0xd9: {  	[tilespmem:s4+$0x40] =	vst v2  }
0xda: {  	[tilespmem:s4+$0x90] =	vst v3  }
0xdb: {  	[tilespmem:s4+$0xE0] =	vst v4  }
0xdc: {  	v21 =	vmul.f32 v12, v21;
	[tilespmem:s8+$0x130] =	vst v6  }
0xdd: {  	v20 =	vmul.f32 v7, v20;
	[tilespmem:s8+$0x120] =	vst v25  }
0xde: {  	v14 =	vld [tilespmem:s6+$0xFFFFFEE0];
	v23 =	vmul.f32 v8, v23;
	[tilespmem:s8+$0xB0] =	vst v21  }
0xdf: {  	[tilespmem:s8+$0xFFFFFF30] =	vst v20  }
0xe0: {  	v1 =	vld [tilespmem:s6+$0x70];
	v20 =	vmul.f32 v9, v22;
	[tilespmem:s8+$0xFFFFFF80] =	vst v23  }
0xe1: {  	v21 =	vmul.f32 v10, v24;
	v3 =	vld [tilespmem:s6+$0xFFFFFF40];
	[tilespmem:s8+$0xFFFFFF50] =	vst v7  }
0xe2: {  	[tilespmem:s8+$0xFFFFFFD0] =	vst v20  }
0xe3: {  	v2 =	vld [tilespmem:s6+$0xC0];
	v5 =	vmul.f32 v13, v14;
	[tilespmem:s8+$0x20] =	vst v21  }
0xe4: {  	v6 =	vld [tilespmem:s6+$0xFFFFFFE0];
	[tilespmem:s8+$0xFFFFFFF0] =	vst v9  }
0xe5: {  	v1 =	vmul.f32 v11, v1;
	[tilespmem:s8+$0xFFFFFEE0] =	vst v5  }
0xe6: {  	v5 =	vld [tilespmem:s6+$0xFFFFFF90];
	[tilespmem:s8+$0xFFFFFFA0] =	vst v8  }
0xe7: {  	[tilespmem:s8+$0x70] =	vst v1  }
0xe8: {  	v4 =	vld [tilespmem:s6+$0xFFFFFEF0];
	v2 =	vmul.f32 v12, v2;
	[tilespmem:s8+$0xFFFFFF00] =	vst v13  }
0xe9: {  	v1 =	vld [tilespmem:s6+$0x30];
	[tilespmem:s8+$0x40] =	vst v10  }
0xea: {  	v3 =	vmul.f32 v3, v7;
	[tilespmem:s8+$0xC0] =	vst v2  }
0xeb: {  	v2 =	vld [tilespmem:s6+$0x80];
	[tilespmem:s8+$0x90] =	vst v11  }
0xec: {  	v7 =	vld [tilespmem:s6+$0xD0];
	[tilespmem:s8+$0xFFFFFF40] =	vst v3;
	v3 =	vmul.f32 v6, v9  }
0xed: {  	[tilespmem:s8+$0xE0] =	vst v12;
	v5 =	vmul.f32 v5, v8  }
0xee: {  	v4 =	vmul.f32 v4, v13;
	[tilespmem:s8+$0xFFFFFFE0] =	vst v3  }
0xef: {  	v1 =	vmul.f32 v1, v10;
	[tilespmem:s8+$0xFFFFFF90] =	vst v5  }
0xf0: {  	[tilespmem:s8+$0xFFFFFEF0] =	vst v4;
	v2 =	vmul.f32 v2, v11  }
0xf1: {  	[tilespmem:s8+$0x30] =	vst v1;
	v3 =	vmul.f32 v7, v12  }
0xf2: {  	[tilespmem:s8+$0x80] =	vst v2  }
0xf3: {  	s9 =	sadd.s32 $0x2710, s0;
	s4 =	simm.s32 @!p0 $0x6;
	[tilespmem:s8+$0xD0] =	vst v3  }
0xf4: {  	[spmem:s3] =	stream.indirect.scatter.add.f32 [tilespmem:s22], [sflag:$0x5], $0x50, s9, s21, $0xb8;
	[tilespmem:$0x1F4A0] =	vst v63  }
0xf5: {  	_ =	swait.ge @!p0 [sflag:s4], $0x1E00  }
0xf6: {  	[sflag:s4] =	ssyncset.done @!p0 $0x0  }
0xf7: {  	s9 =	simm.s32 $0x7110;
	[sflag:s4] =	ssyncadd.s32 @!p0 $0xFFFFE200  }
0xf8: {  	s25 =	simm.s32 $0x9390;
	v1 =	vld [tilespmem:s9+$0x0]  }
0xf9: {  	v2 =	vld [tilespmem:s25+$0x0];
	_ =	sdelay $0x1  }
0xfa: {  	v3 =	vld [tilespmem:s25+$0xFFFFFF90]  }
0xfb: {  	v4 =	vld [tilespmem:s9+$0xFFFFFE20]  }
0xfc: {  	v5 =	vld [tilespmem:s25+$0xFFFFFFA0]  }
0xfd: {  	v6 =	vld [tilespmem:s9+$0xFFFFFE70];
	v1 =	vadd.f32 v2, v1  }
0xfe: {  	v7 =	vld [tilespmem:s9+$0xFFFFFEC0]  }
0xff: {  	v9 =	vld [tilespmem:s25+$0xFFFFFFC0];
	v8 =	vmul.f32 $2.000000030e-01, v1  }
0x100: {  	v2 =	vld [tilespmem:s25+$0xFFFFFFB0];
	vm0 =	vge.f32 v1, $0.0e+00  }
0x101: {  	v10 =	vld [tilespmem:s9+$0xFFFFFF10];
	v1 =	vsel vm0, v1, v8  }
0x102: {  	v8 =	vld [tilespmem:s25+$0xFFFFFFD0];
	v1 =	vmul.f32 $1.442695020e+00, v1  }
0x103: {  	v11 =	vld [tilespmem:s25+$0xFFFFFFE0];
	v4 =	vadd.f32 v5, v4  }
0x104: {  	v5 =	vld [tilespmem:s9+$0xFFFFFF60];
	v7 =	vadd.f32 v9, v7;
	(erf) = vpow2.f32 v1  }
0x105: {  	v9 =	vld [tilespmem:s9+$0xFFFFFDD0];
	v2 =	vadd.f32 v2, v6;
	v1 =	vmul.f32 $2.000000030e-01, v4  }
0x106: {  	vm14 =	vge.f32 v4, $0.0e+00;
	vm1 =	vge.f32 v7, $0.0e+00;
	v6 =	vld [tilespmem:s9+$0xFFFFFFB0]  }
0x107: {  	v12 =	vmul.f32 $2.000000030e-01, v2;
	v1 =	vsel vm14, v4, v1;
	v4 =	vld [tilespmem:s25+$0xFFFFFFF0];
	v8 =	vadd.f32 v8, v10  }
0x108: {  	vm15 =	vge.f32 v2, $0.0e+00;
	v10 =	vmul.f32 $2.000000030e-01, v7;
	v1 =	vmul.f32 $1.442695020e+00, v1  }
0x109: {  	v5 =	vadd.f32 v11, v5;
	v2 =	vsel vm15, v2, v12;
	v12 =	vld [tilespmem:s9+$0xFFFFFFC0];
	v13 =	vmul.f32 $2.000000030e-01, v8  }
0x10a: {  	v7 =	vsel vm1, v7, v10;
	(erf) = vpow2.f32 v1;
	v1 =	vadd.f32 v3, v9  }
0x10b: {  	v2 =	vmul.f32 $1.442695020e+00, v2;
	vm4 =	vge.f32 v8, $0.0e+00;
	v3 =	vmul.f32 $2.000000030e-01, v5  }
0x10c: {  	v8 =	vsel vm4, v8, v13;
	v4 =	vadd.f32 v4, v6;
	v9 =	vmul.f32 $2.000000030e-01, v1  }
0x10d: {  	v6 =	vmul.f32 $1.442695020e+00, v7;
	vm6 =	vge.f32 v1, $0.0e+00;
	v8 =	vmul.f32 $1.442695020e+00, v8;
	v7 =	vpop (erf)  }
0x10e: {  	v1 =	vsel vm6, v1, v9;
	(erf) = vpow2.f32 v2;
	v11 =	vmul.f32 v7, v12  }
0x10f: {  	s6 =	simm.s32 $0x7390;
	v1 =	vmul.f32 $1.442695020e+00, v1;
	(erf) = vpow2.f32 v6  }
0x110: {  	s4 =	simm.s32 $0x105E0;
	v17 =	vld [tilespmem:s6+$0x0];
	vm5 =	vge.f32 v5, $0.0e+00;
	v10 =	vmul.f32 $2.000000030e-01, v4;
	(erf) = vpow2.f32 v8  }
0x111: {  	v2 =	vsel vm5, v5, v3;
	vm7 =	vge.f32 v4, $0.0e+00;
	v5 =	vld [tilespmem:s9+$0xFFFFFE80];
	[tilespmem:s4+$0xF0] =	vst v11;
	(erf) = vpow2.f32 v1  }
0x112: {  	v2 =	vmul.f32 $1.442695020e+00, v2;
	v4 =	vsel vm7, v4, v10;
	v3 =	vld [tilespmem:s9+$0xFFFFFFD0]  }
0x113: {  	v1 =	vld [tilespmem:s9+$0xFFFFFDE0];
	v4 =	vmul.f32 $1.442695020e+00, v4  }
0x114: {  	(erf) = vpow2.f32 v2;
	v2 =	vld [tilespmem:s9+$0xFFFFFE30]  }
0x115: {  	(erf) = vpow2.f32 v4;
	v4 =	vld [tilespmem:s9+$0xFFFFFED0]  }
0x116: {  	s7 =	simm.s32 $0x9410;
	v6 =	vld [tilespmem:s9+$0xFFFFFD90];
	v9 =	vpop (erf)  }
0x117: {  	v19 =	vld [tilespmem:s7+$0xFFFFFF90];
	v3 =	vmul.f32 v7, v3;
	v14 =	vpop (erf)  }
0x118: {  	v20 =	vld [tilespmem:s6+$0xFFFFFE20];
	v10 =	vmul.f32 v9, v1;
	v1 =	vpop (erf)  }
0x119: {  	v21 =	vld [tilespmem:s7+$0xFFFFFFA0];
	[tilespmem:s4+$0x100] =	vst v3;
	v3 =	vmul.f32 v14, v2;
	v2 =	vpop (erf)  }
0x11a: {  	v22 =	vld [tilespmem:s6+$0xFFFFFE70];
	[tilespmem:s4+$0xFFFFFF10] =	vst v10;
	v10 =	vmul.f32 v1, v5;
	v4 =	vmul.f32 v2, v4;
	v5 =	vpop (erf)  }
0x11b: {  	v23 =	vld [tilespmem:s6+$0xFFFFFEC0];
	v6 =	vmul.f32 v5, v6  }
0x11c: {  	v25 =	vld [tilespmem:s7+$0xFFFFFFC0];
	[tilespmem:s4+$0x0] =	vst v4  }
0x11d: {  	[tilespmem:s4+$0xFFFFFEC0] =	vst v6;
	v6 =	vld [tilespmem:s9+$0xFFFFFEE0]  }
0x11e: {  	v26 =	vld [tilespmem:s6+$0xFFFFFF10]  }
0x11f: {  	v27 =	vld [tilespmem:s7+$0xFFFFFFE0]  }
0x120: {  	v28 =	vld [tilespmem:s7+$0xFFFFFFF0]  }
0x121: {  	v12 =	vld [tilespmem:s9+$0xFFFFFF70]  }
0x122: {  	v8 =	vld [tilespmem:s9+$0xFFFFFF20];
	v6 =	vmul.f32 v2, v6  }
0x123: {  	v11 =	vld [tilespmem:s9+$0xFFFFFFE0]  }
0x124: {  	[tilespmem:s4+$0x10] =	vst v6;
	v6 =	vld [tilespmem:s7+$0x0]  }
0x125: {  	v13 =	vld [tilespmem:s9+$0xFFFFFDF0];
	[tilespmem:s4+$0xFFFFFF60] =	vst v3  }
0x126: {  	[tilespmem:s4+$0xFFFFFFB0] =	vst v10;
	v15 =	vld [tilespmem:s9+$0xFFFFFE40];
	v3 =	vpop (erf)  }
0x127: {  	v10 =	vld [tilespmem:s9+$0xFFFFFE90];
	v8 =	vmul.f32 v3, v8  }
0x128: {  	v4 =	vpop (erf);
	v16 =	vld [tilespmem:s9+$0xFFFFFDA0];
	v11 =	vmul.f32 v7, v11  }
0x129: {  	v20 =	vadd.f32 v21, v20;
	v21 =	vld [tilespmem:s6+$0xFFFFFF60];
	v12 =	vmul.f32 v4, v12;
	[tilespmem:s4+$0x50] =	vst v8;
	v6 =	vadd.f32 v6, v17  }
0x12a: {  	v8 =	vmul.f32 v9, v13;
	v13 =	vld [tilespmem:s9+$0xFFFFFF30];
	[tilespmem:s4+$0x110] =	vst v11  }
0x12b: {  	[tilespmem:s4+$0xA0] =	vst v12;
	v12 =	vld [tilespmem:s9+$0xFFFFFFF0];
	v24 =	vmul.f32 $2.000000030e-01, v6  }
0x12c: {  	v11 =	vmul.f32 v14, v15;
	[tilespmem:s4+$0xFFFFFF20] =	vst v8;
	v8 =	vmul.f32 v1, v10;
	v10 =	vld [tilespmem:s9+$0xFFFFFF80];
	vm8 =	vge.f32 v6, $0.0e+00  }
0x12d: {  	v23 =	vadd.f32 v25, v23;
	v16 =	vmul.f32 v5, v16;
	v17 =	vld [tilespmem:s7+$0xFFFFFFB0];
	v6 =	vsel vm8, v6, v24  }
0x12e: {  	v15 =	vld [tilespmem:s9+$0xFFFFFE00];
	[tilespmem:s4+$0xFFFFFF70] =	vst v11;
	v6 =	vmul.f32 $1.442695020e+00, v6  }
0x12f: {  	v11 =	vld [tilespmem:s9+$0xFFFFFE50];
	[tilespmem:s4+$0xFFFFFED0] =	vst v16;
	v16 =	vmul.f32 $2.000000030e-01, v23  }
0x130: {  	vm9 =	vge.f32 v20, $0.0e+00;
	v24 =	vld [tilespmem:s7+$0xFFFFFFD0];
	(erf) = vpow2.f32 v6;
	v6 =	vmul.f32 $2.000000030e-01, v20  }
0x131: {  	v21 =	vadd.f32 v27, v21;
	v18 =	vld [tilespmem:s9+$0xFFFFFEF0];
	v13 =	vmul.f32 v3, v13;
	v12 =	vmul.f32 v12, v7  }
0x132: {  	v29 =	vld [tilespmem:s6+$0xFFFFFE30];
	v10 =	vmul.f32 v4, v10;
	v17 =	vadd.f32 v17, v22;
	v6 =	vsel vm9, v20, v6  }
0x133: {  	vm11 =	vge.f32 v23, $0.0e+00;
	[tilespmem:s4+$0xFFFFFFC0] =	vst v8;
	v15 =	vmul.f32 v9, v15;
	v20 =	vld [tilespmem:s6+$0xFFFFFDD0];
	v6 =	vmul.f32 $1.442695020e+00, v6  }
0x134: {  	vm13 =	vge.f32 v21, $0.0e+00;
	v8 =	vld [tilespmem:s9+$0xFFFFFEA0];
	[tilespmem:s4+$0xB0] =	vst v10;
	v10 =	vmul.f32 $2.000000030e-01, v21;
	v25 =	vmul.f32 $2.000000030e-01, v17  }
0x135: {  	v22 =	vld [tilespmem:s6+$0xFFFFFFB0];
	vm10 =	vge.f32 v17, $0.0e+00;
	v24 =	vadd.f32 v24, v26;
	(erf) = vpow2.f32 v6  }
0x136: {  	v27 =	vld [tilespmem:s6+$0xFFFFFDE0];
	[tilespmem:s4+$0x60] =	vst v13;
	v11 =	vmul.f32 v14, v11;
	v18 =	vmul.f32 v2, v18;
	v17 =	vsel vm10, v17, v25  }
0x137: {  	[tilespmem:s4+$0x120] =	vst v12;
	v10 =	vsel vm13, v21, v10;
	v25 =	vld [tilespmem:s6+$0xFFFFFFC0];
	v17 =	vmul.f32 $1.442695020e+00, v17;
	v13 =	vmul.f32 $2.000000030e-01, v24  }
0x138: {  	[tilespmem:s4+$0xFFFFFF80] =	vst v11;
	v21 =	vld [tilespmem:s9+$0xFFFFFDB0];
	vm12 =	vge.f32 v24, $0.0e+00;
	v6 =	vsel vm11, v23, v16;
	v12 =	vadd.f32 v19, v20  }
0x139: {  	v8 =	vmul.f32 v1, v8;
	[tilespmem:s4+$0x20] =	vst v18;
	v18 =	vld [tilespmem:s9+$0xFFFFFE60];
	v13 =	vsel vm12, v24, v13  }
0x13a: {  	[tilespmem:s4+$0xFFFFFF30] =	vst v15;
	v26 =	vld [tilespmem:s6+$0xFFFFFD90];
	(erf) = vpow2.f32 v17;
	v19 =	vadd.f32 v28, v22;
	v15 =	vmul.f32 $2.000000030e-01, v12  }
0x13b: {  	v16 =	vld [tilespmem:s6+$0xFFFFFE80];
	v20 =	vmul.f32 $1.442695020e+00, v6;
	v13 =	vmul.f32 $1.442695020e+00, v13;
	v6 =	vpop (erf);
	vm14 =	vge.f32 v12, $0.0e+00  }
0x13c: {  	[tilespmem:s4+$0x130] =	vst v7;
	v11 =	vmul.f32 $2.000000030e-01, v19;
	v24 =	vmul.f32 v6, v25;
	v12 =	vsel vm14, v12, v15;
	v15 =	vld [tilespmem:s9+$0xFFFFFF40]  }
0x13d: {  	s8 =	simm.s32 $0x10860;
	[tilespmem:s4+$0xFFFFFFD0] =	vst v8;
	v23 =	vld [tilespmem:s6+$0xFFFFFF20];
	(erf) = vpow2.f32 v20;
	v8 =	vmul.f32 $1.442695020e+00, v12  }
0x13e: {  	v10 =	vmul.f32 $1.442695020e+00, v10;
	vm15 =	vge.f32 v19, $0.0e+00;
	(erf) = vpow2.f32 v13;
	v13 =	vld [tilespmem:s9+$0xFFFFFF90];
	[tilespmem:s8+$0xF0] =	vst v24;
	v7 =	vpop (erf)  }
0x13f: {  	v11 =	vsel vm15, v19, v11;
	v12 =	vld [tilespmem:s6+$0xFFFFFFD0];
	(erf) = vpow2.f32 v8;
	v8 =	vmul.f32 v7, v27  }
0x140: {  	v17 =	vld [tilespmem:s9+$0xFFFFFE10];
	v11 =	vmul.f32 $1.442695020e+00, v11;
	(erf) = vpow2.f32 v10  }
0x141: {  	v22 =	vld [tilespmem:s6+$0xFFFFFED0];
	v10 =	vmul.f32 v5, v21;
	[tilespmem:s8+$0xFFFFFF10] =	vst v8;
	v8 =	vmul.f32 v3, v15  }
0x142: {  	[tilespmem:s4+$0xFFFFFFA0] =	vst v14;
	v20 =	vld [tilespmem:s9+$0xFFFFFEB0]  }
0x143: {  	v19 =	vld [tilespmem:s6+$0xFFFFFF70];
	(erf) = vpow2.f32 v11;
	[tilespmem:s4+$0xFFFFFEE0] =	vst v10;
	v10 =	vmul.f32 v4, v13  }
0x144: {  	[tilespmem:s4+$0xFFFFFF50] =	vst v9;
	v15 =	vld [tilespmem:s6+$0xFFFFFDF0];
	v11 =	vmul.f32 v6, v12  }
0x145: {  	v24 =	vld [tilespmem:s9+$0xFFFFFDC0];
	[tilespmem:s4+$0x70] =	vst v8;
	v8 =	vpop (erf)  }
0x146: {  	[tilespmem:s8+$0x100] =	vst v11;
	v11 =	vmul.f32 v17, v9;
	v17 =	vld [tilespmem:s9+$0xFFFFFF00];
	v12 =	vmul.f32 v8, v29;
	v9 =	vpop (erf)  }
0x147: {  	[tilespmem:s4+$0xC0] =	vst v10;
	v21 =	vld [tilespmem:s6+$0xFFFFFFE0];
	v10 =	vpop (erf)  }
0x148: {  	v25 =	vld [tilespmem:s9+$0xFFFFFF50];
	v16 =	vmul.f32 v9, v16;
	[tilespmem:s8+$0xFFFFFF60] =	vst v12;
	v12 =	vmul.f32 v10, v22  }
0x149: {  	[tilespmem:s4+$0xFFFFFF40] =	vst v11;
	v13 =	vpop (erf);
	v22 =	vld [tilespmem:s9+$0xFFFFFFA0]  }
0x14a: {  	v26 =	vmul.f32 v13, v26;
	v27 =	vld [tilespmem:s6+$0xFFFFFE40];
	[tilespmem:s8+$0xFFFFFFB0] =	vst v16;
	v11 =	vpop (erf)  }
0x14b: {  	v16 =	vld [tilespmem:s6+$0xFFFFFE90];
	[tilespmem:s8+$0x0] =	vst v12;
	v23 =	vmul.f32 v11, v23  }
0x14c: {  	v21 =	vmul.f32 v6, v21;
	[tilespmem:s8+$0xFFFFFEC0] =	vst v26;
	v26 =	vld [tilespmem:s6+$0xFFFFFEE0];
	v12 =	vpop (erf)  }
0x14d: {  	[tilespmem:s8+$0x50] =	vst v23;
	v23 =	vld [tilespmem:s6+$0xFFFFFDA0];
	v19 =	vmul.f32 v12, v19  }
0x14e: {  	v61 =	vmul.f32 v7, v15;
	[tilespmem:s8+$0x110] =	vst v21;
	v62 =	vld [tilespmem:s6+$0xFFFFFF30]  }
0x14f: {  	v14 =	vmul.f32 v18, v14;
	v18 =	vmul.f32 v8, v27;
	v27 =	vld [tilespmem:s6+$0xFFFFFFF0];
	[tilespmem:s8+$0xA0] =	vst v19  }
0x150: {  	v15 =	vmul.f32 v20, v1;
	[tilespmem:s8+$0xFFFFFF20] =	vst v61;
	v63 =	vmul.f32 v9, v16;
	v21 =	vld [tilespmem:s6+$0xFFFFFF80]  }
0x151: {  	v20 =	vld [tilespmem:s6+$0xFFFFFE00];
	v19 =	vmul.f32 v24, v5;
	[tilespmem:s8+$0xFFFFFF70] =	vst v18;
	v24 =	vmul.f32 v10, v26  }
0x152: {  	v16 =	vmul.f32 v17, v2;
	v30 =	vmul.f32 v13, v23;
	v23 =	vld [tilespmem:s6+$0xFFFFFE50];
	[tilespmem:s8+$0xFFFFFFC0] =	vst v63  }
0x153: {  	v18 =	vmul.f32 v22, v4;
	v22 =	vld [tilespmem:s6+$0xFFFFFEA0];
	[tilespmem:s8+$0x10] =	vst v24;
	v26 =	vmul.f32 v11, v62  }
0x154: {  	s25 =	simm.s32 $0x7610;
	s9 =	simm.s32 $0x8;
	v17 =	vmul.f32 v25, v3;
	[tilespmem:s8+$0xFFFFFED0] =	vst v30;
	v24 =	vld [tilespmem:s6+$0xFFFFFEF0];
	v25 =	vmul.f32 v27, v6  }
.LBB2_9:
0x155: {  	v27 =	vld [tilespmem:s25+$0x0];
	[tilespmem:s8+$0x60] =	vst v26;
	v21 =	vmul.f32 v12, v21;
	s7 =	sadd.s32 $0x80, s7  }
0x156: {  	s9 =	sadd.s32 $0x8, s9;
	v26 =	vld [tilespmem:s7+$0x0];
	v20 =	vmul.f32 v7, v20;
	[tilespmem:s8+$0x120] =	vst v25  }
0x157: {  	p0 =	slt.u32 s9, $0x58;
	v25 =	vld [tilespmem:s7+$0xFFFFFF90];
	v23 =	vmul.f32 v8, v23;
	[tilespmem:s8+$0xB0] =	vst v21  }
0x158: {  	v21 =	vld [tilespmem:s25+$0xFFFFFE20];
	[tilespmem:s8+$0xFFFFFF30] =	vst v20;
	v20 =	vmul.f32 v9, v22  }
0x159: {  	v22 =	vld [tilespmem:s7+$0xFFFFFFA0];
	[tilespmem:s8+$0xFFFFFF80] =	vst v23;
	v23 =	vmul.f32 v10, v24  }
0x15a: {  	v24 =	vld [tilespmem:s25+$0xFFFFFE70];
	[tilespmem:s8+$0xFFFFFFD0] =	vst v20  }
0x15b: {  	v20 =	vld [tilespmem:s7+$0xFFFFFFB0];
	v26 =	vadd.f32 v26, v27;
	[tilespmem:s8+$0x20] =	vst v23  }
0x15c: {  	v23 =	vld [tilespmem:s25+$0xFFFFFEC0];
	[tilespmem:s4+$0xFFFFFEF0] =	vst v19  }
0x15d: {  	v19 =	vld [tilespmem:s7+$0xFFFFFFC0];
	v27 =	vmul.f32 $2.000000030e-01, v26;
	[tilespmem:s4+$0xFFFFFF90] =	vst v14  }
0x15e: {  	vm0 =	vge.f32 v26, $0.0e+00;
	v14 =	vadd.f32 v22, v21;
	v21 =	vld [tilespmem:s25+$0xFFFFFF10];
	[tilespmem:s4+$0xFFFFFFE0] =	vst v15  }
0x15f: {  	v15 =	vld [tilespmem:s7+$0xFFFFFFD0];
	v22 =	vsel vm0, v26, v27;
	[tilespmem:s4+$0x30] =	vst v16  }
0x160: {  	v16 =	vmul.f32 $2.000000030e-01, v14;
	v20 =	vadd.f32 v20, v24;
	v24 =	vld [tilespmem:s25+$0xFFFFFF60];
	v22 =	vmul.f32 $1.442695020e+00, v22;
	[tilespmem:s4+$0x80] =	vst v17  }
0x161: {  	vm0 =	vge.f32 v14, $0.0e+00;
	v17 =	vld [tilespmem:s7+$0xFFFFFFE0];
	[tilespmem:s4+$0xD0] =	vst v18  }
0x162: {  	v18 =	vmul.f32 $2.000000030e-01, v20;
	v19 =	vadd.f32 v19, v23;
	v23 =	vld [tilespmem:s25+$0xFFFFFFB0];
	(erf) = vpow2.f32 v22;
	[tilespmem:s4+$0xFFFFFF00] =	vst v5;
	v5 =	vmovc v13  }
0x163: {  	v13 =	vsel vm0, v14, v16;
	vm0 =	vge.f32 v20, $0.0e+00;
	v14 =	vld [tilespmem:s7+$0xFFFFFFF0];
	[tilespmem:s4+$0xFFFFFFF0] =	vst v1;
	v1 =	vmov v9  }
0x164: {  	v9 =	vld [tilespmem:s25+$0xFFFFFDD0];
	vm1 =	vge.f32 v19, $0.0e+00;
	v16 =	vmul.f32 $2.000000030e-01, v19;
	v15 =	vadd.f32 v15, v21;
	[tilespmem:s4+$0x40] =	vst v2;
	v2 =	vmovc v10  }
0x165: {  	v10 =	vmul.f32 $1.442695020e+00, v13;
	v13 =	vsel vm0, v20, v18;
	v21 =	vld [tilespmem:s25+$0xFFFFFD90];
	[tilespmem:s4+$0x90] =	vst v3;
	v3 =	vmov v11  }
0x166: {  	v11 =	vld [tilespmem:s25+$0xFFFFFDE0];
	vm0 =	vge.f32 v15, $0.0e+00;
	v18 =	vmul.f32 $2.000000030e-01, v15;
	v17 =	vadd.f32 v17, v24;
	[tilespmem:s4+$0xE0] =	vst v4;
	v4 =	vmovc v12;
	s4 =	smov.u32 s8  }
0x167: {  	v12 =	vmul.f32 $1.442695020e+00, v13;
	v13 =	vsel vm1, v19, v16;
	v16 =	vld [tilespmem:s25+$0xFFFFFFC0];
	(erf) = vpow2.f32 v10;
	[tilespmem:s8+$0x130] =	vst v6  }
0x168: {  	v10 =	vld [tilespmem:s25+$0xFFFFFE30];
	vm1 =	vge.f32 v17, $0.0e+00;
	v24 =	vmul.f32 $2.000000030e-01, v17;
	v14 =	vadd.f32 v14, v23  }
0x169: {  	v13 =	vmul.f32 $1.442695020e+00, v13;
	v15 =	vsel vm0, v15, v18;
	v9 =	vadd.f32 v25, v9;
	v19 =	vld [tilespmem:s25+$0xFFFFFE80]  }
0x16a: {  	v18 =	vld [tilespmem:s25+$0xFFFFFED0];
	v17 =	vsel vm1, v17, v24;
	vm0 =	vge.f32 v14, $0.0e+00;
	v20 =	vmul.f32 $2.000000030e-01, v14  }
0x16b: {  	v15 =	vmul.f32 $1.442695020e+00, v15;
	vm1 =	vge.f32 v9, $0.0e+00;
	v22 =	vmul.f32 $2.000000030e-01, v9;
	v23 =	vld [tilespmem:s25+$0xFFFFFF20];
	v6 =	vpop (erf)  }
0x16c: {  	v17 =	vmul.f32 $1.442695020e+00, v17;
	v14 =	vsel vm0, v14, v20;
	v20 =	vld [tilespmem:s25+$0xFFFFFF70];
	v16 =	vmul.f32 v6, v16  }
0x16d: {  	s8 =	sadd.s32 $0x280, s8;
	v9 =	vsel vm1, v9, v22;
	v14 =	vmul.f32 $1.442695020e+00, v14;
	(erf) = vpow2.f32 v12;
	v12 =	vld [tilespmem:s6+$0xFFFFFDB0]  }
0x16e: {  	v22 =	vmul.f32 $1.442695020e+00, v9;
	[tilespmem:s8+$0xF0] =	vst v16;
	(erf) = vpow2.f32 v13;
	v13 =	vld [tilespmem:s6+$0xFFFFFF40]  }
0x16f: {  	v16 =	vld [tilespmem:s25+$0xFFFFFFD0];
	(erf) = vpow2.f32 v15  }
0x170: {  	(erf) = vpow2.f32 v22;
	v9 =	vpop (erf);
	v15 =	vld [tilespmem:s6+$0xFFFFFF90]  }
0x171: {  	v11 =	vmul.f32 v9, v11;
	(erf) = vpow2.f32 v17;
	v17 =	vld [tilespmem:s6+$0xFFFFFE10];
	[tilespmem:s4+$0xFFFFFF50] =	vst v7  }
0x172: {  	(erf) = vpow2.f32 v14;
	v12 =	vmul.f32 v5, v12;
	v14 =	vld [tilespmem:s6+$0xFFFFFE60];
	[tilespmem:s4+$0xFFFFFFA0] =	vst v8  }
0x173: {  	[tilespmem:s8+$0xFFFFFF10] =	vst v11;
	v11 =	vld [tilespmem:s6+$0xFFFFFEB0];
	v13 =	vmul.f32 v3, v13  }
0x174: {  	v22 =	vld [tilespmem:s25+$0xFFFFFDF0];
	v16 =	vmul.f32 v6, v16;
	[tilespmem:s4+$0xFFFFFEE0] =	vst v12  }
0x175: {  	v12 =	vld [tilespmem:s6+$0xFFFFFDC0];
	[tilespmem:s4+$0x70] =	vst v13;
	v13 =	vmul.f32 v4, v15  }
0x176: {  	[tilespmem:s8+$0x100] =	vst v16;
	v15 =	vpop (erf);
	v16 =	vmul.f32 v17, v7;
	v17 =	vld [tilespmem:s6+$0xFFFFFF00];
	v7 =	vmov v9  }
0x177: {  	v24 =	vmul.f32 v15, v10;
	v25 =	vld [tilespmem:s25+$0xFFFFFFE0];
	v9 =	vpop (erf);
	v14 =	vmul.f32 v14, v8;
	[tilespmem:s4+$0xC0] =	vst v13;
	v8 =	vmov v15  }
0x178: {  	v19 =	vmul.f32 v9, v19;
	v10 =	vpop (erf);
	[tilespmem:s4+$0xFFFFFF40] =	vst v16;
	v15 =	vmul.f32 v11, v1;
	v26 =	vld [tilespmem:s6+$0xFFFFFF50]  }
0x179: {  	v22 =	vmul.f32 v7, v22;
	[tilespmem:s8+$0xFFFFFF60] =	vst v24;
	v16 =	vmul.f32 v10, v18;
	v13 =	vpop (erf);
	v18 =	vld [tilespmem:s6+$0xFFFFFFA0];
	s6 =	smov.u32 s25  }
0x17a: {  	v21 =	vmul.f32 v13, v21;
	v24 =	vld [tilespmem:s25+$0xFFFFFE40];
	[tilespmem:s8+$0xFFFFFFB0] =	vst v19;
	v11 =	vpop (erf);
	v19 =	vmul.f32 v12, v5  }
0x17b: {  	v27 =	vld [tilespmem:s25+$0xFFFFFE90];
	[tilespmem:s8+$0x0] =	vst v16;
	v23 =	vmul.f32 v11, v23;
	v12 =	vpop (erf);
	v16 =	vmul.f32 v17, v2  }
0x17c: {  	[tilespmem:s8+$0xFFFFFEC0] =	vst v21;
	v28 =	vld [tilespmem:s25+$0xFFFFFEE0];
	v20 =	vmul.f32 v12, v20;
	v21 =	vmul.f32 v6, v25  }
0x17d: {  	v25 =	vld [tilespmem:s25+$0xFFFFFDA0];
	[tilespmem:s8+$0x50] =	vst v23;
	v17 =	vmul.f32 v26, v3  }
0x17e: {  	v26 =	vld [tilespmem:s25+$0xFFFFFF30];
	[tilespmem:s8+$0x110] =	vst v21;
	v18 =	vmul.f32 v18, v4  }
0x17f: {  	v23 =	vmul.f32 v8, v24;
	[tilespmem:s8+$0xA0] =	vst v20;
	v29 =	vld [tilespmem:s25+$0xFFFFFFF0]  }
.Ltmp3:
0x180: {  	[tilespmem:s8+$0xFFFFFF20] =	vst v22;
	v22 =	vmul.f32 v9, v27;
	v21 =	vld [tilespmem:s25+$0xFFFFFF80];
	(pc) =	sbr.rel @p0 .LBB2_9-.Ltmp3, $4  }
0x181: {  	v20 =	vld [tilespmem:s25+$0xFFFFFE00];
	[tilespmem:s8+$0xFFFFFF70] =	vst v23;
	v24 =	vmul.f32 v10, v28  }
0x182: {  	v25 =	vmul.f32 v13, v25;
	v23 =	vld [tilespmem:s25+$0xFFFFFE50];
	[tilespmem:s8+$0xFFFFFFC0] =	vst v22  }
0x183: {  	v22 =	vld [tilespmem:s25+$0xFFFFFEA0];
	[tilespmem:s8+$0x10] =	vst v24;
	v26 =	vmul.f32 v11, v26  }
0x184: {  	s25 =	sadd.s32 $0x280, s25;
	[tilespmem:s8+$0xFFFFFED0] =	vst v25;
	v24 =	vld [tilespmem:s6+$0xFFFFFEF0];
	v25 =	vmul.f32 v29, v6  }
0x185: {  	[tilespmem:s8+$0x60] =	vst v26  }
0x186: {  	[tilespmem:s4+$0xFFFFFEF0] =	vst v19  }
0x187: {  	[tilespmem:s4+$0xFFFFFF90] =	vst v14  }
0x188: {  	[tilespmem:s4+$0xFFFFFFE0] =	vst v15  }
0x189: {  	[tilespmem:s4+$0x30] =	vst v16  }
0x18a: {  	[tilespmem:s4+$0x80] =	vst v17  }
0x18b: {  	[tilespmem:s4+$0xD0] =	vst v18  }
0x18c: {  	[tilespmem:s4+$0xFFFFFF00] =	vst v5  }
0x18d: {  	[tilespmem:s4+$0xFFFFFFF0] =	vst v1  }
0x18e: {  	[tilespmem:s4+$0x40] =	vst v2  }
0x18f: {  	[tilespmem:s4+$0x90] =	vst v3  }
0x190: {  	[tilespmem:s4+$0xE0] =	vst v4  }
0x191: {  	v21 =	vmul.f32 v12, v21;
	[tilespmem:s8+$0x130] =	vst v6  }
0x192: {  	v20 =	vmul.f32 v7, v20;
	[tilespmem:s8+$0x120] =	vst v25  }
0x193: {  	v14 =	vld [tilespmem:s6+$0xFFFFFDB0];
	v23 =	vmul.f32 v8, v23;
	[tilespmem:s8+$0xB0] =	vst v21  }
0x194: {  	[tilespmem:s8+$0xFFFFFF30] =	vst v20  }
0x195: {  	v1 =	vld [tilespmem:s6+$0xFFFFFF40];
	v20 =	vmul.f32 v9, v22;
	[tilespmem:s8+$0xFFFFFF80] =	vst v23  }
0x196: {  	v21 =	vmul.f32 v10, v24;
	v3 =	vld [tilespmem:s6+$0xFFFFFE10];
	[tilespmem:s8+$0xFFFFFF50] =	vst v7  }
0x197: {  	[tilespmem:s8+$0xFFFFFFD0] =	vst v20  }
0x198: {  	v2 =	vld [tilespmem:s6+$0xFFFFFF90];
	v5 =	vmul.f32 v13, v14;
	[tilespmem:s8+$0x20] =	vst v21  }
0x199: {  	v6 =	vld [tilespmem:s6+$0xFFFFFEB0];
	[tilespmem:s8+$0xFFFFFFF0] =	vst v9  }
0x19a: {  	v1 =	vmul.f32 v11, v1;
	[tilespmem:s8+$0xFFFFFEE0] =	vst v5  }
0x19b: {  	v5 =	vld [tilespmem:s6+$0xFFFFFE60];
	[tilespmem:s8+$0xFFFFFFA0] =	vst v8  }
0x19c: {  	[tilespmem:s8+$0x70] =	vst v1  }
0x19d: {  	v4 =	vld [tilespmem:s6+$0xFFFFFDC0];
	v2 =	vmul.f32 v12, v2;
	[tilespmem:s8+$0xFFFFFF00] =	vst v13  }
0x19e: {  	v1 =	vld [tilespmem:s6+$0xFFFFFF00];
	[tilespmem:s8+$0x40] =	vst v10  }
0x19f: {  	v3 =	vmul.f32 v3, v7;
	[tilespmem:s8+$0xC0] =	vst v2  }
0x1a0: {  	v2 =	vld [tilespmem:s6+$0xFFFFFF50];
	[tilespmem:s8+$0x90] =	vst v11  }
0x1a1: {  	v7 =	vld [tilespmem:s6+$0xFFFFFFA0];
	[tilespmem:s8+$0xFFFFFF40] =	vst v3;
	v3 =	vmul.f32 v6, v9  }
0x1a2: {  	[tilespmem:s8+$0xE0] =	vst v12;
	v5 =	vmul.f32 v5, v8  }
0x1a3: {  	v4 =	vmul.f32 v4, v13;
	[tilespmem:s8+$0xFFFFFFE0] =	vst v3  }
0x1a4: {  	v1 =	vmul.f32 v1, v10;
	[tilespmem:s8+$0xFFFFFF90] =	vst v5  }
0x1a5: {  	[tilespmem:s8+$0xFFFFFEF0] =	vst v4;
	v2 =	vmul.f32 v2, v11  }
0x1a6: {  	[tilespmem:s8+$0x30] =	vst v1;
	v3 =	vmul.f32 v7, v12  }
0x1a7: {  	[tilespmem:s8+$0x80] =	vst v2  }
0x1a8: {  	s9 =	sadd.s32 $0x2778, s0;
	p0 =	seq.s32 s1, $0x18;
	s4 =	sadd.s32 $0x190, s0;
	[tilespmem:s8+$0xD0] =	vst v3  }
0x1a9: {  	[spmem:s3] =	stream.indirect.scatter.add.f32 [tilespmem:s24], [sflag:$0x6], $0x50, s9, s23, $0xb8;
	[tilespmem:$0x1F4A0] =	vst v63  }
0x1aa: {  	s4 =	simm.s32 @p0 $0x0  }
0x1ab: {  	[tilespmem:s15], [sflag:$0x1] =	stream.indirect.gather [hbm4b:s5+s14], $0x50, s4, s14, $0xb8;
	[tilespmem:$0x1F4A0] =	vst v63  }
0x1ac: {  	s4 =	sadd.s32 $0x2710, s4  }
0x1ad: {  	[tilespmem:s16], [sflag:$0x2] =	stream.indirect.gather [hbm4b:s2+s14], $0x10, s4, s14, $0xb8;
	[tilespmem:$0x1F4A0] =	vst v63  }
0x1ae: {  	_ =	swait.ge [sflag:s26], $0x3E80  }
0x1af: {  	[sflag:s26] =	ssyncset.done $0x0  }
0x1b0: {  	[sflag:s26] =	ssyncadd.s32 $0xFFFFC180  }
0x1b1: {  	_ =	swait.ge [sflag:s28], $0xC80  }
0x1b2: {  	[sflag:s28] =	ssyncset.done $0x0  }
0x1b3: {  	[sflag:s28] =	ssyncadd.s32 $0xFFFFF380  }
0x1b4: {  	_ =	swait.ge [sflag:s29], $0x2080  }
0x1b5: {  	[sflag:s29] =	ssyncset.done $0x0  }
0x1b6: {  	s9 =	simm.s32 $0x9A60;
	[sflag:s29] =	ssyncadd.s32 $0xFFFFDF80  }
0x1b7: {  	s25 =	simm.s32 $0xD7E0;
	v1 =	vld [tilespmem:s9+$0x130]  }
0x1b8: {  	v2 =	vld [tilespmem:s25+$0x30];
	_ =	sdelay $0x1  }
0x1b9: {  	v3 =	vld [tilespmem:s25+$0xFFFFFFC0]  }
0x1ba: {  	v4 =	vld [tilespmem:s9+$0xFFFFFF50]  }
0x1bb: {  	v5 =	vld [tilespmem:s25+$0xFFFFFFD0]  }
0x1bc: {  	v6 =	vld [tilespmem:s9+$0xFFFFFFA0];
	v1 =	vadd.f32 v2, v1  }
0x1bd: {  	v7 =	vld [tilespmem:s9+$0xFFFFFFF0]  }
0x1be: {  	v9 =	vld [tilespmem:s25+$0xFFFFFFF0];
	v8 =	vmul.f32 $2.000000030e-01, v1  }
0x1bf: {  	v2 =	vld [tilespmem:s25+$0xFFFFFFE0];
	vm0 =	vge.f32 v1, $0.0e+00  }
0x1c0: {  	v10 =	vld [tilespmem:s9+$0x40];
	v1 =	vsel vm0, v1, v8  }
0x1c1: {  	v8 =	vld [tilespmem:s25+$0x0];
	v1 =	vmul.f32 $1.442695020e+00, v1  }
0x1c2: {  	v11 =	vld [tilespmem:s25+$0x10];
	v4 =	vadd.f32 v5, v4  }
0x1c3: {  	v5 =	vld [tilespmem:s9+$0x90];
	v7 =	vadd.f32 v9, v7;
	(erf) = vpow2.f32 v1  }
0x1c4: {  	v9 =	vld [tilespmem:s9+$0xFFFFFF00];
	v2 =	vadd.f32 v2, v6;
	v1 =	vmul.f32 $2.000000030e-01, v4  }
0x1c5: {  	vm14 =	vge.f32 v4, $0.0e+00;
	vm1 =	vge.f32 v7, $0.0e+00;
	v6 =	vld [tilespmem:s9+$0xE0]  }
0x1c6: {  	v12 =	vmul.f32 $2.000000030e-01, v2;
	v1 =	vsel vm14, v4, v1;
	v4 =	vld [tilespmem:s25+$0x20];
	v8 =	vadd.f32 v8, v10  }
0x1c7: {  	vm15 =	vge.f32 v2, $0.0e+00;
	v10 =	vmul.f32 $2.000000030e-01, v7;
	v1 =	vmul.f32 $1.442695020e+00, v1  }
0x1c8: {  	v5 =	vadd.f32 v11, v5;
	v2 =	vsel vm15, v2, v12;
	v12 =	vld [tilespmem:s9+$0xF0];
	v13 =	vmul.f32 $2.000000030e-01, v8  }
0x1c9: {  	v7 =	vsel vm1, v7, v10;
	(erf) = vpow2.f32 v1;
	v1 =	vadd.f32 v3, v9  }
0x1ca: {  	v2 =	vmul.f32 $1.442695020e+00, v2;
	vm4 =	vge.f32 v8, $0.0e+00;
	v3 =	vmul.f32 $2.000000030e-01, v5  }
0x1cb: {  	v8 =	vsel vm4, v8, v13;
	v4 =	vadd.f32 v4, v6;
	v9 =	vmul.f32 $2.000000030e-01, v1  }
0x1cc: {  	v6 =	vmul.f32 $1.442695020e+00, v7;
	vm6 =	vge.f32 v1, $0.0e+00;
	v8 =	vmul.f32 $1.442695020e+00, v8;
	v7 =	vpop (erf)  }
0x1cd: {  	v1 =	vsel vm6, v1, v9;
	(erf) = vpow2.f32 v2;
	v11 =	vmul.f32 v7, v12  }
0x1ce: {  	s6 =	simm.s32 $0x9CE0;
	v1 =	vmul.f32 $1.442695020e+00, v1;
	(erf) = vpow2.f32 v6  }
0x1cf: {  	s4 =	simm.s32 $0xE560;
	v17 =	vld [tilespmem:s6+$0x130];
	vm5 =	vge.f32 v5, $0.0e+00;
	v10 =	vmul.f32 $2.000000030e-01, v4;
	(erf) = vpow2.f32 v8  }
0x1d0: {  	v2 =	vsel vm5, v5, v3;
	vm7 =	vge.f32 v4, $0.0e+00;
	v5 =	vld [tilespmem:s9+$0xFFFFFFB0];
	[tilespmem:s4+$0xF0] =	vst v11;
	(erf) = vpow2.f32 v1  }
0x1d1: {  	v2 =	vmul.f32 $1.442695020e+00, v2;
	v4 =	vsel vm7, v4, v10;
	v3 =	vld [tilespmem:s9+$0x100]  }
0x1d2: {  	v1 =	vld [tilespmem:s9+$0xFFFFFF10];
	v4 =	vmul.f32 $1.442695020e+00, v4  }
0x1d3: {  	(erf) = vpow2.f32 v2;
	v2 =	vld [tilespmem:s9+$0xFFFFFF60]  }
0x1d4: {  	(erf) = vpow2.f32 v4;
	v4 =	vld [tilespmem:s9+$0x0]  }
0x1d5: {  	s7 =	simm.s32 $0xD860;
	v6 =	vld [tilespmem:s9+$0xFFFFFEC0];
	v9 =	vpop (erf)  }
0x1d6: {  	v19 =	vld [tilespmem:s7+$0xFFFFFFC0];
	v3 =	vmul.f32 v7, v3;
	v14 =	vpop (erf)  }
0x1d7: {  	v20 =	vld [tilespmem:s6+$0xFFFFFF50];
	v10 =	vmul.f32 v9, v1;
	v1 =	vpop (erf)  }
0x1d8: {  	v21 =	vld [tilespmem:s7+$0xFFFFFFD0];
	[tilespmem:s4+$0x100] =	vst v3;
	v3 =	vmul.f32 v14, v2;
	v2 =	vpop (erf)  }
0x1d9: {  	v22 =	vld [tilespmem:s6+$0xFFFFFFA0];
	[tilespmem:s4+$0xFFFFFF10] =	vst v10;
	v10 =	vmul.f32 v1, v5;
	v4 =	vmul.f32 v2, v4;
	v5 =	vpop (erf)  }
0x1da: {  	v23 =	vld [tilespmem:s6+$0xFFFFFFF0];
	v6 =	vmul.f32 v5, v6  }
0x1db: {  	v25 =	vld [tilespmem:s7+$0xFFFFFFF0];
	[tilespmem:s4+$0x0] =	vst v4  }
0x1dc: {  	[tilespmem:s4+$0xFFFFFEC0] =	vst v6;
	v6 =	vld [tilespmem:s9+$0x10]  }
0x1dd: {  	v26 =	vld [tilespmem:s6+$0x40]  }
0x1de: {  	v27 =	vld [tilespmem:s7+$0x10]  }
0x1df: {  	v28 =	vld [tilespmem:s7+$0x20]  }
0x1e0: {  	v12 =	vld [tilespmem:s9+$0xA0]  }
0x1e1: {  	v8 =	vld [tilespmem:s9+$0x50];
	v6 =	vmul.f32 v2, v6  }
0x1e2: {  	v11 =	vld [tilespmem:s9+$0x110]  }
0x1e3: {  	[tilespmem:s4+$0x10] =	vst v6;
	v6 =	vld [tilespmem:s7+$0x30]  }
0x1e4: {  	v13 =	vld [tilespmem:s9+$0xFFFFFF20];
	[tilespmem:s4+$0xFFFFFF60] =	vst v3  }
0x1e5: {  	[tilespmem:s4+$0xFFFFFFB0] =	vst v10;
	v15 =	vld [tilespmem:s9+$0xFFFFFF70];
	v3 =	vpop (erf)  }
0x1e6: {  	v10 =	vld [tilespmem:s9+$0xFFFFFFC0];
	v8 =	vmul.f32 v3, v8  }
0x1e7: {  	v4 =	vpop (erf);
	v16 =	vld [tilespmem:s9+$0xFFFFFED0];
	v11 =	vmul.f32 v7, v11  }
0x1e8: {  	v20 =	vadd.f32 v21, v20;
	v21 =	vld [tilespmem:s6+$0x90];
	v12 =	vmul.f32 v4, v12;
	[tilespmem:s4+$0x50] =	vst v8;
	v6 =	vadd.f32 v6, v17  }
0x1e9: {  	v8 =	vmul.f32 v9, v13;
	v13 =	vld [tilespmem:s9+$0x60];
	[tilespmem:s4+$0x110] =	vst v11  }
0x1ea: {  	[tilespmem:s4+$0xA0] =	vst v12;
	v12 =	vld [tilespmem:s9+$0x120];
	v24 =	vmul.f32 $2.000000030e-01, v6  }
0x1eb: {  	v11 =	vmul.f32 v14, v15;
	[tilespmem:s4+$0xFFFFFF20] =	vst v8;
	v8 =	vmul.f32 v1, v10;
	v10 =	vld [tilespmem:s9+$0xB0];
	vm8 =	vge.f32 v6, $0.0e+00  }
0x1ec: {  	v23 =	vadd.f32 v25, v23;
	v16 =	vmul.f32 v5, v16;
	v17 =	vld [tilespmem:s7+$0xFFFFFFE0];
	v6 =	vsel vm8, v6, v24  }
0x1ed: {  	v15 =	vld [tilespmem:s9+$0xFFFFFF30];
	[tilespmem:s4+$0xFFFFFF70] =	vst v11;
	v6 =	vmul.f32 $1.442695020e+00, v6  }
0x1ee: {  	v11 =	vld [tilespmem:s9+$0xFFFFFF80];
	[tilespmem:s4+$0xFFFFFED0] =	vst v16;
	v16 =	vmul.f32 $2.000000030e-01, v23  }
0x1ef: {  	vm9 =	vge.f32 v20, $0.0e+00;
	v24 =	vld [tilespmem:s7+$0x0];
	(erf) = vpow2.f32 v6;
	v6 =	vmul.f32 $2.000000030e-01, v20  }
0x1f0: {  	v21 =	vadd.f32 v27, v21;
	v18 =	vld [tilespmem:s9+$0x20];
	v13 =	vmul.f32 v3, v13;
	v12 =	vmul.f32 v12, v7  }
0x1f1: {  	v29 =	vld [tilespmem:s6+$0xFFFFFF60];
	v10 =	vmul.f32 v4, v10;
	v17 =	vadd.f32 v17, v22;
	v6 =	vsel vm9, v20, v6  }
0x1f2: {  	vm11 =	vge.f32 v23, $0.0e+00;
	[tilespmem:s4+$0xFFFFFFC0] =	vst v8;
	v15 =	vmul.f32 v9, v15;
	v20 =	vld [tilespmem:s6+$0xFFFFFF00];
	v6 =	vmul.f32 $1.442695020e+00, v6  }
0x1f3: {  	vm13 =	vge.f32 v21, $0.0e+00;
	v8 =	vld [tilespmem:s9+$0xFFFFFFD0];
	[tilespmem:s4+$0xB0] =	vst v10;
	v10 =	vmul.f32 $2.000000030e-01, v21;
	v25 =	vmul.f32 $2.000000030e-01, v17  }
0x1f4: {  	v22 =	vld [tilespmem:s6+$0xE0];
	vm10 =	vge.f32 v17, $0.0e+00;
	v24 =	vadd.f32 v24, v26;
	(erf) = vpow2.f32 v6  }
0x1f5: {  	v27 =	vld [tilespmem:s6+$0xFFFFFF10];
	[tilespmem:s4+$0x60] =	vst v13;
	v11 =	vmul.f32 v14, v11;
	v18 =	vmul.f32 v2, v18;
	v17 =	vsel vm10, v17, v25  }
0x1f6: {  	[tilespmem:s4+$0x120] =	vst v12;
	v10 =	vsel vm13, v21, v10;
	v25 =	vld [tilespmem:s6+$0xF0];
	v17 =	vmul.f32 $1.442695020e+00, v17;
	v13 =	vmul.f32 $2.000000030e-01, v24  }
0x1f7: {  	[tilespmem:s4+$0xFFFFFF80] =	vst v11;
	v21 =	vld [tilespmem:s9+$0xFFFFFEE0];
	vm12 =	vge.f32 v24, $0.0e+00;
	v6 =	vsel vm11, v23, v16;
	v12 =	vadd.f32 v19, v20  }
0x1f8: {  	v8 =	vmul.f32 v1, v8;
	[tilespmem:s4+$0x20] =	vst v18;
	v18 =	vld [tilespmem:s9+$0xFFFFFF90];
	v13 =	vsel vm12, v24, v13  }
0x1f9: {  	[tilespmem:s4+$0xFFFFFF30] =	vst v15;
	v26 =	vld [tilespmem:s6+$0xFFFFFEC0];
	(erf) = vpow2.f32 v17;
	v19 =	vadd.f32 v28, v22;
	v15 =	vmul.f32 $2.000000030e-01, v12  }
0x1fa: {  	v16 =	vld [tilespmem:s6+$0xFFFFFFB0];
	v20 =	vmul.f32 $1.442695020e+00, v6;
	v13 =	vmul.f32 $1.442695020e+00, v13;
	v6 =	vpop (erf);
	vm14 =	vge.f32 v12, $0.0e+00  }
0x1fb: {  	[tilespmem:s4+$0x130] =	vst v7;
	v11 =	vmul.f32 $2.000000030e-01, v19;
	v24 =	vmul.f32 v6, v25;
	v12 =	vsel vm14, v12, v15;
	v15 =	vld [tilespmem:s9+$0x70]  }
0x1fc: {  	s8 =	simm.s32 $0xE7E0;
	[tilespmem:s4+$0xFFFFFFD0] =	vst v8;
	v23 =	vld [tilespmem:s6+$0x50];
	(erf) = vpow2.f32 v20;
	v8 =	vmul.f32 $1.442695020e+00, v12  }
0x1fd: {  	v10 =	vmul.f32 $1.442695020e+00, v10;
	vm15 =	vge.f32 v19, $0.0e+00;
	(erf) = vpow2.f32 v13;
	v13 =	vld [tilespmem:s9+$0xC0];
	[tilespmem:s8+$0xF0] =	vst v24;
	v7 =	vpop (erf)  }
0x1fe: {  	v11 =	vsel vm15, v19, v11;
	v12 =	vld [tilespmem:s6+$0x100];
	(erf) = vpow2.f32 v8;
	v8 =	vmul.f32 v7, v27  }
0x1ff: {  	v17 =	vld [tilespmem:s9+$0xFFFFFF40];
	v11 =	vmul.f32 $1.442695020e+00, v11;
	(erf) = vpow2.f32 v10  }
0x200: {  	v22 =	vld [tilespmem:s6+$0x0];
	v10 =	vmul.f32 v5, v21;
	[tilespmem:s8+$0xFFFFFF10] =	vst v8;
	v8 =	vmul.f32 v3, v15  }
0x201: {  	[tilespmem:s4+$0xFFFFFFA0] =	vst v14;
	v20 =	vld [tilespmem:s9+$0xFFFFFFE0]  }
0x202: {  	v19 =	vld [tilespmem:s6+$0xA0];
	(erf) = vpow2.f32 v11;
	[tilespmem:s4+$0xFFFFFEE0] =	vst v10;
	v10 =	vmul.f32 v4, v13  }
0x203: {  	[tilespmem:s4+$0xFFFFFF50] =	vst v9;
	v15 =	vld [tilespmem:s6+$0xFFFFFF20];
	v11 =	vmul.f32 v6, v12  }
0x204: {  	v24 =	vld [tilespmem:s9+$0xFFFFFEF0];
	[tilespmem:s4+$0x70] =	vst v8;
	v8 =	vpop (erf)  }
0x205: {  	[tilespmem:s8+$0x100] =	vst v11;
	v11 =	vmul.f32 v17, v9;
	v17 =	vld [tilespmem:s9+$0x30];
	v12 =	vmul.f32 v8, v29;
	v9 =	vpop (erf)  }
0x206: {  	[tilespmem:s4+$0xC0] =	vst v10;
	v21 =	vld [tilespmem:s6+$0x110];
	v10 =	vpop (erf)  }
0x207: {  	v25 =	vld [tilespmem:s9+$0x80];
	v16 =	vmul.f32 v9, v16;
	[tilespmem:s8+$0xFFFFFF60] =	vst v12;
	v12 =	vmul.f32 v10, v22  }
0x208: {  	[tilespmem:s4+$0xFFFFFF40] =	vst v11;
	v13 =	vpop (erf);
	v22 =	vld [tilespmem:s9+$0xD0]  }
0x209: {  	v26 =	vmul.f32 v13, v26;
	v27 =	vld [tilespmem:s6+$0xFFFFFF70];
	[tilespmem:s8+$0xFFFFFFB0] =	vst v16;
	v11 =	vpop (erf)  }
0x20a: {  	v16 =	vld [tilespmem:s6+$0xFFFFFFC0];
	[tilespmem:s8+$0x0] =	vst v12;
	v23 =	vmul.f32 v11, v23  }
0x20b: {  	v21 =	vmul.f32 v6, v21;
	[tilespmem:s8+$0xFFFFFEC0] =	vst v26;
	v26 =	vld [tilespmem:s6+$0x10];
	v12 =	vpop (erf)  }
0x20c: {  	[tilespmem:s8+$0x50] =	vst v23;
	v23 =	vld [tilespmem:s6+$0xFFFFFED0];
	v19 =	vmul.f32 v12, v19  }
0x20d: {  	v61 =	vmul.f32 v7, v15;
	[tilespmem:s8+$0x110] =	vst v21;
	v62 =	vld [tilespmem:s6+$0x60]  }
0x20e: {  	v14 =	vmul.f32 v18, v14;
	v18 =	vmul.f32 v8, v27;
	v27 =	vld [tilespmem:s6+$0x120];
	[tilespmem:s8+$0xA0] =	vst v19  }
0x20f: {  	v15 =	vmul.f32 v20, v1;
	[tilespmem:s8+$0xFFFFFF20] =	vst v61;
	v63 =	vmul.f32 v9, v16;
	v21 =	vld [tilespmem:s6+$0xB0]  }
0x210: {  	v20 =	vld [tilespmem:s6+$0xFFFFFF30];
	v19 =	vmul.f32 v24, v5;
	[tilespmem:s8+$0xFFFFFF70] =	vst v18;
	v24 =	vmul.f32 v10, v26  }
0x211: {  	v16 =	vmul.f32 v17, v2;
	v30 =	vmul.f32 v13, v23;
	v23 =	vld [tilespmem:s6+$0xFFFFFF80];
	[tilespmem:s8+$0xFFFFFFC0] =	vst v63  }
0x212: {  	v18 =	vmul.f32 v22, v4;
	v22 =	vld [tilespmem:s6+$0xFFFFFFD0];
	[tilespmem:s8+$0x10] =	vst v24;
	v26 =	vmul.f32 v11, v62  }
0x213: {  	s25 =	simm.s32 $0x9F60;
	s9 =	simm.s32 $0x8;
	v17 =	vmul.f32 v25, v3;
	[tilespmem:s8+$0xFFFFFED0] =	vst v30;
	v24 =	vld [tilespmem:s6+$0x20];
	v25 =	vmul.f32 v27, v6  }
.LBB2_11:
0x214: {  	v27 =	vld [tilespmem:s25+$0x130];
	[tilespmem:s8+$0x60] =	vst v26;
	v21 =	vmul.f32 v12, v21;
	s7 =	sadd.s32 $0x80, s7  }
0x215: {  	s9 =	sadd.s32 $0x8, s9;
	v26 =	vld [tilespmem:s7+$0x30];
	v20 =	vmul.f32 v7, v20;
	[tilespmem:s8+$0x120] =	vst v25  }
0x216: {  	p0 =	slt.u32 s9, $0x60;
	v25 =	vld [tilespmem:s7+$0xFFFFFFC0];
	v23 =	vmul.f32 v8, v23;
	[tilespmem:s8+$0xB0] =	vst v21  }
0x217: {  	v21 =	vld [tilespmem:s25+$0xFFFFFF50];
	[tilespmem:s8+$0xFFFFFF30] =	vst v20;
	v20 =	vmul.f32 v9, v22  }
0x218: {  	v22 =	vld [tilespmem:s7+$0xFFFFFFD0];
	[tilespmem:s8+$0xFFFFFF80] =	vst v23;
	v23 =	vmul.f32 v10, v24  }
0x219: {  	v24 =	vld [tilespmem:s25+$0xFFFFFFA0];
	[tilespmem:s8+$0xFFFFFFD0] =	vst v20  }
0x21a: {  	v20 =	vld [tilespmem:s7+$0xFFFFFFE0];
	v26 =	vadd.f32 v26, v27;
	[tilespmem:s8+$0x20] =	vst v23  }
0x21b: {  	v23 =	vld [tilespmem:s25+$0xFFFFFFF0];
	[tilespmem:s4+$0xFFFFFEF0] =	vst v19  }
0x21c: {  	v19 =	vld [tilespmem:s7+$0xFFFFFFF0];
	v27 =	vmul.f32 $2.000000030e-01, v26;
	[tilespmem:s4+$0xFFFFFF90] =	vst v14  }
0x21d: {  	vm0 =	vge.f32 v26, $0.0e+00;
	v14 =	vadd.f32 v22, v21;
	v21 =	vld [tilespmem:s25+$0x40];
	[tilespmem:s4+$0xFFFFFFE0] =	vst v15  }
0x21e: {  	v15 =	vld [tilespmem:s7+$0x0];
	v22 =	vsel vm0, v26, v27;
	[tilespmem:s4+$0x30] =	vst v16  }
0x21f: {  	v16 =	vmul.f32 $2.000000030e-01, v14;
	v20 =	vadd.f32 v20, v24;
	v24 =	vld [tilespmem:s25+$0x90];
	v22 =	vmul.f32 $1.442695020e+00, v22;
	[tilespmem:s4+$0x80] =	vst v17  }
0x220: {  	vm0 =	vge.f32 v14, $0.0e+00;
	v17 =	vld [tilespmem:s7+$0x10];
	[tilespmem:s4+$0xD0] =	vst v18  }
0x221: {  	v18 =	vmul.f32 $2.000000030e-01, v20;
	v19 =	vadd.f32 v19, v23;
	v23 =	vld [tilespmem:s25+$0xE0];
	(erf) = vpow2.f32 v22;
	[tilespmem:s4+$0xFFFFFF00] =	vst v5;
	v5 =	vmovc v13  }
0x222: {  	v13 =	vsel vm0, v14, v16;
	vm0 =	vge.f32 v20, $0.0e+00;
	v14 =	vld [tilespmem:s7+$0x20];
	[tilespmem:s4+$0xFFFFFFF0] =	vst v1;
	v1 =	vmov v9  }
0x223: {  	v9 =	vld [tilespmem:s25+$0xFFFFFF00];
	vm1 =	vge.f32 v19, $0.0e+00;
	v16 =	vmul.f32 $2.000000030e-01, v19;
	v15 =	vadd.f32 v15, v21;
	[tilespmem:s4+$0x40] =	vst v2;
	v2 =	vmovc v10  }
0x224: {  	v10 =	vmul.f32 $1.442695020e+00, v13;
	v13 =	vsel vm0, v20, v18;
	v21 =	vld [tilespmem:s25+$0xFFFFFEC0];
	[tilespmem:s4+$0x90] =	vst v3;
	v3 =	vmov v11  }
0x225: {  	v11 =	vld [tilespmem:s25+$0xFFFFFF10];
	vm0 =	vge.f32 v15, $0.0e+00;
	v18 =	vmul.f32 $2.000000030e-01, v15;
	v17 =	vadd.f32 v17, v24;
	[tilespmem:s4+$0xE0] =	vst v4;
	v4 =	vmovc v12;
	s4 =	smov.u32 s8  }
0x226: {  	v12 =	vmul.f32 $1.442695020e+00, v13;
	v13 =	vsel vm1, v19, v16;
	v16 =	vld [tilespmem:s25+$0xF0];
	(erf) = vpow2.f32 v10;
	[tilespmem:s8+$0x130] =	vst v6  }
0x227: {  	v10 =	vld [tilespmem:s25+$0xFFFFFF60];
	vm1 =	vge.f32 v17, $0.0e+00;
	v24 =	vmul.f32 $2.000000030e-01, v17;
	v14 =	vadd.f32 v14, v23  }
0x228: {  	v13 =	vmul.f32 $1.442695020e+00, v13;
	v15 =	vsel vm0, v15, v18;
	v9 =	vadd.f32 v25, v9;
	v19 =	vld [tilespmem:s25+$0xFFFFFFB0]  }
0x229: {  	v18 =	vld [tilespmem:s25+$0x0];
	v17 =	vsel vm1, v17, v24;
	vm0 =	vge.f32 v14, $0.0e+00;
	v20 =	vmul.f32 $2.000000030e-01, v14  }
0x22a: {  	v15 =	vmul.f32 $1.442695020e+00, v15;
	vm1 =	vge.f32 v9, $0.0e+00;
	v22 =	vmul.f32 $2.000000030e-01, v9;
	v23 =	vld [tilespmem:s25+$0x50];
	v6 =	vpop (erf)  }
0x22b: {  	v17 =	vmul.f32 $1.442695020e+00, v17;
	v14 =	vsel vm0, v14, v20;
	v20 =	vld [tilespmem:s25+$0xA0];
	v16 =	vmul.f32 v6, v16  }
0x22c: {  	s8 =	sadd.s32 $0x280, s8;
	v9 =	vsel vm1, v9, v22;
	v14 =	vmul.f32 $1.442695020e+00, v14;
	(erf) = vpow2.f32 v12;
	v12 =	vld [tilespmem:s6+$0xFFFFFEE0]  }
0x22d: {  	v22 =	vmul.f32 $1.442695020e+00, v9;
	[tilespmem:s8+$0xF0] =	vst v16;
	(erf) = vpow2.f32 v13;
	v13 =	vld [tilespmem:s6+$0x70]  }
0x22e: {  	v16 =	vld [tilespmem:s25+$0x100];
	(erf) = vpow2.f32 v15  }
0x22f: {  	(erf) = vpow2.f32 v22;
	v9 =	vpop (erf);
	v15 =	vld [tilespmem:s6+$0xC0]  }
0x230: {  	v11 =	vmul.f32 v9, v11;
	(erf) = vpow2.f32 v17;
	v17 =	vld [tilespmem:s6+$0xFFFFFF40];
	[tilespmem:s4+$0xFFFFFF50] =	vst v7  }
0x231: {  	(erf) = vpow2.f32 v14;
	v12 =	vmul.f32 v5, v12;
	v14 =	vld [tilespmem:s6+$0xFFFFFF90];
	[tilespmem:s4+$0xFFFFFFA0] =	vst v8  }
0x232: {  	[tilespmem:s8+$0xFFFFFF10] =	vst v11;
	v11 =	vld [tilespmem:s6+$0xFFFFFFE0];
	v13 =	vmul.f32 v3, v13  }
0x233: {  	v22 =	vld [tilespmem:s25+$0xFFFFFF20];
	v16 =	vmul.f32 v6, v16;
	[tilespmem:s4+$0xFFFFFEE0] =	vst v12  }
0x234: {  	v12 =	vld [tilespmem:s6+$0xFFFFFEF0];
	[tilespmem:s4+$0x70] =	vst v13;
	v13 =	vmul.f32 v4, v15  }
0x235: {  	[tilespmem:s8+$0x100] =	vst v16;
	v15 =	vpop (erf);
	v16 =	vmul.f32 v17, v7;
	v17 =	vld [tilespmem:s6+$0x30];
	v7 =	vmov v9  }
0x236: {  	v24 =	vmul.f32 v15, v10;
	v25 =	vld [tilespmem:s25+$0x110];
	v9 =	vpop (erf);
	v14 =	vmul.f32 v14, v8;
	[tilespmem:s4+$0xC0] =	vst v13;
	v8 =	vmov v15  }
0x237: {  	v19 =	vmul.f32 v9, v19;
	v10 =	vpop (erf);
	[tilespmem:s4+$0xFFFFFF40] =	vst v16;
	v15 =	vmul.f32 v11, v1;
	v26 =	vld [tilespmem:s6+$0x80]  }
0x238: {  	v22 =	vmul.f32 v7, v22;
	[tilespmem:s8+$0xFFFFFF60] =	vst v24;
	v16 =	vmul.f32 v10, v18;
	v13 =	vpop (erf);
	v18 =	vld [tilespmem:s6+$0xD0];
	s6 =	smov.u32 s25  }
0x239: {  	v21 =	vmul.f32 v13, v21;
	v24 =	vld [tilespmem:s25+$0xFFFFFF70];
	[tilespmem:s8+$0xFFFFFFB0] =	vst v19;
	v11 =	vpop (erf);
	v19 =	vmul.f32 v12, v5  }
0x23a: {  	v27 =	vld [tilespmem:s25+$0xFFFFFFC0];
	[tilespmem:s8+$0x0] =	vst v16;
	v23 =	vmul.f32 v11, v23;
	v12 =	vpop (erf);
	v16 =	vmul.f32 v17, v2  }
0x23b: {  	[tilespmem:s8+$0xFFFFFEC0] =	vst v21;
	v28 =	vld [tilespmem:s25+$0x10];
	v20 =	vmul.f32 v12, v20;
	v21 =	vmul.f32 v6, v25  }
0x23c: {  	v25 =	vld [tilespmem:s25+$0xFFFFFED0];
	[tilespmem:s8+$0x50] =	vst v23;
	v17 =	vmul.f32 v26, v3  }
0x23d: {  	v26 =	vld [tilespmem:s25+$0x60];
	[tilespmem:s8+$0x110] =	vst v21;
	v18 =	vmul.f32 v18, v4  }
0x23e: {  	v23 =	vmul.f32 v8, v24;
	[tilespmem:s8+$0xA0] =	vst v20;
	v29 =	vld [tilespmem:s25+$0x120]  }
.Ltmp4:
0x23f: {  	[tilespmem:s8+$0xFFFFFF20] =	vst v22;
	v22 =	vmul.f32 v9, v27;
	v21 =	vld [tilespmem:s25+$0xB0];
	(pc) =	sbr.rel @p0 .LBB2_11-.Ltmp4, $4  }
0x240: {  	v20 =	vld [tilespmem:s25+$0xFFFFFF30];
	[tilespmem:s8+$0xFFFFFF70] =	vst v23;
	v24 =	vmul.f32 v10, v28  }
0x241: {  	v25 =	vmul.f32 v13, v25;
	v23 =	vld [tilespmem:s25+$0xFFFFFF80];
	[tilespmem:s8+$0xFFFFFFC0] =	vst v22  }
0x242: {  	v22 =	vld [tilespmem:s25+$0xFFFFFFD0];
	[tilespmem:s8+$0x10] =	vst v24;
	v26 =	vmul.f32 v11, v26  }
0x243: {  	s25 =	sadd.s32 $0x280, s25;
	[tilespmem:s8+$0xFFFFFED0] =	vst v25;
	v24 =	vld [tilespmem:s6+$0x20];
	v25 =	vmul.f32 v29, v6  }
0x244: {  	[tilespmem:s8+$0x60] =	vst v26  }
0x245: {  	[tilespmem:s4+$0xFFFFFEF0] =	vst v19  }
0x246: {  	[tilespmem:s4+$0xFFFFFF90] =	vst v14  }
0x247: {  	[tilespmem:s4+$0xFFFFFFE0] =	vst v15  }
0x248: {  	[tilespmem:s4+$0x30] =	vst v16  }
0x249: {  	[tilespmem:s4+$0x80] =	vst v17  }
0x24a: {  	[tilespmem:s4+$0xD0] =	vst v18  }
0x24b: {  	[tilespmem:s4+$0xFFFFFF00] =	vst v5  }
0x24c: {  	[tilespmem:s4+$0xFFFFFFF0] =	vst v1  }
0x24d: {  	[tilespmem:s4+$0x40] =	vst v2  }
0x24e: {  	[tilespmem:s4+$0x90] =	vst v3  }
0x24f: {  	[tilespmem:s4+$0xE0] =	vst v4  }
0x250: {  	v21 =	vmul.f32 v12, v21;
	[tilespmem:s8+$0x130] =	vst v6  }
0x251: {  	v20 =	vmul.f32 v7, v20;
	[tilespmem:s8+$0x120] =	vst v25  }
0x252: {  	v14 =	vld [tilespmem:s6+$0xFFFFFEE0];
	v23 =	vmul.f32 v8, v23;
	[tilespmem:s8+$0xB0] =	vst v21  }
0x253: {  	[tilespmem:s8+$0xFFFFFF30] =	vst v20  }
0x254: {  	v1 =	vld [tilespmem:s6+$0x70];
	v20 =	vmul.f32 v9, v22;
	[tilespmem:s8+$0xFFFFFF80] =	vst v23  }
0x255: {  	v21 =	vmul.f32 v10, v24;
	v3 =	vld [tilespmem:s6+$0xFFFFFF40];
	[tilespmem:s8+$0xFFFFFF50] =	vst v7  }
0x256: {  	[tilespmem:s8+$0xFFFFFFD0] =	vst v20  }
0x257: {  	v2 =	vld [tilespmem:s6+$0xC0];
	v5 =	vmul.f32 v13, v14;
	[tilespmem:s8+$0x20] =	vst v21  }
0x258: {  	v6 =	vld [tilespmem:s6+$0xFFFFFFE0];
	[tilespmem:s8+$0xFFFFFFF0] =	vst v9  }
0x259: {  	v1 =	vmul.f32 v11, v1;
	[tilespmem:s8+$0xFFFFFEE0] =	vst v5  }
0x25a: {  	v5 =	vld [tilespmem:s6+$0xFFFFFF90];
	[tilespmem:s8+$0xFFFFFFA0] =	vst v8  }
0x25b: {  	[tilespmem:s8+$0x70] =	vst v1  }
0x25c: {  	v4 =	vld [tilespmem:s6+$0xFFFFFEF0];
	v2 =	vmul.f32 v12, v2;
	[tilespmem:s8+$0xFFFFFF00] =	vst v13  }
0x25d: {  	v1 =	vld [tilespmem:s6+$0x30];
	[tilespmem:s8+$0x40] =	vst v10  }
0x25e: {  	v3 =	vmul.f32 v3, v7;
	[tilespmem:s8+$0xC0] =	vst v2  }
0x25f: {  	v2 =	vld [tilespmem:s6+$0x80];
	[tilespmem:s8+$0x90] =	vst v11  }
0x260: {  	v7 =	vld [tilespmem:s6+$0xD0];
	[tilespmem:s8+$0xFFFFFF40] =	vst v3;
	v3 =	vmul.f32 v6, v9  }
0x261: {  	[tilespmem:s8+$0xE0] =	vst v12;
	v5 =	vmul.f32 v5, v8  }
0x262: {  	v4 =	vmul.f32 v4, v13;
	[tilespmem:s8+$0xFFFFFFE0] =	vst v3  }
0x263: {  	v1 =	vmul.f32 v1, v10;
	[tilespmem:s8+$0xFFFFFF90] =	vst v5  }
0x264: {  	[tilespmem:s8+$0xFFFFFEF0] =	vst v4;
	v2 =	vmul.f32 v2, v11  }
0x265: {  	[tilespmem:s8+$0x30] =	vst v1;
	v3 =	vmul.f32 v7, v12  }
0x266: {  	[tilespmem:s8+$0x80] =	vst v2  }
0x267: {  	[tilespmem:s8+$0xD0] =	vst v3  }
0x268: {  	[spmem:s3] =	stream.indirect.scatter.add.f32 [tilespmem:s22], [sflag:$0x5], $0x50, s12, s21, $0xb8;
	[tilespmem:$0x1F4A0] =	vst v63  }
0x269: {  	_ =	swait.ge [sflag:s30], $0x1E00  }
0x26a: {  	[sflag:s30] =	ssyncset.done $0x0  }
0x26b: {  	s9 =	simm.s32 $0xBC10;
	[sflag:s30] =	ssyncadd.s32 $0xFFFFE200  }
0x26c: {  	s25 =	simm.s32 $0xDE90;
	v1 =	vld [tilespmem:s9+$0x0]  }
0x26d: {  	v2 =	vld [tilespmem:s25+$0x0];
	_ =	sdelay $0x1  }
0x26e: {  	v3 =	vld [tilespmem:s25+$0xFFFFFF90]  }
0x26f: {  	v4 =	vld [tilespmem:s9+$0xFFFFFE20]  }
0x270: {  	v5 =	vld [tilespmem:s25+$0xFFFFFFA0]  }
0x271: {  	v6 =	vld [tilespmem:s9+$0xFFFFFE70];
	v1 =	vadd.f32 v2, v1  }
0x272: {  	v7 =	vld [tilespmem:s9+$0xFFFFFEC0]  }
0x273: {  	v9 =	vld [tilespmem:s25+$0xFFFFFFC0];
	v8 =	vmul.f32 $2.000000030e-01, v1  }
0x274: {  	v2 =	vld [tilespmem:s25+$0xFFFFFFB0];
	vm0 =	vge.f32 v1, $0.0e+00  }
0x275: {  	v10 =	vld [tilespmem:s9+$0xFFFFFF10];
	v1 =	vsel vm0, v1, v8  }
0x276: {  	v8 =	vld [tilespmem:s25+$0xFFFFFFD0];
	v1 =	vmul.f32 $1.442695020e+00, v1  }
0x277: {  	v11 =	vld [tilespmem:s25+$0xFFFFFFE0];
	v4 =	vadd.f32 v5, v4  }
0x278: {  	v5 =	vld [tilespmem:s9+$0xFFFFFF60];
	v7 =	vadd.f32 v9, v7;
	(erf) = vpow2.f32 v1  }
0x279: {  	v9 =	vld [tilespmem:s9+$0xFFFFFDD0];
	v2 =	vadd.f32 v2, v6;
	v1 =	vmul.f32 $2.000000030e-01, v4  }
0x27a: {  	vm14 =	vge.f32 v4, $0.0e+00;
	vm1 =	vge.f32 v7, $0.0e+00;
	v6 =	vld [tilespmem:s9+$0xFFFFFFB0]  }
0x27b: {  	v12 =	vmul.f32 $2.000000030e-01, v2;
	v1 =	vsel vm14, v4, v1;
	v4 =	vld [tilespmem:s25+$0xFFFFFFF0];
	v8 =	vadd.f32 v8, v10  }
0x27c: {  	vm15 =	vge.f32 v2, $0.0e+00;
	v10 =	vmul.f32 $2.000000030e-01, v7;
	v1 =	vmul.f32 $1.442695020e+00, v1  }
0x27d: {  	v5 =	vadd.f32 v11, v5;
	v2 =	vsel vm15, v2, v12;
	v12 =	vld [tilespmem:s9+$0xFFFFFFC0];
	v13 =	vmul.f32 $2.000000030e-01, v8  }
0x27e: {  	v7 =	vsel vm1, v7, v10;
	(erf) = vpow2.f32 v1;
	v1 =	vadd.f32 v3, v9  }
0x27f: {  	v2 =	vmul.f32 $1.442695020e+00, v2;
	vm4 =	vge.f32 v8, $0.0e+00;
	v3 =	vmul.f32 $2.000000030e-01, v5  }
0x280: {  	v8 =	vsel vm4, v8, v13;
	v4 =	vadd.f32 v4, v6;
	v9 =	vmul.f32 $2.000000030e-01, v1  }
0x281: {  	v6 =	vmul.f32 $1.442695020e+00, v7;
	vm6 =	vge.f32 v1, $0.0e+00;
	v8 =	vmul.f32 $1.442695020e+00, v8;
	v7 =	vpop (erf)  }
0x282: {  	v1 =	vsel vm6, v1, v9;
	(erf) = vpow2.f32 v2;
	v11 =	vmul.f32 v7, v12  }
0x283: {  	s6 =	simm.s32 $0xBE90;
	v1 =	vmul.f32 $1.442695020e+00, v1;
	(erf) = vpow2.f32 v6  }
0x284: {  	s4 =	simm.s32 $0x105E0;
	v17 =	vld [tilespmem:s6+$0x0];
	vm5 =	vge.f32 v5, $0.0e+00;
	v10 =	vmul.f32 $2.000000030e-01, v4;
	(erf) = vpow2.f32 v8  }
0x285: {  	v2 =	vsel vm5, v5, v3;
	vm7 =	vge.f32 v4, $0.0e+00;
	v5 =	vld [tilespmem:s9+$0xFFFFFE80];
	[tilespmem:s4+$0xF0] =	vst v11;
	(erf) = vpow2.f32 v1  }
0x286: {  	v2 =	vmul.f32 $1.442695020e+00, v2;
	v4 =	vsel vm7, v4, v10;
	v3 =	vld [tilespmem:s9+$0xFFFFFFD0]  }
0x287: {  	v1 =	vld [tilespmem:s9+$0xFFFFFDE0];
	v4 =	vmul.f32 $1.442695020e+00, v4  }
0x288: {  	(erf) = vpow2.f32 v2;
	v2 =	vld [tilespmem:s9+$0xFFFFFE30]  }
0x289: {  	(erf) = vpow2.f32 v4;
	v4 =	vld [tilespmem:s9+$0xFFFFFED0]  }
0x28a: {  	s7 =	simm.s32 $0xDF10;
	v6 =	vld [tilespmem:s9+$0xFFFFFD90];
	v9 =	vpop (erf)  }
0x28b: {  	v19 =	vld [tilespmem:s7+$0xFFFFFF90];
	v3 =	vmul.f32 v7, v3;
	v14 =	vpop (erf)  }
0x28c: {  	v20 =	vld [tilespmem:s6+$0xFFFFFE20];
	v10 =	vmul.f32 v9, v1;
	v1 =	vpop (erf)  }
0x28d: {  	v21 =	vld [tilespmem:s7+$0xFFFFFFA0];
	[tilespmem:s4+$0x100] =	vst v3;
	v3 =	vmul.f32 v14, v2;
	v2 =	vpop (erf)  }
0x28e: {  	v22 =	vld [tilespmem:s6+$0xFFFFFE70];
	[tilespmem:s4+$0xFFFFFF10] =	vst v10;
	v10 =	vmul.f32 v1, v5;
	v4 =	vmul.f32 v2, v4;
	v5 =	vpop (erf)  }
0x28f: {  	v23 =	vld [tilespmem:s6+$0xFFFFFEC0];
	v6 =	vmul.f32 v5, v6  }
0x290: {  	v25 =	vld [tilespmem:s7+$0xFFFFFFC0];
	[tilespmem:s4+$0x0] =	vst v4  }
0x291: {  	[tilespmem:s4+$0xFFFFFEC0] =	vst v6;
	v6 =	vld [tilespmem:s9+$0xFFFFFEE0]  }
0x292: {  	v26 =	vld [tilespmem:s6+$0xFFFFFF10]  }
0x293: {  	v27 =	vld [tilespmem:s7+$0xFFFFFFE0]  }
0x294: {  	v28 =	vld [tilespmem:s7+$0xFFFFFFF0]  }
0x295: {  	v12 =	vld [tilespmem:s9+$0xFFFFFF70]  }
0x296: {  	v8 =	vld [tilespmem:s9+$0xFFFFFF20];
	v6 =	vmul.f32 v2, v6  }
0x297: {  	v11 =	vld [tilespmem:s9+$0xFFFFFFE0]  }
0x298: {  	[tilespmem:s4+$0x10] =	vst v6;
	v6 =	vld [tilespmem:s7+$0x0]  }
0x299: {  	v13 =	vld [tilespmem:s9+$0xFFFFFDF0];
	[tilespmem:s4+$0xFFFFFF60] =	vst v3  }
0x29a: {  	[tilespmem:s4+$0xFFFFFFB0] =	vst v10;
	v15 =	vld [tilespmem:s9+$0xFFFFFE40];
	v3 =	vpop (erf)  }
0x29b: {  	v10 =	vld [tilespmem:s9+$0xFFFFFE90];
	v8 =	vmul.f32 v3, v8  }
0x29c: {  	v4 =	vpop (erf);
	v16 =	vld [tilespmem:s9+$0xFFFFFDA0];
	v11 =	vmul.f32 v7, v11  }
0x29d: {  	v20 =	vadd.f32 v21, v20;
	v21 =	vld [tilespmem:s6+$0xFFFFFF60];
	v12 =	vmul.f32 v4, v12;
	[tilespmem:s4+$0x50] =	vst v8;
	v6 =	vadd.f32 v6, v17  }
0x29e: {  	v8 =	vmul.f32 v9, v13;
	v13 =	vld [tilespmem:s9+$0xFFFFFF30];
	[tilespmem:s4+$0x110] =	vst v11  }
0x29f: {  	[tilespmem:s4+$0xA0] =	vst v12;
	v12 =	vld [tilespmem:s9+$0xFFFFFFF0];
	v24 =	vmul.f32 $2.000000030e-01, v6  }
0x2a0: {  	v11 =	vmul.f32 v14, v15;
	[tilespmem:s4+$0xFFFFFF20] =	vst v8;
	v8 =	vmul.f32 v1, v10;
	v10 =	vld [tilespmem:s9+$0xFFFFFF80];
	vm8 =	vge.f32 v6, $0.0e+00  }
0x2a1: {  	v23 =	vadd.f32 v25, v23;
	v16 =	vmul.f32 v5, v16;
	v17 =	vld [tilespmem:s7+$0xFFFFFFB0];
	v6 =	vsel vm8, v6, v24  }
0x2a2: {  	v15 =	vld [tilespmem:s9+$0xFFFFFE00];
	[tilespmem:s4+$0xFFFFFF70] =	vst v11;
	v6 =	vmul.f32 $1.442695020e+00, v6  }
0x2a3: {  	v11 =	vld [tilespmem:s9+$0xFFFFFE50];
	[tilespmem:s4+$0xFFFFFED0] =	vst v16;
	v16 =	vmul.f32 $2.000000030e-01, v23  }
0x2a4: {  	vm9 =	vge.f32 v20, $0.0e+00;
	v24 =	vld [tilespmem:s7+$0xFFFFFFD0];
	(erf) = vpow2.f32 v6;
	v6 =	vmul.f32 $2.000000030e-01, v20  }
0x2a5: {  	v21 =	vadd.f32 v27, v21;
	v18 =	vld [tilespmem:s9+$0xFFFFFEF0];
	v13 =	vmul.f32 v3, v13;
	v12 =	vmul.f32 v12, v7  }
0x2a6: {  	v29 =	vld [tilespmem:s6+$0xFFFFFE30];
	v10 =	vmul.f32 v4, v10;
	v17 =	vadd.f32 v17, v22;
	v6 =	vsel vm9, v20, v6  }
0x2a7: {  	vm11 =	vge.f32 v23, $0.0e+00;
	[tilespmem:s4+$0xFFFFFFC0] =	vst v8;
	v15 =	vmul.f32 v9, v15;
	v20 =	vld [tilespmem:s6+$0xFFFFFDD0];
	v6 =	vmul.f32 $1.442695020e+00, v6  }
0x2a8: {  	vm13 =	vge.f32 v21, $0.0e+00;
	v8 =	vld [tilespmem:s9+$0xFFFFFEA0];
	[tilespmem:s4+$0xB0] =	vst v10;
	v10 =	vmul.f32 $2.000000030e-01, v21;
	v25 =	vmul.f32 $2.000000030e-01, v17  }
0x2a9: {  	v22 =	vld [tilespmem:s6+$0xFFFFFFB0];
	vm10 =	vge.f32 v17, $0.0e+00;
	v24 =	vadd.f32 v24, v26;
	(erf) = vpow2.f32 v6  }
0x2aa: {  	v27 =	vld [tilespmem:s6+$0xFFFFFDE0];
	[tilespmem:s4+$0x60] =	vst v13;
	v11 =	vmul.f32 v14, v11;
	v18 =	vmul.f32 v2, v18;
	v17 =	vsel vm10, v17, v25  }
0x2ab: {  	[tilespmem:s4+$0x120] =	vst v12;
	v10 =	vsel vm13, v21, v10;
	v25 =	vld [tilespmem:s6+$0xFFFFFFC0];
	v17 =	vmul.f32 $1.442695020e+00, v17;
	v13 =	vmul.f32 $2.000000030e-01, v24  }
0x2ac: {  	[tilespmem:s4+$0xFFFFFF80] =	vst v11;
	v21 =	vld [tilespmem:s9+$0xFFFFFDB0];
	vm12 =	vge.f32 v24, $0.0e+00;
	v6 =	vsel vm11, v23, v16;
	v12 =	vadd.f32 v19, v20  }
0x2ad: {  	v8 =	vmul.f32 v1, v8;
	[tilespmem:s4+$0x20] =	vst v18;
	v18 =	vld [tilespmem:s9+$0xFFFFFE60];
	v13 =	vsel vm12, v24, v13  }
0x2ae: {  	[tilespmem:s4+$0xFFFFFF30] =	vst v15;
	v26 =	vld [tilespmem:s6+$0xFFFFFD90];
	(erf) = vpow2.f32 v17;
	v19 =	vadd.f32 v28, v22;
	v15 =	vmul.f32 $2.000000030e-01, v12  }
0x2af: {  	v16 =	vld [tilespmem:s6+$0xFFFFFE80];
	v20 =	vmul.f32 $1.442695020e+00, v6;
	v13 =	vmul.f32 $1.442695020e+00, v13;
	v6 =	vpop (erf);
	vm14 =	vge.f32 v12, $0.0e+00  }
0x2b0: {  	[tilespmem:s4+$0x130] =	vst v7;
	v11 =	vmul.f32 $2.000000030e-01, v19;
	v24 =	vmul.f32 v6, v25;
	v12 =	vsel vm14, v12, v15;
	v15 =	vld [tilespmem:s9+$0xFFFFFF40]  }
0x2b1: {  	s8 =	simm.s32 $0x10860;
	[tilespmem:s4+$0xFFFFFFD0] =	vst v8;
	v23 =	vld [tilespmem:s6+$0xFFFFFF20];
	(erf) = vpow2.f32 v20;
	v8 =	vmul.f32 $1.442695020e+00, v12  }
0x2b2: {  	v10 =	vmul.f32 $1.442695020e+00, v10;
	vm15 =	vge.f32 v19, $0.0e+00;
	(erf) = vpow2.f32 v13;
	v13 =	vld [tilespmem:s9+$0xFFFFFF90];
	[tilespmem:s8+$0xF0] =	vst v24;
	v7 =	vpop (erf)  }
0x2b3: {  	v11 =	vsel vm15, v19, v11;
	v12 =	vld [tilespmem:s6+$0xFFFFFFD0];
	(erf) = vpow2.f32 v8;
	v8 =	vmul.f32 v7, v27  }
0x2b4: {  	v17 =	vld [tilespmem:s9+$0xFFFFFE10];
	v11 =	vmul.f32 $1.442695020e+00, v11;
	(erf) = vpow2.f32 v10  }
0x2b5: {  	v22 =	vld [tilespmem:s6+$0xFFFFFED0];
	v10 =	vmul.f32 v5, v21;
	[tilespmem:s8+$0xFFFFFF10] =	vst v8;
	v8 =	vmul.f32 v3, v15  }
0x2b6: {  	[tilespmem:s4+$0xFFFFFFA0] =	vst v14;
	v20 =	vld [tilespmem:s9+$0xFFFFFEB0]  }
0x2b7: {  	v19 =	vld [tilespmem:s6+$0xFFFFFF70];
	(erf) = vpow2.f32 v11;
	[tilespmem:s4+$0xFFFFFEE0] =	vst v10;
	v10 =	vmul.f32 v4, v13  }
0x2b8: {  	[tilespmem:s4+$0xFFFFFF50] =	vst v9;
	v15 =	vld [tilespmem:s6+$0xFFFFFDF0];
	v11 =	vmul.f32 v6, v12  }
0x2b9: {  	v24 =	vld [tilespmem:s9+$0xFFFFFDC0];
	[tilespmem:s4+$0x70] =	vst v8;
	v8 =	vpop (erf)  }
0x2ba: {  	[tilespmem:s8+$0x100] =	vst v11;
	v11 =	vmul.f32 v17, v9;
	v17 =	vld [tilespmem:s9+$0xFFFFFF00];
	v12 =	vmul.f32 v8, v29;
	v9 =	vpop (erf)  }
0x2bb: {  	[tilespmem:s4+$0xC0] =	vst v10;
	v21 =	vld [tilespmem:s6+$0xFFFFFFE0];
	v10 =	vpop (erf)  }
0x2bc: {  	v25 =	vld [tilespmem:s9+$0xFFFFFF50];
	v16 =	vmul.f32 v9, v16;
	[tilespmem:s8+$0xFFFFFF60] =	vst v12;
	v12 =	vmul.f32 v10, v22  }
0x2bd: {  	[tilespmem:s4+$0xFFFFFF40] =	vst v11;
	v13 =	vpop (erf);
	v22 =	vld [tilespmem:s9+$0xFFFFFFA0]  }
0x2be: {  	v26 =	vmul.f32 v13, v26;
	v27 =	vld [tilespmem:s6+$0xFFFFFE40];
	[tilespmem:s8+$0xFFFFFFB0] =	vst v16;
	v11 =	vpop (erf)  }
0x2bf: {  	v16 =	vld [tilespmem:s6+$0xFFFFFE90];
	[tilespmem:s8+$0x0] =	vst v12;
	v23 =	vmul.f32 v11, v23  }
0x2c0: {  	v21 =	vmul.f32 v6, v21;
	[tilespmem:s8+$0xFFFFFEC0] =	vst v26;
	v26 =	vld [tilespmem:s6+$0xFFFFFEE0];
	v12 =	vpop (erf)  }
0x2c1: {  	[tilespmem:s8+$0x50] =	vst v23;
	v23 =	vld [tilespmem:s6+$0xFFFFFDA0];
	v19 =	vmul.f32 v12, v19  }
0x2c2: {  	v61 =	vmul.f32 v7, v15;
	[tilespmem:s8+$0x110] =	vst v21;
	v62 =	vld [tilespmem:s6+$0xFFFFFF30]  }
0x2c3: {  	v14 =	vmul.f32 v18, v14;
	v18 =	vmul.f32 v8, v27;
	v27 =	vld [tilespmem:s6+$0xFFFFFFF0];
	[tilespmem:s8+$0xA0] =	vst v19  }
0x2c4: {  	v15 =	vmul.f32 v20, v1;
	[tilespmem:s8+$0xFFFFFF20] =	vst v61;
	v63 =	vmul.f32 v9, v16;
	v21 =	vld [tilespmem:s6+$0xFFFFFF80]  }
0x2c5: {  	v20 =	vld [tilespmem:s6+$0xFFFFFE00];
	v19 =	vmul.f32 v24, v5;
	[tilespmem:s8+$0xFFFFFF70] =	vst v18;
	v24 =	vmul.f32 v10, v26  }
0x2c6: {  	v16 =	vmul.f32 v17, v2;
	v30 =	vmul.f32 v13, v23;
	v23 =	vld [tilespmem:s6+$0xFFFFFE50];
	[tilespmem:s8+$0xFFFFFFC0] =	vst v63  }
0x2c7: {  	v18 =	vmul.f32 v22, v4;
	v22 =	vld [tilespmem:s6+$0xFFFFFEA0];
	[tilespmem:s8+$0x10] =	vst v24;
	v26 =	vmul.f32 v11, v62  }
0x2c8: {  	s12 =	simm.s32 $0xC110;
	s9 =	simm.s32 $0x8;
	v17 =	vmul.f32 v25, v3;
	[tilespmem:s8+$0xFFFFFED0] =	vst v30;
	v24 =	vld [tilespmem:s6+$0xFFFFFEF0];
	v25 =	vmul.f32 v27, v6  }
.LBB2_13:
0x2c9: {  	v27 =	vld [tilespmem:s12+$0x0];
	[tilespmem:s8+$0x60] =	vst v26;
	v21 =	vmul.f32 v12, v21;
	s7 =	sadd.s32 $0x80, s7  }
0x2ca: {  	s9 =	sadd.s32 $0x8, s9;
	v26 =	vld [tilespmem:s7+$0x0];
	v20 =	vmul.f32 v7, v20;
	[tilespmem:s8+$0x120] =	vst v25  }
0x2cb: {  	p0 =	slt.u32 s9, $0x58;
	v25 =	vld [tilespmem:s7+$0xFFFFFF90];
	v23 =	vmul.f32 v8, v23;
	[tilespmem:s8+$0xB0] =	vst v21  }
0x2cc: {  	v21 =	vld [tilespmem:s12+$0xFFFFFE20];
	[tilespmem:s8+$0xFFFFFF30] =	vst v20;
	v20 =	vmul.f32 v9, v22  }
0x2cd: {  	v22 =	vld [tilespmem:s7+$0xFFFFFFA0];
	[tilespmem:s8+$0xFFFFFF80] =	vst v23;
	v23 =	vmul.f32 v10, v24  }
0x2ce: {  	v24 =	vld [tilespmem:s12+$0xFFFFFE70];
	[tilespmem:s8+$0xFFFFFFD0] =	vst v20  }
0x2cf: {  	v20 =	vld [tilespmem:s7+$0xFFFFFFB0];
	v26 =	vadd.f32 v26, v27;
	[tilespmem:s8+$0x20] =	vst v23  }
0x2d0: {  	v23 =	vld [tilespmem:s12+$0xFFFFFEC0];
	[tilespmem:s4+$0xFFFFFEF0] =	vst v19  }
0x2d1: {  	v19 =	vld [tilespmem:s7+$0xFFFFFFC0];
	v27 =	vmul.f32 $2.000000030e-01, v26;
	[tilespmem:s4+$0xFFFFFF90] =	vst v14  }
0x2d2: {  	vm0 =	vge.f32 v26, $0.0e+00;
	v14 =	vadd.f32 v22, v21;
	v21 =	vld [tilespmem:s12+$0xFFFFFF10];
	[tilespmem:s4+$0xFFFFFFE0] =	vst v15  }
0x2d3: {  	v15 =	vld [tilespmem:s7+$0xFFFFFFD0];
	v22 =	vsel vm0, v26, v27;
	[tilespmem:s4+$0x30] =	vst v16  }
0x2d4: {  	v16 =	vmul.f32 $2.000000030e-01, v14;
	v20 =	vadd.f32 v20, v24;
	v24 =	vld [tilespmem:s12+$0xFFFFFF60];
	v22 =	vmul.f32 $1.442695020e+00, v22;
	[tilespmem:s4+$0x80] =	vst v17  }
0x2d5: {  	vm0 =	vge.f32 v14, $0.0e+00;
	v17 =	vld [tilespmem:s7+$0xFFFFFFE0];
	[tilespmem:s4+$0xD0] =	vst v18  }
0x2d6: {  	v18 =	vmul.f32 $2.000000030e-01, v20;
	v19 =	vadd.f32 v19, v23;
	v23 =	vld [tilespmem:s12+$0xFFFFFFB0];
	(erf) = vpow2.f32 v22;
	[tilespmem:s4+$0xFFFFFF00] =	vst v5;
	v5 =	vmovc v13  }
0x2d7: {  	v13 =	vsel vm0, v14, v16;
	vm0 =	vge.f32 v20, $0.0e+00;
	v14 =	vld [tilespmem:s7+$0xFFFFFFF0];
	[tilespmem:s4+$0xFFFFFFF0] =	vst v1;
	v1 =	vmov v9  }
0x2d8: {  	v9 =	vld [tilespmem:s12+$0xFFFFFDD0];
	vm1 =	vge.f32 v19, $0.0e+00;
	v16 =	vmul.f32 $2.000000030e-01, v19;
	v15 =	vadd.f32 v15, v21;
	[tilespmem:s4+$0x40] =	vst v2;
	v2 =	vmovc v10  }
0x2d9: {  	v10 =	vmul.f32 $1.442695020e+00, v13;
	v13 =	vsel vm0, v20, v18;
	v21 =	vld [tilespmem:s12+$0xFFFFFD90];
	[tilespmem:s4+$0x90] =	vst v3;
	v3 =	vmov v11  }
0x2da: {  	v11 =	vld [tilespmem:s12+$0xFFFFFDE0];
	vm0 =	vge.f32 v15, $0.0e+00;
	v18 =	vmul.f32 $2.000000030e-01, v15;
	v17 =	vadd.f32 v17, v24;
	[tilespmem:s4+$0xE0] =	vst v4;
	v4 =	vmovc v12;
	s4 =	smov.u32 s8  }
0x2db: {  	v12 =	vmul.f32 $1.442695020e+00, v13;
	v13 =	vsel vm1, v19, v16;
	v16 =	vld [tilespmem:s12+$0xFFFFFFC0];
	(erf) = vpow2.f32 v10;
	[tilespmem:s8+$0x130] =	vst v6  }
0x2dc: {  	v10 =	vld [tilespmem:s12+$0xFFFFFE30];
	vm1 =	vge.f32 v17, $0.0e+00;
	v24 =	vmul.f32 $2.000000030e-01, v17;
	v14 =	vadd.f32 v14, v23  }
0x2dd: {  	v13 =	vmul.f32 $1.442695020e+00, v13;
	v15 =	vsel vm0, v15, v18;
	v9 =	vadd.f32 v25, v9;
	v19 =	vld [tilespmem:s12+$0xFFFFFE80]  }
0x2de: {  	v18 =	vld [tilespmem:s12+$0xFFFFFED0];
	v17 =	vsel vm1, v17, v24;
	vm0 =	vge.f32 v14, $0.0e+00;
	v20 =	vmul.f32 $2.000000030e-01, v14  }
0x2df: {  	v15 =	vmul.f32 $1.442695020e+00, v15;
	vm1 =	vge.f32 v9, $0.0e+00;
	v22 =	vmul.f32 $2.000000030e-01, v9;
	v23 =	vld [tilespmem:s12+$0xFFFFFF20];
	v6 =	vpop (erf)  }
0x2e0: {  	v17 =	vmul.f32 $1.442695020e+00, v17;
	v14 =	vsel vm0, v14, v20;
	v20 =	vld [tilespmem:s12+$0xFFFFFF70];
	v16 =	vmul.f32 v6, v16  }
0x2e1: {  	s8 =	sadd.s32 $0x280, s8;
	v9 =	vsel vm1, v9, v22;
	v14 =	vmul.f32 $1.442695020e+00, v14;
	(erf) = vpow2.f32 v12;
	v12 =	vld [tilespmem:s6+$0xFFFFFDB0]  }
0x2e2: {  	v22 =	vmul.f32 $1.442695020e+00, v9;
	[tilespmem:s8+$0xF0] =	vst v16;
	(erf) = vpow2.f32 v13;
	v13 =	vld [tilespmem:s6+$0xFFFFFF40]  }
0x2e3: {  	v16 =	vld [tilespmem:s12+$0xFFFFFFD0];
	(erf) = vpow2.f32 v15  }
0x2e4: {  	(erf) = vpow2.f32 v22;
	v9 =	vpop (erf);
	v15 =	vld [tilespmem:s6+$0xFFFFFF90]  }
0x2e5: {  	v11 =	vmul.f32 v9, v11;
	(erf) = vpow2.f32 v17;
	v17 =	vld [tilespmem:s6+$0xFFFFFE10];
	[tilespmem:s4+$0xFFFFFF50] =	vst v7  }
0x2e6: {  	(erf) = vpow2.f32 v14;
	v12 =	vmul.f32 v5, v12;
	v14 =	vld [tilespmem:s6+$0xFFFFFE60];
	[tilespmem:s4+$0xFFFFFFA0] =	vst v8  }
0x2e7: {  	[tilespmem:s8+$0xFFFFFF10] =	vst v11;
	v11 =	vld [tilespmem:s6+$0xFFFFFEB0];
	v13 =	vmul.f32 v3, v13  }
0x2e8: {  	v22 =	vld [tilespmem:s12+$0xFFFFFDF0];
	v16 =	vmul.f32 v6, v16;
	[tilespmem:s4+$0xFFFFFEE0] =	vst v12  }
0x2e9: {  	v12 =	vld [tilespmem:s6+$0xFFFFFDC0];
	[tilespmem:s4+$0x70] =	vst v13;
	v13 =	vmul.f32 v4, v15  }
0x2ea: {  	[tilespmem:s8+$0x100] =	vst v16;
	v15 =	vpop (erf);
	v16 =	vmul.f32 v17, v7;
	v17 =	vld [tilespmem:s6+$0xFFFFFF00];
	v7 =	vmov v9  }
0x2eb: {  	v24 =	vmul.f32 v15, v10;
	v25 =	vld [tilespmem:s12+$0xFFFFFFE0];
	v9 =	vpop (erf);
	v14 =	vmul.f32 v14, v8;
	[tilespmem:s4+$0xC0] =	vst v13;
	v8 =	vmov v15  }
0x2ec: {  	v19 =	vmul.f32 v9, v19;
	v10 =	vpop (erf);
	[tilespmem:s4+$0xFFFFFF40] =	vst v16;
	v15 =	vmul.f32 v11, v1;
	v26 =	vld [tilespmem:s6+$0xFFFFFF50]  }
0x2ed: {  	v22 =	vmul.f32 v7, v22;
	[tilespmem:s8+$0xFFFFFF60] =	vst v24;
	v16 =	vmul.f32 v10, v18;
	v13 =	vpop (erf);
	v18 =	vld [tilespmem:s6+$0xFFFFFFA0];
	s6 =	smov.u32 s12  }
0x2ee: {  	v21 =	vmul.f32 v13, v21;
	v24 =	vld [tilespmem:s12+$0xFFFFFE40];
	[tilespmem:s8+$0xFFFFFFB0] =	vst v19;
	v11 =	vpop (erf);
	v19 =	vmul.f32 v12, v5  }
0x2ef: {  	v27 =	vld [tilespmem:s12+$0xFFFFFE90];
	[tilespmem:s8+$0x0] =	vst v16;
	v23 =	vmul.f32 v11, v23;
	v12 =	vpop (erf);
	v16 =	vmul.f32 v17, v2  }
0x2f0: {  	[tilespmem:s8+$0xFFFFFEC0] =	vst v21;
	v28 =	vld [tilespmem:s12+$0xFFFFFEE0];
	v20 =	vmul.f32 v12, v20;
	v21 =	vmul.f32 v6, v25  }
0x2f1: {  	v25 =	vld [tilespmem:s12+$0xFFFFFDA0];
	[tilespmem:s8+$0x50] =	vst v23;
	v17 =	vmul.f32 v26, v3  }
0x2f2: {  	v26 =	vld [tilespmem:s12+$0xFFFFFF30];
	[tilespmem:s8+$0x110] =	vst v21;
	v18 =	vmul.f32 v18, v4  }
0x2f3: {  	v23 =	vmul.f32 v8, v24;
	[tilespmem:s8+$0xA0] =	vst v20;
	v29 =	vld [tilespmem:s12+$0xFFFFFFF0]  }
.Ltmp5:
0x2f4: {  	[tilespmem:s8+$0xFFFFFF20] =	vst v22;
	v22 =	vmul.f32 v9, v27;
	v21 =	vld [tilespmem:s12+$0xFFFFFF80];
	(pc) =	sbr.rel @p0 .LBB2_13-.Ltmp5, $4  }
0x2f5: {  	v20 =	vld [tilespmem:s12+$0xFFFFFE00];
	[tilespmem:s8+$0xFFFFFF70] =	vst v23;
	v24 =	vmul.f32 v10, v28  }
0x2f6: {  	v25 =	vmul.f32 v13, v25;
	v23 =	vld [tilespmem:s12+$0xFFFFFE50];
	[tilespmem:s8+$0xFFFFFFC0] =	vst v22  }
0x2f7: {  	v22 =	vld [tilespmem:s12+$0xFFFFFEA0];
	[tilespmem:s8+$0x10] =	vst v24;
	v26 =	vmul.f32 v11, v26  }
0x2f8: {  	s12 =	sadd.s32 $0x280, s12;
	[tilespmem:s8+$0xFFFFFED0] =	vst v25;
	v24 =	vld [tilespmem:s6+$0xFFFFFEF0];
	v25 =	vmul.f32 v29, v6  }
0x2f9: {  	[tilespmem:s8+$0x60] =	vst v26  }
0x2fa: {  	[tilespmem:s4+$0xFFFFFEF0] =	vst v19  }
0x2fb: {  	[tilespmem:s4+$0xFFFFFF90] =	vst v14  }
0x2fc: {  	[tilespmem:s4+$0xFFFFFFE0] =	vst v15  }
0x2fd: {  	[tilespmem:s4+$0x30] =	vst v16  }
0x2fe: {  	[tilespmem:s4+$0x80] =	vst v17  }
0x2ff: {  	[tilespmem:s4+$0xD0] =	vst v18  }
0x300: {  	[tilespmem:s4+$0xFFFFFF00] =	vst v5  }
0x301: {  	[tilespmem:s4+$0xFFFFFFF0] =	vst v1  }
0x302: {  	[tilespmem:s4+$0x40] =	vst v2  }
0x303: {  	[tilespmem:s4+$0x90] =	vst v3  }
0x304: {  	[tilespmem:s4+$0xE0] =	vst v4  }
0x305: {  	v21 =	vmul.f32 v12, v21;
	[tilespmem:s8+$0x130] =	vst v6  }
0x306: {  	v20 =	vmul.f32 v7, v20;
	[tilespmem:s8+$0x120] =	vst v25  }
0x307: {  	v23 =	vmul.f32 v8, v23;
	[tilespmem:s8+$0xB0] =	vst v21  }
0x308: {  	v58 =	vld [tilespmem:s6+$0xFFFFFDB0];
	[tilespmem:s8+$0xFFFFFF30] =	vst v20  }
0x309: {  	v1 =	vld [tilespmem:s6+$0xFFFFFF40];
	v56 =	vmul.f32 v9, v22;
	[tilespmem:s8+$0xFFFFFF80] =	vst v23  }
0x30a: {  	v3 =	vld [tilespmem:s6+$0xFFFFFE10];
	[tilespmem:s8+$0xFFFFFF50] =	vst v7  }
0x30b: {  	v2 =	vld [tilespmem:s6+$0xFFFFFF90];
	v57 =	vmul.f32 v10, v24;
	[tilespmem:s8+$0xFFFFFFD0] =	vst v56  }
0x30c: {  	v61 =	vld [tilespmem:s6+$0xFFFFFE60];
	[tilespmem:s8+$0xFFFFFFA0] =	vst v8  }
0x30d: {  	v59 =	vmul.f32 v13, v58;
	[tilespmem:s8+$0x20] =	vst v57  }
0x30e: {  	v1 =	vmul.f32 v11, v1;
	v62 =	vld [tilespmem:s6+$0xFFFFFEB0];
	[tilespmem:s8+$0xFFFFFFF0] =	vst v9  }
0x30f: {  	[tilespmem:s8+$0xFFFFFEE0] =	vst v59  }
0x310: {  	[tilespmem:s8+$0x70] =	vst v1  }
0x311: {  	v60 =	vld [tilespmem:s6+$0xFFFFFDC0];
	v2 =	vmul.f32 v12, v2;
	[tilespmem:s8+$0xFFFFFF00] =	vst v13  }
0x312: {  	v1 =	vld [tilespmem:s6+$0xFFFFFF00];
	[tilespmem:s8+$0x40] =	vst v10  }
0x313: {  	v3 =	vmul.f32 v3, v7;
	[tilespmem:s8+$0xC0] =	vst v2  }
0x314: {  	v2 =	vld [tilespmem:s6+$0xFFFFFF50];
	[tilespmem:s8+$0x90] =	vst v11  }
0x315: {  	v5 =	vmul.f32 v61, v8;
	v63 =	vld [tilespmem:s6+$0xFFFFFFA0];
	[tilespmem:s8+$0xFFFFFF40] =	vst v3  }
0x316: {  	v3 =	vmul.f32 v62, v9;
	[tilespmem:s8+$0xE0] =	vst v12  }
0x317: {  	s1 =	sadd.s32 $0x1, s1;
	[tilespmem:s8+$0xFFFFFF90] =	vst v5;
	v4 =	vmul.f32 v60, v13  }
0x318: {  	p0 =	sne.s32 s1, $0x19;
	v1 =	vmul.f32 v1, v10;
	[tilespmem:s8+$0xFFFFFFE0] =	vst v3  }
.Ltmp6:
0x319: {  	[tilespmem:s8+$0xFFFFFEF0] =	vst v4;
	v2 =	vmul.f32 v2, v11;
	(pc) =	sbr.rel @p0 .LBB2_6-.Ltmp6, $4  }
0x31a: {  	[tilespmem:s8+$0x30] =	vst v1;
	v3 =	vmul.f32 v63, v12  }
0x31b: {  	[tilespmem:s8+$0x80] =	vst v2  }
0x31c: {  	s0 =	sadd.s32 $0x2840, s0;
	[tilespmem:s8+$0xD0] =	vst v3  }
0x31d: {  	[spmem:s3] =	stream.indirect.scatter.add.f32 [tilespmem:s24], [sflag:$0x6], $0x50, s0, s23, $0xb8;
	[tilespmem:$0x1F4A0] =	vst v63  }
0x31e: {  	_ =	swait.ge [sflag:s19], $0x3E80  }
0x31f: {  	[sflag:s19] =	ssyncset.done $0x0  }
0x320: {  	[sflag:s19] =	ssyncadd.s32 $0xFFFFC180  }
0x321: {  	_ =	swait.ge [sflag:s20], $0xC80  }
0x322: {  	[sflag:s20] =	ssyncset.done $0x0  }
0x323: {  	[sflag:s20] =	ssyncadd.s32 $0xFFFFF380  }
0x324: {  	_ =	swait.ge [sflag:s29], $0x2080  }
0x325: {  	[sflag:s29] =	ssyncset.done $0x0  }
0x326: {  	[sflag:s29] =	ssyncadd.s32 $0xFFFFDF80  }
0x327: {  	_ =	swait.ge [sflag:s30], $0x1E00  }
0x328: {  	[sflag:s30] =	ssyncset.done $0x0  }
0x329: {  	[sflag:s30] =	ssyncadd.s32 $0xFFFFE200  }
0x32a: {  	s0 =	stileid.u32;
	[bflag:$0x0] =	sbarrier.arrive $0xFFFF  }
0x32b: {  	s0 =	sshll.u32 s0, $0x6;
	s1 =	rddreg [dreg:$0x6]  }
0x32c: {  	s0 =	sor.u32 $0x1C07, s0;
	s4 =	rddreg [dreg:$0x8]  }
0x32d: {  	[hbm:s1], [sflag:s0] =	dma.local [spmem:s4], $0x1900  }
0x32e: {  	_ =	swait.ge [sflag:s11], $0x1900  }
0x32f: {  	s31 =	sadd.s32 $0x1, s31;
	s25 =	rddreg [dreg:$0x7]  }
0x330: {  	p0 =	sne.s32 s31, s25  }
.Ltmp7:
0x331: {  	_ = 	snop;
	(pc) =	sbr.rel @p0 .LBB2_1-.Ltmp7, $3  }
0x332: {  	_ =	sdelay $0x1  }
0x333: {  	[sflag:s11] =	ssyncset.done $0x0  }
0x334: {  	s6 =	simm.s32 $0x2710;
	[sflag:s11] =	ssyncadd.s32 $0xFFFFE700  }
0x335: {  	_ =	sfence.sel $0x180000  }
0x336: {  	[bflag:$0x0] =	sbarrier.arrive $0xFFFF  }
0x337: {  	_ =	strace $0x90000047  }
0x338: {  	s0 =	stileid.u32;
	[bflag:$0x2] =	sbarrier.arrive $0xFFFF  }
0x339: {  	p0 =	sne.s32 s0, $0x0;
	s0 =	rddreg [dreg:$0x3]  }
0x33a: {  	s0 =	sadd.s32 @!p0 $0x100000, s0  }
0x33b: {  	[sflag:s0] =	ssyncadd.tile.s32 @!p0 $0x1;
	_ =	shalt  }
.Lfunc_end2:
_tile_overlayer_lowered:
.L_overlay_start_2:
0x33c: {  	(tag) =	ssettag $0x2  }
0x33d: {  	s0 =	rddreg [dreg:$0x0];
	s2 =	stileid.u32  }
0x33e: {  	s1 =	rddreg [dreg:$0x1];
	p0 =	sne.s32 s2, $0x0  }
0x33f: {  	s3 =	rddreg [dreg:$0x2];
	[bflag:$0x3] =	sbarrier.arrive $0xFFFF;
	s2 =	simm.s32 @!p0 $0x1C07  }
0x340: {  	[timem:s3], [sflag:s2] =	dma.local @!p0 [hbm:s0], s1  }
0x341: {  	s0 =	simm.s32 @!p0 $0x7  }
0x342: {  	_ =	swait.ge @!p0 [sflag:s0], s1  }
0x343: {  	s1 =	ssub.s32 @!p0 $0x0, s1;
	[sflag:s0] =	ssyncset.done @!p0 $0x0  }
0x344: {  	[sflag:s0] =	ssyncadd.s32 @!p0 s1  }
0x345: {  	[bflag:$0x3] =	sbarrier.arrive $0xFFFF  }
0x346: {  	_ =	shalt  }

</sc_bundles>
